<compile_context>
chip_gen: v7x
topology: tpu7x:2x2x1
jax: 0.10.2.dev20260603
libtpu: 0.0.44.dev20260713+nightly
codegen_flags: <defaults>
</compile_context>

<pallas_src>
import functools

import jax
import jax.numpy as jnp
from jax import lax
from jax.experimental import pallas as pl
from jax.experimental.pallas import tpu as pltpu
from jax.experimental.pallas import tpu_sc as plsc

N = 100000
D = 32
F = 4 * D
NW = 32
B_PER_W = 3200
N_PAD = NW * B_PER_W
CB = 400
CHUNKS_PW = B_PER_W // CB
CBF = CB * F
TSIZES = (20 * D, 10 * D, 25 * D, 10 * D)
TOFF = (0, TSIZES[0], TSIZES[0] + TSIZES[1], TSIZES[0] + TSIZES[1] + TSIZES[2])
TTOT = sum(TSIZES)


def _sc_embed(i0, i1, i2, i3, t0, t1, t2, t3):
    mesh = plsc.VectorSubcoreMesh(core_axis_name="c", subcore_axis_name="s")

    @functools.partial(
        pl.kernel,
        mesh=mesh,
        compiler_params=pltpu.CompilerParams(
            use_tc_tiling_on_sc=False, needs_layout_passes=False),
        out_type=jax.ShapeDtypeStruct((N_PAD * F,), jnp.float32),
        scratch_types=[
            pltpu.VMEM((4, B_PER_W), jnp.int32),
            pltpu.VMEM((TTOT,), jnp.float32),
            pltpu.VMEM((2 * CBF,), jnp.float32),
            pltpu.SemaphoreType.DMA,
        ],
    )
    def k(i0h, i1h, i2h, i3h, t0h, t1h, t2h, t3h, out, idx_v, tab_v, out_v,
          ssem):
        wid = lax.axis_index("s") * 2 + lax.axis_index("c")
        ab = wid * B_PER_W

        pltpu.sync_copy(i0h.at[pl.ds(ab, B_PER_W)], idx_v.at[0])
        pltpu.sync_copy(i1h.at[pl.ds(ab, B_PER_W)], idx_v.at[1])
        pltpu.sync_copy(i2h.at[pl.ds(ab, B_PER_W)], idx_v.at[2])
        pltpu.sync_copy(i3h.at[pl.ds(ab, B_PER_W)], idx_v.at[3])
        pltpu.sync_copy(t0h, tab_v.at[pl.ds(TOFF[0], TSIZES[0])])
        pltpu.sync_copy(t1h, tab_v.at[pl.ds(TOFF[1], TSIZES[1])])
        pltpu.sync_copy(t2h, tab_v.at[pl.ds(TOFF[2], TSIZES[2])])
        pltpu.sync_copy(t3h, tab_v.at[pl.ds(TOFF[3], TSIZES[3])])

        def chunk(q, carry):
            slot_base = lax.rem(q, 2) * CBF

            @pl.when(q >= 2)
            def _():
                pltpu.make_async_copy(
                    out_v.at[pl.ds(0, CBF)], out.at[pl.ds(0, CBF)], ssem
                ).wait()

            @plsc.parallel_loop(0, CB // 16)
            def group(g):
                off = q * CB + g * 16
                vis = [idx_v[t, pl.ds(off, 16)] * D for t in range(4)]
                for j in range(16):
                    ob = slot_base + (g * 16 + j) * F
                    for t in range(4):
                        base = TOFF[t] + pl.multiple_of(vis[t][j], D)
                        for h in range(2):
                            out_v[pl.ds(ob + t * D + h * 16, 16)] = (
                                tab_v[pl.ds(base + h * 16, 16)])

            pltpu.async_copy(
                out_v.at[pl.ds(slot_base, CBF)],
                out.at[pl.ds((ab + q * CB) * F, CBF)],
                ssem,
            )
            return carry

        lax.fori_loop(0, CHUNKS_PW, chunk, 0)
        pltpu.make_async_copy(out_v.at[pl.ds(0, CBF)], out.at[pl.ds(0, CBF)], ssem).wait()
        pltpu.make_async_copy(out_v.at[pl.ds(0, CBF)], out.at[pl.ds(0, CBF)], ssem).wait()

    return k(i0, i1, i2, i3, t0, t1, t2, t3)


def kernel(atom_type_index, atom_code_index, residue_code_index, residue_sequence_index,
           atom_type_table, atom_code_table, residue_code_table, residue_index_table):
    pad = N_PAD - N
    i0 = jnp.pad(atom_type_index, (0, pad))
    i1 = jnp.pad(atom_code_index, (0, pad))
    i2 = jnp.pad(residue_code_index, (0, pad))
    i3 = jnp.pad(residue_sequence_index, (0, pad))
    out = _sc_embed(i0, i1, i2, i3,
                    atom_type_table.reshape(-1), atom_code_table.reshape(-1),
                    residue_code_table.reshape(-1), residue_index_table.reshape(-1))
    return out.reshape(N_PAD, F)[:N]

# --- scband reference (transcript-rebuilt; emitter-appended) ---
"""Pipeline reference for scband-atom-embedding-with-residue-information-22814866276367 (READ-ONLY COPY).

The authoritative reference and input builder live on the scoring server;
editing this copy changes nothing except your own understanding.
"""

import jax, jax.numpy as jnp
import numpy as np

N = 100000
ATOM_TYPE_DIM = 32
ATOM_CODE_DIM = 32
RES_CODE_DIM = 32
RES_IDX_DIM = 32
NUM_ATOM_TYPES = 20
NUM_ATOM_CODES = 10
NUM_RES_TYPES = 25
MAX_SEQ_LEN = 10


def setup_inputs(seed: int = 0) -> dict:
    key = jax.random.key(seed)
    k1, k2, k3, k4, k5, k6, k7, k8 = jax.random.split(key, 8)
    atom_type_index = jax.random.randint(k1, (N,), 0, NUM_ATOM_TYPES, dtype=jnp.int32)
    atom_code_index = jax.random.randint(k2, (N,), 0, NUM_ATOM_CODES, dtype=jnp.int32)
    residue_code_index = jax.random.randint(k3, (N,), 0, NUM_RES_TYPES, dtype=jnp.int32)
    residue_sequence_index = jax.random.randint(k4, (N,), 0, MAX_SEQ_LEN, dtype=jnp.int32)
    atom_type_table = jax.random.normal(k5, (NUM_ATOM_TYPES, ATOM_TYPE_DIM), dtype=jnp.float32)
    atom_code_table = jax.random.normal(k6, (NUM_ATOM_CODES, ATOM_CODE_DIM), dtype=jnp.float32)
    residue_code_table = jax.random.normal(k7, (NUM_RES_TYPES, RES_CODE_DIM), dtype=jnp.float32)
    residue_index_table = jax.random.normal(k8, (MAX_SEQ_LEN, RES_IDX_DIM), dtype=jnp.float32)
    return {
        "atom_type_index": atom_type_index,
        "atom_code_index": atom_code_index,
        "residue_code_index": residue_code_index,
        "residue_sequence_index": residue_sequence_index,
        "atom_type_table": atom_type_table,
        "atom_code_table": atom_code_table,
        "residue_code_table": residue_code_table,
        "residue_index_table": residue_index_table,
    }


def reference(atom_type_index, atom_code_index, residue_code_index, residue_sequence_index,
              atom_type_table, atom_code_table, residue_code_table, residue_index_table):
    # use_residue_sequence_index=True, so the residue_sequence_index is used as-is
    atom_type_embedded = jnp.take(atom_type_table, atom_type_index, axis=0)
    atom_code_embedded = jnp.take(atom_code_table, atom_code_index, axis=0)
    residue_code_embedded = jnp.take(residue_code_table, residue_code_index, axis=0)
    residue_sequence_index_embedded = jnp.take(residue_index_table, residue_sequence_index, axis=0)
    features = jnp.concatenate([
        atom_type_embedded,
        atom_code_embedded,
        residue_code_embedded,
        residue_sequence_index_embedded,
    ], axis=-1)
    return features

if __name__ == "__main__":
    import jax
    _d = setup_inputs()
    print(jax.jit(kernel)(*tuple(_d.values())))

</pallas_src>

<mosaic_0001>
#map = affine_map<(d0, d1) -> (0)>
module attributes {stable_mosaic.version = 14 : i64} {
  func.func @k(%arg0: i32, %arg1: i32, %arg2: memref<102400xi32, #tpu.memory_space<hbm>>, %arg3: memref<102400xi32, #tpu.memory_space<hbm>>, %arg4: memref<102400xi32, #tpu.memory_space<hbm>>, %arg5: memref<102400xi32, #tpu.memory_space<hbm>>, %arg6: memref<640xf32, #tpu.memory_space<hbm>>, %arg7: memref<320xf32, #tpu.memory_space<hbm>>, %arg8: memref<800xf32, #tpu.memory_space<hbm>>, %arg9: memref<320xf32, #tpu.memory_space<hbm>>, %arg10: memref<13107200xf32, #tpu.memory_space<hbm>>, %arg11: memref<4x3200xi32, #tpu.memory_space<vmem>>, %arg12: memref<2080xf32, #tpu.memory_space<vmem>>, %arg13: memref<102400xf32, #tpu.memory_space<vmem>>, %arg14: memref<!tpu.dma_semaphore, #tpu.memory_space<semaphore_mem>>) attributes {dimension_semantics = [#tpu.dimension_semantics<core_parallel>, #tpu.dimension_semantics<subcore_parallel>], iteration_bounds = array<i64: 2, 16>, scalar_prefetch = 0 : i64, scratch_operands = 4 : i64, tpu.core_type = #tpu.core_type<sc_vector_subcore>, window_params = [{transform_indices = #map}, {transform_indices = #map}, {transform_indices = #map}, {transform_indices = #map}, {transform_indices = #map}, {transform_indices = #map}, {transform_indices = #map}, {transform_indices = #map}, {transform_indices = #map}]} {
    %mul3A = arith.constant 2 : i32
    %mul3A_0 = arith.muli %arg1, %mul3A : i32
    %add3A = arith.addi %mul3A_0, %arg0 : i32
    %mul3A_1 = arith.constant 3200 : i32
    %mul3A_2 = arith.muli %add3A, %mul3A_1 : i32
    %run_scoped3A = arith.constant 0 : i32
    "tpu.region"() ({
      %run_scoped3A_26 = tpu.sem_alloc : memref<!tpu.dma_semaphore, #tpu.memory_space<semaphore_mem>>
      %dma_start3A = arith.constant 0 : i32
      %dma_start3A_27 = tpu.memref_slice %arg11[%run_scoped3A, %dma_start3A] : memref<4x3200xi32, #tpu.memory_space<vmem>> -> memref<1x3200xi32, #tpu.memory_space<vmem>>
      %dma_start3A_28 = tpu.memref_squeeze %dma_start3A_27 : memref<1x3200xi32, #tpu.memory_space<vmem>> -> memref<3200xi32, #tpu.memory_space<vmem>>
      %dma_start3A_29 = tpu.memref_slice %arg2[%mul3A_2] : memref<102400xi32, #tpu.memory_space<hbm>> -> memref<3200xi32, #tpu.memory_space<hbm>>
      %dma_start3A_30 = arith.constant 0 : i32
      %dma_start3A_31 = tpu.memref_slice %arg11[%run_scoped3A, %dma_start3A_30] : memref<4x3200xi32, #tpu.memory_space<vmem>> -> memref<1x3200xi32, #tpu.memory_space<vmem>>
      %dma_start3A_32 = tpu.memref_squeeze %dma_start3A_31 : memref<1x3200xi32, #tpu.memory_space<vmem>> -> memref<3200xi32, #tpu.memory_space<vmem>>
      %dma_start3A_33 = tpu.memref_slice %arg2[%mul3A_2] : memref<102400xi32, #tpu.memory_space<hbm>> -> memref<3200xi32, #tpu.memory_space<hbm>>
      tpu.enqueue_dma source(%dma_start3A_33 : memref<3200xi32, #tpu.memory_space<hbm>>) target(%dma_start3A_32 : memref<3200xi32, #tpu.memory_space<vmem>>) target_semaphore(%run_scoped3A_26 : memref<!tpu.dma_semaphore, #tpu.memory_space<semaphore_mem>>)
      %dma_wait3A_34 = arith.constant 0 : i32
      %dma_wait3A_35 = tpu.memref_slice %arg11[%run_scoped3A, %dma_wait3A_34] : memref<4x3200xi32, #tpu.memory_space<vmem>> -> memref<1x3200xi32, #tpu.memory_space<vmem>>
      %dma_wait3A_36 = tpu.memref_squeeze %dma_wait3A_35 : memref<1x3200xi32, #tpu.memory_space<vmem>> -> memref<3200xi32, #tpu.memory_space<vmem>>
      %dma_wait3A_37 = tpu.memref_slice %arg2[%mul3A_2] : memref<102400xi32, #tpu.memory_space<hbm>> -> memref<3200xi32, #tpu.memory_space<hbm>>
      %dma_wait3A_38 = arith.constant 0 : i32
      %dma_wait3A_39 = tpu.memref_slice %arg11[%run_scoped3A, %dma_wait3A_38] : memref<4x3200xi32, #tpu.memory_space<vmem>> -> memref<1x3200xi32, #tpu.memory_space<vmem>>
      %dma_wait3A_40 = tpu.memref_squeeze %dma_wait3A_39 : memref<1x3200xi32, #tpu.memory_space<vmem>> -> memref<3200xi32, #tpu.memory_space<vmem>>
      %dma_wait3A_41 = tpu.memref_slice %arg2[%mul3A_2] : memref<102400xi32, #tpu.memory_space<hbm>> -> memref<3200xi32, #tpu.memory_space<hbm>>
      tpu.wait_dma2 semaphore(%run_scoped3A_26 : memref<!tpu.dma_semaphore, #tpu.memory_space<semaphore_mem>>) src(%dma_wait3A_41 : memref<3200xi32, #tpu.memory_space<hbm>>) dst(%dma_wait3A_40 : memref<3200xi32, #tpu.memory_space<vmem>>)
      tpu.yield
    }) : () -> ()
    %run_scoped3A_3 = arith.constant 1 : i32
    "tpu.region"() ({
      %run_scoped3A_26 = tpu.sem_alloc : memref<!tpu.dma_semaphore, #tpu.memory_space<semaphore_mem>>
      %dma_start3A = arith.constant 0 : i32
      %dma_start3A_27 = tpu.memref_slice %arg11[%run_scoped3A_3, %dma_start3A] : memref<4x3200xi32, #tpu.memory_space<vmem>> -> memref<1x3200xi32, #tpu.memory_space<vmem>>
      %dma_start3A_28 = tpu.memref_squeeze %dma_start3A_27 : memref<1x3200xi32, #tpu.memory_space<vmem>> -> memref<3200xi32, #tpu.memory_space<vmem>>
      %dma_start3A_29 = tpu.memref_slice %arg3[%mul3A_2] : memref<102400xi32, #tpu.memory_space<hbm>> -> memref<3200xi32, #tpu.memory_space<hbm>>
      %dma_start3A_30 = arith.constant 0 : i32
      %dma_start3A_31 = tpu.memref_slice %arg11[%run_scoped3A_3, %dma_start3A_30] : memref<4x3200xi32, #tpu.memory_space<vmem>> -> memref<1x3200xi32, #tpu.memory_space<vmem>>
      %dma_start3A_32 = tpu.memref_squeeze %dma_start3A_31 : memref<1x3200xi32, #tpu.memory_space<vmem>> -> memref<3200xi32, #tpu.memory_space<vmem>>
      %dma_start3A_33 = tpu.memref_slice %arg3[%mul3A_2] : memref<102400xi32, #tpu.memory_space<hbm>> -> memref<3200xi32, #tpu.memory_space<hbm>>
      tpu.enqueue_dma source(%dma_start3A_33 : memref<3200xi32, #tpu.memory_space<hbm>>) target(%dma_start3A_32 : memref<3200xi32, #tpu.memory_space<vmem>>) target_semaphore(%run_scoped3A_26 : memref<!tpu.dma_semaphore, #tpu.memory_space<semaphore_mem>>)
      %dma_wait3A_34 = arith.constant 0 : i32
      %dma_wait3A_35 = tpu.memref_slice %arg11[%run_scoped3A_3, %dma_wait3A_34] : memref<4x3200xi32, #tpu.memory_space<vmem>> -> memref<1x3200xi32, #tpu.memory_space<vmem>>
      %dma_wait3A_36 = tpu.memref_squeeze %dma_wait3A_35 : memref<1x3200xi32, #tpu.memory_space<vmem>> -> memref<3200xi32, #tpu.memory_space<vmem>>
      %dma_wait3A_37 = tpu.memref_slice %arg3[%mul3A_2] : memref<102400xi32, #tpu.memory_space<hbm>> -> memref<3200xi32, #tpu.memory_space<hbm>>
      %dma_wait3A_38 = arith.constant 0 : i32
      %dma_wait3A_39 = tpu.memref_slice %arg11[%run_scoped3A_3, %dma_wait3A_38] : memref<4x3200xi32, #tpu.memory_space<vmem>> -> memref<1x3200xi32, #tpu.memory_space<vmem>>
      %dma_wait3A_40 = tpu.memref_squeeze %dma_wait3A_39 : memref<1x3200xi32, #tpu.memory_space<vmem>> -> memref<3200xi32, #tpu.memory_space<vmem>>
      %dma_wait3A_41 = tpu.memref_slice %arg3[%mul3A_2] : memref<102400xi32, #tpu.memory_space<hbm>> -> memref<3200xi32, #tpu.memory_space<hbm>>
      tpu.wait_dma2 semaphore(%run_scoped3A_26 : memref<!tpu.dma_semaphore, #tpu.memory_space<semaphore_mem>>) src(%dma_wait3A_41 : memref<3200xi32, #tpu.memory_space<hbm>>) dst(%dma_wait3A_40 : memref<3200xi32, #tpu.memory_space<vmem>>)
      tpu.yield
    }) : () -> ()
    %run_scoped3A_4 = arith.constant 2 : i32
    "tpu.region"() ({
      %run_scoped3A_26 = tpu.sem_alloc : memref<!tpu.dma_semaphore, #tpu.memory_space<semaphore_mem>>
      %dma_start3A = arith.constant 0 : i32
      %dma_start3A_27 = tpu.memref_slice %arg11[%run_scoped3A_4, %dma_start3A] : memref<4x3200xi32, #tpu.memory_space<vmem>> -> memref<1x3200xi32, #tpu.memory_space<vmem>>
      %dma_start3A_28 = tpu.memref_squeeze %dma_start3A_27 : memref<1x3200xi32, #tpu.memory_space<vmem>> -> memref<3200xi32, #tpu.memory_space<vmem>>
      %dma_start3A_29 = tpu.memref_slice %arg4[%mul3A_2] : memref<102400xi32, #tpu.memory_space<hbm>> -> memref<3200xi32, #tpu.memory_space<hbm>>
      %dma_start3A_30 = arith.constant 0 : i32
      %dma_start3A_31 = tpu.memref_slice %arg11[%run_scoped3A_4, %dma_start3A_30] : memref<4x3200xi32, #tpu.memory_space<vmem>> -> memref<1x3200xi32, #tpu.memory_space<vmem>>
      %dma_start3A_32 = tpu.memref_squeeze %dma_start3A_31 : memref<1x3200xi32, #tpu.memory_space<vmem>> -> memref<3200xi32, #tpu.memory_space<vmem>>
      %dma_start3A_33 = tpu.memref_slice %arg4[%mul3A_2] : memref<102400xi32, #tpu.memory_space<hbm>> -> memref<3200xi32, #tpu.memory_space<hbm>>
      tpu.enqueue_dma source(%dma_start3A_33 : memref<3200xi32, #tpu.memory_space<hbm>>) target(%dma_start3A_32 : memref<3200xi32, #tpu.memory_space<vmem>>) target_semaphore(%run_scoped3A_26 : memref<!tpu.dma_semaphore, #tpu.memory_space<semaphore_mem>>)
      %dma_wait3A_34 = arith.constant 0 : i32
      %dma_wait3A_35 = tpu.memref_slice %arg11[%run_scoped3A_4, %dma_wait3A_34] : memref<4x3200xi32, #tpu.memory_space<vmem>> -> memref<1x3200xi32, #tpu.memory_space<vmem>>
      %dma_wait3A_36 = tpu.memref_squeeze %dma_wait3A_35 : memref<1x3200xi32, #tpu.memory_space<vmem>> -> memref<3200xi32, #tpu.memory_space<vmem>>
      %dma_wait3A_37 = tpu.memref_slice %arg4[%mul3A_2] : memref<102400xi32, #tpu.memory_space<hbm>> -> memref<3200xi32, #tpu.memory_space<hbm>>
      %dma_wait3A_38 = arith.constant 0 : i32
      %dma_wait3A_39 = tpu.memref_slice %arg11[%run_scoped3A_4, %dma_wait3A_38] : memref<4x3200xi32, #tpu.memory_space<vmem>> -> memref<1x3200xi32, #tpu.memory_space<vmem>>
      %dma_wait3A_40 = tpu.memref_squeeze %dma_wait3A_39 : memref<1x3200xi32, #tpu.memory_space<vmem>> -> memref<3200xi32, #tpu.memory_space<vmem>>
      %dma_wait3A_41 = tpu.memref_slice %arg4[%mul3A_2] : memref<102400xi32, #tpu.memory_space<hbm>> -> memref<3200xi32, #tpu.memory_space<hbm>>
      tpu.wait_dma2 semaphore(%run_scoped3A_26 : memref<!tpu.dma_semaphore, #tpu.memory_space<semaphore_mem>>) src(%dma_wait3A_41 : memref<3200xi32, #tpu.memory_space<hbm>>) dst(%dma_wait3A_40 : memref<3200xi32, #tpu.memory_space<vmem>>)
      tpu.yield
    }) : () -> ()
    %run_scoped3A_5 = arith.constant 3 : i32
    "tpu.region"() ({
      %run_scoped3A_26 = tpu.sem_alloc : memref<!tpu.dma_semaphore, #tpu.memory_space<semaphore_mem>>
      %dma_start3A = arith.constant 0 : i32
      %dma_start3A_27 = tpu.memref_slice %arg11[%run_scoped3A_5, %dma_start3A] : memref<4x3200xi32, #tpu.memory_space<vmem>> -> memref<1x3200xi32, #tpu.memory_space<vmem>>
      %dma_start3A_28 = tpu.memref_squeeze %dma_start3A_27 : memref<1x3200xi32, #tpu.memory_space<vmem>> -> memref<3200xi32, #tpu.memory_space<vmem>>
      %dma_start3A_29 = tpu.memref_slice %arg5[%mul3A_2] : memref<102400xi32, #tpu.memory_space<hbm>> -> memref<3200xi32, #tpu.memory_space<hbm>>
      %dma_start3A_30 = arith.constant 0 : i32
      %dma_start3A_31 = tpu.memref_slice %arg11[%run_scoped3A_5, %dma_start3A_30] : memref<4x3200xi32, #tpu.memory_space<vmem>> -> memref<1x3200xi32, #tpu.memory_space<vmem>>
      %dma_start3A_32 = tpu.memref_squeeze %dma_start3A_31 : memref<1x3200xi32, #tpu.memory_space<vmem>> -> memref<3200xi32, #tpu.memory_space<vmem>>
      %dma_start3A_33 = tpu.memref_slice %arg5[%mul3A_2] : memref<102400xi32, #tpu.memory_space<hbm>> -> memref<3200xi32, #tpu.memory_space<hbm>>
      tpu.enqueue_dma source(%dma_start3A_33 : memref<3200xi32, #tpu.memory_space<hbm>>) target(%dma_start3A_32 : memref<3200xi32, #tpu.memory_space<vmem>>) target_semaphore(%run_scoped3A_26 : memref<!tpu.dma_semaphore, #tpu.memory_space<semaphore_mem>>)
      %dma_wait3A_34 = arith.constant 0 : i32
      %dma_wait3A_35 = tpu.memref_slice %arg11[%run_scoped3A_5, %dma_wait3A_34] : memref<4x3200xi32, #tpu.memory_space<vmem>> -> memref<1x3200xi32, #tpu.memory_space<vmem>>
      %dma_wait3A_36 = tpu.memref_squeeze %dma_wait3A_35 : memref<1x3200xi32, #tpu.memory_space<vmem>> -> memref<3200xi32, #tpu.memory_space<vmem>>
      %dma_wait3A_37 = tpu.memref_slice %arg5[%mul3A_2] : memref<102400xi32, #tpu.memory_space<hbm>> -> memref<3200xi32, #tpu.memory_space<hbm>>
      %dma_wait3A_38 = arith.constant 0 : i32
      %dma_wait3A_39 = tpu.memref_slice %arg11[%run_scoped3A_5, %dma_wait3A_38] : memref<4x3200xi32, #tpu.memory_space<vmem>> -> memref<1x3200xi32, #tpu.memory_space<vmem>>
      %dma_wait3A_40 = tpu.memref_squeeze %dma_wait3A_39 : memref<1x3200xi32, #tpu.memory_space<vmem>> -> memref<3200xi32, #tpu.memory_space<vmem>>
      %dma_wait3A_41 = tpu.memref_slice %arg5[%mul3A_2] : memref<102400xi32, #tpu.memory_space<hbm>> -> memref<3200xi32, #tpu.memory_space<hbm>>
      tpu.wait_dma2 semaphore(%run_scoped3A_26 : memref<!tpu.dma_semaphore, #tpu.memory_space<semaphore_mem>>) src(%dma_wait3A_41 : memref<3200xi32, #tpu.memory_space<hbm>>) dst(%dma_wait3A_40 : memref<3200xi32, #tpu.memory_space<vmem>>)
      tpu.yield
    }) : () -> ()
    "tpu.region"() ({
      %run_scoped3A_26 = tpu.sem_alloc : memref<!tpu.dma_semaphore, #tpu.memory_space<semaphore_mem>>
      %dma_start3A = arith.constant 0 : i32
      %dma_start3A_27 = tpu.memref_slice %arg12[%dma_start3A] : memref<2080xf32, #tpu.memory_space<vmem>> -> memref<640xf32, #tpu.memory_space<vmem>>
      %dma_start3A_28 = arith.constant 0 : i32
      %dma_start3A_29 = tpu.memref_slice %arg12[%dma_start3A_28] : memref<2080xf32, #tpu.memory_space<vmem>> -> memref<640xf32, #tpu.memory_space<vmem>>
      tpu.enqueue_dma source(%arg6 : memref<640xf32, #tpu.memory_space<hbm>>) target(%dma_start3A_29 : memref<640xf32, #tpu.memory_space<vmem>>) target_semaphore(%run_scoped3A_26 : memref<!tpu.dma_semaphore, #tpu.memory_space<semaphore_mem>>)
      %dma_wait3A_30 = arith.constant 0 : i32
      %dma_wait3A_31 = tpu.memref_slice %arg12[%dma_wait3A_30] : memref<2080xf32, #tpu.memory_space<vmem>> -> memref<640xf32, #tpu.memory_space<vmem>>
      %dma_wait3A_32 = arith.constant 0 : i32
      %dma_wait3A_33 = tpu.memref_slice %arg12[%dma_wait3A_32] : memref<2080xf32, #tpu.memory_space<vmem>> -> memref<640xf32, #tpu.memory_space<vmem>>
      tpu.wait_dma2 semaphore(%run_scoped3A_26 : memref<!tpu.dma_semaphore, #tpu.memory_space<semaphore_mem>>) src(%arg6 : memref<640xf32, #tpu.memory_space<hbm>>) dst(%dma_wait3A_33 : memref<640xf32, #tpu.memory_space<vmem>>)
      tpu.yield
    }) : () -> ()
    "tpu.region"() ({
      %run_scoped3A_26 = tpu.sem_alloc : memref<!tpu.dma_semaphore, #tpu.memory_space<semaphore_mem>>
      %dma_start3A = arith.constant 640 : i32
      %dma_start3A_27 = tpu.memref_slice %arg12[%dma_start3A] : memref<2080xf32, #tpu.memory_space<vmem>> -> memref<320xf32, #tpu.memory_space<vmem>>
      %dma_start3A_28 = arith.constant 640 : i32
      %dma_start3A_29 = tpu.memref_slice %arg12[%dma_start3A_28] : memref<2080xf32, #tpu.memory_space<vmem>> -> memref<320xf32, #tpu.memory_space<vmem>>
      tpu.enqueue_dma source(%arg7 : memref<320xf32, #tpu.memory_space<hbm>>) target(%dma_start3A_29 : memref<320xf32, #tpu.memory_space<vmem>>) target_semaphore(%run_scoped3A_26 : memref<!tpu.dma_semaphore, #tpu.memory_space<semaphore_mem>>)
      %dma_wait3A_30 = arith.constant 640 : i32
      %dma_wait3A_31 = tpu.memref_slice %arg12[%dma_wait3A_30] : memref<2080xf32, #tpu.memory_space<vmem>> -> memref<320xf32, #tpu.memory_space<vmem>>
      %dma_wait3A_32 = arith.constant 640 : i32
      %dma_wait3A_33 = tpu.memref_slice %arg12[%dma_wait3A_32] : memref<2080xf32, #tpu.memory_space<vmem>> -> memref<320xf32, #tpu.memory_space<vmem>>
      tpu.wait_dma2 semaphore(%run_scoped3A_26 : memref<!tpu.dma_semaphore, #tpu.memory_space<semaphore_mem>>) src(%arg7 : memref<320xf32, #tpu.memory_space<hbm>>) dst(%dma_wait3A_33 : memref<320xf32, #tpu.memory_space<vmem>>)
      tpu.yield
    }) : () -> ()
    "tpu.region"() ({
      %run_scoped3A_26 = tpu.sem_alloc : memref<!tpu.dma_semaphore, #tpu.memory_space<semaphore_mem>>
      %dma_start3A = arith.constant 960 : i32
      %dma_start3A_27 = tpu.memref_slice %arg12[%dma_start3A] : memref<2080xf32, #tpu.memory_space<vmem>> -> memref<800xf32, #tpu.memory_space<vmem>>
      %dma_start3A_28 = arith.constant 960 : i32
      %dma_start3A_29 = tpu.memref_slice %arg12[%dma_start3A_28] : memref<2080xf32, #tpu.memory_space<vmem>> -> memref<800xf32, #tpu.memory_space<vmem>>
      tpu.enqueue_dma source(%arg8 : memref<800xf32, #tpu.memory_space<hbm>>) target(%dma_start3A_29 : memref<800xf32, #tpu.memory_space<vmem>>) target_semaphore(%run_scoped3A_26 : memref<!tpu.dma_semaphore, #tpu.memory_space<semaphore_mem>>)
      %dma_wait3A_30 = arith.constant 960 : i32
      %dma_wait3A_31 = tpu.memref_slice %arg12[%dma_wait3A_30] : memref<2080xf32, #tpu.memory_space<vmem>> -> memref<800xf32, #tpu.memory_space<vmem>>
      %dma_wait3A_32 = arith.constant 960 : i32
      %dma_wait3A_33 = tpu.memref_slice %arg12[%dma_wait3A_32] : memref<2080xf32, #tpu.memory_space<vmem>> -> memref<800xf32, #tpu.memory_space<vmem>>
      tpu.wait_dma2 semaphore(%run_scoped3A_26 : memref<!tpu.dma_semaphore, #tpu.memory_space<semaphore_mem>>) src(%arg8 : memref<800xf32, #tpu.memory_space<hbm>>) dst(%dma_wait3A_33 : memref<800xf32, #tpu.memory_space<vmem>>)
      tpu.yield
    }) : () -> ()
    "tpu.region"() ({
      %run_scoped3A_26 = tpu.sem_alloc : memref<!tpu.dma_semaphore, #tpu.memory_space<semaphore_mem>>
      %dma_start3A = arith.constant 1760 : i32
      %dma_start3A_27 = tpu.memref_slice %arg12[%dma_start3A] : memref<2080xf32, #tpu.memory_space<vmem>> -> memref<320xf32, #tpu.memory_space<vmem>>
      %dma_start3A_28 = arith.constant 1760 : i32
      %dma_start3A_29 = tpu.memref_slice %arg12[%dma_start3A_28] : memref<2080xf32, #tpu.memory_space<vmem>> -> memref<320xf32, #tpu.memory_space<vmem>>
      tpu.enqueue_dma source(%arg9 : memref<320xf32, #tpu.memory_space<hbm>>) target(%dma_start3A_29 : memref<320xf32, #tpu.memory_space<vmem>>) target_semaphore(%run_scoped3A_26 : memref<!tpu.dma_semaphore, #tpu.memory_space<semaphore_mem>>)
      %dma_wait3A_30 = arith.constant 1760 : i32
      %dma_wait3A_31 = tpu.memref_slice %arg12[%dma_wait3A_30] : memref<2080xf32, #tpu.memory_space<vmem>> -> memref<320xf32, #tpu.memory_space<vmem>>
      %dma_wait3A_32 = arith.constant 1760 : i32
      %dma_wait3A_33 = tpu.memref_slice %arg12[%dma_wait3A_32] : memref<2080xf32, #tpu.memory_space<vmem>> -> memref<320xf32, #tpu.memory_space<vmem>>
      tpu.wait_dma2 semaphore(%run_scoped3A_26 : memref<!tpu.dma_semaphore, #tpu.memory_space<semaphore_mem>>) src(%arg9 : memref<320xf32, #tpu.memory_space<hbm>>) dst(%dma_wait3A_33 : memref<320xf32, #tpu.memory_space<vmem>>)
      tpu.yield
    }) : () -> ()
    %scan3A = arith.constant 0 : i32
    %scan3A_6 = arith.constant 0 : i32
    %scan3A_7 = arith.constant 8 : i32
    %scan3A_8 = arith.addi %scan3A_6, %scan3A_7 : i32
    %scan3A_9 = arith.constant 1 : i32
    scf.for %scan3A_26 = %scan3A_6 to %scan3A_8 step %scan3A_9  : i32 {
      %rem3A = arith.constant 2 : i32
      %rem3A_27 = arith.remsi %scan3A_26, %rem3A : i32
      %mul3A_28 = arith.constant 51200 : i32
      %mul3A_29 = arith.muli %rem3A_27, %mul3A_28 : i32
      %ge3A = arith.constant 2 : i32
      %ge3A_30 = arith.cmpi sge, %scan3A_26, %ge3A : i32
      %convert_element_type3A = arith.extui %ge3A_30 : i1 to i32
      %cond3A = arith.constant 0 : i32
      %cond3A_31 = arith.cmpi ne, %convert_element_type3A, %cond3A : i32
      scf.if %cond3A_31 {
        %dma_wait3A_42 = arith.constant 0 : i32
        %dma_wait3A_43 = tpu.memref_slice %arg13[%dma_wait3A_42] : memref<102400xf32, #tpu.memory_space<vmem>> -> memref<51200xf32, #tpu.memory_space<vmem>>
        %dma_wait3A_44 = arith.constant 0 : i32
        %dma_wait3A_45 = tpu.memref_slice %arg10[%dma_wait3A_44] : memref<13107200xf32, #tpu.memory_space<hbm>> -> memref<51200xf32, #tpu.memory_space<hbm>>
        %dma_wait3A_46 = arith.constant 0 : i32
        %dma_wait3A_47 = tpu.memref_slice %arg10[%dma_wait3A_46] : memref<13107200xf32, #tpu.memory_space<hbm>> -> memref<51200xf32, #tpu.memory_space<hbm>>
        %dma_wait3A_48 = arith.constant 0 : i32
        %dma_wait3A_49 = tpu.memref_slice %arg13[%dma_wait3A_48] : memref<102400xf32, #tpu.memory_space<vmem>> -> memref<51200xf32, #tpu.memory_space<vmem>>
        tpu.wait_dma2 semaphore(%arg14 : memref<!tpu.dma_semaphore, #tpu.memory_space<semaphore_mem>>) src(%dma_wait3A_49 : memref<51200xf32, #tpu.memory_space<vmem>>) dst(%dma_wait3A_47 : memref<51200xf32, #tpu.memory_space<hbm>>)
      } else {
      }
      %parallel_loop3A = arith.constant 0 : i32
      %parallel_loop3A_32 = arith.constant 25 : i32
      %parallel_loop3A_33 = arith.constant 1 : i32
      scf.for %parallel_loop3A_42 = %parallel_loop3A to %parallel_loop3A_32 step %parallel_loop3A_33  : i32 {
        %parallel_loop3A_43 = arith.constant 400 : i32
        %parallel_loop3A_44 = arith.muli %scan3A_26, %parallel_loop3A_43 : i32
        %parallel_loop3A_45 = arith.constant 16 : i32
        %parallel_loop3A_46 = arith.muli %parallel_loop3A_42, %parallel_loop3A_45 : i32
        %parallel_loop3A_47 = arith.addi %parallel_loop3A_44, %parallel_loop3A_46 : i32
        %parallel_loop3A_48 = arith.constant 0 : i32
        %parallel_loop3A_49 = arith.index_cast %parallel_loop3A_48 : i32 to index
        %parallel_loop3A_50 = arith.index_cast %parallel_loop3A_47 : i32 to index
        %parallel_loop3A_51 = tpu.vector_load %arg11[%parallel_loop3A_49, %parallel_loop3A_50] {strides = array<i32>} : memref<4x3200xi32, #tpu.memory_space<vmem>>, vector<16xi32>,
        %parallel_loop3A_52 = arith.constant 32 : i32
        %parallel_loop3A_53 = vector.broadcast %parallel_loop3A_52 : i32 to vector<16xi32>
        %parallel_loop3A_54 = arith.muli %parallel_loop3A_51, %parallel_loop3A_53 : vector<16xi32>
        %parallel_loop3A_55 = arith.constant 1 : i32
        %parallel_loop3A_56 = arith.index_cast %parallel_loop3A_55 : i32 to index
        %parallel_loop3A_57 = arith.index_cast %parallel_loop3A_47 : i32 to index
        %parallel_loop3A_58 = tpu.vector_load %arg11[%parallel_loop3A_56, %parallel_loop3A_57] {strides = array<i32>} : memref<4x3200xi32, #tpu.memory_space<vmem>>, vector<16xi32>,
        %parallel_loop3A_59 = arith.constant 32 : i32
        %parallel_loop3A_60 = vector.broadcast %parallel_loop3A_59 : i32 to vector<16xi32>
        %parallel_loop3A_61 = arith.muli %parallel_loop3A_58, %parallel_loop3A_60 : vector<16xi32>
        %parallel_loop3A_62 = arith.constant 2 : i32
        %parallel_loop3A_63 = arith.index_cast %parallel_loop3A_62 : i32 to index
        %parallel_loop3A_64 = arith.index_cast %parallel_loop3A_47 : i32 to index
        %parallel_loop3A_65 = tpu.vector_load %arg11[%parallel_loop3A_63, %parallel_loop3A_64] {strides = array<i32>} : memref<4x3200xi32, #tpu.memory_space<vmem>>, vector<16xi32>,
        %parallel_loop3A_66 = arith.constant 32 : i32
        %parallel_loop3A_67 = vector.broadcast %parallel_loop3A_66 : i32 to vector<16xi32>
        %parallel_loop3A_68 = arith.muli %parallel_loop3A_65, %parallel_loop3A_67 : vector<16xi32>
        %parallel_loop3A_69 = arith.constant 3 : i32
        %parallel_loop3A_70 = arith.index_cast %parallel_loop3A_69 : i32 to index
        %parallel_loop3A_71 = arith.index_cast %parallel_loop3A_47 : i32 to index
        %parallel_loop3A_72 = tpu.vector_load %arg11[%parallel_loop3A_70, %parallel_loop3A_71] {strides = array<i32>} : memref<4x3200xi32, #tpu.memory_space<vmem>>, vector<16xi32>,
        %parallel_loop3A_73 = arith.constant 32 : i32
        %parallel_loop3A_74 = vector.broadcast %parallel_loop3A_73 : i32 to vector<16xi32>
        %parallel_loop3A_75 = arith.muli %parallel_loop3A_72, %parallel_loop3A_74 : vector<16xi32>
        %parallel_loop3A_76 = arith.constant 16 : i32
        %parallel_loop3A_77 = arith.muli %parallel_loop3A_42, %parallel_loop3A_76 : i32
        %parallel_loop3A_78 = arith.constant 0 : i32
        %parallel_loop3A_79 = arith.addi %parallel_loop3A_77, %parallel_loop3A_78 : i32
        %parallel_loop3A_80 = arith.constant 128 : i32
        %parallel_loop3A_81 = arith.muli %parallel_loop3A_79, %parallel_loop3A_80 : i32
        %parallel_loop3A_82 = arith.addi %mul3A_29, %parallel_loop3A_81 : i32
        %parallel_loop3A_83 = vector.extract_strided_slice %parallel_loop3A_54 {offsets = [0], sizes = [1], strides = [1]} : vector<16xi32> to vector<1xi32>
        %parallel_loop3A_84 = vector.extract %parallel_loop3A_83[0] : i32 from vector<1xi32>
        %parallel_loop3A_85 = tpu.assume_multiple %parallel_loop3A_84, 32 : i32
        %parallel_loop3A_86 = arith.constant 0 : i32
        %parallel_loop3A_87 = arith.addi %parallel_loop3A_86, %parallel_loop3A_85 : i32
        %parallel_loop3A_88 = arith.constant 0 : i32
        %parallel_loop3A_89 = arith.addi %parallel_loop3A_87, %parallel_loop3A_88 : i32
        %parallel_loop3A_90 = arith.index_cast %parallel_loop3A_89 : i32 to index
        %parallel_loop3A_91 = tpu.vector_load %arg12[%parallel_loop3A_90] {strides = array<i32>} : memref<2080xf32, #tpu.memory_space<vmem>>, vector<16xf32>,
        %parallel_loop3A_92 = arith.constant 0 : i32
        %parallel_loop3A_93 = arith.addi %parallel_loop3A_82, %parallel_loop3A_92 : i32
        %parallel_loop3A_94 = arith.constant 0 : i32
        %parallel_loop3A_95 = arith.addi %parallel_loop3A_93, %parallel_loop3A_94 : i32
        %parallel_loop3A_96 = arith.index_cast %parallel_loop3A_95 : i32 to index
        %parallel_loop3A_97 = tpu.vector_load %arg13[%parallel_loop3A_96] {strides = array<i32>} : memref<102400xf32, #tpu.memory_space<vmem>>, vector<16xf32>,
        tpu.vector_store %arg13[%parallel_loop3A_96], %parallel_loop3A_91 {strides = array<i32>} : memref<102400xf32, #tpu.memory_space<vmem>>, vector<16xf32>,
        %parallel_loop3A_98 = arith.constant 16 : i32
        %parallel_loop3A_99 = arith.addi %parallel_loop3A_87, %parallel_loop3A_98 : i32
        %parallel_loop3A_100 = arith.index_cast %parallel_loop3A_99 : i32 to index
        %parallel_loop3A_101 = tpu.vector_load %arg12[%parallel_loop3A_100] {strides = array<i32>} : memref<2080xf32, #tpu.memory_space<vmem>>, vector<16xf32>,
        %parallel_loop3A_102 = arith.constant 0 : i32
        %parallel_loop3A_103 = arith.addi %parallel_loop3A_82, %parallel_loop3A_102 : i32
        %parallel_loop3A_104 = arith.constant 16 : i32
        %parallel_loop3A_105 = arith.addi %parallel_loop3A_103, %parallel_loop3A_104 : i32
        %parallel_loop3A_106 = arith.index_cast %parallel_loop3A_105 : i32 to index
        %parallel_loop3A_107 = tpu.vector_load %arg13[%parallel_loop3A_106] {strides = array<i32>} : memref<102400xf32, #tpu.memory_space<vmem>>, vector<16xf32>,
        tpu.vector_store %arg13[%parallel_loop3A_106], %parallel_loop3A_101 {strides = array<i32>} : memref<102400xf32, #tpu.memory_space<vmem>>, vector<16xf32>,
        %parallel_loop3A_108 = vector.extract_strided_slice %parallel_loop3A_61 {offsets = [0], sizes = [1], strides = [1]} : vector<16xi32> to vector<1xi32>
        %parallel_loop3A_109 = vector.extract %parallel_loop3A_108[0] : i32 from vector<1xi32>
        %parallel_loop3A_110 = tpu.assume_multiple %parallel_loop3A_109, 32 : i32
        %parallel_loop3A_111 = arith.constant 640 : i32
        %parallel_loop3A_112 = arith.addi %parallel_loop3A_111, %parallel_loop3A_110 : i32
        %parallel_loop3A_113 = arith.constant 0 : i32
        %parallel_loop3A_114 = arith.addi %parallel_loop3A_112, %parallel_loop3A_113 : i32
        %parallel_loop3A_115 = arith.index_cast %parallel_loop3A_114 : i32 to index
        %parallel_loop3A_116 = tpu.vector_load %arg12[%parallel_loop3A_115] {strides = array<i32>} : memref<2080xf32, #tpu.memory_space<vmem>>, vector<16xf32>,
        %parallel_loop3A_117 = arith.constant 32 : i32
        %parallel_loop3A_118 = arith.addi %parallel_loop3A_82, %parallel_loop3A_117 : i32
        %parallel_loop3A_119 = arith.constant 0 : i32
        %parallel_loop3A_120 = arith.addi %parallel_loop3A_118, %parallel_loop3A_119 : i32
        %parallel_loop3A_121 = arith.index_cast %parallel_loop3A_120 : i32 to index
        %parallel_loop3A_122 = tpu.vector_load %arg13[%parallel_loop3A_121] {strides = array<i32>} : memref<102400xf32, #tpu.memory_space<vmem>>, vector<16xf32>,
        tpu.vector_store %arg13[%parallel_loop3A_121], %parallel_loop3A_116 {strides = array<i32>} : memref<102400xf32, #tpu.memory_space<vmem>>, vector<16xf32>,
        %parallel_loop3A_123 = arith.constant 16 : i32
        %parallel_loop3A_124 = arith.addi %parallel_loop3A_112, %parallel_loop3A_123 : i32
        %parallel_loop3A_125 = arith.index_cast %parallel_loop3A_124 : i32 to index
        %parallel_loop3A_126 = tpu.vector_load %arg12[%parallel_loop3A_125] {strides = array<i32>} : memref<2080xf32, #tpu.memory_space<vmem>>, vector<16xf32>,
        %parallel_loop3A_127 = arith.constant 32 : i32
        %parallel_loop3A_128 = arith.addi %parallel_loop3A_82, %parallel_loop3A_127 : i32
        %parallel_loop3A_129 = arith.constant 16 : i32
        %parallel_loop3A_130 = arith.addi %parallel_loop3A_128, %parallel_loop3A_129 : i32
        %parallel_loop3A_131 = arith.index_cast %parallel_loop3A_130 : i32 to index
        %parallel_loop3A_132 = tpu.vector_load %arg13[%parallel_loop3A_131] {strides = array<i32>} : memref<102400xf32, #tpu.memory_space<vmem>>, vector<16xf32>,
        tpu.vector_store %arg13[%parallel_loop3A_131], %parallel_loop3A_126 {strides = array<i32>} : memref<102400xf32, #tpu.memory_space<vmem>>, vector<16xf32>,
        %parallel_loop3A_133 = vector.extract_strided_slice %parallel_loop3A_68 {offsets = [0], sizes = [1], strides = [1]} : vector<16xi32> to vector<1xi32>
        %parallel_loop3A_134 = vector.extract %parallel_loop3A_133[0] : i32 from vector<1xi32>
        %parallel_loop3A_135 = tpu.assume_multiple %parallel_loop3A_134, 32 : i32
        %parallel_loop3A_136 = arith.constant 960 : i32
        %parallel_loop3A_137 = arith.addi %parallel_loop3A_136, %parallel_loop3A_135 : i32
        %parallel_loop3A_138 = arith.constant 0 : i32
        %parallel_loop3A_139 = arith.addi %parallel_loop3A_137, %parallel_loop3A_138 : i32
        %parallel_loop3A_140 = arith.index_cast %parallel_loop3A_139 : i32 to index
        %parallel_loop3A_141 = tpu.vector_load %arg12[%parallel_loop3A_140] {strides = array<i32>} : memref<2080xf32, #tpu.memory_space<vmem>>, vector<16xf32>,
        %parallel_loop3A_142 = arith.constant 64 : i32
        %parallel_loop3A_143 = arith.addi %parallel_loop3A_82, %parallel_loop3A_142 : i32
        %parallel_loop3A_144 = arith.constant 0 : i32
        %parallel_loop3A_145 = arith.addi %parallel_loop3A_143, %parallel_loop3A_144 : i32
        %parallel_loop3A_146 = arith.index_cast %parallel_loop3A_145 : i32 to index
        %parallel_loop3A_147 = tpu.vector_load %arg13[%parallel_loop3A_146] {strides = array<i32>} : memref<102400xf32, #tpu.memory_space<vmem>>, vector<16xf32>,
        tpu.vector_store %arg13[%parallel_loop3A_146], %parallel_loop3A_141 {strides = array<i32>} : memref<102400xf32, #tpu.memory_space<vmem>>, vector<16xf32>,
        %parallel_loop3A_148 = arith.constant 16 : i32
        %parallel_loop3A_149 = arith.addi %parallel_loop3A_137, %parallel_loop3A_148 : i32
        %parallel_loop3A_150 = arith.index_cast %parallel_loop3A_149 : i32 to index
        %parallel_loop3A_151 = tpu.vector_load %arg12[%parallel_loop3A_150] {strides = array<i32>} : memref<2080xf32, #tpu.memory_space<vmem>>, vector<16xf32>,
        %parallel_loop3A_152 = arith.constant 64 : i32
        %parallel_loop3A_153 = arith.addi %parallel_loop3A_82, %parallel_loop3A_152 : i32
        %parallel_loop3A_154 = arith.constant 16 : i32
        %parallel_loop3A_155 = arith.addi %parallel_loop3A_153, %parallel_loop3A_154 : i32
        %parallel_loop3A_156 = arith.index_cast %parallel_loop3A_155 : i32 to index
        %parallel_loop3A_157 = tpu.vector_load %arg13[%parallel_loop3A_156] {strides = array<i32>} : memref<102400xf32, #tpu.memory_space<vmem>>, vector<16xf32>,
        tpu.vector_store %arg13[%parallel_loop3A_156], %parallel_loop3A_151 {strides = array<i32>} : memref<102400xf32, #tpu.memory_space<vmem>>, vector<16xf32>,
        %parallel_loop3A_158 = vector.extract_strided_slice %parallel_loop3A_75 {offsets = [0], sizes = [1], strides = [1]} : vector<16xi32> to vector<1xi32>
        %parallel_loop3A_159 = vector.extract %parallel_loop3A_158[0] : i32 from vector<1xi32>
        %parallel_loop3A_160 = tpu.assume_multiple %parallel_loop3A_159, 32 : i32
        %parallel_loop3A_161 = arith.constant 1760 : i32
        %parallel_loop3A_162 = arith.addi %parallel_loop3A_161, %parallel_loop3A_160 : i32
        %parallel_loop3A_163 = arith.constant 0 : i32
        %parallel_loop3A_164 = arith.addi %parallel_loop3A_162, %parallel_loop3A_163 : i32
        %parallel_loop3A_165 = arith.index_cast %parallel_loop3A_164 : i32 to index
        %parallel_loop3A_166 = tpu.vector_load %arg12[%parallel_loop3A_165] {strides = array<i32>} : memref<2080xf32, #tpu.memory_space<vmem>>, vector<16xf32>,
        %parallel_loop3A_167 = arith.constant 96 : i32
        %parallel_loop3A_168 = arith.addi %parallel_loop3A_82, %parallel_loop3A_167 : i32
        %parallel_loop3A_169 = arith.constant 0 : i32
        %parallel_loop3A_170 = arith.addi %parallel_loop3A_168, %parallel_loop3A_169 : i32
        %parallel_loop3A_171 = arith.index_cast %parallel_loop3A_170 : i32 to index
        %parallel_loop3A_172 = tpu.vector_load %arg13[%parallel_loop3A_171] {strides = array<i32>} : memref<102400xf32, #tpu.memory_space<vmem>>, vector<16xf32>,
        tpu.vector_store %arg13[%parallel_loop3A_171], %parallel_loop3A_166 {strides = array<i32>} : memref<102400xf32, #tpu.memory_space<vmem>>, vector<16xf32>,
        %parallel_loop3A_173 = arith.constant 16 : i32
        %parallel_loop3A_174 = arith.addi %parallel_loop3A_162, %parallel_loop3A_173 : i32
        %parallel_loop3A_175 = arith.index_cast %parallel_loop3A_174 : i32 to index
        %parallel_loop3A_176 = tpu.vector_load %arg12[%parallel_loop3A_175] {strides = array<i32>} : memref<2080xf32, #tpu.memory_space<vmem>>, vector<16xf32>,
        %parallel_loop3A_177 = arith.constant 96 : i32
        %parallel_loop3A_178 = arith.addi %parallel_loop3A_82, %parallel_loop3A_177 : i32
        %parallel_loop3A_179 = arith.constant 16 : i32
        %parallel_loop3A_180 = arith.addi %parallel_loop3A_178, %parallel_loop3A_179 : i32
        %parallel_loop3A_181 = arith.index_cast %parallel_loop3A_180 : i32 to index
        %parallel_loop3A_182 = tpu.vector_load %arg13[%parallel_loop3A_181] {strides = array<i32>} : memref<102400xf32, #tpu.memory_space<vmem>>, vector<16xf32>,
        tpu.vector_store %arg13[%parallel_loop3A_181], %parallel_loop3A_176 {strides = array<i32>} : memref<102400xf32, #tpu.memory_space<vmem>>, vector<16xf32>,
        %parallel_loop3A_183 = arith.constant 16 : i32
        %parallel_loop3A_184 = arith.muli %parallel_loop3A_42, %parallel_loop3A_183 : i32
        %parallel_loop3A_185 = arith.constant 1 : i32
        %parallel_loop3A_186 = arith.addi %parallel_loop3A_184, %parallel_loop3A_185 : i32
        %parallel_loop3A_187 = arith.constant 128 : i32
        %parallel_loop3A_188 = arith.muli %parallel_loop3A_186, %parallel_loop3A_187 : i32
        %parallel_loop3A_189 = arith.addi %mul3A_29, %parallel_loop3A_188 : i32
        %parallel_loop3A_190 = vector.extract_strided_slice %parallel_loop3A_54 {offsets = [1], sizes = [1], strides = [1]} : vector<16xi32> to vector<1xi32>
        %parallel_loop3A_191 = vector.extract %parallel_loop3A_190[0] : i32 from vector<1xi32>
        %parallel_loop3A_192 = tpu.assume_multiple %parallel_loop3A_191, 32 : i32
        %parallel_loop3A_193 = arith.constant 0 : i32
        %parallel_loop3A_194 = arith.addi %parallel_loop3A_193, %parallel_loop3A_192 : i32
        %parallel_loop3A_195 = arith.constant 0 : i32
        %parallel_loop3A_196 = arith.addi %parallel_loop3A_194, %parallel_loop3A_195 : i32
        %parallel_loop3A_197 = arith.index_cast %parallel_loop3A_196 : i32 to index
        %parallel_loop3A_198 = tpu.vector_load %arg12[%parallel_loop3A_197] {strides = array<i32>} : memref<2080xf32, #tpu.memory_space<vmem>>, vector<16xf32>,
        %parallel_loop3A_199 = arith.constant 0 : i32
        %parallel_loop3A_200 = arith.addi %parallel_loop3A_189, %parallel_loop3A_199 : i32
        %parallel_loop3A_201 = arith.constant 0 : i32
        %parallel_loop3A_202 = arith.addi %parallel_loop3A_200, %parallel_loop3A_201 : i32
        %parallel_loop3A_203 = arith.index_cast %parallel_loop3A_202 : i32 to index
        %parallel_loop3A_204 = tpu.vector_load %arg13[%parallel_loop3A_203] {strides = array<i32>} : memref<102400xf32, #tpu.memory_space<vmem>>, vector<16xf32>,
        tpu.vector_store %arg13[%parallel_loop3A_203], %parallel_loop3A_198 {strides = array<i32>} : memref<102400xf32, #tpu.memory_space<vmem>>, vector<16xf32>,
        %parallel_loop3A_205 = arith.constant 16 : i32
        %parallel_loop3A_206 = arith.addi %parallel_loop3A_194, %parallel_loop3A_205 : i32
        %parallel_loop3A_207 = arith.index_cast %parallel_loop3A_206 : i32 to index
        %parallel_loop3A_208 = tpu.vector_load %arg12[%parallel_loop3A_207] {strides = array<i32>} : memref<2080xf32, #tpu.memory_space<vmem>>, vector<16xf32>,
        %parallel_loop3A_209 = arith.constant 0 : i32
        %parallel_loop3A_210 = arith.addi %parallel_loop3A_189, %parallel_loop3A_209 : i32
        %parallel_loop3A_211 = arith.constant 16 : i32
        %parallel_loop3A_212 = arith.addi %parallel_loop3A_210, %parallel_loop3A_211 : i32
        %parallel_loop3A_213 = arith.index_cast %parallel_loop3A_212 : i32 to index
        %parallel_loop3A_214 = tpu.vector_load %arg13[%parallel_loop3A_213] {strides = array<i32>} : memref<102400xf32, #tpu.memory_space<vmem>>, vector<16xf32>,
        tpu.vector_store %arg13[%parallel_loop3A_213], %parallel_loop3A_208 {strides = array<i32>} : memref<102400xf32, #tpu.memory_space<vmem>>, vector<16xf32>,
        %parallel_loop3A_215 = vector.extract_strided_slice %parallel_loop3A_61 {offsets = [1], sizes = [1], strides = [1]} : vector<16xi32> to vector<1xi32>
        %parallel_loop3A_216 = vector.extract %parallel_loop3A_215[0] : i32 from vector<1xi32>
        %parallel_loop3A_217 = tpu.assume_multiple %parallel_loop3A_216, 32 : i32
        %parallel_loop3A_218 = arith.constant 640 : i32
        %parallel_loop3A_219 = arith.addi %parallel_loop3A_218, %parallel_loop3A_217 : i32
        %parallel_loop3A_220 = arith.constant 0 : i32
        %parallel_loop3A_221 = arith.addi %parallel_loop3A_219, %parallel_loop3A_220 : i32
        %parallel_loop3A_222 = arith.index_cast %parallel_loop3A_221 : i32 to index
        %parallel_loop3A_223 = tpu.vector_load %arg12[%parallel_loop3A_222] {strides = array<i32>} : memref<2080xf32, #tpu.memory_space<vmem>>, vector<16xf32>,
        %parallel_loop3A_224 = arith.constant 32 : i32
        %parallel_loop3A_225 = arith.addi %parallel_loop3A_189, %parallel_loop3A_224 : i32
        %parallel_loop3A_226 = arith.constant 0 : i32
        %parallel_loop3A_227 = arith.addi %parallel_loop3A_225, %parallel_loop3A_226 : i32
        %parallel_loop3A_228 = arith.index_cast %parallel_loop3A_227 : i32 to index
        %parallel_loop3A_229 = tpu.vector_load %arg13[%parallel_loop3A_228] {strides = array<i32>} : memref<102400xf32, #tpu.memory_space<vmem>>, vector<16xf32>,
        tpu.vector_store %arg13[%parallel_loop3A_228], %parallel_loop3A_223 {strides = array<i32>} : memref<102400xf32, #tpu.memory_space<vmem>>, vector<16xf32>,
        %parallel_loop3A_230 = arith.constant 16 : i32
        %parallel_loop3A_231 = arith.addi %parallel_loop3A_219, %parallel_loop3A_230 : i32
        %parallel_loop3A_232 = arith.index_cast %parallel_loop3A_231 : i32 to index
        %parallel_loop3A_233 = tpu.vector_load %arg12[%parallel_loop3A_232] {strides = array<i32>} : memref<2080xf32, #tpu.memory_space<vmem>>, vector<16xf32>,
        %parallel_loop3A_234 = arith.constant 32 : i32
        %parallel_loop3A_235 = arith.addi %parallel_loop3A_189, %parallel_loop3A_234 : i32
        %parallel_loop3A_236 = arith.constant 16 : i32
        %parallel_loop3A_237 = arith.addi %parallel_loop3A_235, %parallel_loop3A_236 : i32
        %parallel_loop3A_238 = arith.index_cast %parallel_loop3A_237 : i32 to index
        %parallel_loop3A_239 = tpu.vector_load %arg13[%parallel_loop3A_238] {strides = array<i32>} : memref<102400xf32, #tpu.memory_space<vmem>>, vector<16xf32>,
        tpu.vector_store %arg13[%parallel_loop3A_238], %parallel_loop3A_233 {strides = array<i32>} : memref<102400xf32, #tpu.memory_space<vmem>>, vector<16xf32>,
        %parallel_loop3A_240 = vector.extract_strided_slice %parallel_loop3A_68 {offsets = [1], sizes = [1], strides = [1]} : vector<16xi32> to vector<1xi32>
        %parallel_loop3A_241 = vector.extract %parallel_loop3A_240[0] : i32 from vector<1xi32>
        %parallel_loop3A_242 = tpu.assume_multiple %parallel_loop3A_241, 32 : i32
        %parallel_loop3A_243 = arith.constant 960 : i32
        %parallel_loop3A_244 = arith.addi %parallel_loop3A_243, %parallel_loop3A_242 : i32
        %parallel_loop3A_245 = arith.constant 0 : i32
        %parallel_loop3A_246 = arith.addi %parallel_loop3A_244, %parallel_loop3A_245 : i32
        %parallel_loop3A_247 = arith.index_cast %parallel_loop3A_246 : i32 to index
        %parallel_loop3A_248 = tpu.vector_load %arg12[%parallel_loop3A_247] {strides = array<i32>} : memref<2080xf32, #tpu.memory_space<vmem>>, vector<16xf32>,
        %parallel_loop3A_249 = arith.constant 64 : i32
        %parallel_loop3A_250 = arith.addi %parallel_loop3A_189, %parallel_loop3A_249 : i32
        %parallel_loop3A_251 = arith.constant 0 : i32
        %parallel_loop3A_252 = arith.addi %parallel_loop3A_250, %parallel_loop3A_251 : i32
        %parallel_loop3A_253 = arith.index_cast %parallel_loop3A_252 : i32 to index
        %parallel_loop3A_254 = tpu.vector_load %arg13[%parallel_loop3A_253] {strides = array<i32>} : memref<102400xf32, #tpu.memory_space<vmem>>, vector<16xf32>,
        tpu.vector_store %arg13[%parallel_loop3A_253], %parallel_loop3A_248 {strides = array<i32>} : memref<102400xf32, #tpu.memory_space<vmem>>, vector<16xf32>,
        %parallel_loop3A_255 = arith.constant 16 : i32
        %parallel_loop3A_256 = arith.addi %parallel_loop3A_244, %parallel_loop3A_255 : i32
        %parallel_loop3A_257 = arith.index_cast %parallel_loop3A_256 : i32 to index
        %parallel_loop3A_258 = tpu.vector_load %arg12[%parallel_loop3A_257] {strides = array<i32>} : memref<2080xf32, #tpu.memory_space<vmem>>, vector<16xf32>,
        %parallel_loop3A_259 = arith.constant 64 : i32
        %parallel_loop3A_260 = arith.addi %parallel_loop3A_189, %parallel_loop3A_259 : i32
        %parallel_loop3A_261 = arith.constant 16 : i32
        %parallel_loop3A_262 = arith.addi %parallel_loop3A_260, %parallel_loop3A_261 : i32
        %parallel_loop3A_263 = arith.index_cast %parallel_loop3A_262 : i32 to index
        %parallel_loop3A_264 = tpu.vector_load %arg13[%parallel_loop3A_263] {strides = array<i32>} : memref<102400xf32, #tpu.memory_space<vmem>>, vector<16xf32>,
        tpu.vector_store %arg13[%parallel_loop3A_263], %parallel_loop3A_258 {strides = array<i32>} : memref<102400xf32, #tpu.memory_space<vmem>>, vector<16xf32>,
        %parallel_loop3A_265 = vector.extract_strided_slice %parallel_loop3A_75 {offsets = [1], sizes = [1], strides = [1]} : vector<16xi32> to vector<1xi32>
        %parallel_loop3A_266 = vector.extract %parallel_loop3A_265[0] : i32 from vector<1xi32>
        %parallel_loop3A_267 = tpu.assume_multiple %parallel_loop3A_266, 32 : i32
        %parallel_loop3A_268 = arith.constant 1760 : i32
        %parallel_loop3A_269 = arith.addi %parallel_loop3A_268, %parallel_loop3A_267 : i32
        %parallel_loop3A_270 = arith.constant 0 : i32
        %parallel_loop3A_271 = arith.addi %parallel_loop3A_269, %parallel_loop3A_270 : i32
        %parallel_loop3A_272 = arith.index_cast %parallel_loop3A_271 : i32 to index
        %parallel_loop3A_273 = tpu.vector_load %arg12[%parallel_loop3A_272] {strides = array<i32>} : memref<2080xf32, #tpu.memory_space<vmem>>, vector<16xf32>,
        %parallel_loop3A_274 = arith.constant 96 : i32
        %parallel_loop3A_275 = arith.addi %parallel_loop3A_189, %parallel_loop3A_274 : i32
        %parallel_loop3A_276 = arith.constant 0 : i32
        %parallel_loop3A_277 = arith.addi %parallel_loop3A_275, %parallel_loop3A_276 : i32
        %parallel_loop3A_278 = arith.index_cast %parallel_loop3A_277 : i32 to index
        %parallel_loop3A_279 = tpu.vector_load %arg13[%parallel_loop3A_278] {strides = array<i32>} : memref<102400xf32, #tpu.memory_space<vmem>>, vector<16xf32>,
        tpu.vector_store %arg13[%parallel_loop3A_278], %parallel_loop3A_273 {strides = array<i32>} : memref<102400xf32, #tpu.memory_space<vmem>>, vector<16xf32>,
        %parallel_loop3A_280 = arith.constant 16 : i32
        %parallel_loop3A_281 = arith.addi %parallel_loop3A_269, %parallel_loop3A_280 : i32
        %parallel_loop3A_282 = arith.index_cast %parallel_loop3A_281 : i32 to index
        %parallel_loop3A_283 = tpu.vector_load %arg12[%parallel_loop3A_282] {strides = array<i32>} : memref<2080xf32, #tpu.memory_space<vmem>>, vector<16xf32>,
        %parallel_loop3A_284 = arith.constant 96 : i32
        %parallel_loop3A_285 = arith.addi %parallel_loop3A_189, %parallel_loop3A_284 : i32
        %parallel_loop3A_286 = arith.constant 16 : i32
        %parallel_loop3A_287 = arith.addi %parallel_loop3A_285, %parallel_loop3A_286 : i32
        %parallel_loop3A_288 = arith.index_cast %parallel_loop3A_287 : i32 to index
        %parallel_loop3A_289 = tpu.vector_load %arg13[%parallel_loop3A_288] {strides = array<i32>} : memref<102400xf32, #tpu.memory_space<vmem>>, vector<16xf32>,
        tpu.vector_store %arg13[%parallel_loop3A_288], %parallel_loop3A_283 {strides = array<i32>} : memref<102400xf32, #tpu.memory_space<vmem>>, vector<16xf32>,
        %parallel_loop3A_290 = arith.constant 16 : i32
        %parallel_loop3A_291 = arith.muli %parallel_loop3A_42, %parallel_loop3A_290 : i32
        %parallel_loop3A_292 = arith.constant 2 : i32
        %parallel_loop3A_293 = arith.addi %parallel_loop3A_291, %parallel_loop3A_292 : i32
        %parallel_loop3A_294 = arith.constant 128 : i32
        %parallel_loop3A_295 = arith.muli %parallel_loop3A_293, %parallel_loop3A_294 : i32
        %parallel_loop3A_296 = arith.addi %mul3A_29, %parallel_loop3A_295 : i32
        %parallel_loop3A_297 = vector.extract_strided_slice %parallel_loop3A_54 {offsets = [2], sizes = [1], strides = [1]} : vector<16xi32> to vector<1xi32>
        %parallel_loop3A_298 = vector.extract %parallel_loop3A_297[0] : i32 from vector<1xi32>
        %parallel_loop3A_299 = tpu.assume_multiple %parallel_loop3A_298, 32 : i32
        %parallel_loop3A_300 = arith.constant 0 : i32
        %parallel_loop3A_301 = arith.addi %parallel_loop3A_300, %parallel_loop3A_299 : i32
        %parallel_loop3A_302 = arith.constant 0 : i32
        %parallel_loop3A_303 = arith.addi %parallel_loop3A_301, %parallel_loop3A_302 : i32
        %parallel_loop3A_304 = arith.index_cast %parallel_loop3A_303 : i32 to index
        %parallel_loop3A_305 = tpu.vector_load %arg12[%parallel_loop3A_304] {strides = array<i32>} : memref<2080xf32, #tpu.memory_space<vmem>>, vector<16xf32>,
        %parallel_loop3A_306 = arith.constant 0 : i32
        %parallel_loop3A_307 = arith.addi %parallel_loop3A_296, %parallel_loop3A_306 : i32
        %parallel_loop3A_308 = arith.constant 0 : i32
        %parallel_loop3A_309 = arith.addi %parallel_loop3A_307, %parallel_loop3A_308 : i32
        %parallel_loop3A_310 = arith.index_cast %parallel_loop3A_309 : i32 to index
        %parallel_loop3A_311 = tpu.vector_load %arg13[%parallel_loop3A_310] {strides = array<i32>} : memref<102400xf32, #tpu.memory_space<vmem>>, vector<16xf32>,
        tpu.vector_store %arg13[%parallel_loop3A_310], %parallel_loop3A_305 {strides = array<i32>} : memref<102400xf32, #tpu.memory_space<vmem>>, vector<16xf32>,
        %parallel_loop3A_312 = arith.constant 16 : i32
        %parallel_loop3A_313 = arith.addi %parallel_loop3A_301, %parallel_loop3A_312 : i32
        %parallel_loop3A_314 = arith.index_cast %parallel_loop3A_313 : i32 to index
        %parallel_loop3A_315 = tpu.vector_load %arg12[%parallel_loop3A_314] {strides = array<i32>} : memref<2080xf32, #tpu.memory_space<vmem>>, vector<16xf32>,
        %parallel_loop3A_316 = arith.constant 0 : i32
        %parallel_loop3A_317 = arith.addi %parallel_loop3A_296, %parallel_loop3A_316 : i32
        %parallel_loop3A_318 = arith.constant 16 : i32
        %parallel_loop3A_319 = arith.addi %parallel_loop3A_317, %parallel_loop3A_318 : i32
        %parallel_loop3A_320 = arith.index_cast %parallel_loop3A_319 : i32 to index
        %parallel_loop3A_321 = tpu.vector_load %arg13[%parallel_loop3A_320] {strides = array<i32>} : memref<102400xf32, #tpu.memory_space<vmem>>, vector<16xf32>,
        tpu.vector_store %arg13[%parallel_loop3A_320], %parallel_loop3A_315 {strides = array<i32>} : memref<102400xf32, #tpu.memory_space<vmem>>, vector<16xf32>,
        %parallel_loop3A_322 = vector.extract_strided_slice %parallel_loop3A_61 {offsets = [2], sizes = [1], strides = [1]} : vector<16xi32> to vector<1xi32>
        %parallel_loop3A_323 = vector.extract %parallel_loop3A_322[0] : i32 from vector<1xi32>
        %parallel_loop3A_324 = tpu.assume_multiple %parallel_loop3A_323, 32 : i32
        %parallel_loop3A_325 = arith.constant 640 : i32
        %parallel_loop3A_326 = arith.addi %parallel_loop3A_325, %parallel_loop3A_324 : i32
        %parallel_loop3A_327 = arith.constant 0 : i32
        %parallel_loop3A_328 = arith.addi %parallel_loop3A_326, %parallel_loop3A_327 : i32
        %parallel_loop3A_329 = arith.index_cast %parallel_loop3A_328 : i32 to index
        %parallel_loop3A_330 = tpu.vector_load %arg12[%parallel_loop3A_329] {strides = array<i32>} : memref<2080xf32, #tpu.memory_space<vmem>>, vector<16xf32>,
        %parallel_loop3A_331 = arith.constant 32 : i32
        %parallel_loop3A_332 = arith.addi %parallel_loop3A_296, %parallel_loop3A_331 : i32
        %parallel_loop3A_333 = arith.constant 0 : i32
        %parallel_loop3A_334 = arith.addi %parallel_loop3A_332, %parallel_loop3A_333 : i32
        %parallel_loop3A_335 = arith.index_cast %parallel_loop3A_334 : i32 to index
        %parallel_loop3A_336 = tpu.vector_load %arg13[%parallel_loop3A_335] {strides = array<i32>} : memref<102400xf32, #tpu.memory_space<vmem>>, vector<16xf32>,
        tpu.vector_store %arg13[%parallel_loop3A_335], %parallel_loop3A_330 {strides = array<i32>} : memref<102400xf32, #tpu.memory_space<vmem>>, vector<16xf32>,
        %parallel_loop3A_337 = arith.constant 16 : i32
        %parallel_loop3A_338 = arith.addi %parallel_loop3A_326, %parallel_loop3A_337 : i32
        %parallel_loop3A_339 = arith.index_cast %parallel_loop3A_338 : i32 to index
        %parallel_loop3A_340 = tpu.vector_load %arg12[%parallel_loop3A_339] {strides = array<i32>} : memref<2080xf32, #tpu.memory_space<vmem>>, vector<16xf32>,
        %parallel_loop3A_341 = arith.constant 32 : i32
        %parallel_loop3A_342 = arith.addi %parallel_loop3A_296, %parallel_loop3A_341 : i32
        %parallel_loop3A_343 = arith.constant 16 : i32
        %parallel_loop3A_344 = arith.addi %parallel_loop3A_342, %parallel_loop3A_343 : i32
        %parallel_loop3A_345 = arith.index_cast %parallel_loop3A_344 : i32 to index
        %parallel_loop3A_346 = tpu.vector_load %arg13[%parallel_loop3A_345] {strides = array<i32>} : memref<102400xf32, #tpu.memory_space<vmem>>, vector<16xf32>,
        tpu.vector_store %arg13[%parallel_loop3A_345], %parallel_loop3A_340 {strides = array<i32>} : memref<102400xf32, #tpu.memory_space<vmem>>, vector<16xf32>,
        %parallel_loop3A_347 = vector.extract_strided_slice %parallel_loop3A_68 {offsets = [2], sizes = [1], strides = [1]} : vector<16xi32> to vector<1xi32>
        %parallel_loop3A_348 = vector.extract %parallel_loop3A_347[0] : i32 from vector<1xi32>
        %parallel_loop3A_349 = tpu.assume_multiple %parallel_loop3A_348, 32 : i32
        %parallel_loop3A_350 = arith.constant 960 : i32
        %parallel_loop3A_351 = arith.addi %parallel_loop3A_350, %parallel_loop3A_349 : i32
        %parallel_loop3A_352 = arith.constant 0 : i32
        %parallel_loop3A_353 = arith.addi %parallel_loop3A_351, %parallel_loop3A_352 : i32
        %parallel_loop3A_354 = arith.index_cast %parallel_loop3A_353 : i32 to index
        %parallel_loop3A_355 = tpu.vector_load %arg12[%parallel_loop3A_354] {strides = array<i32>} : memref<2080xf32, #tpu.memory_space<vmem>>, vector<16xf32>,
        %parallel_loop3A_356 = arith.constant 64 : i32
        %parallel_loop3A_357 = arith.addi %parallel_loop3A_296, %parallel_loop3A_356 : i32
        %parallel_loop3A_358 = arith.constant 0 : i32
        %parallel_loop3A_359 = arith.addi %parallel_loop3A_357, %parallel_loop3A_358 : i32
        %parallel_loop3A_360 = arith.index_cast %parallel_loop3A_359 : i32 to index
        %parallel_loop3A_361 = tpu.vector_load %arg13[%parallel_loop3A_360] {strides = array<i32>} : memref<102400xf32, #tpu.memory_space<vmem>>, vector<16xf32>,
        tpu.vector_store %arg13[%parallel_loop3A_360], %parallel_loop3A_355 {strides = array<i32>} : memref<102400xf32, #tpu.memory_space<vmem>>, vector<16xf32>,
        %parallel_loop3A_362 = arith.constant 16 : i32
        %parallel_loop3A_363 = arith.addi %parallel_loop3A_351, %parallel_loop3A_362 : i32
        %parallel_loop3A_364 = arith.index_cast %parallel_loop3A_363 : i32 to index
        %parallel_loop3A_365 = tpu.vector_load %arg12[%parallel_loop3A_364] {strides = array<i32>} : memref<2080xf32, #tpu.memory_space<vmem>>, vector<16xf32>,
        %parallel_loop3A_366 = arith.constant 64 : i32
        %parallel_loop3A_367 = arith.addi %parallel_loop3A_296, %parallel_loop3A_366 : i32
        %parallel_loop3A_368 = arith.constant 16 : i32
        %parallel_loop3A_369 = arith.addi %parallel_loop3A_367, %parallel_loop3A_368 : i32
        %parallel_loop3A_370 = arith.index_cast %parallel_loop3A_369 : i32 to index
        %parallel_loop3A_371 = tpu.vector_load %arg13[%parallel_loop3A_370] {strides = array<i32>} : memref<102400xf32, #tpu.memory_space<vmem>>, vector<16xf32>,
        tpu.vector_store %arg13[%parallel_loop3A_370], %parallel_loop3A_365 {strides = array<i32>} : memref<102400xf32, #tpu.memory_space<vmem>>, vector<16xf32>,
        %parallel_loop3A_372 = vector.extract_strided_slice %parallel_loop3A_75 {offsets = [2], sizes = [1], strides = [1]} : vector<16xi32> to vector<1xi32>
        %parallel_loop3A_373 = vector.extract %parallel_loop3A_372[0] : i32 from vector<1xi32>
        %parallel_loop3A_374 = tpu.assume_multiple %parallel_loop3A_373, 32 : i32
        %parallel_loop3A_375 = arith.constant 1760 : i32
        %parallel_loop3A_376 = arith.addi %parallel_loop3A_375, %parallel_loop3A_374 : i32
        %parallel_loop3A_377 = arith.constant 0 : i32
        %parallel_loop3A_378 = arith.addi %parallel_loop3A_376, %parallel_loop3A_377 : i32
        %parallel_loop3A_379 = arith.index_cast %parallel_loop3A_378 : i32 to index
        %parallel_loop3A_380 = tpu.vector_load %arg12[%parallel_loop3A_379] {strides = array<i32>} : memref<2080xf32, #tpu.memory_space<vmem>>, vector<16xf32>,
        %parallel_loop3A_381 = arith.constant 96 : i32
        %parallel_loop3A_382 = arith.addi %parallel_loop3A_296, %parallel_loop3A_381 : i32
        %parallel_loop3A_383 = arith.constant 0 : i32
        %parallel_loop3A_384 = arith.addi %parallel_loop3A_382, %parallel_loop3A_383 : i32
        %parallel_loop3A_385 = arith.index_cast %parallel_loop3A_384 : i32 to index
        %parallel_loop3A_386 = tpu.vector_load %arg13[%parallel_loop3A_385] {strides = array<i32>} : memref<102400xf32, #tpu.memory_space<vmem>>, vector<16xf32>,
        tpu.vector_store %arg13[%parallel_loop3A_385], %parallel_loop3A_380 {strides = array<i32>} : memref<102400xf32, #tpu.memory_space<vmem>>, vector<16xf32>,
        %parallel_loop3A_387 = arith.constant 16 : i32
        %parallel_loop3A_388 = arith.addi %parallel_loop3A_376, %parallel_loop3A_387 : i32
        %parallel_loop3A_389 = arith.index_cast %parallel_loop3A_388 : i32 to index
        %parallel_loop3A_390 = tpu.vector_load %arg12[%parallel_loop3A_389] {strides = array<i32>} : memref<2080xf32, #tpu.memory_space<vmem>>, vector<16xf32>,
        %parallel_loop3A_391 = arith.constant 96 : i32
        %parallel_loop3A_392 = arith.addi %parallel_loop3A_296, %parallel_loop3A_391 : i32
        %parallel_loop3A_393 = arith.constant 16 : i32
        %parallel_loop3A_394 = arith.addi %parallel_loop3A_392, %parallel_loop3A_393 : i32
        %parallel_loop3A_395 = arith.index_cast %parallel_loop3A_394 : i32 to index
        %parallel_loop3A_396 = tpu.vector_load %arg13[%parallel_loop3A_395] {strides = array<i32>} : memref<102400xf32, #tpu.memory_space<vmem>>, vector<16xf32>,
        tpu.vector_store %arg13[%parallel_loop3A_395], %parallel_loop3A_390 {strides = array<i32>} : memref<102400xf32, #tpu.memory_space<vmem>>, vector<16xf32>,
        %parallel_loop3A_397 = arith.constant 16 : i32
        %parallel_loop3A_398 = arith.muli %parallel_loop3A_42, %parallel_loop3A_397 : i32
        %parallel_loop3A_399 = arith.constant 3 : i32
        %parallel_loop3A_400 = arith.addi %parallel_loop3A_398, %parallel_loop3A_399 : i32
        %parallel_loop3A_401 = arith.constant 128 : i32
        %parallel_loop3A_402 = arith.muli %parallel_loop3A_400, %parallel_loop3A_401 : i32
        %parallel_loop3A_403 = arith.addi %mul3A_29, %parallel_loop3A_402 : i32
        %parallel_loop3A_404 = vector.extract_strided_slice %parallel_loop3A_54 {offsets = [3], sizes = [1], strides = [1]} : vector<16xi32> to vector<1xi32>
        %parallel_loop3A_405 = vector.extract %parallel_loop3A_404[0] : i32 from vector<1xi32>
        %parallel_loop3A_406 = tpu.assume_multiple %parallel_loop3A_405, 32 : i32
        %parallel_loop3A_407 = arith.constant 0 : i32
        %parallel_loop3A_408 = arith.addi %parallel_loop3A_407, %parallel_loop3A_406 : i32
        %parallel_loop3A_409 = arith.constant 0 : i32
        %parallel_loop3A_410 = arith.addi %parallel_loop3A_408, %parallel_loop3A_409 : i32
        %parallel_loop3A_411 = arith.index_cast %parallel_loop3A_410 : i32 to index
        %parallel_loop3A_412 = tpu.vector_load %arg12[%parallel_loop3A_411] {strides = array<i32>} : memref<2080xf32, #tpu.memory_space<vmem>>, vector<16xf32>,
        %parallel_loop3A_413 = arith.constant 0 : i32
        %parallel_loop3A_414 = arith.addi %parallel_loop3A_403, %parallel_loop3A_413 : i32
        %parallel_loop3A_415 = arith.constant 0 : i32
        %parallel_loop3A_416 = arith.addi %parallel_loop3A_414, %parallel_loop3A_415 : i32
        %parallel_loop3A_417 = arith.index_cast %parallel_loop3A_416 : i32 to index
        %parallel_loop3A_418 = tpu.vector_load %arg13[%parallel_loop3A_417] {strides = array<i32>} : memref<102400xf32, #tpu.memory_space<vmem>>, vector<16xf32>,
        tpu.vector_store %arg13[%parallel_loop3A_417], %parallel_loop3A_412 {strides = array<i32>} : memref<102400xf32, #tpu.memory_space<vmem>>, vector<16xf32>,
        %parallel_loop3A_419 = arith.constant 16 : i32
        %parallel_loop3A_420 = arith.addi %parallel_loop3A_408, %parallel_loop3A_419 : i32
        %parallel_loop3A_421 = arith.index_cast %parallel_loop3A_420 : i32 to index
        %parallel_loop3A_422 = tpu.vector_load %arg12[%parallel_loop3A_421] {strides = array<i32>} : memref<2080xf32, #tpu.memory_space<vmem>>, vector<16xf32>,
        %parallel_loop3A_423 = arith.constant 0 : i32
        %parallel_loop3A_424 = arith.addi %parallel_loop3A_403, %parallel_loop3A_423 : i32
        %parallel_loop3A_425 = arith.constant 16 : i32
        %parallel_loop3A_426 = arith.addi %parallel_loop3A_424, %parallel_loop3A_425 : i32
        %parallel_loop3A_427 = arith.index_cast %parallel_loop3A_426 : i32 to index
        %parallel_loop3A_428 = tpu.vector_load %arg13[%parallel_loop3A_427] {strides = array<i32>} : memref<102400xf32, #tpu.memory_space<vmem>>, vector<16xf32>,
        tpu.vector_store %arg13[%parallel_loop3A_427], %parallel_loop3A_422 {strides = array<i32>} : memref<102400xf32, #tpu.memory_space<vmem>>, vector<16xf32>,
        %parallel_loop3A_429 = vector.extract_strided_slice %parallel_loop3A_61 {offsets = [3], sizes = [1], strides = [1]} : vector<16xi32> to vector<1xi32>
        %parallel_loop3A_430 = vector.extract %parallel_loop3A_429[0] : i32 from vector<1xi32>
        %parallel_loop3A_431 = tpu.assume_multiple %parallel_loop3A_430, 32 : i32
        %parallel_loop3A_432 = arith.constant 640 : i32
        %parallel_loop3A_433 = arith.addi %parallel_loop3A_432, %parallel_loop3A_431 : i32
        %parallel_loop3A_434 = arith.constant 0 : i32
        %parallel_loop3A_435 = arith.addi %parallel_loop3A_433, %parallel_loop3A_434 : i32
        %parallel_loop3A_436 = arith.index_cast %parallel_loop3A_435 : i32 to index
        %parallel_loop3A_437 = tpu.vector_load %arg12[%parallel_loop3A_436] {strides = array<i32>} : memref<2080xf32, #tpu.memory_space<vmem>>, vector<16xf32>,
        %parallel_loop3A_438 = arith.constant 32 : i32
        %parallel_loop3A_439 = arith.addi %parallel_loop3A_403, %parallel_loop3A_438 : i32
        %parallel_loop3A_440 = arith.constant 0 : i32
        %parallel_loop3A_441 = arith.addi %parallel_loop3A_439, %parallel_loop3A_440 : i32
        %parallel_loop3A_442 = arith.index_cast %parallel_loop3A_441 : i32 to index
        %parallel_loop3A_443 = tpu.vector_load %arg13[%parallel_loop3A_442] {strides = array<i32>} : memref<102400xf32, #tpu.memory_space<vmem>>, vector<16xf32>,
        tpu.vector_store %arg13[%parallel_loop3A_442], %parallel_loop3A_437 {strides = array<i32>} : memref<102400xf32, #tpu.memory_space<vmem>>, vector<16xf32>,
        %parallel_loop3A_444 = arith.constant 16 : i32
        %parallel_loop3A_445 = arith.addi %parallel_loop3A_433, %parallel_loop3A_444 : i32
        %parallel_loop3A_446 = arith.index_cast %parallel_loop3A_445 : i32 to index
        %parallel_loop3A_447 = tpu.vector_load %arg12[%parallel_loop3A_446] {strides = array<i32>} : memref<2080xf32, #tpu.memory_space<vmem>>, vector<16xf32>,
        %parallel_loop3A_448 = arith.constant 32 : i32
        %parallel_loop3A_449 = arith.addi %parallel_loop3A_403, %parallel_loop3A_448 : i32
        %parallel_loop3A_450 = arith.constant 16 : i32
        %parallel_loop3A_451 = arith.addi %parallel_loop3A_449, %parallel_loop3A_450 : i32
        %parallel_loop3A_452 = arith.index_cast %parallel_loop3A_451 : i32 to index
        %parallel_loop3A_453 = tpu.vector_load %arg13[%parallel_loop3A_452] {strides = array<i32>} : memref<102400xf32, #tpu.memory_space<vmem>>, vector<16xf32>,
        tpu.vector_store %arg13[%parallel_loop3A_452], %parallel_loop3A_447 {strides = array<i32>} : memref<102400xf32, #tpu.memory_space<vmem>>, vector<16xf32>,
        %parallel_loop3A_454 = vector.extract_strided_slice %parallel_loop3A_68 {offsets = [3], sizes = [1], strides = [1]} : vector<16xi32> to vector<1xi32>
        %parallel_loop3A_455 = vector.extract %parallel_loop3A_454[0] : i32 from vector<1xi32>
        %parallel_loop3A_456 = tpu.assume_multiple %parallel_loop3A_455, 32 : i32
        %parallel_loop3A_457 = arith.constant 960 : i32
        %parallel_loop3A_458 = arith.addi %parallel_loop3A_457, %parallel_loop3A_456 : i32
        %parallel_loop3A_459 = arith.constant 0 : i32
        %parallel_loop3A_460 = arith.addi %parallel_loop3A_458, %parallel_loop3A_459 : i32
        %parallel_loop3A_461 = arith.index_cast %parallel_loop3A_460 : i32 to index
        %parallel_loop3A_462 = tpu.vector_load %arg12[%parallel_loop3A_461] {strides = array<i32>} : memref<2080xf32, #tpu.memory_space<vmem>>, vector<16xf32>,
        %parallel_loop3A_463 = arith.constant 64 : i32
        %parallel_loop3A_464 = arith.addi %parallel_loop3A_403, %parallel_loop3A_463 : i32
        %parallel_loop3A_465 = arith.constant 0 : i32
        %parallel_loop3A_466 = arith.addi %parallel_loop3A_464, %parallel_loop3A_465 : i32
        %parallel_loop3A_467 = arith.index_cast %parallel_loop3A_466 : i32 to index
        %parallel_loop3A_468 = tpu.vector_load %arg13[%parallel_loop3A_467] {strides = array<i32>} : memref<102400xf32, #tpu.memory_space<vmem>>, vector<16xf32>,
        tpu.vector_store %arg13[%parallel_loop3A_467], %parallel_loop3A_462 {strides = array<i32>} : memref<102400xf32, #tpu.memory_space<vmem>>, vector<16xf32>,
        %parallel_loop3A_469 = arith.constant 16 : i32
        %parallel_loop3A_470 = arith.addi %parallel_loop3A_458, %parallel_loop3A_469 : i32
        %parallel_loop3A_471 = arith.index_cast %parallel_loop3A_470 : i32 to index
        %parallel_loop3A_472 = tpu.vector_load %arg12[%parallel_loop3A_471] {strides = array<i32>} : memref<2080xf32, #tpu.memory_space<vmem>>, vector<16xf32>,
        %parallel_loop3A_473 = arith.constant 64 : i32
        %parallel_loop3A_474 = arith.addi %parallel_loop3A_403, %parallel_loop3A_473 : i32
        %parallel_loop3A_475 = arith.constant 16 : i32
        %parallel_loop3A_476 = arith.addi %parallel_loop3A_474, %parallel_loop3A_475 : i32
        %parallel_loop3A_477 = arith.index_cast %parallel_loop3A_476 : i32 to index
        %parallel_loop3A_478 = tpu.vector_load %arg13[%parallel_loop3A_477] {strides = array<i32>} : memref<102400xf32, #tpu.memory_space<vmem>>, vector<16xf32>,
        tpu.vector_store %arg13[%parallel_loop3A_477], %parallel_loop3A_472 {strides = array<i32>} : memref<102400xf32, #tpu.memory_space<vmem>>, vector<16xf32>,
        %parallel_loop3A_479 = vector.extract_strided_slice %parallel_loop3A_75 {offsets = [3], sizes = [1], strides = [1]} : vector<16xi32> to vector<1xi32>
        %parallel_loop3A_480 = vector.extract %parallel_loop3A_479[0] : i32 from vector<1xi32>
        %parallel_loop3A_481 = tpu.assume_multiple %parallel_loop3A_480, 32 : i32
        %parallel_loop3A_482 = arith.constant 1760 : i32
        %parallel_loop3A_483 = arith.addi %parallel_loop3A_482, %parallel_loop3A_481 : i32
        %parallel_loop3A_484 = arith.constant 0 : i32
        %parallel_loop3A_485 = arith.addi %parallel_loop3A_483, %parallel_loop3A_484 : i32
        %parallel_loop3A_486 = arith.index_cast %parallel_loop3A_485 : i32 to index
        %parallel_loop3A_487 = tpu.vector_load %arg12[%parallel_loop3A_486] {strides = array<i32>} : memref<2080xf32, #tpu.memory_space<vmem>>, vector<16xf32>,
        %parallel_loop3A_488 = arith.constant 96 : i32
        %parallel_loop3A_489 = arith.addi %parallel_loop3A_403, %parallel_loop3A_488 : i32
        %parallel_loop3A_490 = arith.constant 0 : i32
        %parallel_loop3A_491 = arith.addi %parallel_loop3A_489, %parallel_loop3A_490 : i32
        %parallel_loop3A_492 = arith.index_cast %parallel_loop3A_491 : i32 to index
        %parallel_loop3A_493 = tpu.vector_load %arg13[%parallel_loop3A_492] {strides = array<i32>} : memref<102400xf32, #tpu.memory_space<vmem>>, vector<16xf32>,
        tpu.vector_store %arg13[%parallel_loop3A_492], %parallel_loop3A_487 {strides = array<i32>} : memref<102400xf32, #tpu.memory_space<vmem>>, vector<16xf32>,
        %parallel_loop3A_494 = arith.constant 16 : i32
        %parallel_loop3A_495 = arith.addi %parallel_loop3A_483, %parallel_loop3A_494 : i32
        %parallel_loop3A_496 = arith.index_cast %parallel_loop3A_495 : i32 to index
        %parallel_loop3A_497 = tpu.vector_load %arg12[%parallel_loop3A_496] {strides = array<i32>} : memref<2080xf32, #tpu.memory_space<vmem>>, vector<16xf32>,
        %parallel_loop3A_498 = arith.constant 96 : i32
        %parallel_loop3A_499 = arith.addi %parallel_loop3A_403, %parallel_loop3A_498 : i32
        %parallel_loop3A_500 = arith.constant 16 : i32
        %parallel_loop3A_501 = arith.addi %parallel_loop3A_499, %parallel_loop3A_500 : i32
        %parallel_loop3A_502 = arith.index_cast %parallel_loop3A_501 : i32 to index
        %parallel_loop3A_503 = tpu.vector_load %arg13[%parallel_loop3A_502] {strides = array<i32>} : memref<102400xf32, #tpu.memory_space<vmem>>, vector<16xf32>,
        tpu.vector_store %arg13[%parallel_loop3A_502], %parallel_loop3A_497 {strides = array<i32>} : memref<102400xf32, #tpu.memory_space<vmem>>, vector<16xf32>,
        %parallel_loop3A_504 = arith.constant 16 : i32
        %parallel_loop3A_505 = arith.muli %parallel_loop3A_42, %parallel_loop3A_504 : i32
        %parallel_loop3A_506 = arith.constant 4 : i32
        %parallel_loop3A_507 = arith.addi %parallel_loop3A_505, %parallel_loop3A_506 : i32
        %parallel_loop3A_508 = arith.constant 128 : i32
        %parallel_loop3A_509 = arith.muli %parallel_loop3A_507, %parallel_loop3A_508 : i32
        %parallel_loop3A_510 = arith.addi %mul3A_29, %parallel_loop3A_509 : i32
        %parallel_loop3A_511 = vector.extract_strided_slice %parallel_loop3A_54 {offsets = [4], sizes = [1], strides = [1]} : vector<16xi32> to vector<1xi32>
        %parallel_loop3A_512 = vector.extract %parallel_loop3A_511[0] : i32 from vector<1xi32>
        %parallel_loop3A_513 = tpu.assume_multiple %parallel_loop3A_512, 32 : i32
        %parallel_loop3A_514 = arith.constant 0 : i32
        %parallel_loop3A_515 = arith.addi %parallel_loop3A_514, %parallel_loop3A_513 : i32
        %parallel_loop3A_516 = arith.constant 0 : i32
        %parallel_loop3A_517 = arith.addi %parallel_loop3A_515, %parallel_loop3A_516 : i32
        %parallel_loop3A_518 = arith.index_cast %parallel_loop3A_517 : i32 to index
        %parallel_loop3A_519 = tpu.vector_load %arg12[%parallel_loop3A_518] {strides = array<i32>} : memref<2080xf32, #tpu.memory_space<vmem>>, vector<16xf32>,
        %parallel_loop3A_520 = arith.constant 0 : i32
        %parallel_loop3A_521 = arith.addi %parallel_loop3A_510, %parallel_loop3A_520 : i32
        %parallel_loop3A_522 = arith.constant 0 : i32
        %parallel_loop3A_523 = arith.addi %parallel_loop3A_521, %parallel_loop3A_522 : i32
        %parallel_loop3A_524 = arith.index_cast %parallel_loop3A_523 : i32 to index
        %parallel_loop3A_525 = tpu.vector_load %arg13[%parallel_loop3A_524] {strides = array<i32>} : memref<102400xf32, #tpu.memory_space<vmem>>, vector<16xf32>,
        tpu.vector_store %arg13[%parallel_loop3A_524], %parallel_loop3A_519 {strides = array<i32>} : memref<102400xf32, #tpu.memory_space<vmem>>, vector<16xf32>,
        %parallel_loop3A_526 = arith.constant 16 : i32
        %parallel_loop3A_527 = arith.addi %parallel_loop3A_515, %parallel_loop3A_526 : i32
        %parallel_loop3A_528 = arith.index_cast %parallel_loop3A_527 : i32 to index
        %parallel_loop3A_529 = tpu.vector_load %arg12[%parallel_loop3A_528] {strides = array<i32>} : memref<2080xf32, #tpu.memory_space<vmem>>, vector<16xf32>,
        %parallel_loop3A_530 = arith.constant 0 : i32
        %parallel_loop3A_531 = arith.addi %parallel_loop3A_510, %parallel_loop3A_530 : i32
        %parallel_loop3A_532 = arith.constant 16 : i32
        %parallel_loop3A_533 = arith.addi %parallel_loop3A_531, %parallel_loop3A_532 : i32
        %parallel_loop3A_534 = arith.index_cast %parallel_loop3A_533 : i32 to index
        %parallel_loop3A_535 = tpu.vector_load %arg13[%parallel_loop3A_534] {strides = array<i32>} : memref<102400xf32, #tpu.memory_space<vmem>>, vector<16xf32>,
        tpu.vector_store %arg13[%parallel_loop3A_534], %parallel_loop3A_529 {strides = array<i32>} : memref<102400xf32, #tpu.memory_space<vmem>>, vector<16xf32>,
        %parallel_loop3A_536 = vector.extract_strided_slice %parallel_loop3A_61 {offsets = [4], sizes = [1], strides = [1]} : vector<16xi32> to vector<1xi32>
        %parallel_loop3A_537 = vector.extract %parallel_loop3A_536[0] : i32 from vector<1xi32>
        %parallel_loop3A_538 = tpu.assume_multiple %parallel_loop3A_537, 32 : i32
        %parallel_loop3A_539 = arith.constant 640 : i32
        %parallel_loop3A_540 = arith.addi %parallel_loop3A_539, %parallel_loop3A_538 : i32
        %parallel_loop3A_541 = arith.constant 0 : i32
        %parallel_loop3A_542 = arith.addi %parallel_loop3A_540, %parallel_loop3A_541 : i32
        %parallel_loop3A_543 = arith.index_cast %parallel_loop3A_542 : i32 to index
        %parallel_loop3A_544 = tpu.vector_load %arg12[%parallel_loop3A_543] {strides = array<i32>} : memref<2080xf32, #tpu.memory_space<vmem>>, vector<16xf32>,
        %parallel_loop3A_545 = arith.constant 32 : i32
        %parallel_loop3A_546 = arith.addi %parallel_loop3A_510, %parallel_loop3A_545 : i32
        %parallel_loop3A_547 = arith.constant 0 : i32
        %parallel_loop3A_548 = arith.addi %parallel_loop3A_546, %parallel_loop3A_547 : i32
        %parallel_loop3A_549 = arith.index_cast %parallel_loop3A_548 : i32 to index
        %parallel_loop3A_550 = tpu.vector_load %arg13[%parallel_loop3A_549] {strides = array<i32>} : memref<102400xf32, #tpu.memory_space<vmem>>, vector<16xf32>,
        tpu.vector_store %arg13[%parallel_loop3A_549], %parallel_loop3A_544 {strides = array<i32>} : memref<102400xf32, #tpu.memory_space<vmem>>, vector<16xf32>,
        %parallel_loop3A_551 = arith.constant 16 : i32
        %parallel_loop3A_552 = arith.addi %parallel_loop3A_540, %parallel_loop3A_551 : i32
        %parallel_loop3A_553 = arith.index_cast %parallel_loop3A_552 : i32 to index
        %parallel_loop3A_554 = tpu.vector_load %arg12[%parallel_loop3A_553] {strides = array<i32>} : memref<2080xf32, #tpu.memory_space<vmem>>, vector<16xf32>,
        %parallel_loop3A_555 = arith.constant 32 : i32
        %parallel_loop3A_556 = arith.addi %parallel_loop3A_510, %parallel_loop3A_555 : i32
        %parallel_loop3A_557 = arith.constant 16 : i32
        %parallel_loop3A_558 = arith.addi %parallel_loop3A_556, %parallel_loop3A_557 : i32
        %parallel_loop3A_559 = arith.index_cast %parallel_loop3A_558 : i32 to index
        %parallel_loop3A_560 = tpu.vector_load %arg13[%parallel_loop3A_559] {strides = array<i32>} : memref<102400xf32, #tpu.memory_space<vmem>>, vector<16xf32>,
        tpu.vector_store %arg13[%parallel_loop3A_559], %parallel_loop3A_554 {strides = array<i32>} : memref<102400xf32, #tpu.memory_space<vmem>>, vector<16xf32>,
        %parallel_loop3A_561 = vector.extract_strided_slice %parallel_loop3A_68 {offsets = [4], sizes = [1], strides = [1]} : vector<16xi32> to vector<1xi32>
        %parallel_loop3A_562 = vector.extract %parallel_loop3A_561[0] : i32 from vector<1xi32>
        %parallel_loop3A_563 = tpu.assume_multiple %parallel_loop3A_562, 32 : i32
        %parallel_loop3A_564 = arith.constant 960 : i32
        %parallel_loop3A_565 = arith.addi %parallel_loop3A_564, %parallel_loop3A_563 : i32
        %parallel_loop3A_566 = arith.constant 0 : i32
        %parallel_loop3A_567 = arith.addi %parallel_loop3A_565, %parallel_loop3A_566 : i32
        %parallel_loop3A_568 = arith.index_cast %parallel_loop3A_567 : i32 to index
        %parallel_loop3A_569 = tpu.vector_load %arg12[%parallel_loop3A_568] {strides = array<i32>} : memref<2080xf32, #tpu.memory_space<vmem>>, vector<16xf32>,
        %parallel_loop3A_570 = arith.constant 64 : i32
        %parallel_loop3A_571 = arith.addi %parallel_loop3A_510, %parallel_loop3A_570 : i32
        %parallel_loop3A_572 = arith.constant 0 : i32
        %parallel_loop3A_573 = arith.addi %parallel_loop3A_571, %parallel_loop3A_572 : i32
        %parallel_loop3A_574 = arith.index_cast %parallel_loop3A_573 : i32 to index
        %parallel_loop3A_575 = tpu.vector_load %arg13[%parallel_loop3A_574] {strides = array<i32>} : memref<102400xf32, #tpu.memory_space<vmem>>, vector<16xf32>,
        tpu.vector_store %arg13[%parallel_loop3A_574], %parallel_loop3A_569 {strides = array<i32>} : memref<102400xf32, #tpu.memory_space<vmem>>, vector<16xf32>,
        %parallel_loop3A_576 = arith.constant 16 : i32
        %parallel_loop3A_577 = arith.addi %parallel_loop3A_565, %parallel_loop3A_576 : i32
        %parallel_loop3A_578 = arith.index_cast %parallel_loop3A_577 : i32 to index
        %parallel_loop3A_579 = tpu.vector_load %arg12[%parallel_loop3A_578] {strides = array<i32>} : memref<2080xf32, #tpu.memory_space<vmem>>, vector<16xf32>,
        %parallel_loop3A_580 = arith.constant 64 : i32
        %parallel_loop3A_581 = arith.addi %parallel_loop3A_510, %parallel_loop3A_580 : i32
        %parallel_loop3A_582 = arith.constant 16 : i32
        %parallel_loop3A_583 = arith.addi %parallel_loop3A_581, %parallel_loop3A_582 : i32
        %parallel_loop3A_584 = arith.index_cast %parallel_loop3A_583 : i32 to index
        %parallel_loop3A_585 = tpu.vector_load %arg13[%parallel_loop3A_584] {strides = array<i32>} : memref<102400xf32, #tpu.memory_space<vmem>>, vector<16xf32>,
        tpu.vector_store %arg13[%parallel_loop3A_584], %parallel_loop3A_579 {strides = array<i32>} : memref<102400xf32, #tpu.memory_space<vmem>>, vector<16xf32>,
        %parallel_loop3A_586 = vector.extract_strided_slice %parallel_loop3A_75 {offsets = [4], sizes = [1], strides = [1]} : vector<16xi32> to vector<1xi32>
        %parallel_loop3A_587 = vector.extract %parallel_loop3A_586[0] : i32 from vector<1xi32>
        %parallel_loop3A_588 = tpu.assume_multiple %parallel_loop3A_587, 32 : i32
        %parallel_loop3A_589 = arith.constant 1760 : i32
        %parallel_loop3A_590 = arith.addi %parallel_loop3A_589, %parallel_loop3A_588 : i32
        %parallel_loop3A_591 = arith.constant 0 : i32
        %parallel_loop3A_592 = arith.addi %parallel_loop3A_590, %parallel_loop3A_591 : i32
        %parallel_loop3A_593 = arith.index_cast %parallel_loop3A_592 : i32 to index
        %parallel_loop3A_594 = tpu.vector_load %arg12[%parallel_loop3A_593] {strides = array<i32>} : memref<2080xf32, #tpu.memory_space<vmem>>, vector<16xf32>,
        %parallel_loop3A_595 = arith.constant 96 : i32
        %parallel_loop3A_596 = arith.addi %parallel_loop3A_510, %parallel_loop3A_595 : i32
        %parallel_loop3A_597 = arith.constant 0 : i32
        %parallel_loop3A_598 = arith.addi %parallel_loop3A_596, %parallel_loop3A_597 : i32
        %parallel_loop3A_599 = arith.index_cast %parallel_loop3A_598 : i32 to index
        %parallel_loop3A_600 = tpu.vector_load %arg13[%parallel_loop3A_599] {strides = array<i32>} : memref<102400xf32, #tpu.memory_space<vmem>>, vector<16xf32>,
        tpu.vector_store %arg13[%parallel_loop3A_599], %parallel_loop3A_594 {strides = array<i32>} : memref<102400xf32, #tpu.memory_space<vmem>>, vector<16xf32>,
        %parallel_loop3A_601 = arith.constant 16 : i32
        %parallel_loop3A_602 = arith.addi %parallel_loop3A_590, %parallel_loop3A_601 : i32
        %parallel_loop3A_603 = arith.index_cast %parallel_loop3A_602 : i32 to index
        %parallel_loop3A_604 = tpu.vector_load %arg12[%parallel_loop3A_603] {strides = array<i32>} : memref<2080xf32, #tpu.memory_space<vmem>>, vector<16xf32>,
        %parallel_loop3A_605 = arith.constant 96 : i32
        %parallel_loop3A_606 = arith.addi %parallel_loop3A_510, %parallel_loop3A_605 : i32
        %parallel_loop3A_607 = arith.constant 16 : i32
        %parallel_loop3A_608 = arith.addi %parallel_loop3A_606, %parallel_loop3A_607 : i32
        %parallel_loop3A_609 = arith.index_cast %parallel_loop3A_608 : i32 to index
        %parallel_loop3A_610 = tpu.vector_load %arg13[%parallel_loop3A_609] {strides = array<i32>} : memref<102400xf32, #tpu.memory_space<vmem>>, vector<16xf32>,
        tpu.vector_store %arg13[%parallel_loop3A_609], %parallel_loop3A_604 {strides = array<i32>} : memref<102400xf32, #tpu.memory_space<vmem>>, vector<16xf32>,
        %parallel_loop3A_611 = arith.constant 16 : i32
        %parallel_loop3A_612 = arith.muli %parallel_loop3A_42, %parallel_loop3A_611 : i32
        %parallel_loop3A_613 = arith.constant 5 : i32
        %parallel_loop3A_614 = arith.addi %parallel_loop3A_612, %parallel_loop3A_613 : i32
        %parallel_loop3A_615 = arith.constant 128 : i32
        %parallel_loop3A_616 = arith.muli %parallel_loop3A_614, %parallel_loop3A_615 : i32
        %parallel_loop3A_617 = arith.addi %mul3A_29, %parallel_loop3A_616 : i32
        %parallel_loop3A_618 = vector.extract_strided_slice %parallel_loop3A_54 {offsets = [5], sizes = [1], strides = [1]} : vector<16xi32> to vector<1xi32>
        %parallel_loop3A_619 = vector.extract %parallel_loop3A_618[0] : i32 from vector<1xi32>
        %parallel_loop3A_620 = tpu.assume_multiple %parallel_loop3A_619, 32 : i32
        %parallel_loop3A_621 = arith.constant 0 : i32
        %parallel_loop3A_622 = arith.addi %parallel_loop3A_621, %parallel_loop3A_620 : i32
        %parallel_loop3A_623 = arith.constant 0 : i32
        %parallel_loop3A_624 = arith.addi %parallel_loop3A_622, %parallel_loop3A_623 : i32
        %parallel_loop3A_625 = arith.index_cast %parallel_loop3A_624 : i32 to index
        %parallel_loop3A_626 = tpu.vector_load %arg12[%parallel_loop3A_625] {strides = array<i32>} : memref<2080xf32, #tpu.memory_space<vmem>>, vector<16xf32>,
        %parallel_loop3A_627 = arith.constant 0 : i32
        %parallel_loop3A_628 = arith.addi %parallel_loop3A_617, %parallel_loop3A_627 : i32
        %parallel_loop3A_629 = arith.constant 0 : i32
        %parallel_loop3A_630 = arith.addi %parallel_loop3A_628, %parallel_loop3A_629 : i32
        %parallel_loop3A_631 = arith.index_cast %parallel_loop3A_630 : i32 to index
        %parallel_loop3A_632 = tpu.vector_load %arg13[%parallel_loop3A_631] {strides = array<i32>} : memref<102400xf32, #tpu.memory_space<vmem>>, vector<16xf32>,
        tpu.vector_store %arg13[%parallel_loop3A_631], %parallel_loop3A_626 {strides = array<i32>} : memref<102400xf32, #tpu.memory_space<vmem>>, vector<16xf32>,
        %parallel_loop3A_633 = arith.constant 16 : i32
        %parallel_loop3A_634 = arith.addi %parallel_loop3A_622, %parallel_loop3A_633 : i32
        %parallel_loop3A_635 = arith.index_cast %parallel_loop3A_634 : i32 to index
        %parallel_loop3A_636 = tpu.vector_load %arg12[%parallel_loop3A_635] {strides = array<i32>} : memref<2080xf32, #tpu.memory_space<vmem>>, vector<16xf32>,
        %parallel_loop3A_637 = arith.constant 0 : i32
        %parallel_loop3A_638 = arith.addi %parallel_loop3A_617, %parallel_loop3A_637 : i32
        %parallel_loop3A_639 = arith.constant 16 : i32
        %parallel_loop3A_640 = arith.addi %parallel_loop3A_638, %parallel_loop3A_639 : i32
        %parallel_loop3A_641 = arith.index_cast %parallel_loop3A_640 : i32 to index
        %parallel_loop3A_642 = tpu.vector_load %arg13[%parallel_loop3A_641] {strides = array<i32>} : memref<102400xf32, #tpu.memory_space<vmem>>, vector<16xf32>,
        tpu.vector_store %arg13[%parallel_loop3A_641], %parallel_loop3A_636 {strides = array<i32>} : memref<102400xf32, #tpu.memory_space<vmem>>, vector<16xf32>,
        %parallel_loop3A_643 = vector.extract_strided_slice %parallel_loop3A_61 {offsets = [5], sizes = [1], strides = [1]} : vector<16xi32> to vector<1xi32>
        %parallel_loop3A_644 = vector.extract %parallel_loop3A_643[0] : i32 from vector<1xi32>
        %parallel_loop3A_645 = tpu.assume_multiple %parallel_loop3A_644, 32 : i32
        %parallel_loop3A_646 = arith.constant 640 : i32
        %parallel_loop3A_647 = arith.addi %parallel_loop3A_646, %parallel_loop3A_645 : i32
        %parallel_loop3A_648 = arith.constant 0 : i32
        %parallel_loop3A_649 = arith.addi %parallel_loop3A_647, %parallel_loop3A_648 : i32
        %parallel_loop3A_650 = arith.index_cast %parallel_loop3A_649 : i32 to index
        %parallel_loop3A_651 = tpu.vector_load %arg12[%parallel_loop3A_650] {strides = array<i32>} : memref<2080xf32, #tpu.memory_space<vmem>>, vector<16xf32>,
        %parallel_loop3A_652 = arith.constant 32 : i32
        %parallel_loop3A_653 = arith.addi %parallel_loop3A_617, %parallel_loop3A_652 : i32
        %parallel_loop3A_654 = arith.constant 0 : i32
        %parallel_loop3A_655 = arith.addi %parallel_loop3A_653, %parallel_loop3A_654 : i32
        %parallel_loop3A_656 = arith.index_cast %parallel_loop3A_655 : i32 to index
        %parallel_loop3A_657 = tpu.vector_load %arg13[%parallel_loop3A_656] {strides = array<i32>} : memref<102400xf32, #tpu.memory_space<vmem>>, vector<16xf32>,
        tpu.vector_store %arg13[%parallel_loop3A_656], %parallel_loop3A_651 {strides = array<i32>} : memref<102400xf32, #tpu.memory_space<vmem>>, vector<16xf32>,
        %parallel_loop3A_658 = arith.constant 16 : i32
        %parallel_loop3A_659 = arith.addi %parallel_loop3A_647, %parallel_loop3A_658 : i32
        %parallel_loop3A_660 = arith.index_cast %parallel_loop3A_659 : i32 to index
        %parallel_loop3A_661 = tpu.vector_load %arg12[%parallel_loop3A_660] {strides = array<i32>} : memref<2080xf32, #tpu.memory_space<vmem>>, vector<16xf32>,
        %parallel_loop3A_662 = arith.constant 32 : i32
        %parallel_loop3A_663 = arith.addi %parallel_loop3A_617, %parallel_loop3A_662 : i32
        %parallel_loop3A_664 = arith.constant 16 : i32
        %parallel_loop3A_665 = arith.addi %parallel_loop3A_663, %parallel_loop3A_664 : i32
        %parallel_loop3A_666 = arith.index_cast %parallel_loop3A_665 : i32 to index
        %parallel_loop3A_667 = tpu.vector_load %arg13[%parallel_loop3A_666] {strides = array<i32>} : memref<102400xf32, #tpu.memory_space<vmem>>, vector<16xf32>,
        tpu.vector_store %arg13[%parallel_loop3A_666], %parallel_loop3A_661 {strides = array<i32>} : memref<102400xf32, #tpu.memory_space<vmem>>, vector<16xf32>,
        %parallel_loop3A_668 = vector.extract_strided_slice %parallel_loop3A_68 {offsets = [5], sizes = [1], strides = [1]} : vector<16xi32> to vector<1xi32>
        %parallel_loop3A_669 = vector.extract %parallel_loop3A_668[0] : i32 from vector<1xi32>
        %parallel_loop3A_670 = tpu.assume_multiple %parallel_loop3A_669, 32 : i32
        %parallel_loop3A_671 = arith.constant 960 : i32
        %parallel_loop3A_672 = arith.addi %parallel_loop3A_671, %parallel_loop3A_670 : i32
        %parallel_loop3A_673 = arith.constant 0 : i32
        %parallel_loop3A_674 = arith.addi %parallel_loop3A_672, %parallel_loop3A_673 : i32
        %parallel_loop3A_675 = arith.index_cast %parallel_loop3A_674 : i32 to index
        %parallel_loop3A_676 = tpu.vector_load %arg12[%parallel_loop3A_675] {strides = array<i32>} : memref<2080xf32, #tpu.memory_space<vmem>>, vector<16xf32>,
        %parallel_loop3A_677 = arith.constant 64 : i32
        %parallel_loop3A_678 = arith.addi %parallel_loop3A_617, %parallel_loop3A_677 : i32
        %parallel_loop3A_679 = arith.constant 0 : i32
        %parallel_loop3A_680 = arith.addi %parallel_loop3A_678, %parallel_loop3A_679 : i32
        %parallel_loop3A_681 = arith.index_cast %parallel_loop3A_680 : i32 to index
        %parallel_loop3A_682 = tpu.vector_load %arg13[%parallel_loop3A_681] {strides = array<i32>} : memref<102400xf32, #tpu.memory_space<vmem>>, vector<16xf32>,
        tpu.vector_store %arg13[%parallel_loop3A_681], %parallel_loop3A_676 {strides = array<i32>} : memref<102400xf32, #tpu.memory_space<vmem>>, vector<16xf32>,
        %parallel_loop3A_683 = arith.constant 16 : i32
        %parallel_loop3A_684 = arith.addi %parallel_loop3A_672, %parallel_loop3A_683 : i32
        %parallel_loop3A_685 = arith.index_cast %parallel_loop3A_684 : i32 to index
        %parallel_loop3A_686 = tpu.vector_load %arg12[%parallel_loop3A_685] {strides = array<i32>} : memref<2080xf32, #tpu.memory_space<vmem>>, vector<16xf32>,
        %parallel_loop3A_687 = arith.constant 64 : i32
        %parallel_loop3A_688 = arith.addi %parallel_loop3A_617, %parallel_loop3A_687 : i32
        %parallel_loop3A_689 = arith.constant 16 : i32
        %parallel_loop3A_690 = arith.addi %parallel_loop3A_688, %parallel_loop3A_689 : i32
        %parallel_loop3A_691 = arith.index_cast %parallel_loop3A_690 : i32 to index
        %parallel_loop3A_692 = tpu.vector_load %arg13[%parallel_loop3A_691] {strides = array<i32>} : memref<102400xf32, #tpu.memory_space<vmem>>, vector<16xf32>,
        tpu.vector_store %arg13[%parallel_loop3A_691], %parallel_loop3A_686 {strides = array<i32>} : memref<102400xf32, #tpu.memory_space<vmem>>, vector<16xf32>,
        %parallel_loop3A_693 = vector.extract_strided_slice %parallel_loop3A_75 {offsets = [5], sizes = [1], strides = [1]} : vector<16xi32> to vector<1xi32>
        %parallel_loop3A_694 = vector.extract %parallel_loop3A_693[0] : i32 from vector<1xi32>
        %parallel_loop3A_695 = tpu.assume_multiple %parallel_loop3A_694, 32 : i32
        %parallel_loop3A_696 = arith.constant 1760 : i32
        %parallel_loop3A_697 = arith.addi %parallel_loop3A_696, %parallel_loop3A_695 : i32
        %parallel_loop3A_698 = arith.constant 0 : i32
        %parallel_loop3A_699 = arith.addi %parallel_loop3A_697, %parallel_loop3A_698 : i32
        %parallel_loop3A_700 = arith.index_cast %parallel_loop3A_699 : i32 to index
        %parallel_loop3A_701 = tpu.vector_load %arg12[%parallel_loop3A_700] {strides = array<i32>} : memref<2080xf32, #tpu.memory_space<vmem>>, vector<16xf32>,
        %parallel_loop3A_702 = arith.constant 96 : i32
        %parallel_loop3A_703 = arith.addi %parallel_loop3A_617, %parallel_loop3A_702 : i32
        %parallel_loop3A_704 = arith.constant 0 : i32
        %parallel_loop3A_705 = arith.addi %parallel_loop3A_703, %parallel_loop3A_704 : i32
        %parallel_loop3A_706 = arith.index_cast %parallel_loop3A_705 : i32 to index
        %parallel_loop3A_707 = tpu.vector_load %arg13[%parallel_loop3A_706] {strides = array<i32>} : memref<102400xf32, #tpu.memory_space<vmem>>, vector<16xf32>,
        tpu.vector_store %arg13[%parallel_loop3A_706], %parallel_loop3A_701 {strides = array<i32>} : memref<102400xf32, #tpu.memory_space<vmem>>, vector<16xf32>,
        %parallel_loop3A_708 = arith.constant 16 : i32
        %parallel_loop3A_709 = arith.addi %parallel_loop3A_697, %parallel_loop3A_708 : i32
        %parallel_loop3A_710 = arith.index_cast %parallel_loop3A_709 : i32 to index
        %parallel_loop3A_711 = tpu.vector_load %arg12[%parallel_loop3A_710] {strides = array<i32>} : memref<2080xf32, #tpu.memory_space<vmem>>, vector<16xf32>,
        %parallel_loop3A_712 = arith.constant 96 : i32
        %parallel_loop3A_713 = arith.addi %parallel_loop3A_617, %parallel_loop3A_712 : i32
        %parallel_loop3A_714 = arith.constant 16 : i32
        %parallel_loop3A_715 = arith.addi %parallel_loop3A_713, %parallel_loop3A_714 : i32
        %parallel_loop3A_716 = arith.index_cast %parallel_loop3A_715 : i32 to index
        %parallel_loop3A_717 = tpu.vector_load %arg13[%parallel_loop3A_716] {strides = array<i32>} : memref<102400xf32, #tpu.memory_space<vmem>>, vector<16xf32>,
        tpu.vector_store %arg13[%parallel_loop3A_716], %parallel_loop3A_711 {strides = array<i32>} : memref<102400xf32, #tpu.memory_space<vmem>>, vector<16xf32>,
        %parallel_loop3A_718 = arith.constant 16 : i32
        %parallel_loop3A_719 = arith.muli %parallel_loop3A_42, %parallel_loop3A_718 : i32
        %parallel_loop3A_720 = arith.constant 6 : i32
        %parallel_loop3A_721 = arith.addi %parallel_loop3A_719, %parallel_loop3A_720 : i32
        %parallel_loop3A_722 = arith.constant 128 : i32
        %parallel_loop3A_723 = arith.muli %parallel_loop3A_721, %parallel_loop3A_722 : i32
        %parallel_loop3A_724 = arith.addi %mul3A_29, %parallel_loop3A_723 : i32
        %parallel_loop3A_725 = vector.extract_strided_slice %parallel_loop3A_54 {offsets = [6], sizes = [1], strides = [1]} : vector<16xi32> to vector<1xi32>
        %parallel_loop3A_726 = vector.extract %parallel_loop3A_725[0] : i32 from vector<1xi32>
        %parallel_loop3A_727 = tpu.assume_multiple %parallel_loop3A_726, 32 : i32
        %parallel_loop3A_728 = arith.constant 0 : i32
        %parallel_loop3A_729 = arith.addi %parallel_loop3A_728, %parallel_loop3A_727 : i32
        %parallel_loop3A_730 = arith.constant 0 : i32
        %parallel_loop3A_731 = arith.addi %parallel_loop3A_729, %parallel_loop3A_730 : i32
        %parallel_loop3A_732 = arith.index_cast %parallel_loop3A_731 : i32 to index
        %parallel_loop3A_733 = tpu.vector_load %arg12[%parallel_loop3A_732] {strides = array<i32>} : memref<2080xf32, #tpu.memory_space<vmem>>, vector<16xf32>,
        %parallel_loop3A_734 = arith.constant 0 : i32
        %parallel_loop3A_735 = arith.addi %parallel_loop3A_724, %parallel_loop3A_734 : i32
        %parallel_loop3A_736 = arith.constant 0 : i32
        %parallel_loop3A_737 = arith.addi %parallel_loop3A_735, %parallel_loop3A_736 : i32
        %parallel_loop3A_738 = arith.index_cast %parallel_loop3A_737 : i32 to index
        %parallel_loop3A_739 = tpu.vector_load %arg13[%parallel_loop3A_738] {strides = array<i32>} : memref<102400xf32, #tpu.memory_space<vmem>>, vector<16xf32>,
        tpu.vector_store %arg13[%parallel_loop3A_738], %parallel_loop3A_733 {strides = array<i32>} : memref<102400xf32, #tpu.memory_space<vmem>>, vector<16xf32>,
        %parallel_loop3A_740 = arith.constant 16 : i32
        %parallel_loop3A_741 = arith.addi %parallel_loop3A_729, %parallel_loop3A_740 : i32
        %parallel_loop3A_742 = arith.index_cast %parallel_loop3A_741 : i32 to index
        %parallel_loop3A_743 = tpu.vector_load %arg12[%parallel_loop3A_742] {strides = array<i32>} : memref<2080xf32, #tpu.memory_space<vmem>>, vector<16xf32>,
        %parallel_loop3A_744 = arith.constant 0 : i32
        %parallel_loop3A_745 = arith.addi %parallel_loop3A_724, %parallel_loop3A_744 : i32
        %parallel_loop3A_746 = arith.constant 16 : i32
        %parallel_loop3A_747 = arith.addi %parallel_loop3A_745, %parallel_loop3A_746 : i32
        %parallel_loop3A_748 = arith.index_cast %parallel_loop3A_747 : i32 to index
        %parallel_loop3A_749 = tpu.vector_load %arg13[%parallel_loop3A_748] {strides = array<i32>} : memref<102400xf32, #tpu.memory_space<vmem>>, vector<16xf32>,
        tpu.vector_store %arg13[%parallel_loop3A_748], %parallel_loop3A_743 {strides = array<i32>} : memref<102400xf32, #tpu.memory_space<vmem>>, vector<16xf32>,
        %parallel_loop3A_750 = vector.extract_strided_slice %parallel_loop3A_61 {offsets = [6], sizes = [1], strides = [1]} : vector<16xi32> to vector<1xi32>
        %parallel_loop3A_751 = vector.extract %parallel_loop3A_750[0] : i32 from vector<1xi32>
        %parallel_loop3A_752 = tpu.assume_multiple %parallel_loop3A_751, 32 : i32
        %parallel_loop3A_753 = arith.constant 640 : i32
        %parallel_loop3A_754 = arith.addi %parallel_loop3A_753, %parallel_loop3A_752 : i32
        %parallel_loop3A_755 = arith.constant 0 : i32
        %parallel_loop3A_756 = arith.addi %parallel_loop3A_754, %parallel_loop3A_755 : i32
        %parallel_loop3A_757 = arith.index_cast %parallel_loop3A_756 : i32 to index
        %parallel_loop3A_758 = tpu.vector_load %arg12[%parallel_loop3A_757] {strides = array<i32>} : memref<2080xf32, #tpu.memory_space<vmem>>, vector<16xf32>,
        %parallel_loop3A_759 = arith.constant 32 : i32
        %parallel_loop3A_760 = arith.addi %parallel_loop3A_724, %parallel_loop3A_759 : i32
        %parallel_loop3A_761 = arith.constant 0 : i32
        %parallel_loop3A_762 = arith.addi %parallel_loop3A_760, %parallel_loop3A_761 : i32
        %parallel_loop3A_763 = arith.index_cast %parallel_loop3A_762 : i32 to index
        %parallel_loop3A_764 = tpu.vector_load %arg13[%parallel_loop3A_763] {strides = array<i32>} : memref<102400xf32, #tpu.memory_space<vmem>>, vector<16xf32>,
        tpu.vector_store %arg13[%parallel_loop3A_763], %parallel_loop3A_758 {strides = array<i32>} : memref<102400xf32, #tpu.memory_space<vmem>>, vector<16xf32>,
        %parallel_loop3A_765 = arith.constant 16 : i32
        %parallel_loop3A_766 = arith.addi %parallel_loop3A_754, %parallel_loop3A_765 : i32
        %parallel_loop3A_767 = arith.index_cast %parallel_loop3A_766 : i32 to index
        %parallel_loop3A_768 = tpu.vector_load %arg12[%parallel_loop3A_767] {strides = array<i32>} : memref<2080xf32, #tpu.memory_space<vmem>>, vector<16xf32>,
        %parallel_loop3A_769 = arith.constant 32 : i32
        %parallel_loop3A_770 = arith.addi %parallel_loop3A_724, %parallel_loop3A_769 : i32
        %parallel_loop3A_771 = arith.constant 16 : i32
        %parallel_loop3A_772 = arith.addi %parallel_loop3A_770, %parallel_loop3A_771 : i32
        %parallel_loop3A_773 = arith.index_cast %parallel_loop3A_772 : i32 to index
        %parallel_loop3A_774 = tpu.vector_load %arg13[%parallel_loop3A_773] {strides = array<i32>} : memref<102400xf32, #tpu.memory_space<vmem>>, vector<16xf32>,
        tpu.vector_store %arg13[%parallel_loop3A_773], %parallel_loop3A_768 {strides = array<i32>} : memref<102400xf32, #tpu.memory_space<vmem>>, vector<16xf32>,
        %parallel_loop3A_775 = vector.extract_strided_slice %parallel_loop3A_68 {offsets = [6], sizes = [1], strides = [1]} : vector<16xi32> to vector<1xi32>
        %parallel_loop3A_776 = vector.extract %parallel_loop3A_775[0] : i32 from vector<1xi32>
        %parallel_loop3A_777 = tpu.assume_multiple %parallel_loop3A_776, 32 : i32
        %parallel_loop3A_778 = arith.constant 960 : i32
        %parallel_loop3A_779 = arith.addi %parallel_loop3A_778, %parallel_loop3A_777 : i32
        %parallel_loop3A_780 = arith.constant 0 : i32
        %parallel_loop3A_781 = arith.addi %parallel_loop3A_779, %parallel_loop3A_780 : i32
        %parallel_loop3A_782 = arith.index_cast %parallel_loop3A_781 : i32 to index
        %parallel_loop3A_783 = tpu.vector_load %arg12[%parallel_loop3A_782] {strides = array<i32>} : memref<2080xf32, #tpu.memory_space<vmem>>, vector<16xf32>,
        %parallel_loop3A_784 = arith.constant 64 : i32
        %parallel_loop3A_785 = arith.addi %parallel_loop3A_724, %parallel_loop3A_784 : i32
        %parallel_loop3A_786 = arith.constant 0 : i32
        %parallel_loop3A_787 = arith.addi %parallel_loop3A_785, %parallel_loop3A_786 : i32
        %parallel_loop3A_788 = arith.index_cast %parallel_loop3A_787 : i32 to index
        %parallel_loop3A_789 = tpu.vector_load %arg13[%parallel_loop3A_788] {strides = array<i32>} : memref<102400xf32, #tpu.memory_space<vmem>>, vector<16xf32>,
        tpu.vector_store %arg13[%parallel_loop3A_788], %parallel_loop3A_783 {strides = array<i32>} : memref<102400xf32, #tpu.memory_space<vmem>>, vector<16xf32>,
        %parallel_loop3A_790 = arith.constant 16 : i32
        %parallel_loop3A_791 = arith.addi %parallel_loop3A_779, %parallel_loop3A_790 : i32
        %parallel_loop3A_792 = arith.index_cast %parallel_loop3A_791 : i32 to index
        %parallel_loop3A_793 = tpu.vector_load %arg12[%parallel_loop3A_792] {strides = array<i32>} : memref<2080xf32, #tpu.memory_space<vmem>>, vector<16xf32>,
        %parallel_loop3A_794 = arith.constant 64 : i32
        %parallel_loop3A_795 = arith.addi %parallel_loop3A_724, %parallel_loop3A_794 : i32
        %parallel_loop3A_796 = arith.constant 16 : i32
        %parallel_loop3A_797 = arith.addi %parallel_loop3A_795, %parallel_loop3A_796 : i32
        %parallel_loop3A_798 = arith.index_cast %parallel_loop3A_797 : i32 to index
        %parallel_loop3A_799 = tpu.vector_load %arg13[%parallel_loop3A_798] {strides = array<i32>} : memref<102400xf32, #tpu.memory_space<vmem>>, vector<16xf32>,
        tpu.vector_store %arg13[%parallel_loop3A_798], %parallel_loop3A_793 {strides = array<i32>} : memref<102400xf32, #tpu.memory_space<vmem>>, vector<16xf32>,
        %parallel_loop3A_800 = vector.extract_strided_slice %parallel_loop3A_75 {offsets = [6], sizes = [1], strides = [1]} : vector<16xi32> to vector<1xi32>
        %parallel_loop3A_801 = vector.extract %parallel_loop3A_800[0] : i32 from vector<1xi32>
        %parallel_loop3A_802 = tpu.assume_multiple %parallel_loop3A_801, 32 : i32
        %parallel_loop3A_803 = arith.constant 1760 : i32
        %parallel_loop3A_804 = arith.addi %parallel_loop3A_803, %parallel_loop3A_802 : i32
        %parallel_loop3A_805 = arith.constant 0 : i32
        %parallel_loop3A_806 = arith.addi %parallel_loop3A_804, %parallel_loop3A_805 : i32
        %parallel_loop3A_807 = arith.index_cast %parallel_loop3A_806 : i32 to index
        %parallel_loop3A_808 = tpu.vector_load %arg12[%parallel_loop3A_807] {strides = array<i32>} : memref<2080xf32, #tpu.memory_space<vmem>>, vector<16xf32>,
        %parallel_loop3A_809 = arith.constant 96 : i32
        %parallel_loop3A_810 = arith.addi %parallel_loop3A_724, %parallel_loop3A_809 : i32
        %parallel_loop3A_811 = arith.constant 0 : i32
        %parallel_loop3A_812 = arith.addi %parallel_loop3A_810, %parallel_loop3A_811 : i32
        %parallel_loop3A_813 = arith.index_cast %parallel_loop3A_812 : i32 to index
        %parallel_loop3A_814 = tpu.vector_load %arg13[%parallel_loop3A_813] {strides = array<i32>} : memref<102400xf32, #tpu.memory_space<vmem>>, vector<16xf32>,
        tpu.vector_store %arg13[%parallel_loop3A_813], %parallel_loop3A_808 {strides = array<i32>} : memref<102400xf32, #tpu.memory_space<vmem>>, vector<16xf32>,
        %parallel_loop3A_815 = arith.constant 16 : i32
        %parallel_loop3A_816 = arith.addi %parallel_loop3A_804, %parallel_loop3A_815 : i32
        %parallel_loop3A_817 = arith.index_cast %parallel_loop3A_816 : i32 to index
        %parallel_loop3A_818 = tpu.vector_load %arg12[%parallel_loop3A_817] {strides = array<i32>} : memref<2080xf32, #tpu.memory_space<vmem>>, vector<16xf32>,
        %parallel_loop3A_819 = arith.constant 96 : i32
        %parallel_loop3A_820 = arith.addi %parallel_loop3A_724, %parallel_loop3A_819 : i32
        %parallel_loop3A_821 = arith.constant 16 : i32
        %parallel_loop3A_822 = arith.addi %parallel_loop3A_820, %parallel_loop3A_821 : i32
        %parallel_loop3A_823 = arith.index_cast %parallel_loop3A_822 : i32 to index
        %parallel_loop3A_824 = tpu.vector_load %arg13[%parallel_loop3A_823] {strides = array<i32>} : memref<102400xf32, #tpu.memory_space<vmem>>, vector<16xf32>,
        tpu.vector_store %arg13[%parallel_loop3A_823], %parallel_loop3A_818 {strides = array<i32>} : memref<102400xf32, #tpu.memory_space<vmem>>, vector<16xf32>,
        %parallel_loop3A_825 = arith.constant 16 : i32
        %parallel_loop3A_826 = arith.muli %parallel_loop3A_42, %parallel_loop3A_825 : i32
        %parallel_loop3A_827 = arith.constant 7 : i32
        %parallel_loop3A_828 = arith.addi %parallel_loop3A_826, %parallel_loop3A_827 : i32
        %parallel_loop3A_829 = arith.constant 128 : i32
        %parallel_loop3A_830 = arith.muli %parallel_loop3A_828, %parallel_loop3A_829 : i32
        %parallel_loop3A_831 = arith.addi %mul3A_29, %parallel_loop3A_830 : i32
        %parallel_loop3A_832 = vector.extract_strided_slice %parallel_loop3A_54 {offsets = [7], sizes = [1], strides = [1]} : vector<16xi32> to vector<1xi32>
        %parallel_loop3A_833 = vector.extract %parallel_loop3A_832[0] : i32 from vector<1xi32>
        %parallel_loop3A_834 = tpu.assume_multiple %parallel_loop3A_833, 32 : i32
        %parallel_loop3A_835 = arith.constant 0 : i32
        %parallel_loop3A_836 = arith.addi %parallel_loop3A_835, %parallel_loop3A_834 : i32
        %parallel_loop3A_837 = arith.constant 0 : i32
        %parallel_loop3A_838 = arith.addi %parallel_loop3A_836, %parallel_loop3A_837 : i32
        %parallel_loop3A_839 = arith.index_cast %parallel_loop3A_838 : i32 to index
        %parallel_loop3A_840 = tpu.vector_load %arg12[%parallel_loop3A_839] {strides = array<i32>} : memref<2080xf32, #tpu.memory_space<vmem>>, vector<16xf32>,
        %parallel_loop3A_841 = arith.constant 0 : i32
        %parallel_loop3A_842 = arith.addi %parallel_loop3A_831, %parallel_loop3A_841 : i32
        %parallel_loop3A_843 = arith.constant 0 : i32
        %parallel_loop3A_844 = arith.addi %parallel_loop3A_842, %parallel_loop3A_843 : i32
        %parallel_loop3A_845 = arith.index_cast %parallel_loop3A_844 : i32 to index
        %parallel_loop3A_846 = tpu.vector_load %arg13[%parallel_loop3A_845] {strides = array<i32>} : memref<102400xf32, #tpu.memory_space<vmem>>, vector<16xf32>,
        tpu.vector_store %arg13[%parallel_loop3A_845], %parallel_loop3A_840 {strides = array<i32>} : memref<102400xf32, #tpu.memory_space<vmem>>, vector<16xf32>,
        %parallel_loop3A_847 = arith.constant 16 : i32
        %parallel_loop3A_848 = arith.addi %parallel_loop3A_836, %parallel_loop3A_847 : i32
        %parallel_loop3A_849 = arith.index_cast %parallel_loop3A_848 : i32 to index
        %parallel_loop3A_850 = tpu.vector_load %arg12[%parallel_loop3A_849] {strides = array<i32>} : memref<2080xf32, #tpu.memory_space<vmem>>, vector<16xf32>,
        %parallel_loop3A_851 = arith.constant 0 : i32
        %parallel_loop3A_852 = arith.addi %parallel_loop3A_831, %parallel_loop3A_851 : i32
        %parallel_loop3A_853 = arith.constant 16 : i32
        %parallel_loop3A_854 = arith.addi %parallel_loop3A_852, %parallel_loop3A_853 : i32
        %parallel_loop3A_855 = arith.index_cast %parallel_loop3A_854 : i32 to index
        %parallel_loop3A_856 = tpu.vector_load %arg13[%parallel_loop3A_855] {strides = array<i32>} : memref<102400xf32, #tpu.memory_space<vmem>>, vector<16xf32>,
        tpu.vector_store %arg13[%parallel_loop3A_855], %parallel_loop3A_850 {strides = array<i32>} : memref<102400xf32, #tpu.memory_space<vmem>>, vector<16xf32>,
        %parallel_loop3A_857 = vector.extract_strided_slice %parallel_loop3A_61 {offsets = [7], sizes = [1], strides = [1]} : vector<16xi32> to vector<1xi32>
        %parallel_loop3A_858 = vector.extract %parallel_loop3A_857[0] : i32 from vector<1xi32>
        %parallel_loop3A_859 = tpu.assume_multiple %parallel_loop3A_858, 32 : i32
        %parallel_loop3A_860 = arith.constant 640 : i32
        %parallel_loop3A_861 = arith.addi %parallel_loop3A_860, %parallel_loop3A_859 : i32
        %parallel_loop3A_862 = arith.constant 0 : i32
        %parallel_loop3A_863 = arith.addi %parallel_loop3A_861, %parallel_loop3A_862 : i32
        %parallel_loop3A_864 = arith.index_cast %parallel_loop3A_863 : i32 to index
        %parallel_loop3A_865 = tpu.vector_load %arg12[%parallel_loop3A_864] {strides = array<i32>} : memref<2080xf32, #tpu.memory_space<vmem>>, vector<16xf32>,
        %parallel_loop3A_866 = arith.constant 32 : i32
        %parallel_loop3A_867 = arith.addi %parallel_loop3A_831, %parallel_loop3A_866 : i32
        %parallel_loop3A_868 = arith.constant 0 : i32
        %parallel_loop3A_869 = arith.addi %parallel_loop3A_867, %parallel_loop3A_868 : i32
        %parallel_loop3A_870 = arith.index_cast %parallel_loop3A_869 : i32 to index
        %parallel_loop3A_871 = tpu.vector_load %arg13[%parallel_loop3A_870] {strides = array<i32>} : memref<102400xf32, #tpu.memory_space<vmem>>, vector<16xf32>,
        tpu.vector_store %arg13[%parallel_loop3A_870], %parallel_loop3A_865 {strides = array<i32>} : memref<102400xf32, #tpu.memory_space<vmem>>, vector<16xf32>,
        %parallel_loop3A_872 = arith.constant 16 : i32
        %parallel_loop3A_873 = arith.addi %parallel_loop3A_861, %parallel_loop3A_872 : i32
        %parallel_loop3A_874 = arith.index_cast %parallel_loop3A_873 : i32 to index
        %parallel_loop3A_875 = tpu.vector_load %arg12[%parallel_loop3A_874] {strides = array<i32>} : memref<2080xf32, #tpu.memory_space<vmem>>, vector<16xf32>,
        %parallel_loop3A_876 = arith.constant 32 : i32
        %parallel_loop3A_877 = arith.addi %parallel_loop3A_831, %parallel_loop3A_876 : i32
        %parallel_loop3A_878 = arith.constant 16 : i32
        %parallel_loop3A_879 = arith.addi %parallel_loop3A_877, %parallel_loop3A_878 : i32
        %parallel_loop3A_880 = arith.index_cast %parallel_loop3A_879 : i32 to index
        %parallel_loop3A_881 = tpu.vector_load %arg13[%parallel_loop3A_880] {strides = array<i32>} : memref<102400xf32, #tpu.memory_space<vmem>>, vector<16xf32>,
        tpu.vector_store %arg13[%parallel_loop3A_880], %parallel_loop3A_875 {strides = array<i32>} : memref<102400xf32, #tpu.memory_space<vmem>>, vector<16xf32>,
        %parallel_loop3A_882 = vector.extract_strided_slice %parallel_loop3A_68 {offsets = [7], sizes = [1], strides = [1]} : vector<16xi32> to vector<1xi32>
        %parallel_loop3A_883 = vector.extract %parallel_loop3A_882[0] : i32 from vector<1xi32>
        %parallel_loop3A_884 = tpu.assume_multiple %parallel_loop3A_883, 32 : i32
        %parallel_loop3A_885 = arith.constant 960 : i32
        %parallel_loop3A_886 = arith.addi %parallel_loop3A_885, %parallel_loop3A_884 : i32
        %parallel_loop3A_887 = arith.constant 0 : i32
        %parallel_loop3A_888 = arith.addi %parallel_loop3A_886, %parallel_loop3A_887 : i32
        %parallel_loop3A_889 = arith.index_cast %parallel_loop3A_888 : i32 to index
        %parallel_loop3A_890 = tpu.vector_load %arg12[%parallel_loop3A_889] {strides = array<i32>} : memref<2080xf32, #tpu.memory_space<vmem>>, vector<16xf32>,
        %parallel_loop3A_891 = arith.constant 64 : i32
        %parallel_loop3A_892 = arith.addi %parallel_loop3A_831, %parallel_loop3A_891 : i32
        %parallel_loop3A_893 = arith.constant 0 : i32
        %parallel_loop3A_894 = arith.addi %parallel_loop3A_892, %parallel_loop3A_893 : i32
        %parallel_loop3A_895 = arith.index_cast %parallel_loop3A_894 : i32 to index
        %parallel_loop3A_896 = tpu.vector_load %arg13[%parallel_loop3A_895] {strides = array<i32>} : memref<102400xf32, #tpu.memory_space<vmem>>, vector<16xf32>,
        tpu.vector_store %arg13[%parallel_loop3A_895], %parallel_loop3A_890 {strides = array<i32>} : memref<102400xf32, #tpu.memory_space<vmem>>, vector<16xf32>,
        %parallel_loop3A_897 = arith.constant 16 : i32
        %parallel_loop3A_898 = arith.addi %parallel_loop3A_886, %parallel_loop3A_897 : i32
        %parallel_loop3A_899 = arith.index_cast %parallel_loop3A_898 : i32 to index
        %parallel_loop3A_900 = tpu.vector_load %arg12[%parallel_loop3A_899] {strides = array<i32>} : memref<2080xf32, #tpu.memory_space<vmem>>, vector<16xf32>,
        %parallel_loop3A_901 = arith.constant 64 : i32
        %parallel_loop3A_902 = arith.addi %parallel_loop3A_831, %parallel_loop3A_901 : i32
        %parallel_loop3A_903 = arith.constant 16 : i32
        %parallel_loop3A_904 = arith.addi %parallel_loop3A_902, %parallel_loop3A_903 : i32
        %parallel_loop3A_905 = arith.index_cast %parallel_loop3A_904 : i32 to index
        %parallel_loop3A_906 = tpu.vector_load %arg13[%parallel_loop3A_905] {strides = array<i32>} : memref<102400xf32, #tpu.memory_space<vmem>>, vector<16xf32>,
        tpu.vector_store %arg13[%parallel_loop3A_905], %parallel_loop3A_900 {strides = array<i32>} : memref<102400xf32, #tpu.memory_space<vmem>>, vector<16xf32>,
        %parallel_loop3A_907 = vector.extract_strided_slice %parallel_loop3A_75 {offsets = [7], sizes = [1], strides = [1]} : vector<16xi32> to vector<1xi32>
        %parallel_loop3A_908 = vector.extract %parallel_loop3A_907[0] : i32 from vector<1xi32>
        %parallel_loop3A_909 = tpu.assume_multiple %parallel_loop3A_908, 32 : i32
        %parallel_loop3A_910 = arith.constant 1760 : i32
        %parallel_loop3A_911 = arith.addi %parallel_loop3A_910, %parallel_loop3A_909 : i32
        %parallel_loop3A_912 = arith.constant 0 : i32
        %parallel_loop3A_913 = arith.addi %parallel_loop3A_911, %parallel_loop3A_912 : i32
        %parallel_loop3A_914 = arith.index_cast %parallel_loop3A_913 : i32 to index
        %parallel_loop3A_915 = tpu.vector_load %arg12[%parallel_loop3A_914] {strides = array<i32>} : memref<2080xf32, #tpu.memory_space<vmem>>, vector<16xf32>,
        %parallel_loop3A_916 = arith.constant 96 : i32
        %parallel_loop3A_917 = arith.addi %parallel_loop3A_831, %parallel_loop3A_916 : i32
        %parallel_loop3A_918 = arith.constant 0 : i32
        %parallel_loop3A_919 = arith.addi %parallel_loop3A_917, %parallel_loop3A_918 : i32
        %parallel_loop3A_920 = arith.index_cast %parallel_loop3A_919 : i32 to index
        %parallel_loop3A_921 = tpu.vector_load %arg13[%parallel_loop3A_920] {strides = array<i32>} : memref<102400xf32, #tpu.memory_space<vmem>>, vector<16xf32>,
        tpu.vector_store %arg13[%parallel_loop3A_920], %parallel_loop3A_915 {strides = array<i32>} : memref<102400xf32, #tpu.memory_space<vmem>>, vector<16xf32>,
        %parallel_loop3A_922 = arith.constant 16 : i32
        %parallel_loop3A_923 = arith.addi %parallel_loop3A_911, %parallel_loop3A_922 : i32
        %parallel_loop3A_924 = arith.index_cast %parallel_loop3A_923 : i32 to index
        %parallel_loop3A_925 = tpu.vector_load %arg12[%parallel_loop3A_924] {strides = array<i32>} : memref<2080xf32, #tpu.memory_space<vmem>>, vector<16xf32>,
        %parallel_loop3A_926 = arith.constant 96 : i32
        %parallel_loop3A_927 = arith.addi %parallel_loop3A_831, %parallel_loop3A_926 : i32
        %parallel_loop3A_928 = arith.constant 16 : i32
        %parallel_loop3A_929 = arith.addi %parallel_loop3A_927, %parallel_loop3A_928 : i32
        %parallel_loop3A_930 = arith.index_cast %parallel_loop3A_929 : i32 to index
        %parallel_loop3A_931 = tpu.vector_load %arg13[%parallel_loop3A_930] {strides = array<i32>} : memref<102400xf32, #tpu.memory_space<vmem>>, vector<16xf32>,
        tpu.vector_store %arg13[%parallel_loop3A_930], %parallel_loop3A_925 {strides = array<i32>} : memref<102400xf32, #tpu.memory_space<vmem>>, vector<16xf32>,
        %parallel_loop3A_932 = arith.constant 16 : i32
        %parallel_loop3A_933 = arith.muli %parallel_loop3A_42, %parallel_loop3A_932 : i32
        %parallel_loop3A_934 = arith.constant 8 : i32
        %parallel_loop3A_935 = arith.addi %parallel_loop3A_933, %parallel_loop3A_934 : i32
        %parallel_loop3A_936 = arith.constant 128 : i32
        %parallel_loop3A_937 = arith.muli %parallel_loop3A_935, %parallel_loop3A_936 : i32
        %parallel_loop3A_938 = arith.addi %mul3A_29, %parallel_loop3A_937 : i32
        %parallel_loop3A_939 = vector.extract_strided_slice %parallel_loop3A_54 {offsets = [8], sizes = [1], strides = [1]} : vector<16xi32> to vector<1xi32>
        %parallel_loop3A_940 = vector.extract %parallel_loop3A_939[0] : i32 from vector<1xi32>
        %parallel_loop3A_941 = tpu.assume_multiple %parallel_loop3A_940, 32 : i32
        %parallel_loop3A_942 = arith.constant 0 : i32
        %parallel_loop3A_943 = arith.addi %parallel_loop3A_942, %parallel_loop3A_941 : i32
        %parallel_loop3A_944 = arith.constant 0 : i32
        %parallel_loop3A_945 = arith.addi %parallel_loop3A_943, %parallel_loop3A_944 : i32
        %parallel_loop3A_946 = arith.index_cast %parallel_loop3A_945 : i32 to index
        %parallel_loop3A_947 = tpu.vector_load %arg12[%parallel_loop3A_946] {strides = array<i32>} : memref<2080xf32, #tpu.memory_space<vmem>>, vector<16xf32>,
        %parallel_loop3A_948 = arith.constant 0 : i32
        %parallel_loop3A_949 = arith.addi %parallel_loop3A_938, %parallel_loop3A_948 : i32
        %parallel_loop3A_950 = arith.constant 0 : i32
        %parallel_loop3A_951 = arith.addi %parallel_loop3A_949, %parallel_loop3A_950 : i32
        %parallel_loop3A_952 = arith.index_cast %parallel_loop3A_951 : i32 to index
        %parallel_loop3A_953 = tpu.vector_load %arg13[%parallel_loop3A_952] {strides = array<i32>} : memref<102400xf32, #tpu.memory_space<vmem>>, vector<16xf32>,
        tpu.vector_store %arg13[%parallel_loop3A_952], %parallel_loop3A_947 {strides = array<i32>} : memref<102400xf32, #tpu.memory_space<vmem>>, vector<16xf32>,
        %parallel_loop3A_954 = arith.constant 16 : i32
        %parallel_loop3A_955 = arith.addi %parallel_loop3A_943, %parallel_loop3A_954 : i32
        %parallel_loop3A_956 = arith.index_cast %parallel_loop3A_955 : i32 to index
        %parallel_loop3A_957 = tpu.vector_load %arg12[%parallel_loop3A_956] {strides = array<i32>} : memref<2080xf32, #tpu.memory_space<vmem>>, vector<16xf32>,
        %parallel_loop3A_958 = arith.constant 0 : i32
        %parallel_loop3A_959 = arith.addi %parallel_loop3A_938, %parallel_loop3A_958 : i32
        %parallel_loop3A_960 = arith.constant 16 : i32
        %parallel_loop3A_961 = arith.addi %parallel_loop3A_959, %parallel_loop3A_960 : i32
        %parallel_loop3A_962 = arith.index_cast %parallel_loop3A_961 : i32 to index
        %parallel_loop3A_963 = tpu.vector_load %arg13[%parallel_loop3A_962] {strides = array<i32>} : memref<102400xf32, #tpu.memory_space<vmem>>, vector<16xf32>,
        tpu.vector_store %arg13[%parallel_loop3A_962], %parallel_loop3A_957 {strides = array<i32>} : memref<102400xf32, #tpu.memory_space<vmem>>, vector<16xf32>,
        %parallel_loop3A_964 = vector.extract_strided_slice %parallel_loop3A_61 {offsets = [8], sizes = [1], strides = [1]} : vector<16xi32> to vector<1xi32>
        %parallel_loop3A_965 = vector.extract %parallel_loop3A_964[0] : i32 from vector<1xi32>
        %parallel_loop3A_966 = tpu.assume_multiple %parallel_loop3A_965, 32 : i32
        %parallel_loop3A_967 = arith.constant 640 : i32
        %parallel_loop3A_968 = arith.addi %parallel_loop3A_967, %parallel_loop3A_966 : i32
        %parallel_loop3A_969 = arith.constant 0 : i32
        %parallel_loop3A_970 = arith.addi %parallel_loop3A_968, %parallel_loop3A_969 : i32
        %parallel_loop3A_971 = arith.index_cast %parallel_loop3A_970 : i32 to index
        %parallel_loop3A_972 = tpu.vector_load %arg12[%parallel_loop3A_971] {strides = array<i32>} : memref<2080xf32, #tpu.memory_space<vmem>>, vector<16xf32>,
        %parallel_loop3A_973 = arith.constant 32 : i32
        %parallel_loop3A_974 = arith.addi %parallel_loop3A_938, %parallel_loop3A_973 : i32
        %parallel_loop3A_975 = arith.constant 0 : i32
        %parallel_loop3A_976 = arith.addi %parallel_loop3A_974, %parallel_loop3A_975 : i32
        %parallel_loop3A_977 = arith.index_cast %parallel_loop3A_976 : i32 to index
        %parallel_loop3A_978 = tpu.vector_load %arg13[%parallel_loop3A_977] {strides = array<i32>} : memref<102400xf32, #tpu.memory_space<vmem>>, vector<16xf32>,
        tpu.vector_store %arg13[%parallel_loop3A_977], %parallel_loop3A_972 {strides = array<i32>} : memref<102400xf32, #tpu.memory_space<vmem>>, vector<16xf32>,
        %parallel_loop3A_979 = arith.constant 16 : i32
        %parallel_loop3A_980 = arith.addi %parallel_loop3A_968, %parallel_loop3A_979 : i32
        %parallel_loop3A_981 = arith.index_cast %parallel_loop3A_980 : i32 to index
        %parallel_loop3A_982 = tpu.vector_load %arg12[%parallel_loop3A_981] {strides = array<i32>} : memref<2080xf32, #tpu.memory_space<vmem>>, vector<16xf32>,
        %parallel_loop3A_983 = arith.constant 32 : i32
        %parallel_loop3A_984 = arith.addi %parallel_loop3A_938, %parallel_loop3A_983 : i32
        %parallel_loop3A_985 = arith.constant 16 : i32
        %parallel_loop3A_986 = arith.addi %parallel_loop3A_984, %parallel_loop3A_985 : i32
        %parallel_loop3A_987 = arith.index_cast %parallel_loop3A_986 : i32 to index
        %parallel_loop3A_988 = tpu.vector_load %arg13[%parallel_loop3A_987] {strides = array<i32>} : memref<102400xf32, #tpu.memory_space<vmem>>, vector<16xf32>,
        tpu.vector_store %arg13[%parallel_loop3A_987], %parallel_loop3A_982 {strides = array<i32>} : memref<102400xf32, #tpu.memory_space<vmem>>, vector<16xf32>,
        %parallel_loop3A_989 = vector.extract_strided_slice %parallel_loop3A_68 {offsets = [8], sizes = [1], strides = [1]} : vector<16xi32> to vector<1xi32>
        %parallel_loop3A_990 = vector.extract %parallel_loop3A_989[0] : i32 from vector<1xi32>
        %parallel_loop3A_991 = tpu.assume_multiple %parallel_loop3A_990, 32 : i32
        %parallel_loop3A_992 = arith.constant 960 : i32
        %parallel_loop3A_993 = arith.addi %parallel_loop3A_992, %parallel_loop3A_991 : i32
        %parallel_loop3A_994 = arith.constant 0 : i32
        %parallel_loop3A_995 = arith.addi %parallel_loop3A_993, %parallel_loop3A_994 : i32
        %parallel_loop3A_996 = arith.index_cast %parallel_loop3A_995 : i32 to index
        %parallel_loop3A_997 = tpu.vector_load %arg12[%parallel_loop3A_996] {strides = array<i32>} : memref<2080xf32, #tpu.memory_space<vmem>>, vector<16xf32>,
        %parallel_loop3A_998 = arith.constant 64 : i32
        %parallel_loop3A_999 = arith.addi %parallel_loop3A_938, %parallel_loop3A_998 : i32
        %parallel_loop3A_1000 = arith.constant 0 : i32
        %parallel_loop3A_1001 = arith.addi %parallel_loop3A_999, %parallel_loop3A_1000 : i32
        %parallel_loop3A_1002 = arith.index_cast %parallel_loop3A_1001 : i32 to index
        %parallel_loop3A_1003 = tpu.vector_load %arg13[%parallel_loop3A_1002] {strides = array<i32>} : memref<102400xf32, #tpu.memory_space<vmem>>, vector<16xf32>,
        tpu.vector_store %arg13[%parallel_loop3A_1002], %parallel_loop3A_997 {strides = array<i32>} : memref<102400xf32, #tpu.memory_space<vmem>>, vector<16xf32>,
        %parallel_loop3A_1004 = arith.constant 16 : i32
        %parallel_loop3A_1005 = arith.addi %parallel_loop3A_993, %parallel_loop3A_1004 : i32
        %parallel_loop3A_1006 = arith.index_cast %parallel_loop3A_1005 : i32 to index
        %parallel_loop3A_1007 = tpu.vector_load %arg12[%parallel_loop3A_1006] {strides = array<i32>} : memref<2080xf32, #tpu.memory_space<vmem>>, vector<16xf32>,
        %parallel_loop3A_1008 = arith.constant 64 : i32
        %parallel_loop3A_1009 = arith.addi %parallel_loop3A_938, %parallel_loop3A_1008 : i32
        %parallel_loop3A_1010 = arith.constant 16 : i32
        %parallel_loop3A_1011 = arith.addi %parallel_loop3A_1009, %parallel_loop3A_1010 : i32
        %parallel_loop3A_1012 = arith.index_cast %parallel_loop3A_1011 : i32 to index
        %parallel_loop3A_1013 = tpu.vector_load %arg13[%parallel_loop3A_1012] {strides = array<i32>} : memref<102400xf32, #tpu.memory_space<vmem>>, vector<16xf32>,
        tpu.vector_store %arg13[%parallel_loop3A_1012], %parallel_loop3A_1007 {strides = array<i32>} : memref<102400xf32, #tpu.memory_space<vmem>>, vector<16xf32>,
        %parallel_loop3A_1014 = vector.extract_strided_slice %parallel_loop3A_75 {offsets = [8], sizes = [1], strides = [1]} : vector<16xi32> to vector<1xi32>
        %parallel_loop3A_1015 = vector.extract %parallel_loop3A_1014[0] : i32 from vector<1xi32>
        %parallel_loop3A_1016 = tpu.assume_multiple %parallel_loop3A_1015, 32 : i32
        %parallel_loop3A_1017 = arith.constant 1760 : i32
        %parallel_loop3A_1018 = arith.addi %parallel_loop3A_1017, %parallel_loop3A_1016 : i32
        %parallel_loop3A_1019 = arith.constant 0 : i32
        %parallel_loop3A_1020 = arith.addi %parallel_loop3A_1018, %parallel_loop3A_1019 : i32
        %parallel_loop3A_1021 = arith.index_cast %parallel_loop3A_1020 : i32 to index
        %parallel_loop3A_1022 = tpu.vector_load %arg12[%parallel_loop3A_1021] {strides = array<i32>} : memref<2080xf32, #tpu.memory_space<vmem>>, vector<16xf32>,
        %parallel_loop3A_1023 = arith.constant 96 : i32
        %parallel_loop3A_1024 = arith.addi %parallel_loop3A_938, %parallel_loop3A_1023 : i32
        %parallel_loop3A_1025 = arith.constant 0 : i32
        %parallel_loop3A_1026 = arith.addi %parallel_loop3A_1024, %parallel_loop3A_1025 : i32
        %parallel_loop3A_1027 = arith.index_cast %parallel_loop3A_1026 : i32 to index
        %parallel_loop3A_1028 = tpu.vector_load %arg13[%parallel_loop3A_1027] {strides = array<i32>} : memref<102400xf32, #tpu.memory_space<vmem>>, vector<16xf32>,
        tpu.vector_store %arg13[%parallel_loop3A_1027], %parallel_loop3A_1022 {strides = array<i32>} : memref<102400xf32, #tpu.memory_space<vmem>>, vector<16xf32>,
        %parallel_loop3A_1029 = arith.constant 16 : i32
        %parallel_loop3A_1030 = arith.addi %parallel_loop3A_1018, %parallel_loop3A_1029 : i32
        %parallel_loop3A_1031 = arith.index_cast %parallel_loop3A_1030 : i32 to index
        %parallel_loop3A_1032 = tpu.vector_load %arg12[%parallel_loop3A_1031] {strides = array<i32>} : memref<2080xf32, #tpu.memory_space<vmem>>, vector<16xf32>,
        %parallel_loop3A_1033 = arith.constant 96 : i32
        %parallel_loop3A_1034 = arith.addi %parallel_loop3A_938, %parallel_loop3A_1033 : i32
        %parallel_loop3A_1035 = arith.constant 16 : i32
        %parallel_loop3A_1036 = arith.addi %parallel_loop3A_1034, %parallel_loop3A_1035 : i32
        %parallel_loop3A_1037 = arith.index_cast %parallel_loop3A_1036 : i32 to index
        %parallel_loop3A_1038 = tpu.vector_load %arg13[%parallel_loop3A_1037] {strides = array<i32>} : memref<102400xf32, #tpu.memory_space<vmem>>, vector<16xf32>,
        tpu.vector_store %arg13[%parallel_loop3A_1037], %parallel_loop3A_1032 {strides = array<i32>} : memref<102400xf32, #tpu.memory_space<vmem>>, vector<16xf32>,
        %parallel_loop3A_1039 = arith.constant 16 : i32
        %parallel_loop3A_1040 = arith.muli %parallel_loop3A_42, %parallel_loop3A_1039 : i32
        %parallel_loop3A_1041 = arith.constant 9 : i32
        %parallel_loop3A_1042 = arith.addi %parallel_loop3A_1040, %parallel_loop3A_1041 : i32
        %parallel_loop3A_1043 = arith.constant 128 : i32
        %parallel_loop3A_1044 = arith.muli %parallel_loop3A_1042, %parallel_loop3A_1043 : i32
        %parallel_loop3A_1045 = arith.addi %mul3A_29, %parallel_loop3A_1044 : i32
        %parallel_loop3A_1046 = vector.extract_strided_slice %parallel_loop3A_54 {offsets = [9], sizes = [1], strides = [1]} : vector<16xi32> to vector<1xi32>
        %parallel_loop3A_1047 = vector.extract %parallel_loop3A_1046[0] : i32 from vector<1xi32>
        %parallel_loop3A_1048 = tpu.assume_multiple %parallel_loop3A_1047, 32 : i32
        %parallel_loop3A_1049 = arith.constant 0 : i32
        %parallel_loop3A_1050 = arith.addi %parallel_loop3A_1049, %parallel_loop3A_1048 : i32
        %parallel_loop3A_1051 = arith.constant 0 : i32
        %parallel_loop3A_1052 = arith.addi %parallel_loop3A_1050, %parallel_loop3A_1051 : i32
        %parallel_loop3A_1053 = arith.index_cast %parallel_loop3A_1052 : i32 to index
        %parallel_loop3A_1054 = tpu.vector_load %arg12[%parallel_loop3A_1053] {strides = array<i32>} : memref<2080xf32, #tpu.memory_space<vmem>>, vector<16xf32>,
        %parallel_loop3A_1055 = arith.constant 0 : i32
        %parallel_loop3A_1056 = arith.addi %parallel_loop3A_1045, %parallel_loop3A_1055 : i32
        %parallel_loop3A_1057 = arith.constant 0 : i32
        %parallel_loop3A_1058 = arith.addi %parallel_loop3A_1056, %parallel_loop3A_1057 : i32
        %parallel_loop3A_1059 = arith.index_cast %parallel_loop3A_1058 : i32 to index
        %parallel_loop3A_1060 = tpu.vector_load %arg13[%parallel_loop3A_1059] {strides = array<i32>} : memref<102400xf32, #tpu.memory_space<vmem>>, vector<16xf32>,
        tpu.vector_store %arg13[%parallel_loop3A_1059], %parallel_loop3A_1054 {strides = array<i32>} : memref<102400xf32, #tpu.memory_space<vmem>>, vector<16xf32>,
        %parallel_loop3A_1061 = arith.constant 16 : i32
        %parallel_loop3A_1062 = arith.addi %parallel_loop3A_1050, %parallel_loop3A_1061 : i32
        %parallel_loop3A_1063 = arith.index_cast %parallel_loop3A_1062 : i32 to index
        %parallel_loop3A_1064 = tpu.vector_load %arg12[%parallel_loop3A_1063] {strides = array<i32>} : memref<2080xf32, #tpu.memory_space<vmem>>, vector<16xf32>,
        %parallel_loop3A_1065 = arith.constant 0 : i32
        %parallel_loop3A_1066 = arith.addi %parallel_loop3A_1045, %parallel_loop3A_1065 : i32
        %parallel_loop3A_1067 = arith.constant 16 : i32
        %parallel_loop3A_1068 = arith.addi %parallel_loop3A_1066, %parallel_loop3A_1067 : i32
        %parallel_loop3A_1069 = arith.index_cast %parallel_loop3A_1068 : i32 to index
        %parallel_loop3A_1070 = tpu.vector_load %arg13[%parallel_loop3A_1069] {strides = array<i32>} : memref<102400xf32, #tpu.memory_space<vmem>>, vector<16xf32>,
        tpu.vector_store %arg13[%parallel_loop3A_1069], %parallel_loop3A_1064 {strides = array<i32>} : memref<102400xf32, #tpu.memory_space<vmem>>, vector<16xf32>,
        %parallel_loop3A_1071 = vector.extract_strided_slice %parallel_loop3A_61 {offsets = [9], sizes = [1], strides = [1]} : vector<16xi32> to vector<1xi32>
        %parallel_loop3A_1072 = vector.extract %parallel_loop3A_1071[0] : i32 from vector<1xi32>
        %parallel_loop3A_1073 = tpu.assume_multiple %parallel_loop3A_1072, 32 : i32
        %parallel_loop3A_1074 = arith.constant 640 : i32
        %parallel_loop3A_1075 = arith.addi %parallel_loop3A_1074, %parallel_loop3A_1073 : i32
        %parallel_loop3A_1076 = arith.constant 0 : i32
        %parallel_loop3A_1077 = arith.addi %parallel_loop3A_1075, %parallel_loop3A_1076 : i32
        %parallel_loop3A_1078 = arith.index_cast %parallel_loop3A_1077 : i32 to index
        %parallel_loop3A_1079 = tpu.vector_load %arg12[%parallel_loop3A_1078] {strides = array<i32>} : memref<2080xf32, #tpu.memory_space<vmem>>, vector<16xf32>,
        %parallel_loop3A_1080 = arith.constant 32 : i32
        %parallel_loop3A_1081 = arith.addi %parallel_loop3A_1045, %parallel_loop3A_1080 : i32
        %parallel_loop3A_1082 = arith.constant 0 : i32
        %parallel_loop3A_1083 = arith.addi %parallel_loop3A_1081, %parallel_loop3A_1082 : i32
        %parallel_loop3A_1084 = arith.index_cast %parallel_loop3A_1083 : i32 to index
        %parallel_loop3A_1085 = tpu.vector_load %arg13[%parallel_loop3A_1084] {strides = array<i32>} : memref<102400xf32, #tpu.memory_space<vmem>>, vector<16xf32>,
        tpu.vector_store %arg13[%parallel_loop3A_1084], %parallel_loop3A_1079 {strides = array<i32>} : memref<102400xf32, #tpu.memory_space<vmem>>, vector<16xf32>,
        %parallel_loop3A_1086 = arith.constant 16 : i32
        %parallel_loop3A_1087 = arith.addi %parallel_loop3A_1075, %parallel_loop3A_1086 : i32
        %parallel_loop3A_1088 = arith.index_cast %parallel_loop3A_1087 : i32 to index
        %parallel_loop3A_1089 = tpu.vector_load %arg12[%parallel_loop3A_1088] {strides = array<i32>} : memref<2080xf32, #tpu.memory_space<vmem>>, vector<16xf32>,
        %parallel_loop3A_1090 = arith.constant 32 : i32
        %parallel_loop3A_1091 = arith.addi %parallel_loop3A_1045, %parallel_loop3A_1090 : i32
        %parallel_loop3A_1092 = arith.constant 16 : i32
        %parallel_loop3A_1093 = arith.addi %parallel_loop3A_1091, %parallel_loop3A_1092 : i32
        %parallel_loop3A_1094 = arith.index_cast %parallel_loop3A_1093 : i32 to index
        %parallel_loop3A_1095 = tpu.vector_load %arg13[%parallel_loop3A_1094] {strides = array<i32>} : memref<102400xf32, #tpu.memory_space<vmem>>, vector<16xf32>,
        tpu.vector_store %arg13[%parallel_loop3A_1094], %parallel_loop3A_1089 {strides = array<i32>} : memref<102400xf32, #tpu.memory_space<vmem>>, vector<16xf32>,
        %parallel_loop3A_1096 = vector.extract_strided_slice %parallel_loop3A_68 {offsets = [9], sizes = [1], strides = [1]} : vector<16xi32> to vector<1xi32>
        %parallel_loop3A_1097 = vector.extract %parallel_loop3A_1096[0] : i32 from vector<1xi32>
        %parallel_loop3A_1098 = tpu.assume_multiple %parallel_loop3A_1097, 32 : i32
        %parallel_loop3A_1099 = arith.constant 960 : i32
        %parallel_loop3A_1100 = arith.addi %parallel_loop3A_1099, %parallel_loop3A_1098 : i32
        %parallel_loop3A_1101 = arith.constant 0 : i32
        %parallel_loop3A_1102 = arith.addi %parallel_loop3A_1100, %parallel_loop3A_1101 : i32
        %parallel_loop3A_1103 = arith.index_cast %parallel_loop3A_1102 : i32 to index
        %parallel_loop3A_1104 = tpu.vector_load %arg12[%parallel_loop3A_1103] {strides = array<i32>} : memref<2080xf32, #tpu.memory_space<vmem>>, vector<16xf32>,
        %parallel_loop3A_1105 = arith.constant 64 : i32
        %parallel_loop3A_1106 = arith.addi %parallel_loop3A_1045, %parallel_loop3A_1105 : i32
        %parallel_loop3A_1107 = arith.constant 0 : i32
        %parallel_loop3A_1108 = arith.addi %parallel_loop3A_1106, %parallel_loop3A_1107 : i32
        %parallel_loop3A_1109 = arith.index_cast %parallel_loop3A_1108 : i32 to index
        %parallel_loop3A_1110 = tpu.vector_load %arg13[%parallel_loop3A_1109] {strides = array<i32>} : memref<102400xf32, #tpu.memory_space<vmem>>, vector<16xf32>,
        tpu.vector_store %arg13[%parallel_loop3A_1109], %parallel_loop3A_1104 {strides = array<i32>} : memref<102400xf32, #tpu.memory_space<vmem>>, vector<16xf32>,
        %parallel_loop3A_1111 = arith.constant 16 : i32
        %parallel_loop3A_1112 = arith.addi %parallel_loop3A_1100, %parallel_loop3A_1111 : i32
        %parallel_loop3A_1113 = arith.index_cast %parallel_loop3A_1112 : i32 to index
        %parallel_loop3A_1114 = tpu.vector_load %arg12[%parallel_loop3A_1113] {strides = array<i32>} : memref<2080xf32, #tpu.memory_space<vmem>>, vector<16xf32>,
        %parallel_loop3A_1115 = arith.constant 64 : i32
        %parallel_loop3A_1116 = arith.addi %parallel_loop3A_1045, %parallel_loop3A_1115 : i32
        %parallel_loop3A_1117 = arith.constant 16 : i32
        %parallel_loop3A_1118 = arith.addi %parallel_loop3A_1116, %parallel_loop3A_1117 : i32
        %parallel_loop3A_1119 = arith.index_cast %parallel_loop3A_1118 : i32 to index
        %parallel_loop3A_1120 = tpu.vector_load %arg13[%parallel_loop3A_1119] {strides = array<i32>} : memref<102400xf32, #tpu.memory_space<vmem>>, vector<16xf32>,
        tpu.vector_store %arg13[%parallel_loop3A_1119], %parallel_loop3A_1114 {strides = array<i32>} : memref<102400xf32, #tpu.memory_space<vmem>>, vector<16xf32>,
        %parallel_loop3A_1121 = vector.extract_strided_slice %parallel_loop3A_75 {offsets = [9], sizes = [1], strides = [1]} : vector<16xi32> to vector<1xi32>
        %parallel_loop3A_1122 = vector.extract %parallel_loop3A_1121[0] : i32 from vector<1xi32>
        %parallel_loop3A_1123 = tpu.assume_multiple %parallel_loop3A_1122, 32 : i32
        %parallel_loop3A_1124 = arith.constant 1760 : i32
        %parallel_loop3A_1125 = arith.addi %parallel_loop3A_1124, %parallel_loop3A_1123 : i32
        %parallel_loop3A_1126 = arith.constant 0 : i32
        %parallel_loop3A_1127 = arith.addi %parallel_loop3A_1125, %parallel_loop3A_1126 : i32
        %parallel_loop3A_1128 = arith.index_cast %parallel_loop3A_1127 : i32 to index
        %parallel_loop3A_1129 = tpu.vector_load %arg12[%parallel_loop3A_1128] {strides = array<i32>} : memref<2080xf32, #tpu.memory_space<vmem>>, vector<16xf32>,
        %parallel_loop3A_1130 = arith.constant 96 : i32
        %parallel_loop3A_1131 = arith.addi %parallel_loop3A_1045, %parallel_loop3A_1130 : i32
        %parallel_loop3A_1132 = arith.constant 0 : i32
        %parallel_loop3A_1133 = arith.addi %parallel_loop3A_1131, %parallel_loop3A_1132 : i32
        %parallel_loop3A_1134 = arith.index_cast %parallel_loop3A_1133 : i32 to index
        %parallel_loop3A_1135 = tpu.vector_load %arg13[%parallel_loop3A_1134] {strides = array<i32>} : memref<102400xf32, #tpu.memory_space<vmem>>, vector<16xf32>,
        tpu.vector_store %arg13[%parallel_loop3A_1134], %parallel_loop3A_1129 {strides = array<i32>} : memref<102400xf32, #tpu.memory_space<vmem>>, vector<16xf32>,
        %parallel_loop3A_1136 = arith.constant 16 : i32
        %parallel_loop3A_1137 = arith.addi %parallel_loop3A_1125, %parallel_loop3A_1136 : i32
        %parallel_loop3A_1138 = arith.index_cast %parallel_loop3A_1137 : i32 to index
        %parallel_loop3A_1139 = tpu.vector_load %arg12[%parallel_loop3A_1138] {strides = array<i32>} : memref<2080xf32, #tpu.memory_space<vmem>>, vector<16xf32>,
        %parallel_loop3A_1140 = arith.constant 96 : i32
        %parallel_loop3A_1141 = arith.addi %parallel_loop3A_1045, %parallel_loop3A_1140 : i32
        %parallel_loop3A_1142 = arith.constant 16 : i32
        %parallel_loop3A_1143 = arith.addi %parallel_loop3A_1141, %parallel_loop3A_1142 : i32
        %parallel_loop3A_1144 = arith.index_cast %parallel_loop3A_1143 : i32 to index
        %parallel_loop3A_1145 = tpu.vector_load %arg13[%parallel_loop3A_1144] {strides = array<i32>} : memref<102400xf32, #tpu.memory_space<vmem>>, vector<16xf32>,
        tpu.vector_store %arg13[%parallel_loop3A_1144], %parallel_loop3A_1139 {strides = array<i32>} : memref<102400xf32, #tpu.memory_space<vmem>>, vector<16xf32>,
        %parallel_loop3A_1146 = arith.constant 16 : i32
        %parallel_loop3A_1147 = arith.muli %parallel_loop3A_42, %parallel_loop3A_1146 : i32
        %parallel_loop3A_1148 = arith.constant 10 : i32
        %parallel_loop3A_1149 = arith.addi %parallel_loop3A_1147, %parallel_loop3A_1148 : i32
        %parallel_loop3A_1150 = arith.constant 128 : i32
        %parallel_loop3A_1151 = arith.muli %parallel_loop3A_1149, %parallel_loop3A_1150 : i32
        %parallel_loop3A_1152 = arith.addi %mul3A_29, %parallel_loop3A_1151 : i32
        %parallel_loop3A_1153 = vector.extract_strided_slice %parallel_loop3A_54 {offsets = [10], sizes = [1], strides = [1]} : vector<16xi32> to vector<1xi32>
        %parallel_loop3A_1154 = vector.extract %parallel_loop3A_1153[0] : i32 from vector<1xi32>
        %parallel_loop3A_1155 = tpu.assume_multiple %parallel_loop3A_1154, 32 : i32
        %parallel_loop3A_1156 = arith.constant 0 : i32
        %parallel_loop3A_1157 = arith.addi %parallel_loop3A_1156, %parallel_loop3A_1155 : i32
        %parallel_loop3A_1158 = arith.constant 0 : i32
        %parallel_loop3A_1159 = arith.addi %parallel_loop3A_1157, %parallel_loop3A_1158 : i32
        %parallel_loop3A_1160 = arith.index_cast %parallel_loop3A_1159 : i32 to index
        %parallel_loop3A_1161 = tpu.vector_load %arg12[%parallel_loop3A_1160] {strides = array<i32>} : memref<2080xf32, #tpu.memory_space<vmem>>, vector<16xf32>,
        %parallel_loop3A_1162 = arith.constant 0 : i32
        %parallel_loop3A_1163 = arith.addi %parallel_loop3A_1152, %parallel_loop3A_1162 : i32
        %parallel_loop3A_1164 = arith.constant 0 : i32
        %parallel_loop3A_1165 = arith.addi %parallel_loop3A_1163, %parallel_loop3A_1164 : i32
        %parallel_loop3A_1166 = arith.index_cast %parallel_loop3A_1165 : i32 to index
        %parallel_loop3A_1167 = tpu.vector_load %arg13[%parallel_loop3A_1166] {strides = array<i32>} : memref<102400xf32, #tpu.memory_space<vmem>>, vector<16xf32>,
        tpu.vector_store %arg13[%parallel_loop3A_1166], %parallel_loop3A_1161 {strides = array<i32>} : memref<102400xf32, #tpu.memory_space<vmem>>, vector<16xf32>,
        %parallel_loop3A_1168 = arith.constant 16 : i32
        %parallel_loop3A_1169 = arith.addi %parallel_loop3A_1157, %parallel_loop3A_1168 : i32
        %parallel_loop3A_1170 = arith.index_cast %parallel_loop3A_1169 : i32 to index
        %parallel_loop3A_1171 = tpu.vector_load %arg12[%parallel_loop3A_1170] {strides = array<i32>} : memref<2080xf32, #tpu.memory_space<vmem>>, vector<16xf32>,
        %parallel_loop3A_1172 = arith.constant 0 : i32
        %parallel_loop3A_1173 = arith.addi %parallel_loop3A_1152, %parallel_loop3A_1172 : i32
        %parallel_loop3A_1174 = arith.constant 16 : i32
        %parallel_loop3A_1175 = arith.addi %parallel_loop3A_1173, %parallel_loop3A_1174 : i32
        %parallel_loop3A_1176 = arith.index_cast %parallel_loop3A_1175 : i32 to index
        %parallel_loop3A_1177 = tpu.vector_load %arg13[%parallel_loop3A_1176] {strides = array<i32>} : memref<102400xf32, #tpu.memory_space<vmem>>, vector<16xf32>,
        tpu.vector_store %arg13[%parallel_loop3A_1176], %parallel_loop3A_1171 {strides = array<i32>} : memref<102400xf32, #tpu.memory_space<vmem>>, vector<16xf32>,
        %parallel_loop3A_1178 = vector.extract_strided_slice %parallel_loop3A_61 {offsets = [10], sizes = [1], strides = [1]} : vector<16xi32> to vector<1xi32>
        %parallel_loop3A_1179 = vector.extract %parallel_loop3A_1178[0] : i32 from vector<1xi32>
        %parallel_loop3A_1180 = tpu.assume_multiple %parallel_loop3A_1179, 32 : i32
        %parallel_loop3A_1181 = arith.constant 640 : i32
        %parallel_loop3A_1182 = arith.addi %parallel_loop3A_1181, %parallel_loop3A_1180 : i32
        %parallel_loop3A_1183 = arith.constant 0 : i32
        %parallel_loop3A_1184 = arith.addi %parallel_loop3A_1182, %parallel_loop3A_1183 : i32
        %parallel_loop3A_1185 = arith.index_cast %parallel_loop3A_1184 : i32 to index
        %parallel_loop3A_1186 = tpu.vector_load %arg12[%parallel_loop3A_1185] {strides = array<i32>} : memref<2080xf32, #tpu.memory_space<vmem>>, vector<16xf32>,
        %parallel_loop3A_1187 = arith.constant 32 : i32
        %parallel_loop3A_1188 = arith.addi %parallel_loop3A_1152, %parallel_loop3A_1187 : i32
        %parallel_loop3A_1189 = arith.constant 0 : i32
        %parallel_loop3A_1190 = arith.addi %parallel_loop3A_1188, %parallel_loop3A_1189 : i32
        %parallel_loop3A_1191 = arith.index_cast %parallel_loop3A_1190 : i32 to index
        %parallel_loop3A_1192 = tpu.vector_load %arg13[%parallel_loop3A_1191] {strides = array<i32>} : memref<102400xf32, #tpu.memory_space<vmem>>, vector<16xf32>,
        tpu.vector_store %arg13[%parallel_loop3A_1191], %parallel_loop3A_1186 {strides = array<i32>} : memref<102400xf32, #tpu.memory_space<vmem>>, vector<16xf32>,
        %parallel_loop3A_1193 = arith.constant 16 : i32
        %parallel_loop3A_1194 = arith.addi %parallel_loop3A_1182, %parallel_loop3A_1193 : i32
        %parallel_loop3A_1195 = arith.index_cast %parallel_loop3A_1194 : i32 to index
        %parallel_loop3A_1196 = tpu.vector_load %arg12[%parallel_loop3A_1195] {strides = array<i32>} : memref<2080xf32, #tpu.memory_space<vmem>>, vector<16xf32>,
        %parallel_loop3A_1197 = arith.constant 32 : i32
        %parallel_loop3A_1198 = arith.addi %parallel_loop3A_1152, %parallel_loop3A_1197 : i32
        %parallel_loop3A_1199 = arith.constant 16 : i32
        %parallel_loop3A_1200 = arith.addi %parallel_loop3A_1198, %parallel_loop3A_1199 : i32
        %parallel_loop3A_1201 = arith.index_cast %parallel_loop3A_1200 : i32 to index
        %parallel_loop3A_1202 = tpu.vector_load %arg13[%parallel_loop3A_1201] {strides = array<i32>} : memref<102400xf32, #tpu.memory_space<vmem>>, vector<16xf32>,
        tpu.vector_store %arg13[%parallel_loop3A_1201], %parallel_loop3A_1196 {strides = array<i32>} : memref<102400xf32, #tpu.memory_space<vmem>>, vector<16xf32>,
        %parallel_loop3A_1203 = vector.extract_strided_slice %parallel_loop3A_68 {offsets = [10], sizes = [1], strides = [1]} : vector<16xi32> to vector<1xi32>
        %parallel_loop3A_1204 = vector.extract %parallel_loop3A_1203[0] : i32 from vector<1xi32>
        %parallel_loop3A_1205 = tpu.assume_multiple %parallel_loop3A_1204, 32 : i32
        %parallel_loop3A_1206 = arith.constant 960 : i32
        %parallel_loop3A_1207 = arith.addi %parallel_loop3A_1206, %parallel_loop3A_1205 : i32
        %parallel_loop3A_1208 = arith.constant 0 : i32
        %parallel_loop3A_1209 = arith.addi %parallel_loop3A_1207, %parallel_loop3A_1208 : i32
        %parallel_loop3A_1210 = arith.index_cast %parallel_loop3A_1209 : i32 to index
        %parallel_loop3A_1211 = tpu.vector_load %arg12[%parallel_loop3A_1210] {strides = array<i32>} : memref<2080xf32, #tpu.memory_space<vmem>>, vector<16xf32>,
        %parallel_loop3A_1212 = arith.constant 64 : i32
        %parallel_loop3A_1213 = arith.addi %parallel_loop3A_1152, %parallel_loop3A_1212 : i32
        %parallel_loop3A_1214 = arith.constant 0 : i32
        %parallel_loop3A_1215 = arith.addi %parallel_loop3A_1213, %parallel_loop3A_1214 : i32
        %parallel_loop3A_1216 = arith.index_cast %parallel_loop3A_1215 : i32 to index
        %parallel_loop3A_1217 = tpu.vector_load %arg13[%parallel_loop3A_1216] {strides = array<i32>} : memref<102400xf32, #tpu.memory_space<vmem>>, vector<16xf32>,
        tpu.vector_store %arg13[%parallel_loop3A_1216], %parallel_loop3A_1211 {strides = array<i32>} : memref<102400xf32, #tpu.memory_space<vmem>>, vector<16xf32>,
        %parallel_loop3A_1218 = arith.constant 16 : i32
        %parallel_loop3A_1219 = arith.addi %parallel_loop3A_1207, %parallel_loop3A_1218 : i32
        %parallel_loop3A_1220 = arith.index_cast %parallel_loop3A_1219 : i32 to index
        %parallel_loop3A_1221 = tpu.vector_load %arg12[%parallel_loop3A_1220] {strides = array<i32>} : memref<2080xf32, #tpu.memory_space<vmem>>, vector<16xf32>,
        %parallel_loop3A_1222 = arith.constant 64 : i32
        %parallel_loop3A_1223 = arith.addi %parallel_loop3A_1152, %parallel_loop3A_1222 : i32
        %parallel_loop3A_1224 = arith.constant 16 : i32
        %parallel_loop3A_1225 = arith.addi %parallel_loop3A_1223, %parallel_loop3A_1224 : i32
        %parallel_loop3A_1226 = arith.index_cast %parallel_loop3A_1225 : i32 to index
        %parallel_loop3A_1227 = tpu.vector_load %arg13[%parallel_loop3A_1226] {strides = array<i32>} : memref<102400xf32, #tpu.memory_space<vmem>>, vector<16xf32>,
        tpu.vector_store %arg13[%parallel_loop3A_1226], %parallel_loop3A_1221 {strides = array<i32>} : memref<102400xf32, #tpu.memory_space<vmem>>, vector<16xf32>,
        %parallel_loop3A_1228 = vector.extract_strided_slice %parallel_loop3A_75 {offsets = [10], sizes = [1], strides = [1]} : vector<16xi32> to vector<1xi32>
        %parallel_loop3A_1229 = vector.extract %parallel_loop3A_1228[0] : i32 from vector<1xi32>
        %parallel_loop3A_1230 = tpu.assume_multiple %parallel_loop3A_1229, 32 : i32
        %parallel_loop3A_1231 = arith.constant 1760 : i32
        %parallel_loop3A_1232 = arith.addi %parallel_loop3A_1231, %parallel_loop3A_1230 : i32
        %parallel_loop3A_1233 = arith.constant 0 : i32
        %parallel_loop3A_1234 = arith.addi %parallel_loop3A_1232, %parallel_loop3A_1233 : i32
        %parallel_loop3A_1235 = arith.index_cast %parallel_loop3A_1234 : i32 to index
        %parallel_loop3A_1236 = tpu.vector_load %arg12[%parallel_loop3A_1235] {strides = array<i32>} : memref<2080xf32, #tpu.memory_space<vmem>>, vector<16xf32>,
        %parallel_loop3A_1237 = arith.constant 96 : i32
        %parallel_loop3A_1238 = arith.addi %parallel_loop3A_1152, %parallel_loop3A_1237 : i32
        %parallel_loop3A_1239 = arith.constant 0 : i32
        %parallel_loop3A_1240 = arith.addi %parallel_loop3A_1238, %parallel_loop3A_1239 : i32
        %parallel_loop3A_1241 = arith.index_cast %parallel_loop3A_1240 : i32 to index
        %parallel_loop3A_1242 = tpu.vector_load %arg13[%parallel_loop3A_1241] {strides = array<i32>} : memref<102400xf32, #tpu.memory_space<vmem>>, vector<16xf32>,
        tpu.vector_store %arg13[%parallel_loop3A_1241], %parallel_loop3A_1236 {strides = array<i32>} : memref<102400xf32, #tpu.memory_space<vmem>>, vector<16xf32>,
        %parallel_loop3A_1243 = arith.constant 16 : i32
        %parallel_loop3A_1244 = arith.addi %parallel_loop3A_1232, %parallel_loop3A_1243 : i32
        %parallel_loop3A_1245 = arith.index_cast %parallel_loop3A_1244 : i32 to index
        %parallel_loop3A_1246 = tpu.vector_load %arg12[%parallel_loop3A_1245] {strides = array<i32>} : memref<2080xf32, #tpu.memory_space<vmem>>, vector<16xf32>,
        %parallel_loop3A_1247 = arith.constant 96 : i32
        %parallel_loop3A_1248 = arith.addi %parallel_loop3A_1152, %parallel_loop3A_1247 : i32
        %parallel_loop3A_1249 = arith.constant 16 : i32
        %parallel_loop3A_1250 = arith.addi %parallel_loop3A_1248, %parallel_loop3A_1249 : i32
        %parallel_loop3A_1251 = arith.index_cast %parallel_loop3A_1250 : i32 to index
        %parallel_loop3A_1252 = tpu.vector_load %arg13[%parallel_loop3A_1251] {strides = array<i32>} : memref<102400xf32, #tpu.memory_space<vmem>>, vector<16xf32>,
        tpu.vector_store %arg13[%parallel_loop3A_1251], %parallel_loop3A_1246 {strides = array<i32>} : memref<102400xf32, #tpu.memory_space<vmem>>, vector<16xf32>,
        %parallel_loop3A_1253 = arith.constant 16 : i32
        %parallel_loop3A_1254 = arith.muli %parallel_loop3A_42, %parallel_loop3A_1253 : i32
        %parallel_loop3A_1255 = arith.constant 11 : i32
        %parallel_loop3A_1256 = arith.addi %parallel_loop3A_1254, %parallel_loop3A_1255 : i32
        %parallel_loop3A_1257 = arith.constant 128 : i32
        %parallel_loop3A_1258 = arith.muli %parallel_loop3A_1256, %parallel_loop3A_1257 : i32
        %parallel_loop3A_1259 = arith.addi %mul3A_29, %parallel_loop3A_1258 : i32
        %parallel_loop3A_1260 = vector.extract_strided_slice %parallel_loop3A_54 {offsets = [11], sizes = [1], strides = [1]} : vector<16xi32> to vector<1xi32>
        %parallel_loop3A_1261 = vector.extract %parallel_loop3A_1260[0] : i32 from vector<1xi32>
        %parallel_loop3A_1262 = tpu.assume_multiple %parallel_loop3A_1261, 32 : i32
        %parallel_loop3A_1263 = arith.constant 0 : i32
        %parallel_loop3A_1264 = arith.addi %parallel_loop3A_1263, %parallel_loop3A_1262 : i32
        %parallel_loop3A_1265 = arith.constant 0 : i32
        %parallel_loop3A_1266 = arith.addi %parallel_loop3A_1264, %parallel_loop3A_1265 : i32
        %parallel_loop3A_1267 = arith.index_cast %parallel_loop3A_1266 : i32 to index
        %parallel_loop3A_1268 = tpu.vector_load %arg12[%parallel_loop3A_1267] {strides = array<i32>} : memref<2080xf32, #tpu.memory_space<vmem>>, vector<16xf32>,
        %parallel_loop3A_1269 = arith.constant 0 : i32
        %parallel_loop3A_1270 = arith.addi %parallel_loop3A_1259, %parallel_loop3A_1269 : i32
        %parallel_loop3A_1271 = arith.constant 0 : i32
        %parallel_loop3A_1272 = arith.addi %parallel_loop3A_1270, %parallel_loop3A_1271 : i32
        %parallel_loop3A_1273 = arith.index_cast %parallel_loop3A_1272 : i32 to index
        %parallel_loop3A_1274 = tpu.vector_load %arg13[%parallel_loop3A_1273] {strides = array<i32>} : memref<102400xf32, #tpu.memory_space<vmem>>, vector<16xf32>,
        tpu.vector_store %arg13[%parallel_loop3A_1273], %parallel_loop3A_1268 {strides = array<i32>} : memref<102400xf32, #tpu.memory_space<vmem>>, vector<16xf32>,
        %parallel_loop3A_1275 = arith.constant 16 : i32
        %parallel_loop3A_1276 = arith.addi %parallel_loop3A_1264, %parallel_loop3A_1275 : i32
        %parallel_loop3A_1277 = arith.index_cast %parallel_loop3A_1276 : i32 to index
        %parallel_loop3A_1278 = tpu.vector_load %arg12[%parallel_loop3A_1277] {strides = array<i32>} : memref<2080xf32, #tpu.memory_space<vmem>>, vector<16xf32>,
        %parallel_loop3A_1279 = arith.constant 0 : i32
        %parallel_loop3A_1280 = arith.addi %parallel_loop3A_1259, %parallel_loop3A_1279 : i32
        %parallel_loop3A_1281 = arith.constant 16 : i32
        %parallel_loop3A_1282 = arith.addi %parallel_loop3A_1280, %parallel_loop3A_1281 : i32
        %parallel_loop3A_1283 = arith.index_cast %parallel_loop3A_1282 : i32 to index
        %parallel_loop3A_1284 = tpu.vector_load %arg13[%parallel_loop3A_1283] {strides = array<i32>} : memref<102400xf32, #tpu.memory_space<vmem>>, vector<16xf32>,
        tpu.vector_store %arg13[%parallel_loop3A_1283], %parallel_loop3A_1278 {strides = array<i32>} : memref<102400xf32, #tpu.memory_space<vmem>>, vector<16xf32>,
        %parallel_loop3A_1285 = vector.extract_strided_slice %parallel_loop3A_61 {offsets = [11], sizes = [1], strides = [1]} : vector<16xi32> to vector<1xi32>
        %parallel_loop3A_1286 = vector.extract %parallel_loop3A_1285[0] : i32 from vector<1xi32>
        %parallel_loop3A_1287 = tpu.assume_multiple %parallel_loop3A_1286, 32 : i32
        %parallel_loop3A_1288 = arith.constant 640 : i32
        %parallel_loop3A_1289 = arith.addi %parallel_loop3A_1288, %parallel_loop3A_1287 : i32
        %parallel_loop3A_1290 = arith.constant 0 : i32
        %parallel_loop3A_1291 = arith.addi %parallel_loop3A_1289, %parallel_loop3A_1290 : i32
        %parallel_loop3A_1292 = arith.index_cast %parallel_loop3A_1291 : i32 to index
        %parallel_loop3A_1293 = tpu.vector_load %arg12[%parallel_loop3A_1292] {strides = array<i32>} : memref<2080xf32, #tpu.memory_space<vmem>>, vector<16xf32>,
        %parallel_loop3A_1294 = arith.constant 32 : i32
        %parallel_loop3A_1295 = arith.addi %parallel_loop3A_1259, %parallel_loop3A_1294 : i32
        %parallel_loop3A_1296 = arith.constant 0 : i32
        %parallel_loop3A_1297 = arith.addi %parallel_loop3A_1295, %parallel_loop3A_1296 : i32
        %parallel_loop3A_1298 = arith.index_cast %parallel_loop3A_1297 : i32 to index
        %parallel_loop3A_1299 = tpu.vector_load %arg13[%parallel_loop3A_1298] {strides = array<i32>} : memref<102400xf32, #tpu.memory_space<vmem>>, vector<16xf32>,
        tpu.vector_store %arg13[%parallel_loop3A_1298], %parallel_loop3A_1293 {strides = array<i32>} : memref<102400xf32, #tpu.memory_space<vmem>>, vector<16xf32>,
        %parallel_loop3A_1300 = arith.constant 16 : i32
        %parallel_loop3A_1301 = arith.addi %parallel_loop3A_1289, %parallel_loop3A_1300 : i32
        %parallel_loop3A_1302 = arith.index_cast %parallel_loop3A_1301 : i32 to index
        %parallel_loop3A_1303 = tpu.vector_load %arg12[%parallel_loop3A_1302] {strides = array<i32>} : memref<2080xf32, #tpu.memory_space<vmem>>, vector<16xf32>,
        %parallel_loop3A_1304 = arith.constant 32 : i32
        %parallel_loop3A_1305 = arith.addi %parallel_loop3A_1259, %parallel_loop3A_1304 : i32
        %parallel_loop3A_1306 = arith.constant 16 : i32
        %parallel_loop3A_1307 = arith.addi %parallel_loop3A_1305, %parallel_loop3A_1306 : i32
        %parallel_loop3A_1308 = arith.index_cast %parallel_loop3A_1307 : i32 to index
        %parallel_loop3A_1309 = tpu.vector_load %arg13[%parallel_loop3A_1308] {strides = array<i32>} : memref<102400xf32, #tpu.memory_space<vmem>>, vector<16xf32>,
        tpu.vector_store %arg13[%parallel_loop3A_1308], %parallel_loop3A_1303 {strides = array<i32>} : memref<102400xf32, #tpu.memory_space<vmem>>, vector<16xf32>,
        %parallel_loop3A_1310 = vector.extract_strided_slice %parallel_loop3A_68 {offsets = [11], sizes = [1], strides = [1]} : vector<16xi32> to vector<1xi32>
        %parallel_loop3A_1311 = vector.extract %parallel_loop3A_1310[0] : i32 from vector<1xi32>
        %parallel_loop3A_1312 = tpu.assume_multiple %parallel_loop3A_1311, 32 : i32
        %parallel_loop3A_1313 = arith.constant 960 : i32
        %parallel_loop3A_1314 = arith.addi %parallel_loop3A_1313, %parallel_loop3A_1312 : i32
        %parallel_loop3A_1315 = arith.constant 0 : i32
        %parallel_loop3A_1316 = arith.addi %parallel_loop3A_1314, %parallel_loop3A_1315 : i32
        %parallel_loop3A_1317 = arith.index_cast %parallel_loop3A_1316 : i32 to index
        %parallel_loop3A_1318 = tpu.vector_load %arg12[%parallel_loop3A_1317] {strides = array<i32>} : memref<2080xf32, #tpu.memory_space<vmem>>, vector<16xf32>,
        %parallel_loop3A_1319 = arith.constant 64 : i32
        %parallel_loop3A_1320 = arith.addi %parallel_loop3A_1259, %parallel_loop3A_1319 : i32
        %parallel_loop3A_1321 = arith.constant 0 : i32
        %parallel_loop3A_1322 = arith.addi %parallel_loop3A_1320, %parallel_loop3A_1321 : i32
        %parallel_loop3A_1323 = arith.index_cast %parallel_loop3A_1322 : i32 to index
        %parallel_loop3A_1324 = tpu.vector_load %arg13[%parallel_loop3A_1323] {strides = array<i32>} : memref<102400xf32, #tpu.memory_space<vmem>>, vector<16xf32>,
        tpu.vector_store %arg13[%parallel_loop3A_1323], %parallel_loop3A_1318 {strides = array<i32>} : memref<102400xf32, #tpu.memory_space<vmem>>, vector<16xf32>,
        %parallel_loop3A_1325 = arith.constant 16 : i32
        %parallel_loop3A_1326 = arith.addi %parallel_loop3A_1314, %parallel_loop3A_1325 : i32
        %parallel_loop3A_1327 = arith.index_cast %parallel_loop3A_1326 : i32 to index
        %parallel_loop3A_1328 = tpu.vector_load %arg12[%parallel_loop3A_1327] {strides = array<i32>} : memref<2080xf32, #tpu.memory_space<vmem>>, vector<16xf32>,
        %parallel_loop3A_1329 = arith.constant 64 : i32
        %parallel_loop3A_1330 = arith.addi %parallel_loop3A_1259, %parallel_loop3A_1329 : i32
        %parallel_loop3A_1331 = arith.constant 16 : i32
        %parallel_loop3A_1332 = arith.addi %parallel_loop3A_1330, %parallel_loop3A_1331 : i32
        %parallel_loop3A_1333 = arith.index_cast %parallel_loop3A_1332 : i32 to index
        %parallel_loop3A_1334 = tpu.vector_load %arg13[%parallel_loop3A_1333] {strides = array<i32>} : memref<102400xf32, #tpu.memory_space<vmem>>, vector<16xf32>,
        tpu.vector_store %arg13[%parallel_loop3A_1333], %parallel_loop3A_1328 {strides = array<i32>} : memref<102400xf32, #tpu.memory_space<vmem>>, vector<16xf32>,
        %parallel_loop3A_1335 = vector.extract_strided_slice %parallel_loop3A_75 {offsets = [11], sizes = [1], strides = [1]} : vector<16xi32> to vector<1xi32>
        %parallel_loop3A_1336 = vector.extract %parallel_loop3A_1335[0] : i32 from vector<1xi32>
        %parallel_loop3A_1337 = tpu.assume_multiple %parallel_loop3A_1336, 32 : i32
        %parallel_loop3A_1338 = arith.constant 1760 : i32
        %parallel_loop3A_1339 = arith.addi %parallel_loop3A_1338, %parallel_loop3A_1337 : i32
        %parallel_loop3A_1340 = arith.constant 0 : i32
        %parallel_loop3A_1341 = arith.addi %parallel_loop3A_1339, %parallel_loop3A_1340 : i32
        %parallel_loop3A_1342 = arith.index_cast %parallel_loop3A_1341 : i32 to index
        %parallel_loop3A_1343 = tpu.vector_load %arg12[%parallel_loop3A_1342] {strides = array<i32>} : memref<2080xf32, #tpu.memory_space<vmem>>, vector<16xf32>,
        %parallel_loop3A_1344 = arith.constant 96 : i32
        %parallel_loop3A_1345 = arith.addi %parallel_loop3A_1259, %parallel_loop3A_1344 : i32
        %parallel_loop3A_1346 = arith.constant 0 : i32
        %parallel_loop3A_1347 = arith.addi %parallel_loop3A_1345, %parallel_loop3A_1346 : i32
        %parallel_loop3A_1348 = arith.index_cast %parallel_loop3A_1347 : i32 to index
        %parallel_loop3A_1349 = tpu.vector_load %arg13[%parallel_loop3A_1348] {strides = array<i32>} : memref<102400xf32, #tpu.memory_space<vmem>>, vector<16xf32>,
        tpu.vector_store %arg13[%parallel_loop3A_1348], %parallel_loop3A_1343 {strides = array<i32>} : memref<102400xf32, #tpu.memory_space<vmem>>, vector<16xf32>,
        %parallel_loop3A_1350 = arith.constant 16 : i32
        %parallel_loop3A_1351 = arith.addi %parallel_loop3A_1339, %parallel_loop3A_1350 : i32
        %parallel_loop3A_1352 = arith.index_cast %parallel_loop3A_1351 : i32 to index
        %parallel_loop3A_1353 = tpu.vector_load %arg12[%parallel_loop3A_1352] {strides = array<i32>} : memref<2080xf32, #tpu.memory_space<vmem>>, vector<16xf32>,
        %parallel_loop3A_1354 = arith.constant 96 : i32
        %parallel_loop3A_1355 = arith.addi %parallel_loop3A_1259, %parallel_loop3A_1354 : i32
        %parallel_loop3A_1356 = arith.constant 16 : i32
        %parallel_loop3A_1357 = arith.addi %parallel_loop3A_1355, %parallel_loop3A_1356 : i32
        %parallel_loop3A_1358 = arith.index_cast %parallel_loop3A_1357 : i32 to index
        %parallel_loop3A_1359 = tpu.vector_load %arg13[%parallel_loop3A_1358] {strides = array<i32>} : memref<102400xf32, #tpu.memory_space<vmem>>, vector<16xf32>,
        tpu.vector_store %arg13[%parallel_loop3A_1358], %parallel_loop3A_1353 {strides = array<i32>} : memref<102400xf32, #tpu.memory_space<vmem>>, vector<16xf32>,
        %parallel_loop3A_1360 = arith.constant 16 : i32
        %parallel_loop3A_1361 = arith.muli %parallel_loop3A_42, %parallel_loop3A_1360 : i32
        %parallel_loop3A_1362 = arith.constant 12 : i32
        %parallel_loop3A_1363 = arith.addi %parallel_loop3A_1361, %parallel_loop3A_1362 : i32
        %parallel_loop3A_1364 = arith.constant 128 : i32
        %parallel_loop3A_1365 = arith.muli %parallel_loop3A_1363, %parallel_loop3A_1364 : i32
        %parallel_loop3A_1366 = arith.addi %mul3A_29, %parallel_loop3A_1365 : i32
        %parallel_loop3A_1367 = vector.extract_strided_slice %parallel_loop3A_54 {offsets = [12], sizes = [1], strides = [1]} : vector<16xi32> to vector<1xi32>
        %parallel_loop3A_1368 = vector.extract %parallel_loop3A_1367[0] : i32 from vector<1xi32>
        %parallel_loop3A_1369 = tpu.assume_multiple %parallel_loop3A_1368, 32 : i32
        %parallel_loop3A_1370 = arith.constant 0 : i32
        %parallel_loop3A_1371 = arith.addi %parallel_loop3A_1370, %parallel_loop3A_1369 : i32
        %parallel_loop3A_1372 = arith.constant 0 : i32
        %parallel_loop3A_1373 = arith.addi %parallel_loop3A_1371, %parallel_loop3A_1372 : i32
        %parallel_loop3A_1374 = arith.index_cast %parallel_loop3A_1373 : i32 to index
        %parallel_loop3A_1375 = tpu.vector_load %arg12[%parallel_loop3A_1374] {strides = array<i32>} : memref<2080xf32, #tpu.memory_space<vmem>>, vector<16xf32>,
        %parallel_loop3A_1376 = arith.constant 0 : i32
        %parallel_loop3A_1377 = arith.addi %parallel_loop3A_1366, %parallel_loop3A_1376 : i32
        %parallel_loop3A_1378 = arith.constant 0 : i32
        %parallel_loop3A_1379 = arith.addi %parallel_loop3A_1377, %parallel_loop3A_1378 : i32
        %parallel_loop3A_1380 = arith.index_cast %parallel_loop3A_1379 : i32 to index
        %parallel_loop3A_1381 = tpu.vector_load %arg13[%parallel_loop3A_1380] {strides = array<i32>} : memref<102400xf32, #tpu.memory_space<vmem>>, vector<16xf32>,
        tpu.vector_store %arg13[%parallel_loop3A_1380], %parallel_loop3A_1375 {strides = array<i32>} : memref<102400xf32, #tpu.memory_space<vmem>>, vector<16xf32>,
        %parallel_loop3A_1382 = arith.constant 16 : i32
        %parallel_loop3A_1383 = arith.addi %parallel_loop3A_1371, %parallel_loop3A_1382 : i32
        %parallel_loop3A_1384 = arith.index_cast %parallel_loop3A_1383 : i32 to index
        %parallel_loop3A_1385 = tpu.vector_load %arg12[%parallel_loop3A_1384] {strides = array<i32>} : memref<2080xf32, #tpu.memory_space<vmem>>, vector<16xf32>,
        %parallel_loop3A_1386 = arith.constant 0 : i32
        %parallel_loop3A_1387 = arith.addi %parallel_loop3A_1366, %parallel_loop3A_1386 : i32
        %parallel_loop3A_1388 = arith.constant 16 : i32
        %parallel_loop3A_1389 = arith.addi %parallel_loop3A_1387, %parallel_loop3A_1388 : i32
        %parallel_loop3A_1390 = arith.index_cast %parallel_loop3A_1389 : i32 to index
        %parallel_loop3A_1391 = tpu.vector_load %arg13[%parallel_loop3A_1390] {strides = array<i32>} : memref<102400xf32, #tpu.memory_space<vmem>>, vector<16xf32>,
        tpu.vector_store %arg13[%parallel_loop3A_1390], %parallel_loop3A_1385 {strides = array<i32>} : memref<102400xf32, #tpu.memory_space<vmem>>, vector<16xf32>,
        %parallel_loop3A_1392 = vector.extract_strided_slice %parallel_loop3A_61 {offsets = [12], sizes = [1], strides = [1]} : vector<16xi32> to vector<1xi32>
        %parallel_loop3A_1393 = vector.extract %parallel_loop3A_1392[0] : i32 from vector<1xi32>
        %parallel_loop3A_1394 = tpu.assume_multiple %parallel_loop3A_1393, 32 : i32
        %parallel_loop3A_1395 = arith.constant 640 : i32
        %parallel_loop3A_1396 = arith.addi %parallel_loop3A_1395, %parallel_loop3A_1394 : i32
        %parallel_loop3A_1397 = arith.constant 0 : i32
        %parallel_loop3A_1398 = arith.addi %parallel_loop3A_1396, %parallel_loop3A_1397 : i32
        %parallel_loop3A_1399 = arith.index_cast %parallel_loop3A_1398 : i32 to index
        %parallel_loop3A_1400 = tpu.vector_load %arg12[%parallel_loop3A_1399] {strides = array<i32>} : memref<2080xf32, #tpu.memory_space<vmem>>, vector<16xf32>,
        %parallel_loop3A_1401 = arith.constant 32 : i32
        %parallel_loop3A_1402 = arith.addi %parallel_loop3A_1366, %parallel_loop3A_1401 : i32
        %parallel_loop3A_1403 = arith.constant 0 : i32
        %parallel_loop3A_1404 = arith.addi %parallel_loop3A_1402, %parallel_loop3A_1403 : i32
        %parallel_loop3A_1405 = arith.index_cast %parallel_loop3A_1404 : i32 to index
        %parallel_loop3A_1406 = tpu.vector_load %arg13[%parallel_loop3A_1405] {strides = array<i32>} : memref<102400xf32, #tpu.memory_space<vmem>>, vector<16xf32>,
        tpu.vector_store %arg13[%parallel_loop3A_1405], %parallel_loop3A_1400 {strides = array<i32>} : memref<102400xf32, #tpu.memory_space<vmem>>, vector<16xf32>,
        %parallel_loop3A_1407 = arith.constant 16 : i32
        %parallel_loop3A_1408 = arith.addi %parallel_loop3A_1396, %parallel_loop3A_1407 : i32
        %parallel_loop3A_1409 = arith.index_cast %parallel_loop3A_1408 : i32 to index
        %parallel_loop3A_1410 = tpu.vector_load %arg12[%parallel_loop3A_1409] {strides = array<i32>} : memref<2080xf32, #tpu.memory_space<vmem>>, vector<16xf32>,
        %parallel_loop3A_1411 = arith.constant 32 : i32
        %parallel_loop3A_1412 = arith.addi %parallel_loop3A_1366, %parallel_loop3A_1411 : i32
        %parallel_loop3A_1413 = arith.constant 16 : i32
        %parallel_loop3A_1414 = arith.addi %parallel_loop3A_1412, %parallel_loop3A_1413 : i32
        %parallel_loop3A_1415 = arith.index_cast %parallel_loop3A_1414 : i32 to index
        %parallel_loop3A_1416 = tpu.vector_load %arg13[%parallel_loop3A_1415] {strides = array<i32>} : memref<102400xf32, #tpu.memory_space<vmem>>, vector<16xf32>,
        tpu.vector_store %arg13[%parallel_loop3A_1415], %parallel_loop3A_1410 {strides = array<i32>} : memref<102400xf32, #tpu.memory_space<vmem>>, vector<16xf32>,
        %parallel_loop3A_1417 = vector.extract_strided_slice %parallel_loop3A_68 {offsets = [12], sizes = [1], strides = [1]} : vector<16xi32> to vector<1xi32>
        %parallel_loop3A_1418 = vector.extract %parallel_loop3A_1417[0] : i32 from vector<1xi32>
        %parallel_loop3A_1419 = tpu.assume_multiple %parallel_loop3A_1418, 32 : i32
        %parallel_loop3A_1420 = arith.constant 960 : i32
        %parallel_loop3A_1421 = arith.addi %parallel_loop3A_1420, %parallel_loop3A_1419 : i32
        %parallel_loop3A_1422 = arith.constant 0 : i32
        %parallel_loop3A_1423 = arith.addi %parallel_loop3A_1421, %parallel_loop3A_1422 : i32
        %parallel_loop3A_1424 = arith.index_cast %parallel_loop3A_1423 : i32 to index
        %parallel_loop3A_1425 = tpu.vector_load %arg12[%parallel_loop3A_1424] {strides = array<i32>} : memref<2080xf32, #tpu.memory_space<vmem>>, vector<16xf32>,
        %parallel_loop3A_1426 = arith.constant 64 : i32
        %parallel_loop3A_1427 = arith.addi %parallel_loop3A_1366, %parallel_loop3A_1426 : i32
        %parallel_loop3A_1428 = arith.constant 0 : i32
        %parallel_loop3A_1429 = arith.addi %parallel_loop3A_1427, %parallel_loop3A_1428 : i32
        %parallel_loop3A_1430 = arith.index_cast %parallel_loop3A_1429 : i32 to index
        %parallel_loop3A_1431 = tpu.vector_load %arg13[%parallel_loop3A_1430] {strides = array<i32>} : memref<102400xf32, #tpu.memory_space<vmem>>, vector<16xf32>,
        tpu.vector_store %arg13[%parallel_loop3A_1430], %parallel_loop3A_1425 {strides = array<i32>} : memref<102400xf32, #tpu.memory_space<vmem>>, vector<16xf32>,
        %parallel_loop3A_1432 = arith.constant 16 : i32
        %parallel_loop3A_1433 = arith.addi %parallel_loop3A_1421, %parallel_loop3A_1432 : i32
        %parallel_loop3A_1434 = arith.index_cast %parallel_loop3A_1433 : i32 to index
        %parallel_loop3A_1435 = tpu.vector_load %arg12[%parallel_loop3A_1434] {strides = array<i32>} : memref<2080xf32, #tpu.memory_space<vmem>>, vector<16xf32>,
        %parallel_loop3A_1436 = arith.constant 64 : i32
        %parallel_loop3A_1437 = arith.addi %parallel_loop3A_1366, %parallel_loop3A_1436 : i32
        %parallel_loop3A_1438 = arith.constant 16 : i32
        %parallel_loop3A_1439 = arith.addi %parallel_loop3A_1437, %parallel_loop3A_1438 : i32
        %parallel_loop3A_1440 = arith.index_cast %parallel_loop3A_1439 : i32 to index
        %parallel_loop3A_1441 = tpu.vector_load %arg13[%parallel_loop3A_1440] {strides = array<i32>} : memref<102400xf32, #tpu.memory_space<vmem>>, vector<16xf32>,
        tpu.vector_store %arg13[%parallel_loop3A_1440], %parallel_loop3A_1435 {strides = array<i32>} : memref<102400xf32, #tpu.memory_space<vmem>>, vector<16xf32>,
        %parallel_loop3A_1442 = vector.extract_strided_slice %parallel_loop3A_75 {offsets = [12], sizes = [1], strides = [1]} : vector<16xi32> to vector<1xi32>
        %parallel_loop3A_1443 = vector.extract %parallel_loop3A_1442[0] : i32 from vector<1xi32>
        %parallel_loop3A_1444 = tpu.assume_multiple %parallel_loop3A_1443, 32 : i32
        %parallel_loop3A_1445 = arith.constant 1760 : i32
        %parallel_loop3A_1446 = arith.addi %parallel_loop3A_1445, %parallel_loop3A_1444 : i32
        %parallel_loop3A_1447 = arith.constant 0 : i32
        %parallel_loop3A_1448 = arith.addi %parallel_loop3A_1446, %parallel_loop3A_1447 : i32
        %parallel_loop3A_1449 = arith.index_cast %parallel_loop3A_1448 : i32 to index
        %parallel_loop3A_1450 = tpu.vector_load %arg12[%parallel_loop3A_1449] {strides = array<i32>} : memref<2080xf32, #tpu.memory_space<vmem>>, vector<16xf32>,
        %parallel_loop3A_1451 = arith.constant 96 : i32
        %parallel_loop3A_1452 = arith.addi %parallel_loop3A_1366, %parallel_loop3A_1451 : i32
        %parallel_loop3A_1453 = arith.constant 0 : i32
        %parallel_loop3A_1454 = arith.addi %parallel_loop3A_1452, %parallel_loop3A_1453 : i32
        %parallel_loop3A_1455 = arith.index_cast %parallel_loop3A_1454 : i32 to index
        %parallel_loop3A_1456 = tpu.vector_load %arg13[%parallel_loop3A_1455] {strides = array<i32>} : memref<102400xf32, #tpu.memory_space<vmem>>, vector<16xf32>,
        tpu.vector_store %arg13[%parallel_loop3A_1455], %parallel_loop3A_1450 {strides = array<i32>} : memref<102400xf32, #tpu.memory_space<vmem>>, vector<16xf32>,
        %parallel_loop3A_1457 = arith.constant 16 : i32
        %parallel_loop3A_1458 = arith.addi %parallel_loop3A_1446, %parallel_loop3A_1457 : i32
        %parallel_loop3A_1459 = arith.index_cast %parallel_loop3A_1458 : i32 to index
        %parallel_loop3A_1460 = tpu.vector_load %arg12[%parallel_loop3A_1459] {strides = array<i32>} : memref<2080xf32, #tpu.memory_space<vmem>>, vector<16xf32>,
        %parallel_loop3A_1461 = arith.constant 96 : i32
        %parallel_loop3A_1462 = arith.addi %parallel_loop3A_1366, %parallel_loop3A_1461 : i32
        %parallel_loop3A_1463 = arith.constant 16 : i32
        %parallel_loop3A_1464 = arith.addi %parallel_loop3A_1462, %parallel_loop3A_1463 : i32
        %parallel_loop3A_1465 = arith.index_cast %parallel_loop3A_1464 : i32 to index
        %parallel_loop3A_1466 = tpu.vector_load %arg13[%parallel_loop3A_1465] {strides = array<i32>} : memref<102400xf32, #tpu.memory_space<vmem>>, vector<16xf32>,
        tpu.vector_store %arg13[%parallel_loop3A_1465], %parallel_loop3A_1460 {strides = array<i32>} : memref<102400xf32, #tpu.memory_space<vmem>>, vector<16xf32>,
        %parallel_loop3A_1467 = arith.constant 16 : i32
        %parallel_loop3A_1468 = arith.muli %parallel_loop3A_42, %parallel_loop3A_1467 : i32
        %parallel_loop3A_1469 = arith.constant 13 : i32
        %parallel_loop3A_1470 = arith.addi %parallel_loop3A_1468, %parallel_loop3A_1469 : i32
        %parallel_loop3A_1471 = arith.constant 128 : i32
        %parallel_loop3A_1472 = arith.muli %parallel_loop3A_1470, %parallel_loop3A_1471 : i32
        %parallel_loop3A_1473 = arith.addi %mul3A_29, %parallel_loop3A_1472 : i32
        %parallel_loop3A_1474 = vector.extract_strided_slice %parallel_loop3A_54 {offsets = [13], sizes = [1], strides = [1]} : vector<16xi32> to vector<1xi32>
        %parallel_loop3A_1475 = vector.extract %parallel_loop3A_1474[0] : i32 from vector<1xi32>
        %parallel_loop3A_1476 = tpu.assume_multiple %parallel_loop3A_1475, 32 : i32
        %parallel_loop3A_1477 = arith.constant 0 : i32
        %parallel_loop3A_1478 = arith.addi %parallel_loop3A_1477, %parallel_loop3A_1476 : i32
        %parallel_loop3A_1479 = arith.constant 0 : i32
        %parallel_loop3A_1480 = arith.addi %parallel_loop3A_1478, %parallel_loop3A_1479 : i32
        %parallel_loop3A_1481 = arith.index_cast %parallel_loop3A_1480 : i32 to index
        %parallel_loop3A_1482 = tpu.vector_load %arg12[%parallel_loop3A_1481] {strides = array<i32>} : memref<2080xf32, #tpu.memory_space<vmem>>, vector<16xf32>,
        %parallel_loop3A_1483 = arith.constant 0 : i32
        %parallel_loop3A_1484 = arith.addi %parallel_loop3A_1473, %parallel_loop3A_1483 : i32
        %parallel_loop3A_1485 = arith.constant 0 : i32
        %parallel_loop3A_1486 = arith.addi %parallel_loop3A_1484, %parallel_loop3A_1485 : i32
        %parallel_loop3A_1487 = arith.index_cast %parallel_loop3A_1486 : i32 to index
        %parallel_loop3A_1488 = tpu.vector_load %arg13[%parallel_loop3A_1487] {strides = array<i32>} : memref<102400xf32, #tpu.memory_space<vmem>>, vector<16xf32>,
        tpu.vector_store %arg13[%parallel_loop3A_1487], %parallel_loop3A_1482 {strides = array<i32>} : memref<102400xf32, #tpu.memory_space<vmem>>, vector<16xf32>,
        %parallel_loop3A_1489 = arith.constant 16 : i32
        %parallel_loop3A_1490 = arith.addi %parallel_loop3A_1478, %parallel_loop3A_1489 : i32
        %parallel_loop3A_1491 = arith.index_cast %parallel_loop3A_1490 : i32 to index
        %parallel_loop3A_1492 = tpu.vector_load %arg12[%parallel_loop3A_1491] {strides = array<i32>} : memref<2080xf32, #tpu.memory_space<vmem>>, vector<16xf32>,
        %parallel_loop3A_1493 = arith.constant 0 : i32
        %parallel_loop3A_1494 = arith.addi %parallel_loop3A_1473, %parallel_loop3A_1493 : i32
        %parallel_loop3A_1495 = arith.constant 16 : i32
        %parallel_loop3A_1496 = arith.addi %parallel_loop3A_1494, %parallel_loop3A_1495 : i32
        %parallel_loop3A_1497 = arith.index_cast %parallel_loop3A_1496 : i32 to index
        %parallel_loop3A_1498 = tpu.vector_load %arg13[%parallel_loop3A_1497] {strides = array<i32>} : memref<102400xf32, #tpu.memory_space<vmem>>, vector<16xf32>,
        tpu.vector_store %arg13[%parallel_loop3A_1497], %parallel_loop3A_1492 {strides = array<i32>} : memref<102400xf32, #tpu.memory_space<vmem>>, vector<16xf32>,
        %parallel_loop3A_1499 = vector.extract_strided_slice %parallel_loop3A_61 {offsets = [13], sizes = [1], strides = [1]} : vector<16xi32> to vector<1xi32>
        %parallel_loop3A_1500 = vector.extract %parallel_loop3A_1499[0] : i32 from vector<1xi32>
        %parallel_loop3A_1501 = tpu.assume_multiple %parallel_loop3A_1500, 32 : i32
        %parallel_loop3A_1502 = arith.constant 640 : i32
        %parallel_loop3A_1503 = arith.addi %parallel_loop3A_1502, %parallel_loop3A_1501 : i32
        %parallel_loop3A_1504 = arith.constant 0 : i32
        %parallel_loop3A_1505 = arith.addi %parallel_loop3A_1503, %parallel_loop3A_1504 : i32
        %parallel_loop3A_1506 = arith.index_cast %parallel_loop3A_1505 : i32 to index
        %parallel_loop3A_1507 = tpu.vector_load %arg12[%parallel_loop3A_1506] {strides = array<i32>} : memref<2080xf32, #tpu.memory_space<vmem>>, vector<16xf32>,
        %parallel_loop3A_1508 = arith.constant 32 : i32
        %parallel_loop3A_1509 = arith.addi %parallel_loop3A_1473, %parallel_loop3A_1508 : i32
        %parallel_loop3A_1510 = arith.constant 0 : i32
        %parallel_loop3A_1511 = arith.addi %parallel_loop3A_1509, %parallel_loop3A_1510 : i32
        %parallel_loop3A_1512 = arith.index_cast %parallel_loop3A_1511 : i32 to index
        %parallel_loop3A_1513 = tpu.vector_load %arg13[%parallel_loop3A_1512] {strides = array<i32>} : memref<102400xf32, #tpu.memory_space<vmem>>, vector<16xf32>,
        tpu.vector_store %arg13[%parallel_loop3A_1512], %parallel_loop3A_1507 {strides = array<i32>} : memref<102400xf32, #tpu.memory_space<vmem>>, vector<16xf32>,
        %parallel_loop3A_1514 = arith.constant 16 : i32
        %parallel_loop3A_1515 = arith.addi %parallel_loop3A_1503, %parallel_loop3A_1514 : i32
        %parallel_loop3A_1516 = arith.index_cast %parallel_loop3A_1515 : i32 to index
        %parallel_loop3A_1517 = tpu.vector_load %arg12[%parallel_loop3A_1516] {strides = array<i32>} : memref<2080xf32, #tpu.memory_space<vmem>>, vector<16xf32>,
        %parallel_loop3A_1518 = arith.constant 32 : i32
        %parallel_loop3A_1519 = arith.addi %parallel_loop3A_1473, %parallel_loop3A_1518 : i32
        %parallel_loop3A_1520 = arith.constant 16 : i32
        %parallel_loop3A_1521 = arith.addi %parallel_loop3A_1519, %parallel_loop3A_1520 : i32
        %parallel_loop3A_1522 = arith.index_cast %parallel_loop3A_1521 : i32 to index
        %parallel_loop3A_1523 = tpu.vector_load %arg13[%parallel_loop3A_1522] {strides = array<i32>} : memref<102400xf32, #tpu.memory_space<vmem>>, vector<16xf32>,
        tpu.vector_store %arg13[%parallel_loop3A_1522], %parallel_loop3A_1517 {strides = array<i32>} : memref<102400xf32, #tpu.memory_space<vmem>>, vector<16xf32>,
        %parallel_loop3A_1524 = vector.extract_strided_slice %parallel_loop3A_68 {offsets = [13], sizes = [1], strides = [1]} : vector<16xi32> to vector<1xi32>
        %parallel_loop3A_1525 = vector.extract %parallel_loop3A_1524[0] : i32 from vector<1xi32>
        %parallel_loop3A_1526 = tpu.assume_multiple %parallel_loop3A_1525, 32 : i32
        %parallel_loop3A_1527 = arith.constant 960 : i32
        %parallel_loop3A_1528 = arith.addi %parallel_loop3A_1527, %parallel_loop3A_1526 : i32
        %parallel_loop3A_1529 = arith.constant 0 : i32
        %parallel_loop3A_1530 = arith.addi %parallel_loop3A_1528, %parallel_loop3A_1529 : i32
        %parallel_loop3A_1531 = arith.index_cast %parallel_loop3A_1530 : i32 to index
        %parallel_loop3A_1532 = tpu.vector_load %arg12[%parallel_loop3A_1531] {strides = array<i32>} : memref<2080xf32, #tpu.memory_space<vmem>>, vector<16xf32>,
        %parallel_loop3A_1533 = arith.constant 64 : i32
        %parallel_loop3A_1534 = arith.addi %parallel_loop3A_1473, %parallel_loop3A_1533 : i32
        %parallel_loop3A_1535 = arith.constant 0 : i32
        %parallel_loop3A_1536 = arith.addi %parallel_loop3A_1534, %parallel_loop3A_1535 : i32
        %parallel_loop3A_1537 = arith.index_cast %parallel_loop3A_1536 : i32 to index
        %parallel_loop3A_1538 = tpu.vector_load %arg13[%parallel_loop3A_1537] {strides = array<i32>} : memref<102400xf32, #tpu.memory_space<vmem>>, vector<16xf32>,
        tpu.vector_store %arg13[%parallel_loop3A_1537], %parallel_loop3A_1532 {strides = array<i32>} : memref<102400xf32, #tpu.memory_space<vmem>>, vector<16xf32>,
        %parallel_loop3A_1539 = arith.constant 16 : i32
        %parallel_loop3A_1540 = arith.addi %parallel_loop3A_1528, %parallel_loop3A_1539 : i32
        %parallel_loop3A_1541 = arith.index_cast %parallel_loop3A_1540 : i32 to index
        %parallel_loop3A_1542 = tpu.vector_load %arg12[%parallel_loop3A_1541] {strides = array<i32>} : memref<2080xf32, #tpu.memory_space<vmem>>, vector<16xf32>,
        %parallel_loop3A_1543 = arith.constant 64 : i32
        %parallel_loop3A_1544 = arith.addi %parallel_loop3A_1473, %parallel_loop3A_1543 : i32
        %parallel_loop3A_1545 = arith.constant 16 : i32
        %parallel_loop3A_1546 = arith.addi %parallel_loop3A_1544, %parallel_loop3A_1545 : i32
        %parallel_loop3A_1547 = arith.index_cast %parallel_loop3A_1546 : i32 to index
        %parallel_loop3A_1548 = tpu.vector_load %arg13[%parallel_loop3A_1547] {strides = array<i32>} : memref<102400xf32, #tpu.memory_space<vmem>>, vector<16xf32>,
        tpu.vector_store %arg13[%parallel_loop3A_1547], %parallel_loop3A_1542 {strides = array<i32>} : memref<102400xf32, #tpu.memory_space<vmem>>, vector<16xf32>,
        %parallel_loop3A_1549 = vector.extract_strided_slice %parallel_loop3A_75 {offsets = [13], sizes = [1], strides = [1]} : vector<16xi32> to vector<1xi32>
        %parallel_loop3A_1550 = vector.extract %parallel_loop3A_1549[0] : i32 from vector<1xi32>
        %parallel_loop3A_1551 = tpu.assume_multiple %parallel_loop3A_1550, 32 : i32
        %parallel_loop3A_1552 = arith.constant 1760 : i32
        %parallel_loop3A_1553 = arith.addi %parallel_loop3A_1552, %parallel_loop3A_1551 : i32
        %parallel_loop3A_1554 = arith.constant 0 : i32
        %parallel_loop3A_1555 = arith.addi %parallel_loop3A_1553, %parallel_loop3A_1554 : i32
        %parallel_loop3A_1556 = arith.index_cast %parallel_loop3A_1555 : i32 to index
        %parallel_loop3A_1557 = tpu.vector_load %arg12[%parallel_loop3A_1556] {strides = array<i32>} : memref<2080xf32, #tpu.memory_space<vmem>>, vector<16xf32>,
        %parallel_loop3A_1558 = arith.constant 96 : i32
        %parallel_loop3A_1559 = arith.addi %parallel_loop3A_1473, %parallel_loop3A_1558 : i32
        %parallel_loop3A_1560 = arith.constant 0 : i32
        %parallel_loop3A_1561 = arith.addi %parallel_loop3A_1559, %parallel_loop3A_1560 : i32
        %parallel_loop3A_1562 = arith.index_cast %parallel_loop3A_1561 : i32 to index
        %parallel_loop3A_1563 = tpu.vector_load %arg13[%parallel_loop3A_1562] {strides = array<i32>} : memref<102400xf32, #tpu.memory_space<vmem>>, vector<16xf32>,
        tpu.vector_store %arg13[%parallel_loop3A_1562], %parallel_loop3A_1557 {strides = array<i32>} : memref<102400xf32, #tpu.memory_space<vmem>>, vector<16xf32>,
        %parallel_loop3A_1564 = arith.constant 16 : i32
        %parallel_loop3A_1565 = arith.addi %parallel_loop3A_1553, %parallel_loop3A_1564 : i32
        %parallel_loop3A_1566 = arith.index_cast %parallel_loop3A_1565 : i32 to index
        %parallel_loop3A_1567 = tpu.vector_load %arg12[%parallel_loop3A_1566] {strides = array<i32>} : memref<2080xf32, #tpu.memory_space<vmem>>, vector<16xf32>,
        %parallel_loop3A_1568 = arith.constant 96 : i32
        %parallel_loop3A_1569 = arith.addi %parallel_loop3A_1473, %parallel_loop3A_1568 : i32
        %parallel_loop3A_1570 = arith.constant 16 : i32
        %parallel_loop3A_1571 = arith.addi %parallel_loop3A_1569, %parallel_loop3A_1570 : i32
        %parallel_loop3A_1572 = arith.index_cast %parallel_loop3A_1571 : i32 to index
        %parallel_loop3A_1573 = tpu.vector_load %arg13[%parallel_loop3A_1572] {strides = array<i32>} : memref<102400xf32, #tpu.memory_space<vmem>>, vector<16xf32>,
        tpu.vector_store %arg13[%parallel_loop3A_1572], %parallel_loop3A_1567 {strides = array<i32>} : memref<102400xf32, #tpu.memory_space<vmem>>, vector<16xf32>,
        %parallel_loop3A_1574 = arith.constant 16 : i32
        %parallel_loop3A_1575 = arith.muli %parallel_loop3A_42, %parallel_loop3A_1574 : i32
        %parallel_loop3A_1576 = arith.constant 14 : i32
        %parallel_loop3A_1577 = arith.addi %parallel_loop3A_1575, %parallel_loop3A_1576 : i32
        %parallel_loop3A_1578 = arith.constant 128 : i32
        %parallel_loop3A_1579 = arith.muli %parallel_loop3A_1577, %parallel_loop3A_1578 : i32
        %parallel_loop3A_1580 = arith.addi %mul3A_29, %parallel_loop3A_1579 : i32
        %parallel_loop3A_1581 = vector.extract_strided_slice %parallel_loop3A_54 {offsets = [14], sizes = [1], strides = [1]} : vector<16xi32> to vector<1xi32>
        %parallel_loop3A_1582 = vector.extract %parallel_loop3A_1581[0] : i32 from vector<1xi32>
        %parallel_loop3A_1583 = tpu.assume_multiple %parallel_loop3A_1582, 32 : i32
        %parallel_loop3A_1584 = arith.constant 0 : i32
        %parallel_loop3A_1585 = arith.addi %parallel_loop3A_1584, %parallel_loop3A_1583 : i32
        %parallel_loop3A_1586 = arith.constant 0 : i32
        %parallel_loop3A_1587 = arith.addi %parallel_loop3A_1585, %parallel_loop3A_1586 : i32
        %parallel_loop3A_1588 = arith.index_cast %parallel_loop3A_1587 : i32 to index
        %parallel_loop3A_1589 = tpu.vector_load %arg12[%parallel_loop3A_1588] {strides = array<i32>} : memref<2080xf32, #tpu.memory_space<vmem>>, vector<16xf32>,
        %parallel_loop3A_1590 = arith.constant 0 : i32
        %parallel_loop3A_1591 = arith.addi %parallel_loop3A_1580, %parallel_loop3A_1590 : i32
        %parallel_loop3A_1592 = arith.constant 0 : i32
        %parallel_loop3A_1593 = arith.addi %parallel_loop3A_1591, %parallel_loop3A_1592 : i32
        %parallel_loop3A_1594 = arith.index_cast %parallel_loop3A_1593 : i32 to index
        %parallel_loop3A_1595 = tpu.vector_load %arg13[%parallel_loop3A_1594] {strides = array<i32>} : memref<102400xf32, #tpu.memory_space<vmem>>, vector<16xf32>,
        tpu.vector_store %arg13[%parallel_loop3A_1594], %parallel_loop3A_1589 {strides = array<i32>} : memref<102400xf32, #tpu.memory_space<vmem>>, vector<16xf32>,
        %parallel_loop3A_1596 = arith.constant 16 : i32
        %parallel_loop3A_1597 = arith.addi %parallel_loop3A_1585, %parallel_loop3A_1596 : i32
        %parallel_loop3A_1598 = arith.index_cast %parallel_loop3A_1597 : i32 to index
        %parallel_loop3A_1599 = tpu.vector_load %arg12[%parallel_loop3A_1598] {strides = array<i32>} : memref<2080xf32, #tpu.memory_space<vmem>>, vector<16xf32>,
        %parallel_loop3A_1600 = arith.constant 0 : i32
        %parallel_loop3A_1601 = arith.addi %parallel_loop3A_1580, %parallel_loop3A_1600 : i32
        %parallel_loop3A_1602 = arith.constant 16 : i32
        %parallel_loop3A_1603 = arith.addi %parallel_loop3A_1601, %parallel_loop3A_1602 : i32
        %parallel_loop3A_1604 = arith.index_cast %parallel_loop3A_1603 : i32 to index
        %parallel_loop3A_1605 = tpu.vector_load %arg13[%parallel_loop3A_1604] {strides = array<i32>} : memref<102400xf32, #tpu.memory_space<vmem>>, vector<16xf32>,
        tpu.vector_store %arg13[%parallel_loop3A_1604], %parallel_loop3A_1599 {strides = array<i32>} : memref<102400xf32, #tpu.memory_space<vmem>>, vector<16xf32>,
        %parallel_loop3A_1606 = vector.extract_strided_slice %parallel_loop3A_61 {offsets = [14], sizes = [1], strides = [1]} : vector<16xi32> to vector<1xi32>
        %parallel_loop3A_1607 = vector.extract %parallel_loop3A_1606[0] : i32 from vector<1xi32>
        %parallel_loop3A_1608 = tpu.assume_multiple %parallel_loop3A_1607, 32 : i32
        %parallel_loop3A_1609 = arith.constant 640 : i32
        %parallel_loop3A_1610 = arith.addi %parallel_loop3A_1609, %parallel_loop3A_1608 : i32
        %parallel_loop3A_1611 = arith.constant 0 : i32
        %parallel_loop3A_1612 = arith.addi %parallel_loop3A_1610, %parallel_loop3A_1611 : i32
        %parallel_loop3A_1613 = arith.index_cast %parallel_loop3A_1612 : i32 to index
        %parallel_loop3A_1614 = tpu.vector_load %arg12[%parallel_loop3A_1613] {strides = array<i32>} : memref<2080xf32, #tpu.memory_space<vmem>>, vector<16xf32>,
        %parallel_loop3A_1615 = arith.constant 32 : i32
        %parallel_loop3A_1616 = arith.addi %parallel_loop3A_1580, %parallel_loop3A_1615 : i32
        %parallel_loop3A_1617 = arith.constant 0 : i32
        %parallel_loop3A_1618 = arith.addi %parallel_loop3A_1616, %parallel_loop3A_1617 : i32
        %parallel_loop3A_1619 = arith.index_cast %parallel_loop3A_1618 : i32 to index
        %parallel_loop3A_1620 = tpu.vector_load %arg13[%parallel_loop3A_1619] {strides = array<i32>} : memref<102400xf32, #tpu.memory_space<vmem>>, vector<16xf32>,
        tpu.vector_store %arg13[%parallel_loop3A_1619], %parallel_loop3A_1614 {strides = array<i32>} : memref<102400xf32, #tpu.memory_space<vmem>>, vector<16xf32>,
        %parallel_loop3A_1621 = arith.constant 16 : i32
        %parallel_loop3A_1622 = arith.addi %parallel_loop3A_1610, %parallel_loop3A_1621 : i32
        %parallel_loop3A_1623 = arith.index_cast %parallel_loop3A_1622 : i32 to index
        %parallel_loop3A_1624 = tpu.vector_load %arg12[%parallel_loop3A_1623] {strides = array<i32>} : memref<2080xf32, #tpu.memory_space<vmem>>, vector<16xf32>,
        %parallel_loop3A_1625 = arith.constant 32 : i32
        %parallel_loop3A_1626 = arith.addi %parallel_loop3A_1580, %parallel_loop3A_1625 : i32
        %parallel_loop3A_1627 = arith.constant 16 : i32
        %parallel_loop3A_1628 = arith.addi %parallel_loop3A_1626, %parallel_loop3A_1627 : i32
        %parallel_loop3A_1629 = arith.index_cast %parallel_loop3A_1628 : i32 to index
        %parallel_loop3A_1630 = tpu.vector_load %arg13[%parallel_loop3A_1629] {strides = array<i32>} : memref<102400xf32, #tpu.memory_space<vmem>>, vector<16xf32>,
        tpu.vector_store %arg13[%parallel_loop3A_1629], %parallel_loop3A_1624 {strides = array<i32>} : memref<102400xf32, #tpu.memory_space<vmem>>, vector<16xf32>,
        %parallel_loop3A_1631 = vector.extract_strided_slice %parallel_loop3A_68 {offsets = [14], sizes = [1], strides = [1]} : vector<16xi32> to vector<1xi32>
        %parallel_loop3A_1632 = vector.extract %parallel_loop3A_1631[0] : i32 from vector<1xi32>
        %parallel_loop3A_1633 = tpu.assume_multiple %parallel_loop3A_1632, 32 : i32
        %parallel_loop3A_1634 = arith.constant 960 : i32
        %parallel_loop3A_1635 = arith.addi %parallel_loop3A_1634, %parallel_loop3A_1633 : i32
        %parallel_loop3A_1636 = arith.constant 0 : i32
        %parallel_loop3A_1637 = arith.addi %parallel_loop3A_1635, %parallel_loop3A_1636 : i32
        %parallel_loop3A_1638 = arith.index_cast %parallel_loop3A_1637 : i32 to index
        %parallel_loop3A_1639 = tpu.vector_load %arg12[%parallel_loop3A_1638] {strides = array<i32>} : memref<2080xf32, #tpu.memory_space<vmem>>, vector<16xf32>,
        %parallel_loop3A_1640 = arith.constant 64 : i32
        %parallel_loop3A_1641 = arith.addi %parallel_loop3A_1580, %parallel_loop3A_1640 : i32
        %parallel_loop3A_1642 = arith.constant 0 : i32
        %parallel_loop3A_1643 = arith.addi %parallel_loop3A_1641, %parallel_loop3A_1642 : i32
        %parallel_loop3A_1644 = arith.index_cast %parallel_loop3A_1643 : i32 to index
        %parallel_loop3A_1645 = tpu.vector_load %arg13[%parallel_loop3A_1644] {strides = array<i32>} : memref<102400xf32, #tpu.memory_space<vmem>>, vector<16xf32>,
        tpu.vector_store %arg13[%parallel_loop3A_1644], %parallel_loop3A_1639 {strides = array<i32>} : memref<102400xf32, #tpu.memory_space<vmem>>, vector<16xf32>,
        %parallel_loop3A_1646 = arith.constant 16 : i32
        %parallel_loop3A_1647 = arith.addi %parallel_loop3A_1635, %parallel_loop3A_1646 : i32
        %parallel_loop3A_1648 = arith.index_cast %parallel_loop3A_1647 : i32 to index
        %parallel_loop3A_1649 = tpu.vector_load %arg12[%parallel_loop3A_1648] {strides = array<i32>} : memref<2080xf32, #tpu.memory_space<vmem>>, vector<16xf32>,
        %parallel_loop3A_1650 = arith.constant 64 : i32
        %parallel_loop3A_1651 = arith.addi %parallel_loop3A_1580, %parallel_loop3A_1650 : i32
        %parallel_loop3A_1652 = arith.constant 16 : i32
        %parallel_loop3A_1653 = arith.addi %parallel_loop3A_1651, %parallel_loop3A_1652 : i32
        %parallel_loop3A_1654 = arith.index_cast %parallel_loop3A_1653 : i32 to index
        %parallel_loop3A_1655 = tpu.vector_load %arg13[%parallel_loop3A_1654] {strides = array<i32>} : memref<102400xf32, #tpu.memory_space<vmem>>, vector<16xf32>,
        tpu.vector_store %arg13[%parallel_loop3A_1654], %parallel_loop3A_1649 {strides = array<i32>} : memref<102400xf32, #tpu.memory_space<vmem>>, vector<16xf32>,
        %parallel_loop3A_1656 = vector.extract_strided_slice %parallel_loop3A_75 {offsets = [14], sizes = [1], strides = [1]} : vector<16xi32> to vector<1xi32>
        %parallel_loop3A_1657 = vector.extract %parallel_loop3A_1656[0] : i32 from vector<1xi32>
        %parallel_loop3A_1658 = tpu.assume_multiple %parallel_loop3A_1657, 32 : i32
        %parallel_loop3A_1659 = arith.constant 1760 : i32
        %parallel_loop3A_1660 = arith.addi %parallel_loop3A_1659, %parallel_loop3A_1658 : i32
        %parallel_loop3A_1661 = arith.constant 0 : i32
        %parallel_loop3A_1662 = arith.addi %parallel_loop3A_1660, %parallel_loop3A_1661 : i32
        %parallel_loop3A_1663 = arith.index_cast %parallel_loop3A_1662 : i32 to index
        %parallel_loop3A_1664 = tpu.vector_load %arg12[%parallel_loop3A_1663] {strides = array<i32>} : memref<2080xf32, #tpu.memory_space<vmem>>, vector<16xf32>,
        %parallel_loop3A_1665 = arith.constant 96 : i32
        %parallel_loop3A_1666 = arith.addi %parallel_loop3A_1580, %parallel_loop3A_1665 : i32
        %parallel_loop3A_1667 = arith.constant 0 : i32
        %parallel_loop3A_1668 = arith.addi %parallel_loop3A_1666, %parallel_loop3A_1667 : i32
        %parallel_loop3A_1669 = arith.index_cast %parallel_loop3A_1668 : i32 to index
        %parallel_loop3A_1670 = tpu.vector_load %arg13[%parallel_loop3A_1669] {strides = array<i32>} : memref<102400xf32, #tpu.memory_space<vmem>>, vector<16xf32>,
        tpu.vector_store %arg13[%parallel_loop3A_1669], %parallel_loop3A_1664 {strides = array<i32>} : memref<102400xf32, #tpu.memory_space<vmem>>, vector<16xf32>,
        %parallel_loop3A_1671 = arith.constant 16 : i32
        %parallel_loop3A_1672 = arith.addi %parallel_loop3A_1660, %parallel_loop3A_1671 : i32
        %parallel_loop3A_1673 = arith.index_cast %parallel_loop3A_1672 : i32 to index
        %parallel_loop3A_1674 = tpu.vector_load %arg12[%parallel_loop3A_1673] {strides = array<i32>} : memref<2080xf32, #tpu.memory_space<vmem>>, vector<16xf32>,
        %parallel_loop3A_1675 = arith.constant 96 : i32
        %parallel_loop3A_1676 = arith.addi %parallel_loop3A_1580, %parallel_loop3A_1675 : i32
        %parallel_loop3A_1677 = arith.constant 16 : i32
        %parallel_loop3A_1678 = arith.addi %parallel_loop3A_1676, %parallel_loop3A_1677 : i32
        %parallel_loop3A_1679 = arith.index_cast %parallel_loop3A_1678 : i32 to index
        %parallel_loop3A_1680 = tpu.vector_load %arg13[%parallel_loop3A_1679] {strides = array<i32>} : memref<102400xf32, #tpu.memory_space<vmem>>, vector<16xf32>,
        tpu.vector_store %arg13[%parallel_loop3A_1679], %parallel_loop3A_1674 {strides = array<i32>} : memref<102400xf32, #tpu.memory_space<vmem>>, vector<16xf32>,
        %parallel_loop3A_1681 = arith.constant 16 : i32
        %parallel_loop3A_1682 = arith.muli %parallel_loop3A_42, %parallel_loop3A_1681 : i32
        %parallel_loop3A_1683 = arith.constant 15 : i32
        %parallel_loop3A_1684 = arith.addi %parallel_loop3A_1682, %parallel_loop3A_1683 : i32
        %parallel_loop3A_1685 = arith.constant 128 : i32
        %parallel_loop3A_1686 = arith.muli %parallel_loop3A_1684, %parallel_loop3A_1685 : i32
        %parallel_loop3A_1687 = arith.addi %mul3A_29, %parallel_loop3A_1686 : i32
        %parallel_loop3A_1688 = vector.extract_strided_slice %parallel_loop3A_54 {offsets = [15], sizes = [1], strides = [1]} : vector<16xi32> to vector<1xi32>
        %parallel_loop3A_1689 = vector.extract %parallel_loop3A_1688[0] : i32 from vector<1xi32>
        %parallel_loop3A_1690 = tpu.assume_multiple %parallel_loop3A_1689, 32 : i32
        %parallel_loop3A_1691 = arith.constant 0 : i32
        %parallel_loop3A_1692 = arith.addi %parallel_loop3A_1691, %parallel_loop3A_1690 : i32
        %parallel_loop3A_1693 = arith.constant 0 : i32
        %parallel_loop3A_1694 = arith.addi %parallel_loop3A_1692, %parallel_loop3A_1693 : i32
        %parallel_loop3A_1695 = arith.index_cast %parallel_loop3A_1694 : i32 to index
        %parallel_loop3A_1696 = tpu.vector_load %arg12[%parallel_loop3A_1695] {strides = array<i32>} : memref<2080xf32, #tpu.memory_space<vmem>>, vector<16xf32>,
        %parallel_loop3A_1697 = arith.constant 0 : i32
        %parallel_loop3A_1698 = arith.addi %parallel_loop3A_1687, %parallel_loop3A_1697 : i32
        %parallel_loop3A_1699 = arith.constant 0 : i32
        %parallel_loop3A_1700 = arith.addi %parallel_loop3A_1698, %parallel_loop3A_1699 : i32
        %parallel_loop3A_1701 = arith.index_cast %parallel_loop3A_1700 : i32 to index
        %parallel_loop3A_1702 = tpu.vector_load %arg13[%parallel_loop3A_1701] {strides = array<i32>} : memref<102400xf32, #tpu.memory_space<vmem>>, vector<16xf32>,
        tpu.vector_store %arg13[%parallel_loop3A_1701], %parallel_loop3A_1696 {strides = array<i32>} : memref<102400xf32, #tpu.memory_space<vmem>>, vector<16xf32>,
        %parallel_loop3A_1703 = arith.constant 16 : i32
        %parallel_loop3A_1704 = arith.addi %parallel_loop3A_1692, %parallel_loop3A_1703 : i32
        %parallel_loop3A_1705 = arith.index_cast %parallel_loop3A_1704 : i32 to index
        %parallel_loop3A_1706 = tpu.vector_load %arg12[%parallel_loop3A_1705] {strides = array<i32>} : memref<2080xf32, #tpu.memory_space<vmem>>, vector<16xf32>,
        %parallel_loop3A_1707 = arith.constant 0 : i32
        %parallel_loop3A_1708 = arith.addi %parallel_loop3A_1687, %parallel_loop3A_1707 : i32
        %parallel_loop3A_1709 = arith.constant 16 : i32
        %parallel_loop3A_1710 = arith.addi %parallel_loop3A_1708, %parallel_loop3A_1709 : i32
        %parallel_loop3A_1711 = arith.index_cast %parallel_loop3A_1710 : i32 to index
        %parallel_loop3A_1712 = tpu.vector_load %arg13[%parallel_loop3A_1711] {strides = array<i32>} : memref<102400xf32, #tpu.memory_space<vmem>>, vector<16xf32>,
        tpu.vector_store %arg13[%parallel_loop3A_1711], %parallel_loop3A_1706 {strides = array<i32>} : memref<102400xf32, #tpu.memory_space<vmem>>, vector<16xf32>,
        %parallel_loop3A_1713 = vector.extract_strided_slice %parallel_loop3A_61 {offsets = [15], sizes = [1], strides = [1]} : vector<16xi32> to vector<1xi32>
        %parallel_loop3A_1714 = vector.extract %parallel_loop3A_1713[0] : i32 from vector<1xi32>
        %parallel_loop3A_1715 = tpu.assume_multiple %parallel_loop3A_1714, 32 : i32
        %parallel_loop3A_1716 = arith.constant 640 : i32
        %parallel_loop3A_1717 = arith.addi %parallel_loop3A_1716, %parallel_loop3A_1715 : i32
        %parallel_loop3A_1718 = arith.constant 0 : i32
        %parallel_loop3A_1719 = arith.addi %parallel_loop3A_1717, %parallel_loop3A_1718 : i32
        %parallel_loop3A_1720 = arith.index_cast %parallel_loop3A_1719 : i32 to index
        %parallel_loop3A_1721 = tpu.vector_load %arg12[%parallel_loop3A_1720] {strides = array<i32>} : memref<2080xf32, #tpu.memory_space<vmem>>, vector<16xf32>,
        %parallel_loop3A_1722 = arith.constant 32 : i32
        %parallel_loop3A_1723 = arith.addi %parallel_loop3A_1687, %parallel_loop3A_1722 : i32
        %parallel_loop3A_1724 = arith.constant 0 : i32
        %parallel_loop3A_1725 = arith.addi %parallel_loop3A_1723, %parallel_loop3A_1724 : i32
        %parallel_loop3A_1726 = arith.index_cast %parallel_loop3A_1725 : i32 to index
        %parallel_loop3A_1727 = tpu.vector_load %arg13[%parallel_loop3A_1726] {strides = array<i32>} : memref<102400xf32, #tpu.memory_space<vmem>>, vector<16xf32>,
        tpu.vector_store %arg13[%parallel_loop3A_1726], %parallel_loop3A_1721 {strides = array<i32>} : memref<102400xf32, #tpu.memory_space<vmem>>, vector<16xf32>,
        %parallel_loop3A_1728 = arith.constant 16 : i32
        %parallel_loop3A_1729 = arith.addi %parallel_loop3A_1717, %parallel_loop3A_1728 : i32
        %parallel_loop3A_1730 = arith.index_cast %parallel_loop3A_1729 : i32 to index
        %parallel_loop3A_1731 = tpu.vector_load %arg12[%parallel_loop3A_1730] {strides = array<i32>} : memref<2080xf32, #tpu.memory_space<vmem>>, vector<16xf32>,
        %parallel_loop3A_1732 = arith.constant 32 : i32
        %parallel_loop3A_1733 = arith.addi %parallel_loop3A_1687, %parallel_loop3A_1732 : i32
        %parallel_loop3A_1734 = arith.constant 16 : i32
        %parallel_loop3A_1735 = arith.addi %parallel_loop3A_1733, %parallel_loop3A_1734 : i32
        %parallel_loop3A_1736 = arith.index_cast %parallel_loop3A_1735 : i32 to index
        %parallel_loop3A_1737 = tpu.vector_load %arg13[%parallel_loop3A_1736] {strides = array<i32>} : memref<102400xf32, #tpu.memory_space<vmem>>, vector<16xf32>,
        tpu.vector_store %arg13[%parallel_loop3A_1736], %parallel_loop3A_1731 {strides = array<i32>} : memref<102400xf32, #tpu.memory_space<vmem>>, vector<16xf32>,
        %parallel_loop3A_1738 = vector.extract_strided_slice %parallel_loop3A_68 {offsets = [15], sizes = [1], strides = [1]} : vector<16xi32> to vector<1xi32>
        %parallel_loop3A_1739 = vector.extract %parallel_loop3A_1738[0] : i32 from vector<1xi32>
        %parallel_loop3A_1740 = tpu.assume_multiple %parallel_loop3A_1739, 32 : i32
        %parallel_loop3A_1741 = arith.constant 960 : i32
        %parallel_loop3A_1742 = arith.addi %parallel_loop3A_1741, %parallel_loop3A_1740 : i32
        %parallel_loop3A_1743 = arith.constant 0 : i32
        %parallel_loop3A_1744 = arith.addi %parallel_loop3A_1742, %parallel_loop3A_1743 : i32
        %parallel_loop3A_1745 = arith.index_cast %parallel_loop3A_1744 : i32 to index
        %parallel_loop3A_1746 = tpu.vector_load %arg12[%parallel_loop3A_1745] {strides = array<i32>} : memref<2080xf32, #tpu.memory_space<vmem>>, vector<16xf32>,
        %parallel_loop3A_1747 = arith.constant 64 : i32
        %parallel_loop3A_1748 = arith.addi %parallel_loop3A_1687, %parallel_loop3A_1747 : i32
        %parallel_loop3A_1749 = arith.constant 0 : i32
        %parallel_loop3A_1750 = arith.addi %parallel_loop3A_1748, %parallel_loop3A_1749 : i32
        %parallel_loop3A_1751 = arith.index_cast %parallel_loop3A_1750 : i32 to index
        %parallel_loop3A_1752 = tpu.vector_load %arg13[%parallel_loop3A_1751] {strides = array<i32>} : memref<102400xf32, #tpu.memory_space<vmem>>, vector<16xf32>,
        tpu.vector_store %arg13[%parallel_loop3A_1751], %parallel_loop3A_1746 {strides = array<i32>} : memref<102400xf32, #tpu.memory_space<vmem>>, vector<16xf32>,
        %parallel_loop3A_1753 = arith.constant 16 : i32
        %parallel_loop3A_1754 = arith.addi %parallel_loop3A_1742, %parallel_loop3A_1753 : i32
        %parallel_loop3A_1755 = arith.index_cast %parallel_loop3A_1754 : i32 to index
        %parallel_loop3A_1756 = tpu.vector_load %arg12[%parallel_loop3A_1755] {strides = array<i32>} : memref<2080xf32, #tpu.memory_space<vmem>>, vector<16xf32>,
        %parallel_loop3A_1757 = arith.constant 64 : i32
        %parallel_loop3A_1758 = arith.addi %parallel_loop3A_1687, %parallel_loop3A_1757 : i32
        %parallel_loop3A_1759 = arith.constant 16 : i32
        %parallel_loop3A_1760 = arith.addi %parallel_loop3A_1758, %parallel_loop3A_1759 : i32
        %parallel_loop3A_1761 = arith.index_cast %parallel_loop3A_1760 : i32 to index
        %parallel_loop3A_1762 = tpu.vector_load %arg13[%parallel_loop3A_1761] {strides = array<i32>} : memref<102400xf32, #tpu.memory_space<vmem>>, vector<16xf32>,
        tpu.vector_store %arg13[%parallel_loop3A_1761], %parallel_loop3A_1756 {strides = array<i32>} : memref<102400xf32, #tpu.memory_space<vmem>>, vector<16xf32>,
        %parallel_loop3A_1763 = vector.extract_strided_slice %parallel_loop3A_75 {offsets = [15], sizes = [1], strides = [1]} : vector<16xi32> to vector<1xi32>
        %parallel_loop3A_1764 = vector.extract %parallel_loop3A_1763[0] : i32 from vector<1xi32>
        %parallel_loop3A_1765 = tpu.assume_multiple %parallel_loop3A_1764, 32 : i32
        %parallel_loop3A_1766 = arith.constant 1760 : i32
        %parallel_loop3A_1767 = arith.addi %parallel_loop3A_1766, %parallel_loop3A_1765 : i32
        %parallel_loop3A_1768 = arith.constant 0 : i32
        %parallel_loop3A_1769 = arith.addi %parallel_loop3A_1767, %parallel_loop3A_1768 : i32
        %parallel_loop3A_1770 = arith.index_cast %parallel_loop3A_1769 : i32 to index
        %parallel_loop3A_1771 = tpu.vector_load %arg12[%parallel_loop3A_1770] {strides = array<i32>} : memref<2080xf32, #tpu.memory_space<vmem>>, vector<16xf32>,
        %parallel_loop3A_1772 = arith.constant 96 : i32
        %parallel_loop3A_1773 = arith.addi %parallel_loop3A_1687, %parallel_loop3A_1772 : i32
        %parallel_loop3A_1774 = arith.constant 0 : i32
        %parallel_loop3A_1775 = arith.addi %parallel_loop3A_1773, %parallel_loop3A_1774 : i32
        %parallel_loop3A_1776 = arith.index_cast %parallel_loop3A_1775 : i32 to index
        %parallel_loop3A_1777 = tpu.vector_load %arg13[%parallel_loop3A_1776] {strides = array<i32>} : memref<102400xf32, #tpu.memory_space<vmem>>, vector<16xf32>,
        tpu.vector_store %arg13[%parallel_loop3A_1776], %parallel_loop3A_1771 {strides = array<i32>} : memref<102400xf32, #tpu.memory_space<vmem>>, vector<16xf32>,
        %parallel_loop3A_1778 = arith.constant 16 : i32
        %parallel_loop3A_1779 = arith.addi %parallel_loop3A_1767, %parallel_loop3A_1778 : i32
        %parallel_loop3A_1780 = arith.index_cast %parallel_loop3A_1779 : i32 to index
        %parallel_loop3A_1781 = tpu.vector_load %arg12[%parallel_loop3A_1780] {strides = array<i32>} : memref<2080xf32, #tpu.memory_space<vmem>>, vector<16xf32>,
        %parallel_loop3A_1782 = arith.constant 96 : i32
        %parallel_loop3A_1783 = arith.addi %parallel_loop3A_1687, %parallel_loop3A_1782 : i32
        %parallel_loop3A_1784 = arith.constant 16 : i32
        %parallel_loop3A_1785 = arith.addi %parallel_loop3A_1783, %parallel_loop3A_1784 : i32
        %parallel_loop3A_1786 = arith.index_cast %parallel_loop3A_1785 : i32 to index
        %parallel_loop3A_1787 = tpu.vector_load %arg13[%parallel_loop3A_1786] {strides = array<i32>} : memref<102400xf32, #tpu.memory_space<vmem>>, vector<16xf32>,
        tpu.vector_store %arg13[%parallel_loop3A_1786], %parallel_loop3A_1781 {strides = array<i32>} : memref<102400xf32, #tpu.memory_space<vmem>>, vector<16xf32>,
      } {sc.loop_unroll_factor = 1 : i64, sc.parallel_access}
      %mul3A_34 = arith.constant 400 : i32
      %mul3A_35 = arith.muli %scan3A_26, %mul3A_34 : i32
      %add3A_36 = arith.addi %mul3A_2, %mul3A_35 : i32
      %mul3A_37 = arith.constant 128 : i32
      %mul3A_38 = arith.muli %add3A_36, %mul3A_37 : i32
      %dma_start3A = tpu.memref_slice %arg13[%mul3A_29] : memref<102400xf32, #tpu.memory_space<vmem>> -> memref<51200xf32, #tpu.memory_space<vmem>>
      %dma_start3A_39 = tpu.memref_slice %arg10[%mul3A_38] : memref<13107200xf32, #tpu.memory_space<hbm>> -> memref<51200xf32, #tpu.memory_space<hbm>>
      %dma_start3A_40 = tpu.memref_slice %arg10[%mul3A_38] : memref<13107200xf32, #tpu.memory_space<hbm>> -> memref<51200xf32, #tpu.memory_space<hbm>>
      %dma_start3A_41 = tpu.memref_slice %arg13[%mul3A_29] : memref<102400xf32, #tpu.memory_space<vmem>> -> memref<51200xf32, #tpu.memory_space<vmem>>
      tpu.enqueue_dma source(%dma_start3A_41 : memref<51200xf32, #tpu.memory_space<vmem>>) target(%dma_start3A_40 : memref<51200xf32, #tpu.memory_space<hbm>>) target_semaphore(%arg14 : memref<!tpu.dma_semaphore, #tpu.memory_space<semaphore_mem>>)
    }
    %scan3A_10 = arith.constant 8 : i32
    %dma_wait3A = arith.constant 0 : i32
    %dma_wait3A_11 = tpu.memref_slice %arg13[%dma_wait3A] : memref<102400xf32, #tpu.memory_space<vmem>> -> memref<51200xf32, #tpu.memory_space<vmem>>
    %dma_wait3A_12 = arith.constant 0 : i32
    %dma_wait3A_13 = tpu.memref_slice %arg10[%dma_wait3A_12] : memref<13107200xf32, #tpu.memory_space<hbm>> -> memref<51200xf32, #tpu.memory_space<hbm>>
    %dma_wait3A_14 = arith.constant 0 : i32
    %dma_wait3A_15 = tpu.memref_slice %arg10[%dma_wait3A_14] : memref<13107200xf32, #tpu.memory_space<hbm>> -> memref<51200xf32, #tpu.memory_space<hbm>>
    %dma_wait3A_16 = arith.constant 0 : i32
    %dma_wait3A_17 = tpu.memref_slice %arg13[%dma_wait3A_16] : memref<102400xf32, #tpu.memory_space<vmem>> -> memref<51200xf32, #tpu.memory_space<vmem>>
    tpu.wait_dma2 semaphore(%arg14 : memref<!tpu.dma_semaphore, #tpu.memory_space<semaphore_mem>>) src(%dma_wait3A_17 : memref<51200xf32, #tpu.memory_space<vmem>>) dst(%dma_wait3A_15 : memref<51200xf32, #tpu.memory_space<hbm>>)
    %dma_wait3A_18 = arith.constant 0 : i32
    %dma_wait3A_19 = tpu.memref_slice %arg13[%dma_wait3A_18] : memref<102400xf32, #tpu.memory_space<vmem>> -> memref<51200xf32, #tpu.memory_space<vmem>>
    %dma_wait3A_20 = arith.constant 0 : i32
    %dma_wait3A_21 = tpu.memref_slice %arg10[%dma_wait3A_20] : memref<13107200xf32, #tpu.memory_space<hbm>> -> memref<51200xf32, #tpu.memory_space<hbm>>
    %dma_wait3A_22 = arith.constant 0 : i32
    %dma_wait3A_23 = tpu.memref_slice %arg10[%dma_wait3A_22] : memref<13107200xf32, #tpu.memory_space<hbm>> -> memref<51200xf32, #tpu.memory_space<hbm>>
    %dma_wait3A_24 = arith.constant 0 : i32
    %dma_wait3A_25 = tpu.memref_slice %arg13[%dma_wait3A_24] : memref<102400xf32, #tpu.memory_space<vmem>> -> memref<51200xf32, #tpu.memory_space<vmem>>
    tpu.wait_dma2 semaphore(%arg14 : memref<!tpu.dma_semaphore, #tpu.memory_space<semaphore_mem>>) src(%dma_wait3A_25 : memref<51200xf32, #tpu.memory_space<vmem>>) dst(%dma_wait3A_23 : memref<51200xf32, #tpu.memory_space<hbm>>)
    return
  }
}

</mosaic_0001>

<sc_bundles>
// kernel: kernel.3.cloned.1.call-start
scs
__scs_entry_jumppad:
0x0: {  	(pc) =	sbr.rel $0x88, $3  }
0x1: {  	(tag) =	ssettag $0x0;
	lr =	simm.s32 $0x1  }
0x2: {  	[smem:$0x3F99] =	sst lr;
	_ =	strace $0xD0000000  }
0x3: {  	_ = 	snop  }
0x4: {  	_ = 	snop  }
0x5: {  	_ = 	snop  }
0x6: {  	_ = 	snop  }
0x7: {  	_ = 	snop  }
__scs_overlays_trampoline_lowered:
0x8: {  	[smem:$0x3FA8] =	sst s0  }
0x9: {  	[smem:$0x3FA9] =	sst s1  }
0xa: {  	[smem:$0x3FAA] =	sst s2  }
0xb: {  	[smem:$0x3FAB] =	sst s3  }
0xc: {  	[smem:$0x3FAC] =	sst s4  }
0xd: {  	[smem:$0x3FAD] =	sst s5  }
0xe: {  	[smem:$0x3FAE] =	sst s6  }
0xf: {  	[smem:$0x3FAF] =	sst s7  }
0x10: {  	[smem:$0x3FB0] =	sst s8  }
0x11: {  	[smem:$0x3FB1] =	sst s9;
	s0 =	simm.s32 @!p0 $0x0  }
0x12: {  	s1 =	sld [smem:$0x3F97];
	s0 =	simm.s32 @p0 $0x1  }
0x13: {  	[smem:$0x3FB2] =	sst s0;
	s0 =	simm.s32 @!p1 $0x0  }
0x14: {  	s2 =	sld [smem:$0x3F96];
	s0 =	simm.s32 @p1 $0x1  }
0x15: {  	[smem:$0x3FB3] =	sst s0;
	s0 =	simm.s32 @!p2 $0x0  }
0x16: {  	s3 =	sld [smem:$0x3FDB];
	s0 =	simm.s32 @p2 $0x1  }
0x17: {  	s4 =	simm.s32 $0x1BF5;
	[smem:$0x3FB5] =	sst s0  }
0x18: {  	s0 =	sld [smem:$0x3F98];
	_ =	swait.ge [sflag:s4], $0x0  }
0x19: {  	s7 =	sld [smem:$0x3F99]  }
0x1a: {  	s8 =	sadd.s32 $0xFFFFE003, lr  }
0x1b: {  	s9 =	sadd.s32 $0xFFFFFEF7, lr;
	s5 =	simm.s32 $0xFFFFFFFF;
	p2 =	slt.u32 s8, $0xFFFFF086  }
0x1c: {  	p1 =	slt.u32 s9, $0xF7A;
	s5 =	simm.s32 @!p2 $0x0  }
0x1d: {  	s5 =	simm.s32 @p1 $0x1;
	p0 =	seq.s32 s7, s2  }
0x1e: {  	s7 =	smul.u32 @!p0 $0xF7A, s2;
	p2 =	seq.s32 @!p0 s5, $0x0  }
0x1f: {  	s9 =	smul.u32 $0xF7A, s1;
	s8 =	simm.s32 @!p0 $0x1BF5;
	p2 =	por !p2, p0  }
0x20: {  	[sflag:s8] =	ssyncset.s32 @!p0 $0xFFFFF086;
	s6 =	sadd.s32 @!p0 s3, s7;
	s7 =	simm.s32 @!p0 $0x108  }
0x21: {  	s3 =	sadd.s32 s3, s9;
	s6 =	sadd.s32 @!p0 $0x88, s6;
	s7 =	simm.s32 @p2 $0x1082  }
0x22: {  	[simem:s7], [sflag:s8] =	dma.local @!p0 [hbm:s6], $0xF7A  }
0x23: {  	s9 =	sor.u32 $0xD0000000, s2;
	s6 =	simm.s32 $0x108;
	_ =	swait.ge @!p0 [sflag:s8], $0x0  }
0x24: {  	s3 =	sadd.s32 $0x88, s3;
	s6 =	simm.s32 @!p1 $0x1082;
	[sflag:s4] =	ssyncset.s32 $0xFFFFF086  }
0x25: {  	[simem:s6], [sflag:s4] =	dma.local [hbm:s3], $0xF7A  }
0x26: {  	[smem:$0x3F99] =	sst s1;
	(tag) =	ssettag s2;
	_ =	strace s9  }
0x27: {  	s1 =	sld [smem:$0x3FA9]  }
0x28: {  	s2 =	sld [smem:$0x3FAA]  }
0x29: {  	s4 =	sld [smem:$0x3FAC]  }
0x2a: {  	p0 =	seq.s32 s5, $0x0;
	s5 =	sld [smem:$0x3FAD]  }
0x2b: {  	s6 =	sld [smem:$0x3FAE]  }
0x2c: {  	s7 =	sld [smem:$0x3FAF]  }
0x2d: {  	s3 =	simm.s32 $0x108;
	s8 =	sld [smem:$0x3FB0]  }
0x2e: {  	s3 =	simm.s32 @!p0 $0x1082;
	s9 =	sld [smem:$0x3FB1]  }
0x2f: {  	lr =	sadd.s32 s0, s3;
	s0 =	sld [smem:$0x3FA8]  }
0x30: {  	s3 =	sld [smem:$0x3FAB]  }
0x31: {  	[smem:$0x3FB4] =	sst s10  }
0x32: {  	s10 =	sld [smem:$0x3FB2];
	_ =	sdelay $0x3  }
0x33: {  	p0 =	seq.s32 s10, $0x1;
	s10 =	sld [smem:$0x3FB4];
	_ =	sdelay $0x3  }
0x34: {  	[smem:$0x3FB4] =	sst s10  }
0x35: {  	s10 =	sld [smem:$0x3FB3];
	_ =	sdelay $0x3  }
0x36: {  	p1 =	seq.s32 s10, $0x1;
	s10 =	sld [smem:$0x3FB4];
	_ =	sdelay $0x3  }
0x37: {  	[smem:$0x3FB4] =	sst s10  }
0x38: {  	s10 =	sld [smem:$0x3FB5]  }
0x39: {  	_ = 	snop;
	(pc) =	sbr.ind lr, $3  }
0x3a: {  	_ = 	snop  }
0x3b: {  	_ = 	snop  }
0x3c: {  	p2 =	seq.s32 s10, $0x1;
	s10 =	sld [smem:$0x3FB4]  }
0x3d: {  	_ =	shalt  }
0x3e: {  	_ =	shalt  }
0x3f: {  	_ =	shalt  }
0x40: {  	_ =	shalt  }
0x41: {  	_ =	shalt  }
0x42: {  	_ =	shalt  }
0x43: {  	_ =	shalt  }
0x44: {  	_ =	shalt  }
0x45: {  	_ =	shalt  }
0x46: {  	_ =	shalt  }
0x47: {  	_ =	shalt  }
0x48: {  	_ =	shalt  }
0x49: {  	_ =	shalt  }
0x4a: {  	_ =	shalt  }
0x4b: {  	_ =	shalt  }
0x4c: {  	_ =	shalt  }
0x4d: {  	_ =	shalt  }
0x4e: {  	_ =	shalt  }
0x4f: {  	_ =	shalt  }
0x50: {  	_ =	shalt  }
0x51: {  	_ =	shalt  }
0x52: {  	_ =	shalt  }
0x53: {  	_ =	shalt  }
0x54: {  	_ =	shalt  }
0x55: {  	_ =	shalt  }
0x56: {  	_ =	shalt  }
0x57: {  	_ =	shalt  }
0x58: {  	_ =	shalt  }
0x59: {  	_ =	shalt  }
0x5a: {  	_ =	shalt  }
0x5b: {  	_ =	shalt  }
0x5c: {  	_ =	shalt  }
0x5d: {  	_ =	shalt  }
0x5e: {  	_ =	shalt  }
0x5f: {  	_ =	shalt  }
0x60: {  	_ =	shalt  }
0x61: {  	_ =	shalt  }
0x62: {  	_ =	shalt  }
0x63: {  	_ =	shalt  }
0x64: {  	_ =	shalt  }
0x65: {  	_ =	shalt  }
0x66: {  	_ =	shalt  }
0x67: {  	_ =	shalt  }
0x68: {  	_ =	shalt  }
0x69: {  	_ =	shalt  }
0x6a: {  	_ =	shalt  }
0x6b: {  	_ =	shalt  }
0x6c: {  	_ =	shalt  }
0x6d: {  	_ =	shalt  }
0x6e: {  	_ =	shalt  }
0x6f: {  	_ =	shalt  }
0x70: {  	_ =	shalt  }
0x71: {  	_ =	shalt  }
0x72: {  	_ =	shalt  }
0x73: {  	_ =	shalt  }
0x74: {  	_ =	shalt  }
0x75: {  	_ =	shalt  }
0x76: {  	_ =	shalt  }
0x77: {  	_ =	shalt  }
0x78: {  	_ =	shalt  }
0x79: {  	_ =	shalt  }
0x7a: {  	_ =	shalt  }
0x7b: {  	_ =	shalt  }
0x7c: {  	_ =	shalt  }
0x7d: {  	_ =	shalt  }
0x7e: {  	_ =	shalt  }
0x7f: {  	_ =	shalt  }
0x80: {  	_ =	shalt  }
0x81: {  	_ =	shalt  }
0x82: {  	_ =	shalt  }
0x83: {  	_ =	shalt  }
0x84: {  	_ =	shalt  }
0x85: {  	_ =	shalt  }
0x86: {  	_ =	shalt  }
0x87: {  	_ =	shalt  }
.Lfunc_end0:
.L_simem_size_0:
called_computation_lowered:
.L_overlay_start_0:
0x88: {  	s2 =	sld [smem:$0x3FD9]  }
0x89: {  	s3 =	sld [smem:$0x3FFE];
	_ =	sdelay $0x1  }
0x8a: {  	s1 =	srdreg.scid  }
0x8b: {  	s0 =	sand.u32 $0x1, s1  }
0x8c: {  	s17 =	sshll.u32 s0, $0xA;
	s2 =	sadd.s32 s3, s2  }
0x8d: {  	s2 =	sadd.s32 s2, s17  }
0x8e: {  	[smem:$0x3FC0] =	sst s2  }
0x8f: {  	_ = 	snop  }
0x90: {  	s2 =	sld [smem:$0x3FD0];
	(tm) =	ssettm $0x1  }
0x91: {  	s18 =	sld [smem:$0x3FFB];
	_ =	sdelay $0x3  }
0x92: {  	_ =	strace s18  }
0x93: {  	s3 =	sld [smem:$0x3FFC];
	_ =	sdelay $0x3  }
0x94: {  	_ =	strace s3  }
0x95: {  	s3 =	sld [smem:$0x3FFD];
	_ =	sdelay $0x3  }
0x96: {  	_ =	strace s3  }
0x97: {  	_ =	strace $0x8FFFFFFF  }
0x98: {  	s19 =	sld [smem:$0x3FDB];
	_ =	sdelay $0x1  }
0x99: {  	s4 =	simm.s32 $_scs_section_size  }
0x9a: {  	s5 =	simm.s32 $_size__tile_overlayer_lowered;
	s6 =	simm.s32 $_tile_overlayer_lowered  }
0x9b: {  	s22 =	simm.s32 $0x1BFF;
	s21 =	sshll.u32 s6, $0x1;
	s3 =	sadd.s32 s4, s19  }
0x9c: {  	s7 =	simm.s32 $0x0;
	s20 =	sshll.u32 s5, $0x1;
	s5 =	sadd.s32 s21, s3  }
0x9d: {  	[timem:s7], [sflag:s22] =	dma.local [hbm:s5], s20  }
0x9e: {  	_ =	swait.ge [sflag:s22], s20  }
0x9f: {  	s4 =	ssub.s32 $0x0, s20;
	[sflag:s22] =	ssyncset.done $0x0  }
0xa0: {  	[sflag:s22] =	ssyncadd.s32 s4;
	_ =	sdelay $0x1  }
0xa1: {  	s23 =	simm.s32 $0x1B8B  }
0xa2: {  	_ =	swait.ge [sflag:s23], $0x1  }
0xa3: {  	[sflag:s23] =	ssyncset.done $0x0  }
0xa4: {  	s25 =	simm.s32 $0x1B8E;
	s24 =	sld [smem:$0x3FFE];
	[sflag:s23] =	ssyncadd.s32 $0xFFFFFFFF  }
0xa5: {  	s26 =	simm.s32 $execute0_lowered;
	[smem:$0x3FD2] =	sst s25  }
0xa6: {  	s5 =	sshll.u32 s26, $0x1;
	_ =	strace $0x80000046;
	[dreg:$0x1] =	wrdreg $0xFFFFFFFF  }
0xa7: {  	s28 =	simm.s32 $_size_execute0_lowered;
	s3 =	sadd.s32 s3, s5;
	[dreg:$0x0] =	wrdreg $0x0  }
0xa8: {  	s5 =	sshll.u32 s28, $0x1;
	[dreg:$0x2] =	wrdreg s3  }
0xa9: {  	[dreg:$0x3] =	wrdreg s5  }
0xaa: {  	[dreg:$0x4] =	wrdreg $0xC0  }
0xab: {  	_ =	task [dreg:s7], $0x5FFFF  }
0xac: {  	[dreg:$0x1] =	wrdreg $0xFFFFFFFF  }
0xad: {  	[dreg:$0x0] =	wrdreg $0x60  }
0xae: {  	[dreg:$0x2] =	wrdreg s2  }
0xaf: {  	[dreg:$0x3] =	wrdreg s24  }
0xb0: {  	[dreg:$0x4] =	wrdreg $0x9  }
0xb1: {  	_ =	task.clear_ibuf [dreg:s7], $0x5FFFF;
	_ =	strace $0x90000046  }
0xb2: {  	s29 =	simm.s32 $0x9;
	_ =	strace $0x80000048  }
0xb3: {  	_ =	swait.ge [sflag:s29], $0x1  }
0xb4: {  	[sflag:s29] =	ssyncadd.s32 $0xFFFFFFFF  }
0xb5: {  	_ =	strace $0x90000048  }
0xb6: {  	_ =	sfence  }
0xb7: {  	s30 =	sld [smem:$0x0];
	_ =	sdelay $0x2  }
0xb8: {  	s31 =	sshll.u32 s1, $0xD;
	s1 =	sshrl.u32 s1, $0x2  }
0xb9: {  	s3 =	sand.u32 $0x4000, s31;
	s1 =	sadd.s32 s1, s30  }
0xba: {  	s0 =	sor.u32 s3, s0;
	s1 =	sshll.u32 s1, $0x11  }
0xbb: {  	s0 =	sor.u32 s1, s0  }
0xbc: {  	s0 =	sadd.s32 $0x8F2B, s0  }
0xbd: {  	[sflag:s0] =	ssyncadd.remote.s32 $0x1  }
0xbe: {  	_ =	sfence.sel $0xFFFF  }
0xbf: {  	[dreg:$0x0] =	wrdreg $0xFFFFFFFF;
	(pc) =	sbr.abs _section_cstart, $3  }
0xc0: {  	[dreg:$0x1] =	wrdreg $0xFFFFFFFF  }
0xc1: {  	_ =	task.clear_ibuf [dreg:s7], $0x2FFFF;
	_ =	strace $0x9FFFFFFF  }
0xc2: {  	(tm) =	ssettm $0x7FFFFFFF  }
0xc3: {  	_ =	shalt  }
tec
execute0_lowered:
.L_overlay_start_1:
0x0: {  	(tag) =	ssettag $0x1  }
0x1: {  	s0 =	srdreg.scid;
	s1 =	stileid.u32  }
0x2: {  	s0 =	sand.u32 $0x1, s0;
	s1 =	sshll.u32 s1, $0x1  }
0x3: {  	s2 =	rddreg [dreg:$0x0];
	s1 =	sor.u32 s0, s1  }
0x4: {  	s3 =	rddreg [dreg:$0x1];
	s4 =	simm.s32 $0x0;
	s1 =	smul.u32 $0xC80, s1  }
0x5: {  	[smem:$0x7FF] =	sst s4  }
0x6: {  	s5 =	sadd.s32 $0x800, s3;
	s24 =	sadd.s32 $0x400, s3;
	[dreg:$0x3] =	wrdreg s1  }
0x7: {  	s0 =	ssub.s32 $0x2, s0;
	_ =	strace $0x80000047;
	[dreg:$0x4] =	wrdreg s5  }
0x8: {  	s25 =	sadd.s32 $0xA00, s3;
	s28 =	sshrl.u32 s0, $0x1;
	[dreg:$0x5] =	wrdreg s24  }
0x9: {  	s26 =	sadd.s32 $0x600, s3;
	s0 =	ssub.s32 s0, s28;
	[dreg:$0x6] =	wrdreg s25  }
0xa: {  	s1 =	sshrl.u32 s1, $0x3;
	s0 =	smax.u32 s0, $0x1;
	[dreg:$0x7] =	wrdreg s26  }
0xb: {  	s23 =	sadd.s32 s1, s3;
	s3 =	sadd.s32 $0xA200, s3;
	[dreg:$0xd] =	wrdreg s0  }
0xc: {  	s1 =	sadd.s32 s2, s1;
	[dreg:$0x8] =	wrdreg s3  }
0xd: {  	[dreg:$0x9] =	wrdreg s1;
	s29 =	sadd.s32 $0xC00, s23  }
0xe: {  	s30 =	sadd.s32 $0x3E00, s23;
	[dreg:$0xa] =	wrdreg s29  }
0xf: {  	s31 =	sadd.s32 $0x7000, s23;
	[dreg:$0xb] =	wrdreg s30  }
0x10: {  	s2 =	simm.s32 $0x0;
	[dreg:$0xc] =	wrdreg s31  }
.LBB2_1:
0x11: {  	[dreg:$0xe] =	wrdreg s2  }
0x12: {  	s0 =	simm.s32 $0x0;
	s1 =	rddreg [dreg:$0x9];
	s18 =	simm.s32 $0x2  }
0x13: {  	[tilespmem:s0], [sflag:$0x2] =	stream.linear.gather [hbm4b:s1+s0], $0xC80, $0x38;
	[tilespmem:$0x1CA20] =	vst v63  }
0x14: {  	_ =	swait.ge [sflag:s18], $0xC80  }
0x15: {  	[sflag:s18] =	ssyncset.done $0x0  }
0x16: {  	s3 =	simm.s32 $0xC80;
	s19 =	rddreg [dreg:$0xa];
	[sflag:s18] =	ssyncadd.s32 $0xFFFFF380  }
0x17: {  	[tilespmem:s3], [sflag:$0x2] =	stream.linear.gather [hbm4b:s19+s0], $0xC80, $0x38;
	[tilespmem:$0x1CA20] =	vst v63  }
0x18: {  	_ =	swait.ge [sflag:s18], $0xC80  }
0x19: {  	[sflag:s18] =	ssyncset.done $0x0  }
0x1a: {  	s21 =	simm.s32 $0x1900;
	s20 =	rddreg [dreg:$0xb];
	[sflag:s18] =	ssyncadd.s32 $0xFFFFF380  }
0x1b: {  	[tilespmem:s21], [sflag:$0x2] =	stream.linear.gather [hbm4b:s20+s0], $0xC80, $0x38;
	[tilespmem:$0x1CA20] =	vst v63  }
0x1c: {  	_ =	swait.ge [sflag:s18], $0xC80  }
0x1d: {  	[sflag:s18] =	ssyncset.done $0x0  }
0x1e: {  	s4 =	simm.s32 $0x2580;
	s22 =	rddreg [dreg:$0xc];
	[sflag:s18] =	ssyncadd.s32 $0xFFFFF380  }
0x1f: {  	[tilespmem:s4], [sflag:$0x2] =	stream.linear.gather [hbm4b:s22+s0], $0xC80, $0x38;
	[tilespmem:$0x1CA20] =	vst v63  }
0x20: {  	_ =	swait.ge [sflag:s18], $0xC80  }
0x21: {  	[sflag:s18] =	ssyncset.done $0x0  }
0x22: {  	s24 =	simm.s32 $0x3200;
	s23 =	rddreg [dreg:$0x4];
	[sflag:s18] =	ssyncadd.s32 $0xFFFFF380  }
0x23: {  	[tilespmem:s24], [sflag:$0x2] =	stream.linear.gather [hbm4b:s23+s0], $0x280, $0x38;
	[tilespmem:$0x1CA20] =	vst v63  }
0x24: {  	_ =	swait.ge [sflag:s18], $0x280  }
0x25: {  	[sflag:s18] =	ssyncset.done $0x0  }
0x26: {  	s26 =	simm.s32 $0x3480;
	s25 =	rddreg [dreg:$0x5];
	[sflag:s18] =	ssyncadd.s32 $0xFFFFFD80  }
0x27: {  	[tilespmem:s26], [sflag:$0x2] =	stream.linear.gather [hbm4b:s25+s0], $0x140, $0x38;
	[tilespmem:$0x1CA20] =	vst v63  }
0x28: {  	_ =	swait.ge [sflag:s18], $0x140  }
0x29: {  	[sflag:s18] =	ssyncset.done $0x0  }
0x2a: {  	s29 =	simm.s32 $0x35C0;
	s28 =	rddreg [dreg:$0x6];
	[sflag:s18] =	ssyncadd.s32 $0xFFFFFEC0  }
0x2b: {  	[tilespmem:s29], [sflag:$0x2] =	stream.linear.gather [hbm4b:s28+s0], $0x320, $0x38;
	[tilespmem:$0x1CA20] =	vst v63  }
0x2c: {  	_ =	swait.ge [sflag:s18], $0x320  }
0x2d: {  	[sflag:s18] =	ssyncset.done $0x0  }
0x2e: {  	s31 =	simm.s32 $0x38E0;
	s30 =	rddreg [dreg:$0x7];
	[sflag:s18] =	ssyncadd.s32 $0xFFFFFCE0  }
0x2f: {  	[tilespmem:s31], [sflag:$0x2] =	stream.linear.gather [hbm4b:s30+s0], $0x140, $0x38;
	[tilespmem:$0x1CA20] =	vst v63  }
0x30: {  	_ =	swait.ge [sflag:s18], $0x140  }
0x31: {  	[sflag:s18] =	ssyncset.done $0x0  }
0x32: {  	s3 =	simm.s32 $0x0;
	[sflag:s18] =	ssyncadd.s32 $0xFFFFFEC0  }
.LBB2_2:
0x33: {  	p0 =	slt.u32 s3, $0x2;
	v20 =	vmov s4  }
0x34: {  	[dreg:$0xf] =	wrdreg s4;
	s0 =	simm.s32 @!p0 $0x1  }
0x35: {  	_ =	swait.ge @!p0 [sflag:s0], $0xC800  }
0x36: {  	[sflag:s0] =	ssyncset.done @!p0 $0x0  }
0x37: {  	s31 =	simm.s32 $0x0;
	[sflag:s0] =	ssyncadd.s32 @!p0 $0xFFFF3800  }
0x38: {  	v0 =	vld.idx.msk [tilespmem:v20+s31+$0xFFFFDA80 ss:$0x1], $0xffff;
	_ =	sdelay $0x4  }
0x39: {  	v19 =	vshll.u32 v0, $0x5  }
0x3a: {  	(v2sf) =	vpush v19, $0x0;
	_ =	sdelay $0x5  }
0x3b: {  	v0 =	vld.idx.msk [tilespmem:v20+s31+$0xFFFFE700 ss:$0x1], $0xffff;
	_ =	sdelay $0x4  }
0x3c: {  	v18 =	vshll.u32 v0, $0x5  }
0x3d: {  	(v2sf) =	vpush v18, $0x0;
	_ =	sdelay $0x2  }
0x3e: {  	s2 =	spop (v2sf)  }
0x3f: {  	v0 =	vld [tilespmem:s2+$0x3200]  }
0x40: {  	s1 =	sand.u32 $0x1, s3;
	[dreg:$0x10] =	wrdreg s3  }
0x41: {  	p0 =	seq.s32 s1, $0x1;
	s1 =	simm.s32 $0xC800;
	v1 =	vld.idx.msk [tilespmem:v20+s31+$0xFFFFF380 ss:$0x1], $0xffff  }
0x42: {  	s1 =	simm.s32 @!p0 $0x0  }
0x43: {  	s28 =	sadd.s32 $0x3E20, s1  }
0x44: {  	v2 =	vld.idx.msk [tilespmem:v20+s31+$0x0 ss:$0x1], $0xffff;
	[tilespmem:s28+$0xFFFFFC00] =	vst v0  }
0x45: {  	v0 =	vld [tilespmem:s2+$0x3210]  }
0x46: {  	v17 =	vshll.u32 v1, $0x5  }
0x47: {  	(v2sf) =	vpush v17, $0x0;
	_ =	sdelay $0x2  }
0x48: {  	s3 =	spop (v2sf);
	[tilespmem:s28+$0xFFFFFC10] =	vst v0  }
0x49: {  	v0 =	vld [tilespmem:s3+$0x3480];
	_ =	sdelay $0x4  }
0x4a: {  	[tilespmem:s28+$0xFFFFFC20] =	vst v0  }
0x4b: {  	v0 =	vld [tilespmem:s3+$0x3490]  }
0x4c: {  	v16 =	vshll.u32 v2, $0x5  }
0x4d: {  	(v2sf) =	vpush v16, $0x0;
	_ =	sdelay $0x2  }
0x4e: {  	s4 =	spop (v2sf);
	[tilespmem:s28+$0xFFFFFC30] =	vst v0  }
0x4f: {  	v0 =	vld [tilespmem:s4+$0x35C0];
	_ =	sdelay $0x4  }
0x50: {  	[tilespmem:s28+$0xFFFFFC40] =	vst v0  }
0x51: {  	v0 =	vld [tilespmem:s4+$0x35D0];
	_ =	sdelay $0x1  }
0x52: {  	(v2sf) =	vpush v19, $0x1;
	_ =	sdelay $0x2  }
0x53: {  	s5 =	spop (v2sf);
	[tilespmem:s28+$0xFFFFFC50] =	vst v0  }
0x54: {  	v0 =	vld [tilespmem:s5+$0x38E0];
	_ =	sdelay $0x4  }
0x55: {  	[tilespmem:s28+$0xFFFFFC60] =	vst v0  }
0x56: {  	v0 =	vld [tilespmem:s5+$0x38F0];
	_ =	sdelay $0x1  }
0x57: {  	(v2sf) =	vpush v18, $0x1;
	_ =	sdelay $0x2  }
0x58: {  	s6 =	spop (v2sf);
	[tilespmem:s28+$0xFFFFFC70] =	vst v0  }
0x59: {  	v0 =	vld [tilespmem:s6+$0x3200];
	_ =	sdelay $0x4  }
0x5a: {  	[tilespmem:s28+$0xFFFFFC80] =	vst v0  }
0x5b: {  	v0 =	vld [tilespmem:s6+$0x3210];
	_ =	sdelay $0x1  }
0x5c: {  	(v2sf) =	vpush v17, $0x1;
	_ =	sdelay $0x2  }
0x5d: {  	s7 =	spop (v2sf);
	[tilespmem:s28+$0xFFFFFC90] =	vst v0  }
0x5e: {  	v0 =	vld [tilespmem:s7+$0x3480];
	_ =	sdelay $0x4  }
0x5f: {  	[tilespmem:s28+$0xFFFFFCA0] =	vst v0  }
0x60: {  	v0 =	vld [tilespmem:s7+$0x3490];
	_ =	sdelay $0x1  }
0x61: {  	(v2sf) =	vpush v16, $0x1;
	_ =	sdelay $0x2  }
0x62: {  	s8 =	spop (v2sf);
	[tilespmem:s28+$0xFFFFFCB0] =	vst v0  }
0x63: {  	v0 =	vld [tilespmem:s8+$0x35C0];
	_ =	sdelay $0x4  }
0x64: {  	[tilespmem:s28+$0xFFFFFCC0] =	vst v0  }
0x65: {  	v0 =	vld [tilespmem:s8+$0x35D0];
	_ =	sdelay $0x1  }
0x66: {  	(v2sf) =	vpush v19, $0x2;
	_ =	sdelay $0x2  }
0x67: {  	s9 =	spop (v2sf);
	[tilespmem:s28+$0xFFFFFCD0] =	vst v0  }
0x68: {  	v0 =	vld [tilespmem:s9+$0x38E0];
	_ =	sdelay $0x4  }
0x69: {  	[tilespmem:s28+$0xFFFFFCE0] =	vst v0  }
0x6a: {  	v0 =	vld [tilespmem:s9+$0x38F0];
	_ =	sdelay $0x1  }
0x6b: {  	(v2sf) =	vpush v18, $0x2;
	_ =	sdelay $0x2  }
0x6c: {  	s10 =	spop (v2sf);
	[tilespmem:s28+$0xFFFFFCF0] =	vst v0  }
0x6d: {  	v0 =	vld [tilespmem:s10+$0x3200];
	_ =	sdelay $0x4  }
0x6e: {  	[tilespmem:s28+$0xFFFFFD00] =	vst v0  }
0x6f: {  	v0 =	vld [tilespmem:s10+$0x3210];
	_ =	sdelay $0x1  }
0x70: {  	(v2sf) =	vpush v17, $0x2;
	_ =	sdelay $0x2  }
0x71: {  	s12 =	spop (v2sf);
	[tilespmem:s28+$0xFFFFFD10] =	vst v0  }
0x72: {  	s11 =	simm.s32 $0x10;
	v1 =	vld [tilespmem:s12+$0x3480]  }
0x73: {  	v0 =	vld.idx.msk [tilespmem:v20+s11+$0xFFFFDA80 ss:$0x1], $0xffff;
	_ =	sdelay $0x3  }
0x74: {  	[tilespmem:s28+$0xFFFFFD20] =	vst v1  }
0x75: {  	v11 =	vshll.u32 v0, $0x5;
	v0 =	vld [tilespmem:s12+$0x3490]  }
0x76: {  	(v2sf) =	vpush v11, $0x0  }
0x77: {  	(v2sf) =	vpush v16, $0x2;
	_ =	sdelay $0x2  }
0x78: {  	s13 =	spop (v2sf);
	[tilespmem:s28+$0xFFFFFD30] =	vst v0  }
0x79: {  	v0 =	vld [tilespmem:s13+$0x35C0]  }
0x7a: {  	v1 =	vld.idx.msk [tilespmem:v20+s11+$0xFFFFE700 ss:$0x1], $0xffff;
	_ =	sdelay $0x3  }
0x7b: {  	[tilespmem:s28+$0xFFFFFD40] =	vst v0  }
0x7c: {  	v10 =	vshll.u32 v1, $0x5;
	v0 =	vld [tilespmem:s13+$0x35D0]  }
0x7d: {  	(v2sf) =	vpush v10, $0x0  }
0x7e: {  	(v2sf) =	vpush v19, $0x3;
	_ =	sdelay $0x1  }
0x7f: {  	s14 =	spop (v2sf)  }
0x80: {  	v1 =	vld [tilespmem:s14+$0x3200];
	s15 =	spop (v2sf);
	[tilespmem:s28+$0xFFFFFD50] =	vst v0  }
0x81: {  	v0 =	vld [tilespmem:s15+$0x38E0]  }
0x82: {  	v2 =	vld.idx.msk [tilespmem:v20+s11+$0xFFFFF380 ss:$0x1], $0xffff;
	_ =	sdelay $0x1  }
0x83: {  	s29 =	sadd.s32 $0x800, s28  }
0x84: {  	v3 =	vld.idx.msk [tilespmem:v20+s11+$0x0 ss:$0x1], $0xffff;
	[tilespmem:s29+$0xFFFFFC00] =	vst v1  }
0x85: {  	v1 =	vld [tilespmem:s14+$0x3210];
	[tilespmem:s28+$0xFFFFFD60] =	vst v0  }
0x86: {  	v9 =	vshll.u32 v2, $0x5;
	v0 =	vld [tilespmem:s15+$0x38F0]  }
0x87: {  	(v2sf) =	vpush v9, $0x0  }
0x88: {  	(v2sf) =	vpush v18, $0x3;
	_ =	sdelay $0x1  }
0x89: {  	s16 =	spop (v2sf);
	[tilespmem:s29+$0xFFFFFC10] =	vst v1  }
0x8a: {  	s17 =	spop (v2sf);
	v1 =	vld [tilespmem:s16+$0x3480];
	[tilespmem:s28+$0xFFFFFD70] =	vst v0  }
0x8b: {  	v0 =	vld [tilespmem:s17+$0x3200];
	_ =	sdelay $0x3  }
0x8c: {  	[tilespmem:s29+$0xFFFFFC20] =	vst v1  }
0x8d: {  	v1 =	vld [tilespmem:s16+$0x3490];
	[tilespmem:s28+$0xFFFFFD80] =	vst v0  }
0x8e: {  	v8 =	vshll.u32 v3, $0x5;
	v0 =	vld [tilespmem:s17+$0x3210]  }
0x8f: {  	(v2sf) =	vpush v8, $0x0  }
0x90: {  	(v2sf) =	vpush v17, $0x3;
	_ =	sdelay $0x1  }
0x91: {  	s18 =	spop (v2sf);
	[tilespmem:s29+$0xFFFFFC30] =	vst v1  }
0x92: {  	s19 =	spop (v2sf);
	v1 =	vld [tilespmem:s18+$0x35C0];
	[tilespmem:s28+$0xFFFFFD90] =	vst v0  }
0x93: {  	v0 =	vld [tilespmem:s19+$0x3480];
	_ =	sdelay $0x3  }
0x94: {  	[tilespmem:s29+$0xFFFFFC40] =	vst v1  }
0x95: {  	v1 =	vld [tilespmem:s18+$0x35D0];
	[tilespmem:s28+$0xFFFFFDA0] =	vst v0  }
0x96: {  	v0 =	vld [tilespmem:s19+$0x3490]  }
0x97: {  	(v2sf) =	vpush v11, $0x1  }
0x98: {  	(v2sf) =	vpush v16, $0x3;
	_ =	sdelay $0x1  }
0x99: {  	s20 =	spop (v2sf);
	[tilespmem:s29+$0xFFFFFC50] =	vst v1  }
0x9a: {  	s21 =	spop (v2sf);
	v1 =	vld [tilespmem:s20+$0x38E0];
	[tilespmem:s28+$0xFFFFFDB0] =	vst v0  }
0x9b: {  	v0 =	vld [tilespmem:s21+$0x35C0];
	_ =	sdelay $0x3  }
0x9c: {  	[tilespmem:s29+$0xFFFFFC60] =	vst v1  }
0x9d: {  	v1 =	vld [tilespmem:s20+$0x38F0];
	[tilespmem:s28+$0xFFFFFDC0] =	vst v0  }
0x9e: {  	v0 =	vld [tilespmem:s21+$0x35D0]  }
0x9f: {  	(v2sf) =	vpush v10, $0x1  }
0xa0: {  	(v2sf) =	vpush v19, $0x4;
	_ =	sdelay $0x1  }
0xa1: {  	s22 =	spop (v2sf);
	[tilespmem:s29+$0xFFFFFC70] =	vst v1  }
0xa2: {  	s23 =	spop (v2sf);
	v1 =	vld [tilespmem:s22+$0x3200];
	[tilespmem:s28+$0xFFFFFDD0] =	vst v0  }
0xa3: {  	v0 =	vld [tilespmem:s23+$0x38E0];
	_ =	sdelay $0x3  }
0xa4: {  	[tilespmem:s29+$0xFFFFFC80] =	vst v1  }
0xa5: {  	v1 =	vld [tilespmem:s22+$0x3210];
	[tilespmem:s28+$0xFFFFFDE0] =	vst v0  }
0xa6: {  	v0 =	vld [tilespmem:s23+$0x38F0]  }
0xa7: {  	(v2sf) =	vpush v9, $0x1  }
0xa8: {  	(v2sf) =	vpush v18, $0x4;
	_ =	sdelay $0x1  }
0xa9: {  	s24 =	spop (v2sf);
	[tilespmem:s29+$0xFFFFFC90] =	vst v1  }
0xaa: {  	s25 =	spop (v2sf);
	v1 =	vld [tilespmem:s24+$0x3480];
	[tilespmem:s28+$0xFFFFFDF0] =	vst v0  }
0xab: {  	v0 =	vld [tilespmem:s25+$0x3200];
	_ =	sdelay $0x3  }
0xac: {  	[tilespmem:s29+$0xFFFFFCA0] =	vst v1  }
0xad: {  	v1 =	vld [tilespmem:s24+$0x3490];
	[tilespmem:s28+$0xFFFFFE00] =	vst v0  }
0xae: {  	v0 =	vld [tilespmem:s25+$0x3210]  }
0xaf: {  	(v2sf) =	vpush v8, $0x1  }
0xb0: {  	(v2sf) =	vpush v17, $0x4;
	_ =	sdelay $0x1  }
0xb1: {  	s26 =	spop (v2sf);
	[tilespmem:s29+$0xFFFFFCB0] =	vst v1  }
0xb2: {  	s31 =	spop (v2sf);
	v1 =	vld [tilespmem:s26+$0x35C0];
	[tilespmem:s28+$0xFFFFFE10] =	vst v0  }
0xb3: {  	v0 =	vld [tilespmem:s31+$0x3480];
	_ =	sdelay $0x3  }
0xb4: {  	[tilespmem:s29+$0xFFFFFCC0] =	vst v1  }
0xb5: {  	v1 =	vld [tilespmem:s26+$0x35D0];
	[tilespmem:s28+$0xFFFFFE20] =	vst v0  }
0xb6: {  	v0 =	vld [tilespmem:s31+$0x3490]  }
0xb7: {  	(v2sf) =	vpush v11, $0x2  }
0xb8: {  	(v2sf) =	vpush v16, $0x4;
	_ =	sdelay $0x1  }
0xb9: {  	s3 =	spop (v2sf);
	[tilespmem:s29+$0xFFFFFCD0] =	vst v1  }
0xba: {  	s4 =	spop (v2sf);
	v1 =	vld [tilespmem:s3+$0x38E0];
	[tilespmem:s28+$0xFFFFFE30] =	vst v0  }
0xbb: {  	v0 =	vld [tilespmem:s4+$0x35C0];
	_ =	sdelay $0x3  }
0xbc: {  	[tilespmem:s29+$0xFFFFFCE0] =	vst v1  }
0xbd: {  	v1 =	vld [tilespmem:s3+$0x38F0];
	[tilespmem:s28+$0xFFFFFE40] =	vst v0  }
0xbe: {  	v0 =	vld [tilespmem:s4+$0x35D0]  }
0xbf: {  	(v2sf) =	vpush v10, $0x2  }
0xc0: {  	(v2sf) =	vpush v19, $0x5;
	_ =	sdelay $0x1  }
0xc1: {  	s5 =	spop (v2sf);
	[tilespmem:s29+$0xFFFFFCF0] =	vst v1  }
0xc2: {  	s6 =	spop (v2sf);
	v1 =	vld [tilespmem:s5+$0x3200];
	[tilespmem:s28+$0xFFFFFE50] =	vst v0  }
0xc3: {  	v0 =	vld [tilespmem:s6+$0x38E0];
	_ =	sdelay $0x3  }
0xc4: {  	[tilespmem:s29+$0xFFFFFD00] =	vst v1  }
0xc5: {  	v1 =	vld [tilespmem:s5+$0x3210];
	[tilespmem:s28+$0xFFFFFE60] =	vst v0  }
0xc6: {  	v0 =	vld [tilespmem:s6+$0x38F0]  }
0xc7: {  	(v2sf) =	vpush v9, $0x2  }
0xc8: {  	(v2sf) =	vpush v18, $0x5  }
0xc9: {  	s8 =	simm.s32 $0x20  }
0xca: {  	v2 =	vld.idx.msk [tilespmem:v20+s8+$0xFFFFDA80 ss:$0x1], $0xffff;
	s7 =	spop (v2sf);
	[tilespmem:s29+$0xFFFFFD10] =	vst v1  }
0xcb: {  	s9 =	spop (v2sf);
	v1 =	vld [tilespmem:s7+$0x3480];
	[tilespmem:s28+$0xFFFFFE70] =	vst v0  }
0xcc: {  	v3 =	vld [tilespmem:s9+$0x3200];
	_ =	sdelay $0x3  }
0xcd: {  	[tilespmem:s29+$0xFFFFFD20] =	vst v1  }
0xce: {  	v0 =	vshll.u32 v2, $0x5;
	v1 =	vld [tilespmem:s7+$0x3490];
	[tilespmem:s28+$0xFFFFFE80] =	vst v3  }
0xcf: {  	(v2sf) =	vpush v0, $0x0;
	v2 =	vld [tilespmem:s9+$0x3210]  }
0xd0: {  	(v2sf) =	vpush v8, $0x2  }
0xd1: {  	(v2sf) =	vpush v17, $0x5;
	_ =	sdelay $0x1  }
0xd2: {  	s10 =	spop (v2sf);
	v3 =	vld.idx.msk [tilespmem:v20+s8+$0xFFFFE700 ss:$0x1], $0xffff;
	[tilespmem:s29+$0xFFFFFD30] =	vst v1  }
0xd3: {  	s11 =	spop (v2sf);
	v1 =	vld [tilespmem:s10+$0x35C0];
	[tilespmem:s28+$0xFFFFFE90] =	vst v2  }
0xd4: {  	v2 =	vld [tilespmem:s11+$0x3480];
	_ =	sdelay $0x3  }
0xd5: {  	[tilespmem:s29+$0xFFFFFD40] =	vst v1  }
0xd6: {  	v1 =	vshll.u32 v3, $0x5;
	v3 =	vld [tilespmem:s10+$0x35D0];
	[tilespmem:s28+$0xFFFFFEA0] =	vst v2  }
0xd7: {  	(v2sf) =	vpush v1, $0x0;
	v2 =	vld [tilespmem:s11+$0x3490]  }
0xd8: {  	(v2sf) =	vpush v11, $0x3  }
0xd9: {  	(v2sf) =	vpush v16, $0x5  }
0xda: {  	v5 =	vld.idx.msk [tilespmem:v20+s8+$0xFFFFF380 ss:$0x1], $0xffff;
	s12 =	spop (v2sf)  }
0xdb: {  	v4 =	vld [tilespmem:s12+$0x3200];
	s13 =	spop (v2sf);
	[tilespmem:s29+$0xFFFFFD50] =	vst v3  }
0xdc: {  	s14 =	spop (v2sf);
	v3 =	vld [tilespmem:s13+$0x38E0];
	[tilespmem:s28+$0xFFFFFEB0] =	vst v2  }
0xdd: {  	v6 =	vld [tilespmem:s14+$0x35C0];
	_ =	sdelay $0x1  }
0xde: {  	s25 =	sadd.s32 $0x800, s29  }
0xdf: {  	v7 =	vld.idx.msk [tilespmem:v20+s8+$0x0 ss:$0x1], $0xffff;
	[tilespmem:s25+$0xFFFFFC00] =	vst v4  }
0xe0: {  	v4 =	vld [tilespmem:s12+$0x3210];
	[tilespmem:s29+$0xFFFFFD60] =	vst v3  }
0xe1: {  	v2 =	vshll.u32 v5, $0x5;
	v3 =	vld [tilespmem:s13+$0x38F0];
	[tilespmem:s28+$0xFFFFFEC0] =	vst v6  }
0xe2: {  	(v2sf) =	vpush v2, $0x0;
	v5 =	vld [tilespmem:s14+$0x35D0]  }
0xe3: {  	(v2sf) =	vpush v10, $0x3  }
0xe4: {  	(v2sf) =	vpush v19, $0x6  }
0xe5: {  	[tilespmem:s25+$0xFFFFFC10] =	vst v4;
	s15 =	spop (v2sf)  }
0xe6: {  	v4 =	vld [tilespmem:s15+$0x3480];
	s16 =	spop (v2sf);
	[tilespmem:s29+$0xFFFFFD70] =	vst v3  }
0xe7: {  	s17 =	spop (v2sf);
	v3 =	vld [tilespmem:s16+$0x3200];
	[tilespmem:s28+$0xFFFFFED0] =	vst v5  }
0xe8: {  	v5 =	vld [tilespmem:s17+$0x38E0];
	_ =	sdelay $0x2  }
0xe9: {  	[tilespmem:s25+$0xFFFFFC20] =	vst v4  }
0xea: {  	v4 =	vld [tilespmem:s15+$0x3490];
	[tilespmem:s29+$0xFFFFFD80] =	vst v3  }
0xeb: {  	v3 =	vshll.u32 v7, $0x5;
	v6 =	vld [tilespmem:s16+$0x3210];
	[tilespmem:s28+$0xFFFFFEE0] =	vst v5  }
0xec: {  	(v2sf) =	vpush v3, $0x0;
	v5 =	vld [tilespmem:s17+$0x38F0]  }
0xed: {  	(v2sf) =	vpush v9, $0x3  }
0xee: {  	(v2sf) =	vpush v18, $0x6  }
0xef: {  	s18 =	spop (v2sf);
	[tilespmem:s25+$0xFFFFFC30] =	vst v4  }
0xf0: {  	s19 =	spop (v2sf);
	v4 =	vld [tilespmem:s18+$0x35C0];
	[tilespmem:s29+$0xFFFFFD90] =	vst v6  }
0xf1: {  	s20 =	spop (v2sf);
	v6 =	vld [tilespmem:s19+$0x3480];
	[tilespmem:s28+$0xFFFFFEF0] =	vst v5  }
0xf2: {  	v5 =	vld [tilespmem:s20+$0x3200];
	_ =	sdelay $0x2  }
0xf3: {  	[tilespmem:s25+$0xFFFFFC40] =	vst v4  }
0xf4: {  	v4 =	vld [tilespmem:s18+$0x35D0];
	[tilespmem:s29+$0xFFFFFDA0] =	vst v6  }
0xf5: {  	v6 =	vld [tilespmem:s19+$0x3490];
	[tilespmem:s28+$0xFFFFFF00] =	vst v5  }
0xf6: {  	(v2sf) =	vpush v0, $0x1;
	v5 =	vld [tilespmem:s20+$0x3210]  }
0xf7: {  	(v2sf) =	vpush v8, $0x3  }
0xf8: {  	(v2sf) =	vpush v17, $0x6  }
0xf9: {  	[tilespmem:s25+$0xFFFFFC50] =	vst v4;
	s21 =	spop (v2sf)  }
0xfa: {  	v4 =	vld [tilespmem:s21+$0x38E0];
	s22 =	spop (v2sf);
	[tilespmem:s29+$0xFFFFFDB0] =	vst v6  }
0xfb: {  	s23 =	spop (v2sf);
	v6 =	vld [tilespmem:s22+$0x35C0];
	[tilespmem:s28+$0xFFFFFF10] =	vst v5  }
0xfc: {  	v5 =	vld [tilespmem:s23+$0x3480];
	_ =	sdelay $0x2  }
0xfd: {  	[tilespmem:s25+$0xFFFFFC60] =	vst v4  }
0xfe: {  	v4 =	vld [tilespmem:s21+$0x38F0];
	[tilespmem:s29+$0xFFFFFDC0] =	vst v6  }
0xff: {  	v6 =	vld [tilespmem:s22+$0x35D0];
	[tilespmem:s28+$0xFFFFFF20] =	vst v5  }
0x100: {  	(v2sf) =	vpush v1, $0x1;
	v5 =	vld [tilespmem:s23+$0x3490]  }
0x101: {  	(v2sf) =	vpush v11, $0x4  }
0x102: {  	(v2sf) =	vpush v16, $0x6  }
0x103: {  	s24 =	spop (v2sf);
	[tilespmem:s25+$0xFFFFFC70] =	vst v4  }
0x104: {  	s26 =	spop (v2sf);
	v4 =	vld [tilespmem:s24+$0x3200];
	[tilespmem:s29+$0xFFFFFDD0] =	vst v6  }
0x105: {  	s31 =	spop (v2sf);
	v6 =	vld [tilespmem:s26+$0x38E0];
	[tilespmem:s28+$0xFFFFFF30] =	vst v5  }
0x106: {  	v5 =	vld [tilespmem:s31+$0x35C0];
	_ =	sdelay $0x2  }
0x107: {  	[tilespmem:s25+$0xFFFFFC80] =	vst v4  }
0x108: {  	v4 =	vld [tilespmem:s24+$0x3210];
	[tilespmem:s29+$0xFFFFFDE0] =	vst v6  }
0x109: {  	v6 =	vld [tilespmem:s26+$0x38F0];
	[tilespmem:s28+$0xFFFFFF40] =	vst v5  }
0x10a: {  	(v2sf) =	vpush v2, $0x1;
	v5 =	vld [tilespmem:s31+$0x35D0]  }
0x10b: {  	(v2sf) =	vpush v10, $0x4  }
0x10c: {  	(v2sf) =	vpush v19, $0x7  }
0x10d: {  	s3 =	spop (v2sf);
	[tilespmem:s25+$0xFFFFFC90] =	vst v4  }
0x10e: {  	s4 =	spop (v2sf);
	v4 =	vld [tilespmem:s3+$0x3480];
	[tilespmem:s29+$0xFFFFFDF0] =	vst v6  }
0x10f: {  	s5 =	spop (v2sf);
	v6 =	vld [tilespmem:s4+$0x3200];
	[tilespmem:s28+$0xFFFFFF50] =	vst v5  }
0x110: {  	v5 =	vld [tilespmem:s5+$0x38E0];
	_ =	sdelay $0x2  }
0x111: {  	[tilespmem:s25+$0xFFFFFCA0] =	vst v4  }
0x112: {  	v4 =	vld [tilespmem:s3+$0x3490];
	[tilespmem:s29+$0xFFFFFE00] =	vst v6  }
0x113: {  	v6 =	vld [tilespmem:s4+$0x3210];
	[tilespmem:s28+$0xFFFFFF60] =	vst v5  }
0x114: {  	(v2sf) =	vpush v3, $0x1;
	v5 =	vld [tilespmem:s5+$0x38F0]  }
0x115: {  	(v2sf) =	vpush v9, $0x4  }
0x116: {  	(v2sf) =	vpush v18, $0x7  }
0x117: {  	s6 =	spop (v2sf);
	[tilespmem:s25+$0xFFFFFCB0] =	vst v4  }
0x118: {  	s7 =	spop (v2sf);
	v4 =	vld [tilespmem:s6+$0x35C0];
	[tilespmem:s29+$0xFFFFFE10] =	vst v6  }
0x119: {  	s8 =	spop (v2sf);
	v6 =	vld [tilespmem:s7+$0x3480];
	[tilespmem:s28+$0xFFFFFF70] =	vst v5  }
0x11a: {  	v5 =	vld [tilespmem:s8+$0x3200];
	_ =	sdelay $0x2  }
0x11b: {  	[tilespmem:s25+$0xFFFFFCC0] =	vst v4  }
0x11c: {  	v4 =	vld [tilespmem:s6+$0x35D0];
	[tilespmem:s29+$0xFFFFFE20] =	vst v6  }
0x11d: {  	v6 =	vld [tilespmem:s7+$0x3490];
	[tilespmem:s28+$0xFFFFFF80] =	vst v5  }
0x11e: {  	(v2sf) =	vpush v0, $0x2;
	v5 =	vld [tilespmem:s8+$0x3210]  }
0x11f: {  	(v2sf) =	vpush v8, $0x4  }
0x120: {  	(v2sf) =	vpush v17, $0x7  }
0x121: {  	s9 =	spop (v2sf);
	[tilespmem:s25+$0xFFFFFCD0] =	vst v4  }
0x122: {  	s10 =	spop (v2sf);
	v4 =	vld [tilespmem:s9+$0x38E0];
	[tilespmem:s29+$0xFFFFFE30] =	vst v6  }
0x123: {  	s11 =	spop (v2sf);
	v6 =	vld [tilespmem:s10+$0x35C0];
	[tilespmem:s28+$0xFFFFFF90] =	vst v5  }
0x124: {  	v5 =	vld [tilespmem:s11+$0x3480];
	_ =	sdelay $0x2  }
0x125: {  	[tilespmem:s25+$0xFFFFFCE0] =	vst v4  }
0x126: {  	v4 =	vld [tilespmem:s9+$0x38F0];
	[tilespmem:s29+$0xFFFFFE40] =	vst v6  }
0x127: {  	v6 =	vld [tilespmem:s10+$0x35D0];
	[tilespmem:s28+$0xFFFFFFA0] =	vst v5  }
0x128: {  	(v2sf) =	vpush v1, $0x2;
	v5 =	vld [tilespmem:s11+$0x3490]  }
0x129: {  	(v2sf) =	vpush v11, $0x5  }
0x12a: {  	(v2sf) =	vpush v16, $0x7  }
0x12b: {  	s12 =	spop (v2sf);
	[tilespmem:s25+$0xFFFFFCF0] =	vst v4  }
0x12c: {  	s13 =	spop (v2sf);
	v4 =	vld [tilespmem:s12+$0x3200];
	[tilespmem:s29+$0xFFFFFE50] =	vst v6  }
0x12d: {  	s14 =	spop (v2sf);
	v6 =	vld [tilespmem:s13+$0x38E0];
	[tilespmem:s28+$0xFFFFFFB0] =	vst v5  }
0x12e: {  	v5 =	vld [tilespmem:s14+$0x35C0];
	_ =	sdelay $0x2  }
0x12f: {  	[tilespmem:s25+$0xFFFFFD00] =	vst v4  }
0x130: {  	v4 =	vld [tilespmem:s12+$0x3210];
	[tilespmem:s29+$0xFFFFFE60] =	vst v6  }
0x131: {  	v6 =	vld [tilespmem:s13+$0x38F0];
	[tilespmem:s28+$0xFFFFFFC0] =	vst v5  }
0x132: {  	(v2sf) =	vpush v2, $0x2;
	v5 =	vld [tilespmem:s14+$0x35D0]  }
0x133: {  	(v2sf) =	vpush v10, $0x5  }
0x134: {  	s15 =	simm.s32 $0x30;
	(v2sf) =	vpush v19, $0x8  }
0x135: {  	s16 =	spop (v2sf);
	[tilespmem:s25+$0xFFFFFD10] =	vst v4;
	v4 =	vld.idx.msk [tilespmem:v20+s15+$0xFFFFDA80 ss:$0x1], $0xffff  }
0x136: {  	s17 =	spop (v2sf);
	[tilespmem:s29+$0xFFFFFE70] =	vst v6;
	v6 =	vld [tilespmem:s16+$0x3480]  }
0x137: {  	s18 =	spop (v2sf);
	v7 =	vld [tilespmem:s17+$0x3200];
	[tilespmem:s28+$0xFFFFFFD0] =	vst v5  }
0x138: {  	v5 =	vld [tilespmem:s18+$0x38E0];
	_ =	sdelay $0x2  }
0x139: {  	v4 =	vshll.u32 v4, $0x5;
	[tilespmem:s25+$0xFFFFFD20] =	vst v6  }
0x13a: {  	(v2sf) =	vpush v4, $0x0;
	v6 =	vld [tilespmem:s16+$0x3490];
	[tilespmem:s29+$0xFFFFFE80] =	vst v7  }
0x13b: {  	v7 =	vld [tilespmem:s17+$0x3210];
	[tilespmem:s28+$0xFFFFFFE0] =	vst v5  }
0x13c: {  	(v2sf) =	vpush v3, $0x2;
	v5 =	vld [tilespmem:s18+$0x38F0]  }
0x13d: {  	(v2sf) =	vpush v9, $0x5  }
0x13e: {  	(v2sf) =	vpush v18, $0x8  }
0x13f: {  	v12 =	vld.idx.msk [tilespmem:v20+s15+$0xFFFFE700 ss:$0x1], $0xffff;
	s19 =	spop (v2sf);
	[tilespmem:s25+$0xFFFFFD30] =	vst v6  }
0x140: {  	s20 =	spop (v2sf);
	v6 =	vld [tilespmem:s19+$0x35C0];
	[tilespmem:s29+$0xFFFFFE90] =	vst v7  }
0x141: {  	s21 =	spop (v2sf);
	v7 =	vld [tilespmem:s20+$0x3480];
	[tilespmem:s28+$0xFFFFFFF0] =	vst v5  }
0x142: {  	v13 =	vld [tilespmem:s21+$0x3200];
	_ =	sdelay $0x2  }
0x143: {  	[tilespmem:s25+$0xFFFFFD40] =	vst v6  }
0x144: {  	v5 =	vshll.u32 v12, $0x5;
	v6 =	vld [tilespmem:s19+$0x35D0];
	[tilespmem:s29+$0xFFFFFEA0] =	vst v7  }
0x145: {  	(v2sf) =	vpush v5, $0x0;
	v7 =	vld [tilespmem:s20+$0x3490];
	[tilespmem:s28+$0x0] =	vst v13  }
0x146: {  	(v2sf) =	vpush v0, $0x3;
	v12 =	vld [tilespmem:s21+$0x3210]  }
0x147: {  	(v2sf) =	vpush v8, $0x5;
	s22 =	spop (v2sf)  }
0x148: {  	(v2sf) =	vpush v17, $0x8;
	v14 =	vld [tilespmem:s22+$0x3200]  }
0x149: {  	s23 =	spop (v2sf);
	v13 =	vld.idx.msk [tilespmem:v20+s15+$0xFFFFF380 ss:$0x1], $0xffff;
	[tilespmem:s25+$0xFFFFFD50] =	vst v6  }
0x14a: {  	s24 =	spop (v2sf);
	v6 =	vld [tilespmem:s23+$0x38E0];
	[tilespmem:s29+$0xFFFFFEB0] =	vst v7  }
0x14b: {  	s31 =	spop (v2sf);
	v7 =	vld [tilespmem:s24+$0x35C0];
	[tilespmem:s28+$0x10] =	vst v12  }
0x14c: {  	v12 =	vld [tilespmem:s31+$0x3480]  }
0x14d: {  	s26 =	sadd.s32 $0x800, s25  }
0x14e: {  	v15 =	vld.idx.msk [tilespmem:v20+s15+$0x0 ss:$0x1], $0xffff;
	[tilespmem:s26+$0xFFFFFC00] =	vst v14  }
0x14f: {  	v14 =	vld [tilespmem:s22+$0x3210];
	[tilespmem:s25+$0xFFFFFD60] =	vst v6  }
0x150: {  	v6 =	vshll.u32 v13, $0x5;
	v13 =	vld [tilespmem:s23+$0x38F0];
	[tilespmem:s29+$0xFFFFFEC0] =	vst v7  }
0x151: {  	(v2sf) =	vpush v6, $0x0;
	v7 =	vld [tilespmem:s24+$0x35D0];
	[tilespmem:s28+$0x20] =	vst v12  }
0x152: {  	(v2sf) =	vpush v1, $0x3;
	v12 =	vld [tilespmem:s31+$0x3490]  }
0x153: {  	(v2sf) =	vpush v11, $0x6  }
0x154: {  	[tilespmem:s26+$0xFFFFFC10] =	vst v14;
	s2 =	spop (v2sf);
	(v2sf) =	vpush v16, $0x8  }
0x155: {  	v14 =	vld [tilespmem:s2+$0x3480];
	s3 =	spop (v2sf);
	[tilespmem:s25+$0xFFFFFD70] =	vst v13  }
0x156: {  	s4 =	spop (v2sf);
	v13 =	vld [tilespmem:s3+$0x3200];
	[tilespmem:s29+$0xFFFFFED0] =	vst v7  }
0x157: {  	s5 =	spop (v2sf);
	v7 =	vld [tilespmem:s4+$0x38E0];
	[tilespmem:s28+$0x30] =	vst v12  }
0x158: {  	v12 =	vld [tilespmem:s5+$0x35C0];
	_ =	sdelay $0x1  }
0x159: {  	[tilespmem:s26+$0xFFFFFC20] =	vst v14  }
0x15a: {  	v14 =	vld [tilespmem:s2+$0x3490];
	[tilespmem:s25+$0xFFFFFD80] =	vst v13  }
0x15b: {  	v13 =	vld [tilespmem:s3+$0x3210];
	[tilespmem:s29+$0xFFFFFEE0] =	vst v7;
	v7 =	vshll.u32 v15, $0x5  }
0x15c: {  	v15 =	vld [tilespmem:s4+$0x38F0];
	(v2sf) =	vpush v7, $0x0;
	[tilespmem:s28+$0x40] =	vst v12  }
0x15d: {  	(v2sf) =	vpush v2, $0x3;
	v12 =	vld [tilespmem:s5+$0x35D0]  }
0x15e: {  	(v2sf) =	vpush v10, $0x6  }
0x15f: {  	[tilespmem:s26+$0xFFFFFC30] =	vst v14;
	s6 =	spop (v2sf);
	(v2sf) =	vpush v19, $0x9  }
0x160: {  	v14 =	vld [tilespmem:s6+$0x35C0];
	s7 =	spop (v2sf);
	[tilespmem:s25+$0xFFFFFD90] =	vst v13  }
0x161: {  	s8 =	spop (v2sf);
	v13 =	vld [tilespmem:s7+$0x3480];
	[tilespmem:s29+$0xFFFFFEF0] =	vst v15  }
0x162: {  	v15 =	vld [tilespmem:s8+$0x3200];
	s9 =	spop (v2sf);
	[tilespmem:s28+$0x50] =	vst v12  }
0x163: {  	v12 =	vld [tilespmem:s9+$0x38E0];
	_ =	sdelay $0x1  }
0x164: {  	[tilespmem:s26+$0xFFFFFC40] =	vst v14  }
0x165: {  	v14 =	vld [tilespmem:s6+$0x35D0];
	[tilespmem:s25+$0xFFFFFDA0] =	vst v13  }
0x166: {  	v13 =	vld [tilespmem:s7+$0x3490];
	[tilespmem:s29+$0xFFFFFF00] =	vst v15  }
0x167: {  	(v2sf) =	vpush v4, $0x1;
	v15 =	vld [tilespmem:s8+$0x3210];
	[tilespmem:s28+$0x60] =	vst v12  }
0x168: {  	(v2sf) =	vpush v3, $0x3;
	v12 =	vld [tilespmem:s9+$0x38F0]  }
0x169: {  	(v2sf) =	vpush v9, $0x6  }
0x16a: {  	[tilespmem:s26+$0xFFFFFC50] =	vst v14;
	s10 =	spop (v2sf);
	(v2sf) =	vpush v18, $0x9  }
0x16b: {  	v14 =	vld [tilespmem:s10+$0x38E0];
	[tilespmem:s25+$0xFFFFFDB0] =	vst v13;
	s11 =	spop (v2sf)  }
0x16c: {  	v13 =	vld [tilespmem:s11+$0x35C0];
	[tilespmem:s29+$0xFFFFFF10] =	vst v15;
	s12 =	spop (v2sf)  }
0x16d: {  	v15 =	vld [tilespmem:s12+$0x3480];
	s13 =	spop (v2sf);
	[tilespmem:s28+$0x70] =	vst v12  }
0x16e: {  	v12 =	vld [tilespmem:s13+$0x3200];
	_ =	sdelay $0x1  }
0x16f: {  	[tilespmem:s26+$0xFFFFFC60] =	vst v14  }
0x170: {  	v14 =	vld [tilespmem:s10+$0x38F0];
	[tilespmem:s25+$0xFFFFFDC0] =	vst v13  }
0x171: {  	v13 =	vld [tilespmem:s11+$0x35D0];
	[tilespmem:s29+$0xFFFFFF20] =	vst v15  }
0x172: {  	(v2sf) =	vpush v5, $0x1;
	v15 =	vld [tilespmem:s12+$0x3490];
	[tilespmem:s28+$0x80] =	vst v12  }
0x173: {  	(v2sf) =	vpush v0, $0x4;
	v12 =	vld [tilespmem:s13+$0x3210]  }
0x174: {  	(v2sf) =	vpush v8, $0x6  }
0x175: {  	s14 =	spop (v2sf);
	(v2sf) =	vpush v17, $0x9;
	[tilespmem:s26+$0xFFFFFC70] =	vst v14  }
0x176: {  	s15 =	spop (v2sf);
	v14 =	vld [tilespmem:s14+$0x3200];
	[tilespmem:s25+$0xFFFFFDD0] =	vst v13  }
0x177: {  	s16 =	spop (v2sf);
	v13 =	vld [tilespmem:s15+$0x38E0];
	[tilespmem:s29+$0xFFFFFF30] =	vst v15  }
0x178: {  	v15 =	vld [tilespmem:s16+$0x35C0];
	s17 =	spop (v2sf);
	[tilespmem:s28+$0x90] =	vst v12  }
0x179: {  	v12 =	vld [tilespmem:s17+$0x3480];
	_ =	sdelay $0x1  }
0x17a: {  	[tilespmem:s26+$0xFFFFFC80] =	vst v14  }
0x17b: {  	v14 =	vld [tilespmem:s14+$0x3210];
	[tilespmem:s25+$0xFFFFFDE0] =	vst v13  }
0x17c: {  	v13 =	vld [tilespmem:s15+$0x38F0];
	[tilespmem:s29+$0xFFFFFF40] =	vst v15  }
0x17d: {  	(v2sf) =	vpush v6, $0x1;
	v15 =	vld [tilespmem:s16+$0x35D0];
	[tilespmem:s28+$0xA0] =	vst v12  }
0x17e: {  	(v2sf) =	vpush v1, $0x4;
	v12 =	vld [tilespmem:s17+$0x3490]  }
0x17f: {  	(v2sf) =	vpush v11, $0x7  }
0x180: {  	s18 =	spop (v2sf);
	(v2sf) =	vpush v16, $0x9;
	[tilespmem:s26+$0xFFFFFC90] =	vst v14  }
0x181: {  	s19 =	spop (v2sf);
	v14 =	vld [tilespmem:s18+$0x3480];
	[tilespmem:s25+$0xFFFFFDF0] =	vst v13  }
0x182: {  	s20 =	spop (v2sf);
	v13 =	vld [tilespmem:s19+$0x3200];
	[tilespmem:s29+$0xFFFFFF50] =	vst v15  }
0x183: {  	s21 =	spop (v2sf);
	v15 =	vld [tilespmem:s20+$0x38E0];
	[tilespmem:s28+$0xB0] =	vst v12  }
0x184: {  	v12 =	vld [tilespmem:s21+$0x35C0];
	_ =	sdelay $0x1  }
0x185: {  	[tilespmem:s26+$0xFFFFFCA0] =	vst v14  }
0x186: {  	v14 =	vld [tilespmem:s18+$0x3490];
	[tilespmem:s25+$0xFFFFFE00] =	vst v13  }
0x187: {  	v13 =	vld [tilespmem:s19+$0x3210];
	[tilespmem:s29+$0xFFFFFF60] =	vst v15  }
0x188: {  	(v2sf) =	vpush v7, $0x1;
	v15 =	vld [tilespmem:s20+$0x38F0];
	[tilespmem:s28+$0xC0] =	vst v12  }
0x189: {  	(v2sf) =	vpush v2, $0x4;
	v12 =	vld [tilespmem:s21+$0x35D0]  }
0x18a: {  	(v2sf) =	vpush v10, $0x7  }
0x18b: {  	s22 =	spop (v2sf);
	(v2sf) =	vpush v19, $0xA;
	[tilespmem:s26+$0xFFFFFCB0] =	vst v14  }
0x18c: {  	s23 =	spop (v2sf);
	v14 =	vld [tilespmem:s22+$0x35C0];
	[tilespmem:s25+$0xFFFFFE10] =	vst v13  }
0x18d: {  	s24 =	spop (v2sf);
	v13 =	vld [tilespmem:s23+$0x3480];
	[tilespmem:s29+$0xFFFFFF70] =	vst v15  }
0x18e: {  	s31 =	spop (v2sf);
	v15 =	vld [tilespmem:s24+$0x3200];
	[tilespmem:s28+$0xD0] =	vst v12  }
0x18f: {  	v12 =	vld [tilespmem:s31+$0x38E0];
	_ =	sdelay $0x1  }
0x190: {  	[tilespmem:s26+$0xFFFFFCC0] =	vst v14  }
0x191: {  	v14 =	vld [tilespmem:s22+$0x35D0];
	[tilespmem:s25+$0xFFFFFE20] =	vst v13  }
0x192: {  	v13 =	vld [tilespmem:s23+$0x3490];
	[tilespmem:s29+$0xFFFFFF80] =	vst v15  }
0x193: {  	(v2sf) =	vpush v4, $0x2;
	v15 =	vld [tilespmem:s24+$0x3210];
	[tilespmem:s28+$0xE0] =	vst v12  }
0x194: {  	(v2sf) =	vpush v3, $0x4;
	v12 =	vld [tilespmem:s31+$0x38F0]  }
0x195: {  	(v2sf) =	vpush v9, $0x7  }
0x196: {  	s5 =	spop (v2sf);
	(v2sf) =	vpush v18, $0xA;
	[tilespmem:s26+$0xFFFFFCD0] =	vst v14  }
0x197: {  	s6 =	spop (v2sf);
	v14 =	vld [tilespmem:s5+$0x38E0];
	[tilespmem:s25+$0xFFFFFE30] =	vst v13  }
0x198: {  	s7 =	spop (v2sf);
	v13 =	vld [tilespmem:s6+$0x35C0];
	[tilespmem:s29+$0xFFFFFF90] =	vst v15  }
0x199: {  	s8 =	spop (v2sf);
	v15 =	vld [tilespmem:s7+$0x3480];
	[tilespmem:s28+$0xF0] =	vst v12  }
0x19a: {  	v12 =	vld [tilespmem:s8+$0x3200];
	_ =	sdelay $0x1  }
0x19b: {  	[tilespmem:s26+$0xFFFFFCE0] =	vst v14  }
0x19c: {  	v14 =	vld [tilespmem:s5+$0x38F0];
	[tilespmem:s25+$0xFFFFFE40] =	vst v13  }
0x19d: {  	v13 =	vld [tilespmem:s6+$0x35D0];
	[tilespmem:s29+$0xFFFFFFA0] =	vst v15  }
0x19e: {  	(v2sf) =	vpush v5, $0x2;
	v15 =	vld [tilespmem:s7+$0x3490];
	[tilespmem:s28+$0x100] =	vst v12  }
0x19f: {  	(v2sf) =	vpush v0, $0x5;
	v12 =	vld [tilespmem:s8+$0x3210]  }
0x1a0: {  	(v2sf) =	vpush v8, $0x7  }
0x1a1: {  	s9 =	spop (v2sf);
	(v2sf) =	vpush v17, $0xA;
	[tilespmem:s26+$0xFFFFFCF0] =	vst v14  }
0x1a2: {  	s10 =	spop (v2sf);
	v14 =	vld [tilespmem:s9+$0x3200];
	[tilespmem:s25+$0xFFFFFE50] =	vst v13  }
0x1a3: {  	s11 =	spop (v2sf);
	v13 =	vld [tilespmem:s10+$0x38E0];
	[tilespmem:s29+$0xFFFFFFB0] =	vst v15  }
0x1a4: {  	s12 =	spop (v2sf);
	v15 =	vld [tilespmem:s11+$0x35C0];
	[tilespmem:s28+$0x110] =	vst v12  }
0x1a5: {  	v12 =	vld [tilespmem:s12+$0x3480];
	_ =	sdelay $0x1  }
0x1a6: {  	[tilespmem:s26+$0xFFFFFD00] =	vst v14  }
0x1a7: {  	v14 =	vld [tilespmem:s9+$0x3210];
	[tilespmem:s25+$0xFFFFFE60] =	vst v13  }
0x1a8: {  	v13 =	vld [tilespmem:s10+$0x38F0];
	[tilespmem:s29+$0xFFFFFFC0] =	vst v15  }
0x1a9: {  	(v2sf) =	vpush v6, $0x2;
	v15 =	vld [tilespmem:s11+$0x35D0];
	[tilespmem:s28+$0x120] =	vst v12  }
0x1aa: {  	(v2sf) =	vpush v1, $0x5;
	v12 =	vld [tilespmem:s12+$0x3490]  }
0x1ab: {  	s13 =	simm.s32 $0x40;
	(v2sf) =	vpush v11, $0x8  }
0x1ac: {  	s14 =	spop (v2sf);
	(v2sf) =	vpush v16, $0xA;
	[tilespmem:s26+$0xFFFFFD10] =	vst v14;
	v14 =	vld.idx.msk [tilespmem:v20+s13+$0xFFFFDA80 ss:$0x1], $0xffff  }
0x1ad: {  	s15 =	spop (v2sf);
	[tilespmem:s25+$0xFFFFFE70] =	vst v13;
	v13 =	vld [tilespmem:s14+$0x3480]  }
0x1ae: {  	s16 =	spop (v2sf);
	[tilespmem:s29+$0xFFFFFFD0] =	vst v15;
	v15 =	vld [tilespmem:s15+$0x3200]  }
0x1af: {  	s5 =	spop (v2sf);
	v21 =	vld [tilespmem:s16+$0x38E0];
	[tilespmem:s28+$0x130] =	vst v12  }
0x1b0: {  	v22 =	vld [tilespmem:s5+$0x35C0];
	_ =	sdelay $0x1  }
0x1b1: {  	[tilespmem:s26+$0xFFFFFD20] =	vst v13  }
0x1b2: {  	v12 =	vshll.u32 v14, $0x5;
	v13 =	vld [tilespmem:s14+$0x3490];
	[tilespmem:s25+$0xFFFFFE80] =	vst v15  }
0x1b3: {  	(v2sf) =	vpush v12, $0x0;
	v14 =	vld [tilespmem:s15+$0x3210];
	[tilespmem:s29+$0xFFFFFFE0] =	vst v21  }
0x1b4: {  	(v2sf) =	vpush v7, $0x2;
	v15 =	vld [tilespmem:s16+$0x38F0];
	[tilespmem:s28+$0x140] =	vst v22  }
0x1b5: {  	(v2sf) =	vpush v2, $0x5;
	v21 =	vld [tilespmem:s5+$0x35D0]  }
0x1b6: {  	(v2sf) =	vpush v10, $0x8  }
0x1b7: {  	s17 =	spop (v2sf);
	(v2sf) =	vpush v19, $0xB;
	v22 =	vld.idx.msk [tilespmem:v20+s13+$0xFFFFE700 ss:$0x1], $0xffff;
	[tilespmem:s26+$0xFFFFFD30] =	vst v13  }
0x1b8: {  	s18 =	spop (v2sf);
	v13 =	vld [tilespmem:s17+$0x35C0];
	[tilespmem:s25+$0xFFFFFE90] =	vst v14  }
0x1b9: {  	s19 =	spop (v2sf);
	v14 =	vld [tilespmem:s18+$0x3480];
	[tilespmem:s29+$0xFFFFFFF0] =	vst v15  }
0x1ba: {  	s20 =	spop (v2sf);
	v15 =	vld [tilespmem:s19+$0x3200];
	[tilespmem:s28+$0x150] =	vst v21  }
0x1bb: {  	v21 =	vld [tilespmem:s20+$0x38E0];
	_ =	sdelay $0x1  }
0x1bc: {  	[tilespmem:s26+$0xFFFFFD40] =	vst v13  }
0x1bd: {  	v13 =	vshll.u32 v22, $0x5;
	v22 =	vld [tilespmem:s17+$0x35D0];
	[tilespmem:s25+$0xFFFFFEA0] =	vst v14  }
0x1be: {  	(v2sf) =	vpush v13, $0x0;
	v14 =	vld [tilespmem:s18+$0x3490];
	[tilespmem:s29+$0x0] =	vst v15  }
0x1bf: {  	(v2sf) =	vpush v4, $0x3;
	v15 =	vld [tilespmem:s19+$0x3210];
	[tilespmem:s28+$0x160] =	vst v21  }
0x1c0: {  	(v2sf) =	vpush v3, $0x5;
	v21 =	vld [tilespmem:s20+$0x38F0]  }
0x1c1: {  	v24 =	vld.idx.msk [tilespmem:v20+s13+$0xFFFFF380 ss:$0x1], $0xffff;
	s21 =	spop (v2sf);
	(v2sf) =	vpush v9, $0x8  }
0x1c2: {  	v25 =	vld [tilespmem:s21+$0x3200];
	s22 =	spop (v2sf);
	(v2sf) =	vpush v18, $0xB;
	[tilespmem:s26+$0xFFFFFD50] =	vst v22  }
0x1c3: {  	s23 =	spop (v2sf);
	v22 =	vld [tilespmem:s22+$0x38E0];
	[tilespmem:s25+$0xFFFFFEB0] =	vst v14  }
0x1c4: {  	s24 =	spop (v2sf);
	v26 =	vld [tilespmem:s23+$0x35C0];
	[tilespmem:s29+$0x10] =	vst v15  }
0x1c5: {  	s31 =	spop (v2sf);
	v15 =	vld [tilespmem:s24+$0x3480];
	[tilespmem:s28+$0x170] =	vst v21  }
0x1c6: {  	s30 =	sadd.s32 $0x800, s26;
	v21 =	vld [tilespmem:s31+$0x3200]  }
0x1c7: {  	v23 =	vld.idx.msk [tilespmem:v20+s13+$0x0 ss:$0x1], $0xffff;
	[tilespmem:s30+$0xFFFFFC00] =	vst v25  }
0x1c8: {  	v25 =	vld [tilespmem:s21+$0x3210];
	[tilespmem:s26+$0xFFFFFD60] =	vst v22  }
0x1c9: {  	v14 =	vshll.u32 v24, $0x5;
	v22 =	vld [tilespmem:s22+$0x38F0];
	[tilespmem:s25+$0xFFFFFEC0] =	vst v26  }
0x1ca: {  	(v2sf) =	vpush v14, $0x0;
	v24 =	vld [tilespmem:s23+$0x35D0];
	[tilespmem:s29+$0x20] =	vst v15  }
0x1cb: {  	(v2sf) =	vpush v5, $0x3;
	v15 =	vld [tilespmem:s24+$0x3490];
	[tilespmem:s28+$0x180] =	vst v21  }
0x1cc: {  	(v2sf) =	vpush v0, $0x6;
	v21 =	vld [tilespmem:s31+$0x3210]  }
0x1cd: {  	[tilespmem:s30+$0xFFFFFC10] =	vst v25;
	s6 =	spop (v2sf);
	(v2sf) =	vpush v8, $0x8  }
0x1ce: {  	v25 =	vld [tilespmem:s6+$0x3480];
	s7 =	spop (v2sf);
	(v2sf) =	vpush v17, $0xB;
	[tilespmem:s26+$0xFFFFFD70] =	vst v22  }
0x1cf: {  	s8 =	spop (v2sf);
	v22 =	vld [tilespmem:s7+$0x3200];
	[tilespmem:s25+$0xFFFFFED0] =	vst v24  }
0x1d0: {  	s9 =	spop (v2sf);
	v24 =	vld [tilespmem:s8+$0x38E0];
	[tilespmem:s29+$0x30] =	vst v15  }
0x1d1: {  	s10 =	spop (v2sf);
	v26 =	vld [tilespmem:s9+$0x35C0];
	[tilespmem:s28+$0x190] =	vst v21  }
0x1d2: {  	v21 =	vld [tilespmem:s10+$0x3480]  }
0x1d3: {  	[tilespmem:s30+$0xFFFFFC20] =	vst v25  }
0x1d4: {  	v25 =	vld [tilespmem:s6+$0x3490];
	[tilespmem:s26+$0xFFFFFD80] =	vst v22  }
0x1d5: {  	v15 =	vshll.u32 v23, $0x5;
	v22 =	vld [tilespmem:s7+$0x3210];
	[tilespmem:s25+$0xFFFFFEE0] =	vst v24  }
0x1d6: {  	(v2sf) =	vpush v15, $0x0;
	v23 =	vld [tilespmem:s8+$0x38F0];
	[tilespmem:s29+$0x40] =	vst v26  }
0x1d7: {  	(v2sf) =	vpush v6, $0x3;
	v24 =	vld [tilespmem:s9+$0x35D0];
	[tilespmem:s28+$0x1A0] =	vst v21  }
0x1d8: {  	(v2sf) =	vpush v1, $0x6;
	v21 =	vld [tilespmem:s10+$0x3490]  }
0x1d9: {  	s11 =	spop (v2sf);
	(v2sf) =	vpush v11, $0x9;
	[tilespmem:s30+$0xFFFFFC30] =	vst v25  }
0x1da: {  	s12 =	spop (v2sf);
	(v2sf) =	vpush v16, $0xB;
	v25 =	vld [tilespmem:s11+$0x35C0];
	[tilespmem:s26+$0xFFFFFD90] =	vst v22  }
0x1db: {  	s13 =	spop (v2sf);
	v22 =	vld [tilespmem:s12+$0x3480];
	[tilespmem:s25+$0xFFFFFEF0] =	vst v23  }
0x1dc: {  	s14 =	spop (v2sf);
	v23 =	vld [tilespmem:s13+$0x3200];
	[tilespmem:s29+$0x50] =	vst v24  }
0x1dd: {  	s15 =	spop (v2sf);
	v24 =	vld [tilespmem:s14+$0x38E0];
	[tilespmem:s28+$0x1B0] =	vst v21  }
0x1de: {  	v21 =	vld [tilespmem:s15+$0x35C0]  }
0x1df: {  	[tilespmem:s30+$0xFFFFFC40] =	vst v25  }
0x1e0: {  	v25 =	vld [tilespmem:s11+$0x35D0];
	[tilespmem:s26+$0xFFFFFDA0] =	vst v22  }
0x1e1: {  	v22 =	vld [tilespmem:s12+$0x3490];
	[tilespmem:s25+$0xFFFFFF00] =	vst v23  }
0x1e2: {  	(v2sf) =	vpush v12, $0x1;
	v23 =	vld [tilespmem:s13+$0x3210];
	[tilespmem:s29+$0x60] =	vst v24  }
0x1e3: {  	(v2sf) =	vpush v7, $0x3;
	v24 =	vld [tilespmem:s14+$0x38F0];
	[tilespmem:s28+$0x1C0] =	vst v21  }
0x1e4: {  	(v2sf) =	vpush v2, $0x6;
	v21 =	vld [tilespmem:s15+$0x35D0]  }
0x1e5: {  	s16 =	spop (v2sf);
	(v2sf) =	vpush v10, $0x9;
	[tilespmem:s30+$0xFFFFFC50] =	vst v25  }
0x1e6: {  	s17 =	spop (v2sf);
	(v2sf) =	vpush v19, $0xC;
	v25 =	vld [tilespmem:s16+$0x38E0];
	[tilespmem:s26+$0xFFFFFDB0] =	vst v22  }
0x1e7: {  	s18 =	spop (v2sf);
	v22 =	vld [tilespmem:s17+$0x35C0];
	[tilespmem:s25+$0xFFFFFF10] =	vst v23  }
0x1e8: {  	s19 =	spop (v2sf);
	v23 =	vld [tilespmem:s18+$0x3480];
	[tilespmem:s29+$0x70] =	vst v24  }
0x1e9: {  	s20 =	spop (v2sf);
	v24 =	vld [tilespmem:s19+$0x3200];
	[tilespmem:s28+$0x1D0] =	vst v21  }
0x1ea: {  	v21 =	vld [tilespmem:s20+$0x38E0]  }
0x1eb: {  	[tilespmem:s30+$0xFFFFFC60] =	vst v25  }
0x1ec: {  	v25 =	vld [tilespmem:s16+$0x38F0];
	[tilespmem:s26+$0xFFFFFDC0] =	vst v22  }
0x1ed: {  	v22 =	vld [tilespmem:s17+$0x35D0];
	[tilespmem:s25+$0xFFFFFF20] =	vst v23  }
0x1ee: {  	(v2sf) =	vpush v13, $0x1;
	v23 =	vld [tilespmem:s18+$0x3490];
	[tilespmem:s29+$0x80] =	vst v24  }
0x1ef: {  	(v2sf) =	vpush v4, $0x4;
	v24 =	vld [tilespmem:s19+$0x3210];
	[tilespmem:s28+$0x1E0] =	vst v21  }
0x1f0: {  	(v2sf) =	vpush v3, $0x6;
	v21 =	vld [tilespmem:s20+$0x38F0]  }
0x1f1: {  	s21 =	spop (v2sf);
	(v2sf) =	vpush v9, $0x9;
	[tilespmem:s30+$0xFFFFFC70] =	vst v25  }
0x1f2: {  	s22 =	spop (v2sf);
	(v2sf) =	vpush v18, $0xC;
	v25 =	vld [tilespmem:s21+$0x3200];
	[tilespmem:s26+$0xFFFFFDD0] =	vst v22  }
0x1f3: {  	s23 =	spop (v2sf);
	v22 =	vld [tilespmem:s22+$0x38E0];
	[tilespmem:s25+$0xFFFFFF30] =	vst v23  }
0x1f4: {  	s24 =	spop (v2sf);
	v23 =	vld [tilespmem:s23+$0x35C0];
	[tilespmem:s29+$0x90] =	vst v24  }
0x1f5: {  	s31 =	spop (v2sf);
	v24 =	vld [tilespmem:s24+$0x3480];
	[tilespmem:s28+$0x1F0] =	vst v21  }
0x1f6: {  	v21 =	vld [tilespmem:s31+$0x3200]  }
0x1f7: {  	[tilespmem:s30+$0xFFFFFC80] =	vst v25  }
0x1f8: {  	v25 =	vld [tilespmem:s21+$0x3210];
	[tilespmem:s26+$0xFFFFFDE0] =	vst v22  }
0x1f9: {  	v22 =	vld [tilespmem:s22+$0x38F0];
	[tilespmem:s25+$0xFFFFFF40] =	vst v23  }
0x1fa: {  	(v2sf) =	vpush v14, $0x1;
	v23 =	vld [tilespmem:s23+$0x35D0];
	[tilespmem:s29+$0xA0] =	vst v24  }
0x1fb: {  	(v2sf) =	vpush v5, $0x4;
	v24 =	vld [tilespmem:s24+$0x3490];
	[tilespmem:s28+$0x200] =	vst v21  }
0x1fc: {  	(v2sf) =	vpush v0, $0x7;
	v21 =	vld [tilespmem:s31+$0x3210]  }
0x1fd: {  	s5 =	spop (v2sf);
	(v2sf) =	vpush v8, $0x9;
	[tilespmem:s30+$0xFFFFFC90] =	vst v25  }
0x1fe: {  	s6 =	spop (v2sf);
	(v2sf) =	vpush v17, $0xC;
	v25 =	vld [tilespmem:s5+$0x3480];
	[tilespmem:s26+$0xFFFFFDF0] =	vst v22  }
0x1ff: {  	s7 =	spop (v2sf);
	v22 =	vld [tilespmem:s6+$0x3200];
	[tilespmem:s25+$0xFFFFFF50] =	vst v23  }
0x200: {  	s8 =	spop (v2sf);
	v23 =	vld [tilespmem:s7+$0x38E0];
	[tilespmem:s29+$0xB0] =	vst v24  }
0x201: {  	s9 =	spop (v2sf);
	v24 =	vld [tilespmem:s8+$0x35C0];
	[tilespmem:s28+$0x210] =	vst v21  }
0x202: {  	v21 =	vld [tilespmem:s9+$0x3480]  }
0x203: {  	[tilespmem:s30+$0xFFFFFCA0] =	vst v25  }
0x204: {  	v25 =	vld [tilespmem:s5+$0x3490];
	[tilespmem:s26+$0xFFFFFE00] =	vst v22  }
0x205: {  	v22 =	vld [tilespmem:s6+$0x3210];
	[tilespmem:s25+$0xFFFFFF60] =	vst v23  }
0x206: {  	(v2sf) =	vpush v15, $0x1;
	v23 =	vld [tilespmem:s7+$0x38F0];
	[tilespmem:s29+$0xC0] =	vst v24  }
0x207: {  	(v2sf) =	vpush v6, $0x4;
	v24 =	vld [tilespmem:s8+$0x35D0];
	[tilespmem:s28+$0x220] =	vst v21  }
0x208: {  	(v2sf) =	vpush v1, $0x7;
	v21 =	vld [tilespmem:s9+$0x3490]  }
0x209: {  	s10 =	spop (v2sf);
	(v2sf) =	vpush v11, $0xA;
	[tilespmem:s30+$0xFFFFFCB0] =	vst v25  }
0x20a: {  	s11 =	spop (v2sf);
	(v2sf) =	vpush v16, $0xC;
	v25 =	vld [tilespmem:s10+$0x35C0];
	[tilespmem:s26+$0xFFFFFE10] =	vst v22  }
0x20b: {  	s12 =	spop (v2sf);
	v22 =	vld [tilespmem:s11+$0x3480];
	[tilespmem:s25+$0xFFFFFF70] =	vst v23  }
0x20c: {  	s13 =	spop (v2sf);
	v23 =	vld [tilespmem:s12+$0x3200];
	[tilespmem:s29+$0xD0] =	vst v24  }
0x20d: {  	s14 =	spop (v2sf);
	v24 =	vld [tilespmem:s13+$0x38E0];
	[tilespmem:s28+$0x230] =	vst v21  }
0x20e: {  	v21 =	vld [tilespmem:s14+$0x35C0]  }
0x20f: {  	[tilespmem:s30+$0xFFFFFCC0] =	vst v25  }
0x210: {  	v25 =	vld [tilespmem:s10+$0x35D0];
	[tilespmem:s26+$0xFFFFFE20] =	vst v22  }
0x211: {  	v22 =	vld [tilespmem:s11+$0x3490];
	[tilespmem:s25+$0xFFFFFF80] =	vst v23  }
0x212: {  	(v2sf) =	vpush v12, $0x2;
	v23 =	vld [tilespmem:s12+$0x3210];
	[tilespmem:s29+$0xE0] =	vst v24  }
0x213: {  	(v2sf) =	vpush v7, $0x4;
	v24 =	vld [tilespmem:s13+$0x38F0];
	[tilespmem:s28+$0x240] =	vst v21  }
0x214: {  	(v2sf) =	vpush v2, $0x7;
	v21 =	vld [tilespmem:s14+$0x35D0]  }
0x215: {  	s15 =	spop (v2sf);
	(v2sf) =	vpush v10, $0xA;
	[tilespmem:s30+$0xFFFFFCD0] =	vst v25  }
0x216: {  	s16 =	spop (v2sf);
	(v2sf) =	vpush v19, $0xD;
	v25 =	vld [tilespmem:s15+$0x38E0];
	[tilespmem:s26+$0xFFFFFE30] =	vst v22  }
0x217: {  	s17 =	spop (v2sf);
	v22 =	vld [tilespmem:s16+$0x35C0];
	[tilespmem:s25+$0xFFFFFF90] =	vst v23  }
0x218: {  	s18 =	spop (v2sf);
	v23 =	vld [tilespmem:s17+$0x3480];
	[tilespmem:s29+$0xF0] =	vst v24  }
0x219: {  	s19 =	spop (v2sf);
	v24 =	vld [tilespmem:s18+$0x3200];
	[tilespmem:s28+$0x250] =	vst v21  }
0x21a: {  	v21 =	vld [tilespmem:s19+$0x38E0]  }
0x21b: {  	[tilespmem:s30+$0xFFFFFCE0] =	vst v25  }
0x21c: {  	(v2sf) =	vpush v13, $0x2;
	v25 =	vld [tilespmem:s15+$0x38F0];
	[tilespmem:s26+$0xFFFFFE40] =	vst v22  }
0x21d: {  	v22 =	vld [tilespmem:s16+$0x35D0];
	[tilespmem:s25+$0xFFFFFFA0] =	vst v23  }
0x21e: {  	v23 =	vld [tilespmem:s17+$0x3490];
	[tilespmem:s29+$0x100] =	vst v24  }
0x21f: {  	v24 =	vld [tilespmem:s18+$0x3210];
	[tilespmem:s28+$0x260] =	vst v21  }
0x220: {  	(v2sf) =	vpush v4, $0x5;
	v21 =	vld [tilespmem:s19+$0x38F0]  }
0x221: {  	(v2sf) =	vpush v3, $0x7;
	s20 =	spop (v2sf);
	[tilespmem:s30+$0xFFFFFCF0] =	vst v25  }
0x222: {  	(v2sf) =	vpush v9, $0xA;
	s21 =	spop (v2sf);
	v25 =	vld [tilespmem:s20+$0x3200];
	[tilespmem:s26+$0xFFFFFE50] =	vst v22  }
0x223: {  	(v2sf) =	vpush v18, $0xD;
	s22 =	spop (v2sf);
	v22 =	vld [tilespmem:s21+$0x38E0];
	[tilespmem:s25+$0xFFFFFFB0] =	vst v23  }
0x224: {  	s23 =	spop (v2sf);
	v23 =	vld [tilespmem:s22+$0x35C0];
	[tilespmem:s29+$0x110] =	vst v24  }
0x225: {  	s24 =	spop (v2sf);
	v24 =	vld [tilespmem:s23+$0x3480];
	[tilespmem:s28+$0x270] =	vst v21  }
0x226: {  	v21 =	vld [tilespmem:s24+$0x3200]  }
0x227: {  	[tilespmem:s30+$0xFFFFFD00] =	vst v25  }
0x228: {  	v25 =	vld [tilespmem:s20+$0x3210];
	[tilespmem:s26+$0xFFFFFE60] =	vst v22  }
0x229: {  	v26 =	vld [tilespmem:s21+$0x38F0];
	[tilespmem:s25+$0xFFFFFFC0] =	vst v23  }
0x22a: {  	v27 =	vld [tilespmem:s22+$0x35D0];
	[tilespmem:s29+$0x120] =	vst v24  }
0x22b: {  	s3 =	spop (v2sf);
	(v2sf) =	vpush v14, $0x2;
	v24 =	vld [tilespmem:s23+$0x3490];
	[tilespmem:s28+$0x280] =	vst v21  }
0x22c: {  	(v2sf) =	vpush v5, $0x5;
	v21 =	vld [tilespmem:s24+$0x3210]  }
0x22d: {  	s2 =	simm.s32 $0x50;
	(v2sf) =	vpush v0, $0x8;
	[tilespmem:s30+$0xFFFFFD10] =	vst v25  }
0x22e: {  	(v2sf) =	vpush v8, $0xA;
	v22 =	vld.idx.msk [tilespmem:v20+s2+$0xFFFFDA80 ss:$0x1], $0xffff;
	[tilespmem:s26+$0xFFFFFE70] =	vst v26  }
0x22f: {  	s4 =	spop (v2sf);
	(v2sf) =	vpush v17, $0xD;
	v23 =	vld [tilespmem:s3+$0x3480];
	[tilespmem:s25+$0xFFFFFFD0] =	vst v27  }
0x230: {  	s5 =	spop (v2sf);
	v25 =	vld [tilespmem:s4+$0x3200];
	[tilespmem:s29+$0x130] =	vst v24  }
0x231: {  	s31 =	sadd.s32 $0x3A20, s1;
	s6 =	spop (v2sf);
	v26 =	vld [tilespmem:s5+$0x38E0];
	[tilespmem:s28+$0x290] =	vst v21  }
0x232: {  	s7 =	spop (v2sf);
	v27 =	vld [tilespmem:s6+$0x35C0];
	[dreg:$0x11] =	wrdreg s31  }
0x233: {  	s1 =	simm.s32 $0x180;
	v28 =	vld [tilespmem:s7+$0x3480]  }
.LBB2_3:
0x234: {  	p0 =	sne.s32 s1, $0x600;
	v21 =	vld.idx.msk [tilespmem:v20+s2+$0x0 ss:$0x1], $0xffff;
	[tilespmem:s30+$0xFFFFFD20] =	vst v23;
	s0 =	smov.u32 s30  }
0x235: {  	v24 =	vshll.u32 v22, $0x5;
	v22 =	vld [tilespmem:s3+$0x3490];
	[tilespmem:s26+$0xFFFFFE80] =	vst v25  }
0x236: {  	(v2sf) =	vpush v24, $0x0;
	v23 =	vld [tilespmem:s4+$0x3210];
	[tilespmem:s25+$0xFFFFFFE0] =	vst v26  }
0x237: {  	(v2sf) =	vpush v15, $0x2;
	v25 =	vld [tilespmem:s5+$0x38F0];
	[tilespmem:s29+$0x140] =	vst v27  }
0x238: {  	(v2sf) =	vpush v6, $0x5;
	v26 =	vld [tilespmem:s6+$0x35D0];
	[tilespmem:s28+$0x2A0] =	vst v28  }
0x239: {  	(v2sf) =	vpush v1, $0x8;
	v27 =	vld [tilespmem:s7+$0x3490]  }
0x23a: {  	v28 =	vld.idx.msk [tilespmem:v20+s2+$0xFFFFE700 ss:$0x1], $0xffff;
	[tilespmem:s30+$0xFFFFFD30] =	vst v22;
	s3 =	spop (v2sf);
	(v2sf) =	vpush v11, $0xB  }
0x23b: {  	v22 =	vld [tilespmem:s3+$0x35C0];
	[tilespmem:s26+$0xFFFFFE90] =	vst v23;
	s4 =	spop (v2sf);
	(v2sf) =	vpush v16, $0xD  }
0x23c: {  	v29 =	vld [tilespmem:s4+$0x3480];
	[tilespmem:s25+$0xFFFFFFF0] =	vst v25;
	s5 =	spop (v2sf)  }
0x23d: {  	v25 =	vld [tilespmem:s5+$0x3200];
	[tilespmem:s29+$0x150] =	vst v26;
	s6 =	spop (v2sf)  }
0x23e: {  	v26 =	vld [tilespmem:s6+$0x38E0];
	[tilespmem:s28+$0x2B0] =	vst v27;
	s7 =	spop (v2sf)  }
0x23f: {  	v27 =	vld [tilespmem:s7+$0x35C0]  }
0x240: {  	v30 =	vld.idx.msk [tilespmem:v20+s2+$0xFFFFF380 ss:$0x1], $0xffff;
	[tilespmem:s30+$0xFFFFFD40] =	vst v22  }
0x241: {  	v23 =	vshll.u32 v28, $0x5;
	v22 =	vld [tilespmem:s3+$0x35D0];
	[tilespmem:s26+$0xFFFFFEA0] =	vst v29  }
0x242: {  	(v2sf) =	vpush v23, $0x0;
	v28 =	vld [tilespmem:s4+$0x3490];
	[tilespmem:s25+$0x0] =	vst v25  }
0x243: {  	(v2sf) =	vpush v12, $0x3;
	v25 =	vld [tilespmem:s5+$0x3210];
	[tilespmem:s29+$0x160] =	vst v26  }
0x244: {  	(v2sf) =	vpush v7, $0x5;
	v26 =	vld [tilespmem:s6+$0x38F0];
	[tilespmem:s28+$0x2C0] =	vst v27  }
0x245: {  	s2 =	spop (v2sf);
	(v2sf) =	vpush v2, $0x8;
	v27 =	vld [tilespmem:s7+$0x35D0]  }
0x246: {  	v29 =	vld [tilespmem:s2+$0x3200];
	[tilespmem:s30+$0xFFFFFD50] =	vst v22;
	s3 =	spop (v2sf);
	(v2sf) =	vpush v10, $0xB  }
0x247: {  	v22 =	vld [tilespmem:s3+$0x38E0];
	[tilespmem:s26+$0xFFFFFEB0] =	vst v28;
	s4 =	spop (v2sf);
	(v2sf) =	vpush v19, $0xE  }
0x248: {  	v28 =	vld [tilespmem:s4+$0x35C0];
	[tilespmem:s25+$0x10] =	vst v25;
	s5 =	spop (v2sf)  }
0x249: {  	v25 =	vld [tilespmem:s5+$0x3480];
	[tilespmem:s29+$0x170] =	vst v26;
	s6 =	spop (v2sf)  }
0x24a: {  	s30 =	sadd.s32 $0x800, s30;
	v26 =	vld [tilespmem:s6+$0x3200];
	[tilespmem:s28+$0x2D0] =	vst v27;
	s7 =	spop (v2sf)  }
0x24b: {  	[tilespmem:s30+$0xFFFFFC00] =	vst v29;
	v27 =	vld [tilespmem:s7+$0x38E0]  }
0x24c: {  	v29 =	vld [tilespmem:s2+$0x3210];
	[tilespmem:s0+$0xFFFFFD60] =	vst v22  }
0x24d: {  	v22 =	vshll.u32 v30, $0x5;
	v30 =	vld [tilespmem:s3+$0x38F0];
	[tilespmem:s26+$0xFFFFFEC0] =	vst v28  }
0x24e: {  	(v2sf) =	vpush v22, $0x0;
	v28 =	vld [tilespmem:s4+$0x35D0];
	[tilespmem:s25+$0x20] =	vst v25  }
0x24f: {  	(v2sf) =	vpush v13, $0x3;
	v25 =	vld [tilespmem:s5+$0x3490];
	[tilespmem:s29+$0x180] =	vst v26  }
0x250: {  	(v2sf) =	vpush v4, $0x6;
	v26 =	vld [tilespmem:s6+$0x3210];
	[tilespmem:s28+$0x2E0] =	vst v27  }
0x251: {  	[tilespmem:s30+$0xFFFFFC10] =	vst v29;
	s2 =	spop (v2sf);
	(v2sf) =	vpush v3, $0x8;
	v27 =	vld [tilespmem:s7+$0x38F0]  }
0x252: {  	v29 =	vld [tilespmem:s2+$0x3480];
	[tilespmem:s0+$0xFFFFFD70] =	vst v30;
	s3 =	spop (v2sf);
	(v2sf) =	vpush v9, $0xB  }
0x253: {  	v30 =	vld [tilespmem:s3+$0x3200];
	[tilespmem:s26+$0xFFFFFED0] =	vst v28;
	s4 =	spop (v2sf);
	(v2sf) =	vpush v18, $0xE  }
0x254: {  	v28 =	vld [tilespmem:s4+$0x38E0];
	[tilespmem:s25+$0x30] =	vst v25;
	s5 =	spop (v2sf)  }
0x255: {  	v25 =	vld [tilespmem:s5+$0x35C0];
	[tilespmem:s29+$0x190] =	vst v26;
	s6 =	spop (v2sf)  }
0x256: {  	v26 =	vld [tilespmem:s6+$0x3480];
	[tilespmem:s28+$0x2F0] =	vst v27;
	s7 =	spop (v2sf)  }
0x257: {  	[tilespmem:s30+$0xFFFFFC20] =	vst v29;
	v27 =	vld [tilespmem:s7+$0x3200]  }
0x258: {  	v29 =	vld [tilespmem:s2+$0x3490];
	[tilespmem:s0+$0xFFFFFD80] =	vst v30  }
0x259: {  	v21 =	vshll.u32 v21, $0x5;
	v30 =	vld [tilespmem:s3+$0x3210];
	[tilespmem:s26+$0xFFFFFEE0] =	vst v28  }
0x25a: {  	(v2sf) =	vpush v21, $0x0;
	v28 =	vld [tilespmem:s4+$0x38F0];
	[tilespmem:s25+$0x40] =	vst v25  }
0x25b: {  	(v2sf) =	vpush v14, $0x3;
	v25 =	vld [tilespmem:s5+$0x35D0];
	[tilespmem:s29+$0x1A0] =	vst v26  }
0x25c: {  	(v2sf) =	vpush v5, $0x6;
	v26 =	vld [tilespmem:s6+$0x3490];
	[tilespmem:s28+$0x300] =	vst v27  }
0x25d: {  	[tilespmem:s30+$0xFFFFFC30] =	vst v29;
	s2 =	spop (v2sf);
	(v2sf) =	vpush v0, $0x9;
	v27 =	vld [tilespmem:s7+$0x3210]  }
0x25e: {  	v29 =	vld [tilespmem:s2+$0x35C0];
	[tilespmem:s0+$0xFFFFFD90] =	vst v30;
	s3 =	spop (v2sf);
	(v2sf) =	vpush v8, $0xB  }
0x25f: {  	v30 =	vld [tilespmem:s3+$0x3480];
	[tilespmem:s26+$0xFFFFFEF0] =	vst v28;
	s4 =	spop (v2sf);
	(v2sf) =	vpush v17, $0xE  }
0x260: {  	v28 =	vld [tilespmem:s4+$0x3200];
	[tilespmem:s25+$0x50] =	vst v25;
	s5 =	spop (v2sf)  }
0x261: {  	v25 =	vld [tilespmem:s5+$0x38E0];
	[tilespmem:s29+$0x1B0] =	vst v26;
	s6 =	spop (v2sf)  }
0x262: {  	v26 =	vld [tilespmem:s6+$0x35C0];
	[tilespmem:s28+$0x310] =	vst v27;
	s7 =	spop (v2sf)  }
0x263: {  	[tilespmem:s30+$0xFFFFFC40] =	vst v29;
	v27 =	vld [tilespmem:s7+$0x3480]  }
0x264: {  	v29 =	vld [tilespmem:s2+$0x35D0];
	[tilespmem:s0+$0xFFFFFDA0] =	vst v30  }
0x265: {  	v30 =	vld [tilespmem:s3+$0x3490];
	[tilespmem:s26+$0xFFFFFF00] =	vst v28  }
0x266: {  	(v2sf) =	vpush v24, $0x1;
	v28 =	vld [tilespmem:s4+$0x3210];
	[tilespmem:s25+$0x60] =	vst v25  }
0x267: {  	(v2sf) =	vpush v15, $0x3;
	v25 =	vld [tilespmem:s5+$0x38F0];
	[tilespmem:s29+$0x1C0] =	vst v26  }
0x268: {  	(v2sf) =	vpush v6, $0x6;
	v26 =	vld [tilespmem:s6+$0x35D0];
	[tilespmem:s28+$0x320] =	vst v27  }
0x269: {  	[tilespmem:s30+$0xFFFFFC50] =	vst v29;
	s2 =	spop (v2sf);
	(v2sf) =	vpush v1, $0x9;
	v27 =	vld [tilespmem:s7+$0x3490]  }
0x26a: {  	v29 =	vld [tilespmem:s2+$0x38E0];
	[tilespmem:s0+$0xFFFFFDB0] =	vst v30;
	s3 =	spop (v2sf);
	(v2sf) =	vpush v11, $0xC  }
0x26b: {  	v30 =	vld [tilespmem:s3+$0x35C0];
	[tilespmem:s26+$0xFFFFFF10] =	vst v28;
	s4 =	spop (v2sf);
	(v2sf) =	vpush v16, $0xE  }
0x26c: {  	v28 =	vld [tilespmem:s4+$0x3480];
	[tilespmem:s25+$0x70] =	vst v25;
	s5 =	spop (v2sf)  }
0x26d: {  	v25 =	vld [tilespmem:s5+$0x3200];
	[tilespmem:s29+$0x1D0] =	vst v26;
	s6 =	spop (v2sf)  }
0x26e: {  	v26 =	vld [tilespmem:s6+$0x38E0];
	[tilespmem:s28+$0x330] =	vst v27;
	s7 =	spop (v2sf)  }
0x26f: {  	[tilespmem:s30+$0xFFFFFC60] =	vst v29;
	v27 =	vld [tilespmem:s7+$0x35C0]  }
0x270: {  	v29 =	vld [tilespmem:s2+$0x38F0];
	[tilespmem:s0+$0xFFFFFDC0] =	vst v30  }
0x271: {  	v30 =	vld [tilespmem:s3+$0x35D0];
	[tilespmem:s26+$0xFFFFFF20] =	vst v28  }
0x272: {  	(v2sf) =	vpush v23, $0x1;
	v28 =	vld [tilespmem:s4+$0x3490];
	[tilespmem:s25+$0x80] =	vst v25  }
0x273: {  	(v2sf) =	vpush v12, $0x4;
	v25 =	vld [tilespmem:s5+$0x3210];
	[tilespmem:s29+$0x1E0] =	vst v26  }
0x274: {  	(v2sf) =	vpush v7, $0x6;
	v26 =	vld [tilespmem:s6+$0x38F0];
	[tilespmem:s28+$0x340] =	vst v27  }
0x275: {  	[tilespmem:s30+$0xFFFFFC70] =	vst v29;
	s2 =	spop (v2sf);
	(v2sf) =	vpush v2, $0x9;
	v27 =	vld [tilespmem:s7+$0x35D0]  }
0x276: {  	v29 =	vld [tilespmem:s2+$0x3200];
	[tilespmem:s0+$0xFFFFFDD0] =	vst v30;
	s3 =	spop (v2sf);
	(v2sf) =	vpush v10, $0xC  }
0x277: {  	v30 =	vld [tilespmem:s3+$0x38E0];
	[tilespmem:s26+$0xFFFFFF30] =	vst v28;
	s4 =	spop (v2sf);
	(v2sf) =	vpush v19, $0xF;
	v19 =	vmovc v11;
	v11 =	vmovc v0;
	v0 =	vmov v4;
	v4 =	vmov v12  }
0x278: {  	v12 =	vmov v24;
	v28 =	vld [tilespmem:s4+$0x35C0];
	[tilespmem:s25+$0x90] =	vst v25;
	s5 =	spop (v2sf)  }
0x279: {  	v24 =	vld [tilespmem:s5+$0x3480];
	[tilespmem:s29+$0x1F0] =	vst v26;
	s6 =	spop (v2sf)  }
0x27a: {  	v25 =	vld [tilespmem:s6+$0x3200];
	[tilespmem:s28+$0x350] =	vst v27;
	s7 =	spop (v2sf)  }
0x27b: {  	[tilespmem:s30+$0xFFFFFC80] =	vst v29;
	v26 =	vld [tilespmem:s7+$0x38E0]  }
0x27c: {  	v27 =	vld [tilespmem:s2+$0x3210];
	[tilespmem:s0+$0xFFFFFDE0] =	vst v30  }
0x27d: {  	v29 =	vld [tilespmem:s3+$0x38F0];
	[tilespmem:s26+$0xFFFFFF40] =	vst v28  }
0x27e: {  	(v2sf) =	vpush v22, $0x1;
	v28 =	vld [tilespmem:s4+$0x35D0];
	[tilespmem:s25+$0xA0] =	vst v24  }
0x27f: {  	(v2sf) =	vpush v13, $0x4;
	v24 =	vld [tilespmem:s5+$0x3490];
	[tilespmem:s29+$0x200] =	vst v25  }
0x280: {  	(v2sf) =	vpush v0, $0x7;
	v25 =	vld [tilespmem:s6+$0x3210];
	[tilespmem:s28+$0x360] =	vst v26  }
0x281: {  	[tilespmem:s30+$0xFFFFFC90] =	vst v27;
	s2 =	spop (v2sf);
	(v2sf) =	vpush v3, $0x9;
	v26 =	vld [tilespmem:s7+$0x38F0]  }
0x282: {  	v27 =	vld [tilespmem:s2+$0x3480];
	[tilespmem:s0+$0xFFFFFDF0] =	vst v29;
	s3 =	spop (v2sf);
	(v2sf) =	vpush v9, $0xC  }
0x283: {  	v29 =	vld [tilespmem:s3+$0x3200];
	[tilespmem:s26+$0xFFFFFF50] =	vst v28;
	s4 =	spop (v2sf);
	(v2sf) =	vpush v18, $0xF;
	v18 =	vmovc v10;
	v10 =	vmovc v1;
	v1 =	vmov v5;
	v5 =	vmov v13  }
0x284: {  	v13 =	vmov v23;
	v28 =	vld [tilespmem:s4+$0x38E0];
	[tilespmem:s25+$0xB0] =	vst v24;
	s5 =	spop (v2sf)  }
0x285: {  	v23 =	vld [tilespmem:s5+$0x35C0];
	[tilespmem:s29+$0x210] =	vst v25;
	s6 =	spop (v2sf)  }
0x286: {  	v24 =	vld [tilespmem:s6+$0x3480];
	[tilespmem:s28+$0x370] =	vst v26;
	s7 =	spop (v2sf)  }
0x287: {  	[tilespmem:s30+$0xFFFFFCA0] =	vst v27;
	v25 =	vld [tilespmem:s7+$0x3200]  }
0x288: {  	v26 =	vld [tilespmem:s2+$0x3490];
	[tilespmem:s0+$0xFFFFFE00] =	vst v29  }
0x289: {  	v27 =	vld [tilespmem:s3+$0x3210];
	[tilespmem:s26+$0xFFFFFF60] =	vst v28  }
0x28a: {  	(v2sf) =	vpush v21, $0x1;
	v28 =	vld [tilespmem:s4+$0x38F0];
	[tilespmem:s25+$0xC0] =	vst v23  }
0x28b: {  	(v2sf) =	vpush v14, $0x4;
	v23 =	vld [tilespmem:s5+$0x35D0];
	[tilespmem:s29+$0x220] =	vst v24  }
0x28c: {  	(v2sf) =	vpush v1, $0x7;
	v24 =	vld [tilespmem:s6+$0x3490];
	[tilespmem:s28+$0x380] =	vst v25  }
0x28d: {  	[tilespmem:s30+$0xFFFFFCB0] =	vst v26;
	s2 =	spop (v2sf);
	(v2sf) =	vpush v11, $0xA;
	v25 =	vld [tilespmem:s7+$0x3210]  }
0x28e: {  	v26 =	vld [tilespmem:s2+$0x35C0];
	[tilespmem:s0+$0xFFFFFE10] =	vst v27;
	s3 =	spop (v2sf);
	(v2sf) =	vpush v8, $0xC  }
0x28f: {  	v27 =	vld [tilespmem:s3+$0x3480];
	[tilespmem:s26+$0xFFFFFF70] =	vst v28;
	s4 =	spop (v2sf);
	(v2sf) =	vpush v17, $0xF;
	v17 =	vmovc v9;
	v9 =	vmovc v2;
	v2 =	vmov v6;
	v6 =	vmov v14  }
0x290: {  	v14 =	vmov v22;
	v28 =	vld [tilespmem:s4+$0x3200];
	[tilespmem:s25+$0xD0] =	vst v23;
	s5 =	spop (v2sf)  }
0x291: {  	v22 =	vld [tilespmem:s5+$0x38E0];
	[tilespmem:s29+$0x230] =	vst v24;
	s6 =	spop (v2sf)  }
0x292: {  	v23 =	vld [tilespmem:s6+$0x35C0];
	[tilespmem:s28+$0x390] =	vst v25;
	s7 =	spop (v2sf)  }
0x293: {  	[tilespmem:s30+$0xFFFFFCC0] =	vst v26;
	v24 =	vld [tilespmem:s7+$0x3480]  }
0x294: {  	v25 =	vld [tilespmem:s2+$0x35D0];
	[tilespmem:s0+$0xFFFFFE20] =	vst v27  }
0x295: {  	v26 =	vld [tilespmem:s3+$0x3490];
	[tilespmem:s26+$0xFFFFFF80] =	vst v28  }
0x296: {  	(v2sf) =	vpush v12, $0x2;
	v27 =	vld [tilespmem:s4+$0x3210];
	[tilespmem:s25+$0xE0] =	vst v22  }
0x297: {  	(v2sf) =	vpush v15, $0x4;
	v22 =	vld [tilespmem:s5+$0x38F0];
	[tilespmem:s29+$0x240] =	vst v23  }
0x298: {  	(v2sf) =	vpush v2, $0x7;
	v23 =	vld [tilespmem:s6+$0x35D0];
	[tilespmem:s28+$0x3A0] =	vst v24  }
0x299: {  	[tilespmem:s30+$0xFFFFFCD0] =	vst v25;
	s2 =	spop (v2sf);
	(v2sf) =	vpush v10, $0xA;
	v24 =	vld [tilespmem:s7+$0x3490]  }
0x29a: {  	v25 =	vld [tilespmem:s2+$0x38E0];
	[tilespmem:s0+$0xFFFFFE30] =	vst v26;
	s3 =	spop (v2sf);
	(v2sf) =	vpush v19, $0xD  }
0x29b: {  	v26 =	vld [tilespmem:s3+$0x35C0];
	[tilespmem:s26+$0xFFFFFF90] =	vst v27;
	s4 =	spop (v2sf);
	(v2sf) =	vpush v16, $0xF;
	v16 =	vmovc v8;
	v8 =	vmovc v3;
	v3 =	vmov v7;
	v7 =	vmov v15  }
0x29c: {  	v15 =	vmov v21;
	v27 =	vld [tilespmem:s4+$0x3480];
	[tilespmem:s25+$0xF0] =	vst v22;
	s5 =	spop (v2sf)  }
0x29d: {  	v21 =	vld [tilespmem:s5+$0x3200];
	[tilespmem:s29+$0x250] =	vst v23;
	s6 =	spop (v2sf)  }
0x29e: {  	v22 =	vld [tilespmem:s6+$0x38E0];
	[tilespmem:s28+$0x3B0] =	vst v24;
	s7 =	spop (v2sf)  }
0x29f: {  	[tilespmem:s30+$0xFFFFFCE0] =	vst v25;
	v23 =	vld [tilespmem:s7+$0x35C0]  }
0x2a0: {  	v24 =	vld [tilespmem:s2+$0x38F0];
	[tilespmem:s0+$0xFFFFFE40] =	vst v26  }
0x2a1: {  	v25 =	vld [tilespmem:s3+$0x35D0];
	[tilespmem:s26+$0xFFFFFFA0] =	vst v27  }
0x2a2: {  	v26 =	vld [tilespmem:s4+$0x3490];
	[tilespmem:s25+$0x100] =	vst v21  }
0x2a3: {  	(v2sf) =	vpush v13, $0x2;
	v21 =	vld [tilespmem:s5+$0x3210];
	[tilespmem:s29+$0x260] =	vst v22  }
0x2a4: {  	(v2sf) =	vpush v4, $0x5;
	v22 =	vld [tilespmem:s6+$0x38F0];
	[tilespmem:s28+$0x3C0] =	vst v23  }
0x2a5: {  	[tilespmem:s30+$0xFFFFFCF0] =	vst v24;
	s2 =	spop (v2sf);
	(v2sf) =	vpush v3, $0x7;
	v23 =	vld [tilespmem:s7+$0x35D0]  }
0x2a6: {  	v24 =	vld [tilespmem:s2+$0x3200];
	[tilespmem:s0+$0xFFFFFE50] =	vst v25;
	s3 =	spop (v2sf);
	(v2sf) =	vpush v9, $0xA  }
0x2a7: {  	v25 =	vld [tilespmem:s3+$0x38E0];
	[tilespmem:s26+$0xFFFFFFB0] =	vst v26;
	s4 =	spop (v2sf);
	(v2sf) =	vpush v18, $0xD  }
0x2a8: {  	v26 =	vld [tilespmem:s4+$0x35C0];
	[tilespmem:s25+$0x110] =	vst v21;
	s5 =	spop (v2sf)  }
0x2a9: {  	v21 =	vld [tilespmem:s5+$0x3480];
	[tilespmem:s29+$0x270] =	vst v22;
	s6 =	spop (v2sf)  }
0x2aa: {  	v22 =	vld [tilespmem:s6+$0x3200];
	[tilespmem:s28+$0x3D0] =	vst v23;
	s7 =	spop (v2sf)  }
0x2ab: {  	[tilespmem:s30+$0xFFFFFD00] =	vst v24;
	v23 =	vld [tilespmem:s7+$0x38E0]  }
0x2ac: {  	v24 =	vld [tilespmem:s2+$0x3210];
	[tilespmem:s0+$0xFFFFFE60] =	vst v25  }
0x2ad: {  	v25 =	vld [tilespmem:s3+$0x38F0];
	[tilespmem:s26+$0xFFFFFFC0] =	vst v26  }
0x2ae: {  	v26 =	vld [tilespmem:s4+$0x35D0];
	[tilespmem:s25+$0x120] =	vst v21  }
0x2af: {  	(v2sf) =	vpush v14, $0x2;
	v21 =	vld [tilespmem:s5+$0x3490];
	[tilespmem:s29+$0x280] =	vst v22  }
0x2b0: {  	(v2sf) =	vpush v5, $0x5;
	v27 =	vld [tilespmem:s6+$0x3210];
	[tilespmem:s28+$0x3E0] =	vst v23  }
0x2b1: {  	s2 =	sshra.s32 s1, $0x2;
	[tilespmem:s30+$0xFFFFFD10] =	vst v24;
	(v2sf) =	vpush v0, $0x8;
	v24 =	vld [tilespmem:s7+$0x38F0]  }
0x2b2: {  	v22 =	vld.idx.msk [tilespmem:v20+s2+$0xFFFFDA80 ss:$0x1], $0xffff;
	s3 =	spop (v2sf);
	[tilespmem:s0+$0xFFFFFE70] =	vst v25;
	(v2sf) =	vpush v8, $0xA  }
.Ltmp0:
0x2b3: {  	v23 =	vld [tilespmem:s3+$0x3480];
	s4 =	spop (v2sf);
	[tilespmem:s26+$0xFFFFFFD0] =	vst v26;
	(v2sf) =	vpush v17, $0xD;
	(pc) =	sbr.rel @p0 .LBB2_3-.Ltmp0, $4  }
0x2b4: {  	v25 =	vld [tilespmem:s4+$0x3200];
	s5 =	spop (v2sf);
	[tilespmem:s25+$0x130] =	vst v21  }
0x2b5: {  	v26 =	vld [tilespmem:s5+$0x38E0];
	s6 =	spop (v2sf);
	[tilespmem:s29+$0x290] =	vst v27  }
0x2b6: {  	v27 =	vld [tilespmem:s6+$0x35C0];
	s7 =	spop (v2sf);
	[tilespmem:s28+$0x3F0] =	vst v24;
	s28 =	smov.u32 s29;
	s29 =	smov.u32 s25  }
0x2b7: {  	s1 =	sadd.s32 $0x40, s1;
	s25 =	smov.u32 s26;
	s26 =	smov.u32 s0;
	v28 =	vld [tilespmem:s7+$0x3480]  }
0x2b8: {  	[tilespmem:s30+$0xFFFFFD20] =	vst v23  }
0x2b9: {  	v21 =	vshll.u32 v22, $0x5;
	v40 =	vld [tilespmem:s3+$0x3490];
	[tilespmem:s26+$0xFFFFFE80] =	vst v25  }
0x2ba: {  	(v2sf) =	vpush v21, $0x0;
	v41 =	vld [tilespmem:s4+$0x3210];
	[tilespmem:s25+$0xFFFFFFE0] =	vst v26  }
0x2bb: {  	(v2sf) =	vpush v15, $0x2;
	v42 =	vld [tilespmem:s5+$0x38F0]  }
0x2bc: {  	(v2sf) =	vpush v6, $0x5  }
0x2bd: {  	v24 =	vld.idx.msk [tilespmem:v20+s2+$0x0 ss:$0x1], $0xffff;
	(v2sf) =	vpush v1, $0x8  }
0x2be: {  	v45 =	vld.idx.msk [tilespmem:v20+s2+$0xFFFFE700 ss:$0x1], $0xffff;
	[tilespmem:s30+$0xFFFFFD30] =	vst v40;
	s0 =	spop (v2sf)  }
0x2bf: {  	v22 =	vld [tilespmem:s0+$0x35C0];
	[tilespmem:s26+$0xFFFFFE90] =	vst v41;
	s1 =	spop (v2sf)  }
0x2c0: {  	v23 =	vld [tilespmem:s1+$0x3480];
	[tilespmem:s25+$0xFFFFFFF0] =	vst v42;
	s17 =	spop (v2sf)  }
0x2c1: {  	[tilespmem:s29+$0x140] =	vst v27;
	v25 =	vld [tilespmem:s17+$0x3200]  }
0x2c2: {  	v43 =	vld [tilespmem:s6+$0x35D0];
	[tilespmem:s28+$0x2A0] =	vst v28;
	(v2sf) =	vpush v11, $0xB  }
0x2c3: {  	v44 =	vld [tilespmem:s7+$0x3490];
	(v2sf) =	vpush v16, $0xD  }
0x2c4: {  	v29 =	vld.idx.msk [tilespmem:v20+s2+$0xFFFFF380 ss:$0x1], $0xffff;
	[tilespmem:s30+$0xFFFFFD40] =	vst v22  }
0x2c5: {  	v20 =	vshll.u32 v45, $0x5;
	v22 =	vld [tilespmem:s0+$0x35D0];
	[tilespmem:s26+$0xFFFFFEA0] =	vst v23  }
0x2c6: {  	(v2sf) =	vpush v20, $0x0;
	v23 =	vld [tilespmem:s1+$0x3490];
	[tilespmem:s25+$0x0] =	vst v25  }
0x2c7: {  	[tilespmem:s29+$0x150] =	vst v43;
	s18 =	spop (v2sf);
	(v2sf) =	vpush v12, $0x3;
	v25 =	vld [tilespmem:s17+$0x3210]  }
0x2c8: {  	v26 =	vld [tilespmem:s18+$0x38E0];
	[tilespmem:s28+$0x2B0] =	vst v44;
	s19 =	spop (v2sf);
	(v2sf) =	vpush v7, $0x5  }
0x2c9: {  	v27 =	vld [tilespmem:s19+$0x35C0];
	s20 =	spop (v2sf);
	(v2sf) =	vpush v2, $0x8  }
0x2ca: {  	v46 =	vld [tilespmem:s20+$0x3200];
	s21 =	spop (v2sf);
	[tilespmem:s30+$0xFFFFFD50] =	vst v22  }
0x2cb: {  	s22 =	spop (v2sf);
	v22 =	vld [tilespmem:s21+$0x38E0];
	[tilespmem:s26+$0xFFFFFEB0] =	vst v23  }
0x2cc: {  	s23 =	spop (v2sf);
	v23 =	vld [tilespmem:s22+$0x35C0];
	[tilespmem:s25+$0x10] =	vst v25  }
0x2cd: {  	[tilespmem:s29+$0x160] =	vst v26;
	v25 =	vld [tilespmem:s23+$0x3480]  }
0x2ce: {  	s1 =	sadd.s32 $0x800, s30;
	v26 =	vld [tilespmem:s18+$0x38F0];
	[tilespmem:s28+$0x2C0] =	vst v27  }
0x2cf: {  	v27 =	vld [tilespmem:s19+$0x35D0];
	[tilespmem:s1+$0xFFFFFC00] =	vst v46  }
0x2d0: {  	(v2sf) =	vpush v10, $0xB;
	v28 =	vld [tilespmem:s20+$0x3210];
	[tilespmem:s30+$0xFFFFFD60] =	vst v22  }
0x2d1: {  	(v2sf) =	vpush v19, $0xE;
	s24 =	spop (v2sf);
	v22 =	vshll.u32 v29, $0x5;
	v47 =	vld [tilespmem:s21+$0x38F0];
	[tilespmem:s26+$0xFFFFFEC0] =	vst v23  }
0x2d2: {  	s31 =	spop (v2sf);
	(v2sf) =	vpush v22, $0x0;
	v23 =	vld [tilespmem:s22+$0x35D0];
	[tilespmem:s25+$0x20] =	vst v25  }
0x2d3: {  	[tilespmem:s29+$0x170] =	vst v26;
	(v2sf) =	vpush v13, $0x3;
	v25 =	vld [tilespmem:s23+$0x3490]  }
0x2d4: {  	v26 =	vld [tilespmem:s24+$0x3200];
	[tilespmem:s28+$0x2D0] =	vst v27;
	(v2sf) =	vpush v4, $0x6  }
0x2d5: {  	v27 =	vld [tilespmem:s31+$0x38E0];
	s2 =	spop (v2sf);
	[tilespmem:s1+$0xFFFFFC10] =	vst v28;
	(v2sf) =	vpush v3, $0x8  }
0x2d6: {  	s3 =	spop (v2sf);
	v28 =	vld [tilespmem:s2+$0x3480];
	[tilespmem:s30+$0xFFFFFD70] =	vst v47  }
0x2d7: {  	s4 =	spop (v2sf);
	v29 =	vld [tilespmem:s3+$0x3200];
	[tilespmem:s26+$0xFFFFFED0] =	vst v23  }
0x2d8: {  	s5 =	spop (v2sf);
	v30 =	vld [tilespmem:s4+$0x38E0];
	[tilespmem:s25+$0x30] =	vst v25  }
0x2d9: {  	[tilespmem:s29+$0x180] =	vst v26;
	v25 =	vld [tilespmem:s5+$0x35C0]  }
0x2da: {  	v26 =	vld [tilespmem:s24+$0x3210];
	[tilespmem:s28+$0x2E0] =	vst v27  }
0x2db: {  	v27 =	vld [tilespmem:s31+$0x38F0];
	[tilespmem:s1+$0xFFFFFC20] =	vst v28  }
0x2dc: {  	(v2sf) =	vpush v9, $0xB;
	v28 =	vld [tilespmem:s2+$0x3490];
	[tilespmem:s30+$0xFFFFFD80] =	vst v29  }
0x2dd: {  	(v2sf) =	vpush v18, $0xE;
	v23 =	vshll.u32 v24, $0x5;
	v48 =	vld [tilespmem:s3+$0x3210];
	[tilespmem:s26+$0xFFFFFEE0] =	vst v30  }
0x2de: {  	(v2sf) =	vpush v23, $0x0;
	v49 =	vld [tilespmem:s4+$0x38F0];
	[tilespmem:s25+$0x40] =	vst v25  }
0x2df: {  	s6 =	spop (v2sf);
	[tilespmem:s29+$0x190] =	vst v26;
	(v2sf) =	vpush v14, $0x3;
	v25 =	vld [tilespmem:s5+$0x35D0]  }
0x2e0: {  	s7 =	spop (v2sf);
	v26 =	vld [tilespmem:s6+$0x3480];
	[tilespmem:s28+$0x2F0] =	vst v27;
	(v2sf) =	vpush v5, $0x6  }
0x2e1: {  	v27 =	vld [tilespmem:s7+$0x3200];
	[tilespmem:s1+$0xFFFFFC30] =	vst v28;
	s8 =	spop (v2sf);
	(v2sf) =	vpush v0, $0x9  }
0x2e2: {  	v28 =	vld [tilespmem:s8+$0x35C0];
	s9 =	spop (v2sf);
	[tilespmem:s30+$0xFFFFFD90] =	vst v48  }
0x2e3: {  	s10 =	spop (v2sf);
	v24 =	vld [tilespmem:s9+$0x3480];
	[tilespmem:s26+$0xFFFFFEF0] =	vst v49  }
0x2e4: {  	s11 =	spop (v2sf);
	v29 =	vld [tilespmem:s10+$0x3200];
	[tilespmem:s25+$0x50] =	vst v25  }
0x2e5: {  	[tilespmem:s29+$0x1A0] =	vst v26;
	v25 =	vld [tilespmem:s11+$0x38E0]  }
0x2e6: {  	v26 =	vld [tilespmem:s6+$0x3490];
	[tilespmem:s28+$0x300] =	vst v27  }
0x2e7: {  	v27 =	vld [tilespmem:s7+$0x3210];
	[tilespmem:s1+$0xFFFFFC40] =	vst v28  }
0x2e8: {  	(v2sf) =	vpush v8, $0xB;
	v28 =	vld [tilespmem:s8+$0x35D0];
	[tilespmem:s30+$0xFFFFFDA0] =	vst v24  }
0x2e9: {  	(v2sf) =	vpush v17, $0xE;
	v24 =	vld [tilespmem:s9+$0x3490];
	[tilespmem:s26+$0xFFFFFF00] =	vst v29  }
0x2ea: {  	(v2sf) =	vpush v21, $0x1;
	v29 =	vld [tilespmem:s10+$0x3210];
	[tilespmem:s25+$0x60] =	vst v25  }
0x2eb: {  	s12 =	spop (v2sf);
	(v2sf) =	vpush v15, $0x3;
	[tilespmem:s29+$0x1B0] =	vst v26;
	v25 =	vld [tilespmem:s11+$0x38F0]  }
0x2ec: {  	s13 =	spop (v2sf);
	(v2sf) =	vpush v6, $0x6;
	v26 =	vld [tilespmem:s12+$0x35C0];
	[tilespmem:s28+$0x310] =	vst v27  }
0x2ed: {  	v27 =	vld [tilespmem:s13+$0x3480];
	s14 =	spop (v2sf);
	(v2sf) =	vpush v1, $0x9;
	[tilespmem:s1+$0xFFFFFC50] =	vst v28  }
0x2ee: {  	s15 =	spop (v2sf);
	v28 =	vld [tilespmem:s14+$0x38E0];
	[tilespmem:s30+$0xFFFFFDB0] =	vst v24  }
0x2ef: {  	s16 =	spop (v2sf);
	v24 =	vld [tilespmem:s15+$0x35C0];
	[tilespmem:s26+$0xFFFFFF10] =	vst v29  }
0x2f0: {  	s17 =	spop (v2sf);
	v29 =	vld [tilespmem:s16+$0x3480];
	[tilespmem:s25+$0x70] =	vst v25  }
0x2f1: {  	[tilespmem:s29+$0x1C0] =	vst v26;
	v25 =	vld [tilespmem:s17+$0x3200]  }
0x2f2: {  	v26 =	vld [tilespmem:s12+$0x35D0];
	[tilespmem:s28+$0x320] =	vst v27  }
0x2f3: {  	v27 =	vld [tilespmem:s13+$0x3490];
	[tilespmem:s1+$0xFFFFFC60] =	vst v28  }
0x2f4: {  	(v2sf) =	vpush v11, $0xC;
	v28 =	vld [tilespmem:s14+$0x38F0];
	[tilespmem:s30+$0xFFFFFDC0] =	vst v24  }
0x2f5: {  	(v2sf) =	vpush v16, $0xE;
	v24 =	vld [tilespmem:s15+$0x35D0];
	[tilespmem:s26+$0xFFFFFF20] =	vst v29  }
0x2f6: {  	(v2sf) =	vpush v20, $0x1;
	v29 =	vld [tilespmem:s16+$0x3490];
	[tilespmem:s25+$0x80] =	vst v25  }
0x2f7: {  	s18 =	spop (v2sf);
	(v2sf) =	vpush v12, $0x4;
	[tilespmem:s29+$0x1D0] =	vst v26;
	v25 =	vld [tilespmem:s17+$0x3210]  }
0x2f8: {  	s19 =	spop (v2sf);
	(v2sf) =	vpush v7, $0x6;
	v26 =	vld [tilespmem:s18+$0x38E0];
	[tilespmem:s28+$0x330] =	vst v27  }
0x2f9: {  	s20 =	spop (v2sf);
	(v2sf) =	vpush v2, $0x9;
	v27 =	vld [tilespmem:s19+$0x35C0];
	[tilespmem:s1+$0xFFFFFC70] =	vst v28  }
0x2fa: {  	s21 =	spop (v2sf);
	v28 =	vld [tilespmem:s20+$0x3200];
	[tilespmem:s30+$0xFFFFFDD0] =	vst v24  }
0x2fb: {  	s22 =	spop (v2sf);
	v24 =	vld [tilespmem:s21+$0x38E0];
	[tilespmem:s26+$0xFFFFFF30] =	vst v29  }
0x2fc: {  	s23 =	spop (v2sf);
	v50 =	vld [tilespmem:s22+$0x35C0];
	[tilespmem:s25+$0x90] =	vst v25  }
0x2fd: {  	[tilespmem:s29+$0x1E0] =	vst v26;
	v25 =	vld [tilespmem:s23+$0x3480]  }
0x2fe: {  	v26 =	vld [tilespmem:s18+$0x38F0];
	[tilespmem:s28+$0x340] =	vst v27  }
0x2ff: {  	v27 =	vld [tilespmem:s19+$0x35D0];
	[tilespmem:s1+$0xFFFFFC80] =	vst v28  }
0x300: {  	(v2sf) =	vpush v10, $0xC;
	v28 =	vld [tilespmem:s20+$0x3210];
	[tilespmem:s30+$0xFFFFFDE0] =	vst v24  }
0x301: {  	(v2sf) =	vpush v19, $0xF;
	v24 =	vld [tilespmem:s21+$0x38F0];
	[tilespmem:s26+$0xFFFFFF40] =	vst v50  }
0x302: {  	(v2sf) =	vpush v22, $0x1;
	v19 =	vld [tilespmem:s22+$0x35D0];
	[tilespmem:s25+$0xA0] =	vst v25  }
0x303: {  	s24 =	spop (v2sf);
	(v2sf) =	vpush v13, $0x4;
	[tilespmem:s29+$0x1F0] =	vst v26;
	v25 =	vld [tilespmem:s23+$0x3490]  }
0x304: {  	s31 =	spop (v2sf);
	(v2sf) =	vpush v4, $0x7;
	v26 =	vld [tilespmem:s24+$0x3200];
	[tilespmem:s28+$0x350] =	vst v27  }
0x305: {  	s4 =	spop (v2sf);
	(v2sf) =	vpush v3, $0x9;
	v27 =	vld [tilespmem:s31+$0x38E0];
	[tilespmem:s1+$0xFFFFFC90] =	vst v28  }
0x306: {  	s5 =	spop (v2sf);
	v28 =	vld [tilespmem:s4+$0x3480];
	[tilespmem:s30+$0xFFFFFDF0] =	vst v24  }
0x307: {  	s6 =	spop (v2sf);
	v24 =	vld [tilespmem:s5+$0x3200];
	[tilespmem:s26+$0xFFFFFF50] =	vst v19  }
0x308: {  	s7 =	spop (v2sf);
	v51 =	vld [tilespmem:s6+$0x38E0];
	[tilespmem:s25+$0xB0] =	vst v25  }
0x309: {  	[tilespmem:s29+$0x200] =	vst v26;
	v52 =	vld [tilespmem:s7+$0x35C0]  }
0x30a: {  	v26 =	vld [tilespmem:s24+$0x3210];
	[tilespmem:s28+$0x360] =	vst v27  }
0x30b: {  	(v2sf) =	vpush v9, $0xC;
	v27 =	vld [tilespmem:s31+$0x38F0];
	[tilespmem:s1+$0xFFFFFCA0] =	vst v28  }
0x30c: {  	v55 =	vld [tilespmem:s4+$0x3490];
	[tilespmem:s30+$0xFFFFFE00] =	vst v24  }
0x30d: {  	(v2sf) =	vpush v18, $0xF;
	v24 =	vld [tilespmem:s5+$0x3210];
	[tilespmem:s26+$0xFFFFFF60] =	vst v51  }
0x30e: {  	(v2sf) =	vpush v23, $0x1;
	v18 =	vld [tilespmem:s6+$0x38F0];
	[tilespmem:s25+$0xC0] =	vst v52  }
0x30f: {  	s8 =	spop (v2sf);
	(v2sf) =	vpush v14, $0x4;
	[tilespmem:s29+$0x210] =	vst v26;
	v19 =	vld [tilespmem:s7+$0x35D0]  }
0x310: {  	s9 =	spop (v2sf);
	(v2sf) =	vpush v5, $0x7;
	v53 =	vld [tilespmem:s8+$0x3480];
	[tilespmem:s28+$0x370] =	vst v27  }
0x311: {  	s10 =	spop (v2sf);
	(v2sf) =	vpush v0, $0xA;
	v54 =	vld [tilespmem:s9+$0x3200];
	[tilespmem:s1+$0xFFFFFCB0] =	vst v55  }
0x312: {  	s11 =	spop (v2sf);
	v27 =	vld [tilespmem:s10+$0x35C0];
	[tilespmem:s30+$0xFFFFFE10] =	vst v24  }
0x313: {  	s12 =	spop (v2sf);
	v24 =	vld [tilespmem:s11+$0x3480];
	[tilespmem:s26+$0xFFFFFF70] =	vst v18  }
0x314: {  	s13 =	spop (v2sf);
	v56 =	vld [tilespmem:s12+$0x3200];
	[tilespmem:s25+$0xD0] =	vst v19  }
0x315: {  	[tilespmem:s29+$0x220] =	vst v53;
	v57 =	vld [tilespmem:s13+$0x38E0]  }
0x316: {  	(v2sf) =	vpush v8, $0xC;
	v25 =	vld [tilespmem:s8+$0x3490];
	[tilespmem:s28+$0x380] =	vst v54  }
0x317: {  	(v2sf) =	vpush v17, $0xF;
	v26 =	vld [tilespmem:s9+$0x3210];
	[tilespmem:s1+$0xFFFFFCC0] =	vst v27  }
0x318: {  	v60 =	vld [tilespmem:s10+$0x35D0];
	[tilespmem:s30+$0xFFFFFE20] =	vst v24  }
0x319: {  	(v2sf) =	vpush v21, $0x2;
	v24 =	vld [tilespmem:s11+$0x3490];
	[tilespmem:s26+$0xFFFFFF80] =	vst v56  }
0x31a: {  	s14 =	spop (v2sf);
	(v2sf) =	vpush v15, $0x4;
	v17 =	vld [tilespmem:s12+$0x3210];
	[tilespmem:s25+$0xE0] =	vst v57  }
0x31b: {  	[tilespmem:s29+$0x230] =	vst v25;
	v18 =	vld [tilespmem:s13+$0x38F0]  }
0x31c: {  	s15 =	spop (v2sf);
	(v2sf) =	vpush v6, $0x7;
	v58 =	vld [tilespmem:s14+$0x35C0];
	[tilespmem:s28+$0x390] =	vst v26  }
0x31d: {  	s16 =	spop (v2sf);
	(v2sf) =	vpush v1, $0xA;
	v59 =	vld [tilespmem:s15+$0x3480];
	[tilespmem:s1+$0xFFFFFCD0] =	vst v60  }
0x31e: {  	s17 =	spop (v2sf);
	v26 =	vld [tilespmem:s16+$0x38E0];
	[tilespmem:s30+$0xFFFFFE30] =	vst v24  }
0x31f: {  	s18 =	spop (v2sf);
	v24 =	vld [tilespmem:s17+$0x35C0];
	[tilespmem:s26+$0xFFFFFF90] =	vst v17  }
0x320: {  	s19 =	spop (v2sf);
	v61 =	vld [tilespmem:s18+$0x3480];
	[tilespmem:s25+$0xF0] =	vst v18  }
0x321: {  	[tilespmem:s29+$0x240] =	vst v58;
	v62 =	vld [tilespmem:s19+$0x3200]  }
0x322: {  	v19 =	vld [tilespmem:s14+$0x35D0];
	[tilespmem:s28+$0x3A0] =	vst v59  }
0x323: {  	(v2sf) =	vpush v11, $0xD;
	v25 =	vld [tilespmem:s15+$0x3490];
	[tilespmem:s1+$0xFFFFFCE0] =	vst v26  }
0x324: {  	v29 =	vld [tilespmem:s16+$0x38F0];
	[tilespmem:s30+$0xFFFFFE40] =	vst v24  }
0x325: {  	(v2sf) =	vpush v16, $0xF;
	s20 =	spop (v2sf);
	v24 =	vld [tilespmem:s17+$0x35D0];
	[tilespmem:s26+$0xFFFFFFA0] =	vst v61  }
0x326: {  	s21 =	spop (v2sf);
	(v2sf) =	vpush v20, $0x2;
	v16 =	vld [tilespmem:s18+$0x3490];
	[tilespmem:s25+$0x100] =	vst v62  }
0x327: {  	[tilespmem:s29+$0x250] =	vst v19;
	v17 =	vld [tilespmem:s19+$0x3210]  }
0x328: {  	s22 =	spop (v2sf);
	(v2sf) =	vpush v12, $0x5;
	v63 =	vld [tilespmem:s20+$0x38E0];
	[tilespmem:s28+$0x3B0] =	vst v25  }
0x329: {  	s23 =	spop (v2sf);
	(v2sf) =	vpush v7, $0x7;
	v28 =	vld [tilespmem:s21+$0x35C0];
	[tilespmem:s1+$0xFFFFFCF0] =	vst v29  }
0x32a: {  	(v2sf) =	vpush v2, $0xA;
	v25 =	vld [tilespmem:s22+$0x3200];
	[tilespmem:s30+$0xFFFFFE50] =	vst v24  }
0x32b: {  	s24 =	spop (v2sf);
	v24 =	vld [tilespmem:s23+$0x38E0];
	[tilespmem:s26+$0xFFFFFFB0] =	vst v16  }
0x32c: {  	s31 =	spop (v2sf);
	v30 =	vld [tilespmem:s24+$0x35C0];
	[tilespmem:s25+$0x110] =	vst v17  }
0x32d: {  	[tilespmem:s29+$0x260] =	vst v63;
	v31 =	vld [tilespmem:s31+$0x3480]  }
0x32e: {  	v18 =	vld [tilespmem:s20+$0x38F0];
	[tilespmem:s28+$0x3C0] =	vst v28  }
0x32f: {  	v19 =	vld [tilespmem:s21+$0x35D0];
	[tilespmem:s1+$0xFFFFFD00] =	vst v25  }
0x330: {  	v34 =	vld [tilespmem:s22+$0x3210];
	[tilespmem:s30+$0xFFFFFE60] =	vst v24  }
0x331: {  	(v2sf) =	vpush v10, $0xD;
	v35 =	vld [tilespmem:s23+$0x38F0];
	[tilespmem:s26+$0xFFFFFFC0] =	vst v30  }
0x332: {  	s4 =	spop (v2sf);
	(v2sf) =	vpush v22, $0x2;
	v36 =	vld [tilespmem:s24+$0x35D0];
	[tilespmem:s25+$0x120] =	vst v31  }
0x333: {  	[tilespmem:s29+$0x270] =	vst v18;
	v37 =	vld [tilespmem:s31+$0x3490]  }
0x334: {  	s0 =	spop (v2sf);
	(v2sf) =	vpush v13, $0x5;
	[tilespmem:s28+$0x3D0] =	vst v19  }
0x335: {  	(v2sf) =	vpush v4, $0x8;
	s7 =	spop (v2sf);
	v32 =	vld [tilespmem:s4+$0x3200];
	[tilespmem:s1+$0xFFFFFD10] =	vst v34  }
0x336: {  	(v2sf) =	vpush v3, $0xA;
	v18 =	vld [tilespmem:s7+$0x3480];
	[tilespmem:s30+$0xFFFFFE70] =	vst v35  }
0x337: {  	s8 =	spop (v2sf);
	v33 =	vld [tilespmem:s0+$0x38E0];
	[tilespmem:s26+$0xFFFFFFD0] =	vst v36  }
0x338: {  	s9 =	spop (v2sf);
	v19 =	vld [tilespmem:s8+$0x3200];
	[tilespmem:s25+$0x130] =	vst v37  }
0x339: {  	v24 =	vld [tilespmem:s9+$0x38E0];
	s10 =	spop (v2sf)  }
0x33a: {  	v38 =	vld [tilespmem:s10+$0x35C0]  }
0x33b: {  	[tilespmem:s1+$0xFFFFFD20] =	vst v18  }
0x33c: {  	v18 =	vld [tilespmem:s7+$0x3490]  }
0x33d: {  	(v2sf) =	vpush v9, $0xD;
	[tilespmem:s30+$0xFFFFFE80] =	vst v19  }
0x33e: {  	(v2sf) =	vpush v23, $0x2;
	v19 =	vld [tilespmem:s8+$0x3210];
	[tilespmem:s26+$0xFFFFFFE0] =	vst v24  }
0x33f: {  	v24 =	vld [tilespmem:s9+$0x38F0];
	[tilespmem:s25+$0x140] =	vst v38  }
0x340: {  	s2 =	spop (v2sf);
	(v2sf) =	vpush v14, $0x5;
	v25 =	vld [tilespmem:s10+$0x35D0]  }
0x341: {  	s11 =	spop (v2sf);
	(v2sf) =	vpush v5, $0x8;
	[tilespmem:s1+$0xFFFFFD30] =	vst v18  }
0x342: {  	(v2sf) =	vpush v0, $0xB;
	v18 =	vld [tilespmem:s11+$0x35C0]  }
0x343: {  	s12 =	spop (v2sf);
	[tilespmem:s30+$0xFFFFFE90] =	vst v19  }
0x344: {  	s13 =	spop (v2sf);
	v19 =	vld [tilespmem:s12+$0x3480];
	[tilespmem:s26+$0xFFFFFFF0] =	vst v24  }
0x345: {  	s14 =	spop (v2sf);
	v24 =	vld [tilespmem:s13+$0x3200];
	[tilespmem:s25+$0x150] =	vst v25  }
0x346: {  	v25 =	vld [tilespmem:s14+$0x38E0]  }
0x347: {  	[tilespmem:s1+$0xFFFFFD40] =	vst v18  }
0x348: {  	v18 =	vld [tilespmem:s11+$0x35D0]  }
0x349: {  	(v2sf) =	vpush v8, $0xD;
	[tilespmem:s30+$0xFFFFFEA0] =	vst v19  }
0x34a: {  	(v2sf) =	vpush v21, $0x3;
	v19 =	vld [tilespmem:s12+$0x3490];
	[tilespmem:s26+$0x0] =	vst v24  }
0x34b: {  	v24 =	vld [tilespmem:s13+$0x3210];
	[tilespmem:s25+$0x160] =	vst v25  }
0x34c: {  	s9 =	spop (v2sf);
	(v2sf) =	vpush v15, $0x5;
	v25 =	vld [tilespmem:s14+$0x38F0]  }
0x34d: {  	s15 =	spop (v2sf);
	(v2sf) =	vpush v6, $0x8;
	[tilespmem:s1+$0xFFFFFD50] =	vst v18  }
0x34e: {  	(v2sf) =	vpush v1, $0xB;
	v18 =	vld [tilespmem:s15+$0x38E0]  }
0x34f: {  	s16 =	spop (v2sf);
	[tilespmem:s30+$0xFFFFFEB0] =	vst v19  }
0x350: {  	s17 =	spop (v2sf);
	v19 =	vld [tilespmem:s16+$0x35C0];
	[tilespmem:s26+$0x10] =	vst v24  }
0x351: {  	s18 =	spop (v2sf);
	v24 =	vld [tilespmem:s17+$0x3480];
	[tilespmem:s25+$0x170] =	vst v25  }
0x352: {  	v25 =	vld [tilespmem:s18+$0x3200]  }
0x353: {  	[tilespmem:s1+$0xFFFFFD60] =	vst v18  }
0x354: {  	v18 =	vld [tilespmem:s15+$0x38F0]  }
0x355: {  	(v2sf) =	vpush v11, $0xE;
	[tilespmem:s30+$0xFFFFFEC0] =	vst v19  }
0x356: {  	(v2sf) =	vpush v20, $0x3;
	v19 =	vld [tilespmem:s16+$0x35D0];
	[tilespmem:s26+$0x20] =	vst v24  }
0x357: {  	v24 =	vld [tilespmem:s17+$0x3490];
	[tilespmem:s25+$0x180] =	vst v25  }
0x358: {  	s10 =	spop (v2sf);
	(v2sf) =	vpush v12, $0x6;
	v25 =	vld [tilespmem:s18+$0x3210]  }
0x359: {  	s19 =	spop (v2sf);
	(v2sf) =	vpush v7, $0x8;
	[tilespmem:s1+$0xFFFFFD70] =	vst v18  }
0x35a: {  	(v2sf) =	vpush v2, $0xB;
	v18 =	vld [tilespmem:s19+$0x3200]  }
0x35b: {  	s20 =	spop (v2sf);
	[tilespmem:s30+$0xFFFFFED0] =	vst v19  }
0x35c: {  	s21 =	spop (v2sf);
	v19 =	vld [tilespmem:s20+$0x38E0];
	[tilespmem:s26+$0x30] =	vst v24  }
0x35d: {  	s8 =	spop (v2sf);
	v24 =	vld [tilespmem:s21+$0x35C0];
	[tilespmem:s25+$0x190] =	vst v25  }
0x35e: {  	v25 =	vld [tilespmem:s8+$0x3480]  }
0x35f: {  	[tilespmem:s1+$0xFFFFFD80] =	vst v18  }
0x360: {  	v18 =	vld [tilespmem:s19+$0x3210]  }
0x361: {  	(v2sf) =	vpush v10, $0xE;
	[tilespmem:s30+$0xFFFFFEE0] =	vst v19  }
0x362: {  	(v2sf) =	vpush v22, $0x3;
	v19 =	vld [tilespmem:s20+$0x38F0];
	[tilespmem:s26+$0x40] =	vst v24  }
0x363: {  	v24 =	vld [tilespmem:s21+$0x35D0];
	[tilespmem:s25+$0x1A0] =	vst v25  }
0x364: {  	s7 =	spop (v2sf);
	(v2sf) =	vpush v13, $0x6;
	v25 =	vld [tilespmem:s8+$0x3490]  }
0x365: {  	s22 =	spop (v2sf);
	(v2sf) =	vpush v4, $0x9;
	[tilespmem:s1+$0xFFFFFD90] =	vst v18  }
0x366: {  	(v2sf) =	vpush v3, $0xB;
	v18 =	vld [tilespmem:s22+$0x3480]  }
0x367: {  	s23 =	spop (v2sf);
	[tilespmem:s30+$0xFFFFFEF0] =	vst v19  }
0x368: {  	s24 =	spop (v2sf);
	v19 =	vld [tilespmem:s23+$0x3200];
	[tilespmem:s26+$0x50] =	vst v24  }
0x369: {  	s31 =	spop (v2sf);
	v24 =	vld [tilespmem:s24+$0x38E0];
	[tilespmem:s25+$0x1B0] =	vst v25  }
0x36a: {  	v25 =	vld [tilespmem:s31+$0x35C0]  }
0x36b: {  	[tilespmem:s1+$0xFFFFFDA0] =	vst v18  }
0x36c: {  	v18 =	vld [tilespmem:s22+$0x3490]  }
0x36d: {  	(v2sf) =	vpush v9, $0xE;
	[tilespmem:s30+$0xFFFFFF00] =	vst v19  }
0x36e: {  	(v2sf) =	vpush v23, $0x3;
	v19 =	vld [tilespmem:s23+$0x3210];
	[tilespmem:s26+$0x60] =	vst v24  }
0x36f: {  	v24 =	vld [tilespmem:s24+$0x38F0];
	[tilespmem:s25+$0x1C0] =	vst v25  }
0x370: {  	s5 =	spop (v2sf);
	(v2sf) =	vpush v14, $0x6;
	v25 =	vld [tilespmem:s31+$0x35D0]  }
0x371: {  	s8 =	spop (v2sf);
	(v2sf) =	vpush v5, $0x9;
	[tilespmem:s1+$0xFFFFFDB0] =	vst v18  }
0x372: {  	(v2sf) =	vpush v0, $0xC;
	v18 =	vld [tilespmem:s8+$0x35C0]  }
0x373: {  	s12 =	spop (v2sf);
	[tilespmem:s30+$0xFFFFFF10] =	vst v19  }
0x374: {  	s13 =	spop (v2sf);
	v19 =	vld [tilespmem:s12+$0x3480];
	[tilespmem:s26+$0x70] =	vst v24  }
0x375: {  	s11 =	spop (v2sf);
	v24 =	vld [tilespmem:s13+$0x3200];
	[tilespmem:s25+$0x1D0] =	vst v25  }
0x376: {  	v25 =	vld [tilespmem:s11+$0x38E0]  }
0x377: {  	[tilespmem:s1+$0xFFFFFDC0] =	vst v18  }
0x378: {  	[tilespmem:s29+$0x280] =	vst v32;
	v18 =	vld [tilespmem:s8+$0x35D0]  }
0x379: {  	v17 =	vld [tilespmem:s4+$0x3210];
	(v2sf) =	vpush v8, $0xE;
	[tilespmem:s30+$0xFFFFFF20] =	vst v19  }
0x37a: {  	(v2sf) =	vpush v21, $0x4;
	v19 =	vld [tilespmem:s12+$0x3490];
	[tilespmem:s26+$0x80] =	vst v24  }
0x37b: {  	v24 =	vld [tilespmem:s13+$0x3210];
	[tilespmem:s25+$0x1E0] =	vst v25  }
0x37c: {  	s4 =	spop (v2sf);
	(v2sf) =	vpush v15, $0x6;
	v25 =	vld [tilespmem:s11+$0x38F0]  }
0x37d: {  	s14 =	spop (v2sf);
	(v2sf) =	vpush v6, $0x9;
	[tilespmem:s1+$0xFFFFFDD0] =	vst v18  }
0x37e: {  	[tilespmem:s29+$0x290] =	vst v17;
	(v2sf) =	vpush v1, $0xC;
	v18 =	vld [tilespmem:s14+$0x38E0]  }
0x37f: {  	v17 =	vld [tilespmem:s2+$0x3480];
	s15 =	spop (v2sf);
	[tilespmem:s30+$0xFFFFFF30] =	vst v19  }
0x380: {  	s16 =	spop (v2sf);
	v19 =	vld [tilespmem:s15+$0x35C0];
	[tilespmem:s26+$0x90] =	vst v24  }
0x381: {  	s17 =	spop (v2sf);
	v24 =	vld [tilespmem:s16+$0x3480];
	[tilespmem:s25+$0x1F0] =	vst v25  }
0x382: {  	v25 =	vld [tilespmem:s17+$0x3200]  }
0x383: {  	[tilespmem:s1+$0xFFFFFDE0] =	vst v18  }
0x384: {  	[tilespmem:s29+$0x2A0] =	vst v17;
	v18 =	vld [tilespmem:s14+$0x38F0]  }
0x385: {  	v39 =	vld [tilespmem:s2+$0x3490];
	(v2sf) =	vpush v11, $0xF;
	[tilespmem:s30+$0xFFFFFF40] =	vst v19  }
0x386: {  	(v2sf) =	vpush v20, $0x4;
	v40 =	vld [tilespmem:s15+$0x35D0];
	[tilespmem:s26+$0xA0] =	vst v24  }
0x387: {  	v41 =	vld [tilespmem:s16+$0x3490];
	[tilespmem:s25+$0x200] =	vst v25  }
0x388: {  	s6 =	spop (v2sf);
	(v2sf) =	vpush v12, $0x7;
	v42 =	vld [tilespmem:s17+$0x3210]  }
0x389: {  	s18 =	spop (v2sf);
	(v2sf) =	vpush v7, $0x9;
	[tilespmem:s1+$0xFFFFFDF0] =	vst v18  }
0x38a: {  	[tilespmem:s29+$0x2B0] =	vst v39;
	(v2sf) =	vpush v2, $0xC;
	v18 =	vld [tilespmem:s18+$0x3200]  }
0x38b: {  	v11 =	vld [tilespmem:s9+$0x35C0];
	s19 =	spop (v2sf);
	[tilespmem:s30+$0xFFFFFF50] =	vst v40  }
0x38c: {  	s20 =	spop (v2sf);
	v17 =	vld [tilespmem:s19+$0x38E0];
	[tilespmem:s26+$0xB0] =	vst v41  }
0x38d: {  	s21 =	spop (v2sf);
	v19 =	vld [tilespmem:s20+$0x35C0];
	[tilespmem:s25+$0x210] =	vst v42  }
0x38e: {  	v24 =	vld [tilespmem:s21+$0x3480]  }
0x38f: {  	[tilespmem:s1+$0xFFFFFE00] =	vst v18  }
0x390: {  	[tilespmem:s29+$0x2C0] =	vst v11;
	v18 =	vld [tilespmem:s18+$0x3210]  }
0x391: {  	(v2sf) =	vpush v10, $0xF;
	v43 =	vld [tilespmem:s9+$0x35D0];
	[tilespmem:s30+$0xFFFFFF60] =	vst v17  }
0x392: {  	(v2sf) =	vpush v22, $0x4;
	v44 =	vld [tilespmem:s19+$0x38F0];
	[tilespmem:s26+$0xC0] =	vst v19  }
0x393: {  	v45 =	vld [tilespmem:s20+$0x35D0];
	[tilespmem:s25+$0x220] =	vst v24  }
0x394: {  	s9 =	spop (v2sf);
	(v2sf) =	vpush v13, $0x7;
	v46 =	vld [tilespmem:s21+$0x3490]  }
0x395: {  	s22 =	spop (v2sf);
	(v2sf) =	vpush v4, $0xA;
	[tilespmem:s1+$0xFFFFFE10] =	vst v18  }
0x396: {  	[tilespmem:s29+$0x2D0] =	vst v43;
	(v2sf) =	vpush v3, $0xC;
	v18 =	vld [tilespmem:s22+$0x3480]  }
0x397: {  	v10 =	vld [tilespmem:s10+$0x38E0];
	s23 =	spop (v2sf);
	[tilespmem:s30+$0xFFFFFF70] =	vst v44  }
0x398: {  	s24 =	spop (v2sf);
	v11 =	vld [tilespmem:s23+$0x3200];
	[tilespmem:s26+$0xD0] =	vst v45  }
0x399: {  	s31 =	spop (v2sf);
	v17 =	vld [tilespmem:s24+$0x38E0];
	[tilespmem:s25+$0x230] =	vst v46  }
0x39a: {  	v19 =	vld [tilespmem:s31+$0x35C0]  }
0x39b: {  	[tilespmem:s1+$0xFFFFFE20] =	vst v18  }
0x39c: {  	[tilespmem:s29+$0x2E0] =	vst v10;
	v18 =	vld [tilespmem:s22+$0x3490]  }
0x39d: {  	(v2sf) =	vpush v9, $0xF;
	v47 =	vld [tilespmem:s10+$0x38F0];
	[tilespmem:s30+$0xFFFFFF80] =	vst v11  }
0x39e: {  	(v2sf) =	vpush v23, $0x4;
	v48 =	vld [tilespmem:s23+$0x3210];
	[tilespmem:s26+$0xE0] =	vst v17  }
0x39f: {  	v49 =	vld [tilespmem:s24+$0x38F0];
	[tilespmem:s25+$0x240] =	vst v19  }
0x3a0: {  	s10 =	spop (v2sf);
	(v2sf) =	vpush v14, $0x7;
	v50 =	vld [tilespmem:s31+$0x35D0]  }
0x3a1: {  	s8 =	spop (v2sf);
	(v2sf) =	vpush v5, $0xA;
	[tilespmem:s1+$0xFFFFFE30] =	vst v18  }
0x3a2: {  	[tilespmem:s29+$0x2F0] =	vst v47;
	(v2sf) =	vpush v0, $0xD;
	v18 =	vld [tilespmem:s8+$0x35C0]  }
0x3a3: {  	v9 =	vld [tilespmem:s7+$0x3200];
	s11 =	spop (v2sf);
	[tilespmem:s30+$0xFFFFFF90] =	vst v48  }
0x3a4: {  	s12 =	spop (v2sf);
	v10 =	vld [tilespmem:s11+$0x3480];
	[tilespmem:s26+$0xF0] =	vst v49  }
0x3a5: {  	s13 =	spop (v2sf);
	v11 =	vld [tilespmem:s12+$0x3200];
	[tilespmem:s25+$0x250] =	vst v50  }
0x3a6: {  	v17 =	vld [tilespmem:s13+$0x38E0]  }
0x3a7: {  	[tilespmem:s1+$0xFFFFFE40] =	vst v18  }
0x3a8: {  	[tilespmem:s29+$0x300] =	vst v9;
	v18 =	vld [tilespmem:s8+$0x35D0]  }
0x3a9: {  	(v2sf) =	vpush v8, $0xF;
	v51 =	vld [tilespmem:s7+$0x3210];
	[tilespmem:s30+$0xFFFFFFA0] =	vst v10  }
0x3aa: {  	(v2sf) =	vpush v21, $0x5;
	v52 =	vld [tilespmem:s11+$0x3490];
	[tilespmem:s26+$0x100] =	vst v11  }
0x3ab: {  	v53 =	vld [tilespmem:s12+$0x3210];
	[tilespmem:s25+$0x260] =	vst v17  }
0x3ac: {  	s7 =	spop (v2sf);
	(v2sf) =	vpush v15, $0x7;
	v54 =	vld [tilespmem:s13+$0x38F0]  }
0x3ad: {  	s14 =	spop (v2sf);
	(v2sf) =	vpush v6, $0xA;
	[tilespmem:s1+$0xFFFFFE50] =	vst v18  }
0x3ae: {  	[tilespmem:s29+$0x310] =	vst v51;
	(v2sf) =	vpush v1, $0xD;
	v55 =	vld [tilespmem:s14+$0x38E0]  }
0x3af: {  	v8 =	vld [tilespmem:s5+$0x3480];
	s15 =	spop (v2sf);
	[tilespmem:s30+$0xFFFFFFB0] =	vst v52  }
0x3b0: {  	s16 =	spop (v2sf);
	v9 =	vld [tilespmem:s15+$0x35C0];
	[tilespmem:s26+$0x110] =	vst v53  }
0x3b1: {  	s17 =	spop (v2sf);
	v10 =	vld [tilespmem:s16+$0x3480];
	[tilespmem:s25+$0x270] =	vst v54  }
0x3b2: {  	v11 =	vld [tilespmem:s17+$0x3200]  }
0x3b3: {  	[tilespmem:s1+$0xFFFFFE60] =	vst v55  }
0x3b4: {  	[tilespmem:s29+$0x320] =	vst v8;
	v17 =	vld [tilespmem:s14+$0x38F0]  }
0x3b5: {  	v8 =	vld [tilespmem:s5+$0x3490];
	[tilespmem:s30+$0xFFFFFFC0] =	vst v9  }
0x3b6: {  	(v2sf) =	vpush v20, $0x5;
	v9 =	vld [tilespmem:s15+$0x35D0];
	[tilespmem:s26+$0x120] =	vst v10  }
0x3b7: {  	v10 =	vld [tilespmem:s16+$0x3490];
	[tilespmem:s25+$0x280] =	vst v11  }
0x3b8: {  	s5 =	spop (v2sf);
	(v2sf) =	vpush v12, $0x8;
	v11 =	vld [tilespmem:s17+$0x3210]  }
0x3b9: {  	s18 =	spop (v2sf);
	(v2sf) =	vpush v7, $0xA;
	[tilespmem:s1+$0xFFFFFE70] =	vst v17  }
0x3ba: {  	[tilespmem:s29+$0x330] =	vst v8;
	(v2sf) =	vpush v2, $0xD;
	v17 =	vld [tilespmem:s18+$0x3200]  }
0x3bb: {  	v8 =	vld [tilespmem:s4+$0x35C0];
	s19 =	spop (v2sf);
	[tilespmem:s30+$0xFFFFFFD0] =	vst v9  }
0x3bc: {  	s20 =	spop (v2sf);
	v9 =	vld [tilespmem:s19+$0x38E0];
	[tilespmem:s26+$0x130] =	vst v10  }
0x3bd: {  	s21 =	spop (v2sf);
	[tilespmem:s25+$0x290] =	vst v11;
	v10 =	vld [tilespmem:s20+$0x35C0]  }
0x3be: {  	v11 =	vld [tilespmem:s21+$0x3480]  }
0x3bf: {  	[tilespmem:s1+$0xFFFFFE80] =	vst v17  }
0x3c0: {  	[tilespmem:s29+$0x340] =	vst v8;
	v17 =	vld [tilespmem:s18+$0x3210]  }
0x3c1: {  	v8 =	vld [tilespmem:s4+$0x35D0];
	[tilespmem:s30+$0xFFFFFFE0] =	vst v9  }
0x3c2: {  	(v2sf) =	vpush v22, $0x5;
	v9 =	vld [tilespmem:s19+$0x38F0];
	[tilespmem:s26+$0x140] =	vst v10  }
0x3c3: {  	v10 =	vld [tilespmem:s20+$0x35D0];
	[tilespmem:s25+$0x2A0] =	vst v11  }
0x3c4: {  	(v2sf) =	vpush v13, $0x8;
	v11 =	vld [tilespmem:s21+$0x3490]  }
0x3c5: {  	(v2sf) =	vpush v4, $0xB;
	s22 =	spop (v2sf);
	[tilespmem:s1+$0xFFFFFE90] =	vst v17  }
0x3c6: {  	(v2sf) =	vpush v3, $0xD;
	[tilespmem:s29+$0x350] =	vst v8;
	v17 =	vld [tilespmem:s22+$0x3480]  }
0x3c7: {  	v8 =	vld [tilespmem:s6+$0x38E0];
	s23 =	spop (v2sf);
	[tilespmem:s30+$0xFFFFFFF0] =	vst v9  }
0x3c8: {  	s24 =	spop (v2sf);
	v9 =	vld [tilespmem:s23+$0x3200];
	[tilespmem:s26+$0x150] =	vst v10  }
0x3c9: {  	s31 =	spop (v2sf);
	v10 =	vld [tilespmem:s24+$0x38E0];
	[tilespmem:s25+$0x2B0] =	vst v11  }
0x3ca: {  	v11 =	vld [tilespmem:s31+$0x35C0]  }
0x3cb: {  	[tilespmem:s1+$0xFFFFFEA0] =	vst v17  }
0x3cc: {  	[tilespmem:s29+$0x360] =	vst v8;
	v17 =	vld [tilespmem:s22+$0x3490]  }
0x3cd: {  	v8 =	vld [tilespmem:s6+$0x38F0];
	[tilespmem:s30+$0x0] =	vst v9  }
0x3ce: {  	(v2sf) =	vpush v23, $0x5;
	v9 =	vld [tilespmem:s23+$0x3210];
	[tilespmem:s26+$0x160] =	vst v10  }
0x3cf: {  	v10 =	vld [tilespmem:s24+$0x38F0];
	[tilespmem:s25+$0x2C0] =	vst v11  }
0x3d0: {  	(v2sf) =	vpush v14, $0x8;
	v11 =	vld [tilespmem:s31+$0x35D0]  }
0x3d1: {  	s3 =	spop (v2sf);
	(v2sf) =	vpush v5, $0xB;
	[tilespmem:s1+$0xFFFFFEB0] =	vst v17  }
0x3d2: {  	(v2sf) =	vpush v0, $0xE;
	[tilespmem:s29+$0x370] =	vst v8;
	v17 =	vld [tilespmem:s3+$0x35C0]  }
0x3d3: {  	s4 =	spop (v2sf);
	v8 =	vld [tilespmem:s9+$0x3200];
	[tilespmem:s30+$0x10] =	vst v9  }
0x3d4: {  	s6 =	spop (v2sf);
	v9 =	vld [tilespmem:s4+$0x3480];
	[tilespmem:s26+$0x170] =	vst v10  }
0x3d5: {  	s8 =	spop (v2sf);
	v10 =	vld [tilespmem:s6+$0x3200];
	[tilespmem:s25+$0x2D0] =	vst v11  }
0x3d6: {  	v11 =	vld [tilespmem:s8+$0x38E0]  }
0x3d7: {  	[tilespmem:s1+$0xFFFFFEC0] =	vst v17  }
0x3d8: {  	[tilespmem:s29+$0x380] =	vst v8;
	v17 =	vld [tilespmem:s3+$0x35D0]  }
0x3d9: {  	v8 =	vld [tilespmem:s9+$0x3210];
	[tilespmem:s30+$0x20] =	vst v9  }
0x3da: {  	(v2sf) =	vpush v21, $0x6;
	v9 =	vld [tilespmem:s4+$0x3490];
	[tilespmem:s26+$0x180] =	vst v10  }
0x3db: {  	v10 =	vld [tilespmem:s6+$0x3210];
	[tilespmem:s25+$0x2E0] =	vst v11  }
0x3dc: {  	(v2sf) =	vpush v15, $0x8;
	v11 =	vld [tilespmem:s8+$0x38F0]  }
0x3dd: {  	s9 =	spop (v2sf);
	(v2sf) =	vpush v6, $0xB;
	[tilespmem:s1+$0xFFFFFED0] =	vst v17  }
0x3de: {  	(v2sf) =	vpush v1, $0xE;
	[tilespmem:s29+$0x390] =	vst v8;
	v17 =	vld [tilespmem:s9+$0x38E0]  }
0x3df: {  	s11 =	spop (v2sf);
	v8 =	vld [tilespmem:s10+$0x3480];
	[tilespmem:s30+$0x30] =	vst v9  }
0x3e0: {  	s12 =	spop (v2sf);
	v9 =	vld [tilespmem:s11+$0x35C0];
	[tilespmem:s26+$0x190] =	vst v10  }
0x3e1: {  	s13 =	spop (v2sf);
	v10 =	vld [tilespmem:s12+$0x3480];
	[tilespmem:s25+$0x2F0] =	vst v11  }
0x3e2: {  	v11 =	vld [tilespmem:s13+$0x3200]  }
0x3e3: {  	[tilespmem:s1+$0xFFFFFEE0] =	vst v17  }
0x3e4: {  	[tilespmem:s29+$0x3A0] =	vst v8;
	v17 =	vld [tilespmem:s9+$0x38F0]  }
0x3e5: {  	v8 =	vld [tilespmem:s10+$0x3490];
	[tilespmem:s30+$0x40] =	vst v9  }
0x3e6: {  	(v2sf) =	vpush v20, $0x6;
	v9 =	vld [tilespmem:s11+$0x35D0];
	[tilespmem:s26+$0x1A0] =	vst v10  }
0x3e7: {  	v10 =	vld [tilespmem:s12+$0x3490];
	[tilespmem:s25+$0x300] =	vst v11  }
0x3e8: {  	(v2sf) =	vpush v12, $0x9;
	v11 =	vld [tilespmem:s13+$0x3210]  }
0x3e9: {  	s14 =	spop (v2sf);
	(v2sf) =	vpush v7, $0xB;
	[tilespmem:s1+$0xFFFFFEF0] =	vst v17  }
0x3ea: {  	(v2sf) =	vpush v2, $0xE;
	[tilespmem:s29+$0x3B0] =	vst v8;
	v17 =	vld [tilespmem:s14+$0x3200]  }
0x3eb: {  	s15 =	spop (v2sf);
	v8 =	vld [tilespmem:s7+$0x35C0];
	[tilespmem:s30+$0x50] =	vst v9  }
0x3ec: {  	s16 =	spop (v2sf);
	v9 =	vld [tilespmem:s15+$0x38E0];
	[tilespmem:s26+$0x1B0] =	vst v10  }
0x3ed: {  	s17 =	spop (v2sf);
	v10 =	vld [tilespmem:s16+$0x35C0];
	[tilespmem:s25+$0x310] =	vst v11  }
0x3ee: {  	v11 =	vld [tilespmem:s17+$0x3480]  }
0x3ef: {  	[tilespmem:s1+$0xFFFFFF00] =	vst v17  }
0x3f0: {  	[tilespmem:s29+$0x3C0] =	vst v8;
	v17 =	vld [tilespmem:s14+$0x3210]  }
0x3f1: {  	v8 =	vld [tilespmem:s7+$0x35D0];
	[tilespmem:s30+$0x60] =	vst v9  }
0x3f2: {  	(v2sf) =	vpush v22, $0x6;
	v9 =	vld [tilespmem:s15+$0x38F0];
	[tilespmem:s26+$0x1C0] =	vst v10  }
0x3f3: {  	v10 =	vld [tilespmem:s16+$0x35D0];
	[tilespmem:s25+$0x320] =	vst v11  }
0x3f4: {  	(v2sf) =	vpush v13, $0x9;
	v11 =	vld [tilespmem:s17+$0x3490]  }
0x3f5: {  	s18 =	spop (v2sf);
	(v2sf) =	vpush v4, $0xC;
	[tilespmem:s1+$0xFFFFFF10] =	vst v17  }
0x3f6: {  	(v2sf) =	vpush v3, $0xE;
	[tilespmem:s29+$0x3D0] =	vst v8;
	v17 =	vld [tilespmem:s18+$0x3480]  }
0x3f7: {  	s19 =	spop (v2sf);
	v8 =	vld [tilespmem:s5+$0x38E0];
	[tilespmem:s30+$0x70] =	vst v9  }
0x3f8: {  	s20 =	spop (v2sf);
	v9 =	vld [tilespmem:s19+$0x3200];
	[tilespmem:s26+$0x1D0] =	vst v10  }
0x3f9: {  	s21 =	spop (v2sf);
	v10 =	vld [tilespmem:s20+$0x38E0];
	[tilespmem:s25+$0x330] =	vst v11  }
0x3fa: {  	[tilespmem:s28+$0x3E0] =	vst v33;
	v11 =	vld [tilespmem:s21+$0x35C0]  }
0x3fb: {  	v57 =	vld [tilespmem:s0+$0x38F0];
	[tilespmem:s1+$0xFFFFFF20] =	vst v17  }
0x3fc: {  	[tilespmem:s29+$0x3E0] =	vst v8;
	v56 =	vld [tilespmem:s18+$0x3490]  }
0x3fd: {  	v8 =	vld [tilespmem:s5+$0x38F0];
	[tilespmem:s30+$0x80] =	vst v9  }
0x3fe: {  	(v2sf) =	vpush v23, $0x6;
	v9 =	vld [tilespmem:s19+$0x3210];
	[tilespmem:s26+$0x1E0] =	vst v10  }
0x3ff: {  	v10 =	vld [tilespmem:s20+$0x38F0];
	[tilespmem:s25+$0x340] =	vst v11  }
0x400: {  	[tilespmem:s28+$0x3F0] =	vst v57;
	v11 =	vld [tilespmem:s21+$0x35D0]  }
0x401: {  	s22 =	spop (v2sf);
	[tilespmem:s1+$0xFFFFFF30] =	vst v56  }
0x402: {  	[tilespmem:s29+$0x3F0] =	vst v8;
	v16 =	vld [tilespmem:s22+$0x35C0]  }
0x403: {  	s0 =	spop (v2sf);
	[tilespmem:s30+$0x90] =	vst v9  }
0x404: {  	s9 =	spop (v2sf);
	[tilespmem:s26+$0x1F0] =	vst v10  }
0x405: {  	s23 =	spop (v2sf);
	v9 =	vld [tilespmem:s0+$0x3480];
	[tilespmem:s25+$0x350] =	vst v11  }
0x406: {  	(v2sf) =	vpush v14, $0x9;
	v58 =	vld [tilespmem:s9+$0x3200];
	[dreg:$0x15] =	wrdreg s23  }
0x407: {  	(v2sf) =	vpush v5, $0xC;
	[tilespmem:s1+$0xFFFFFF40] =	vst v16  }
0x408: {  	(v2sf) =	vpush v0, $0xF;
	v60 =	vld [tilespmem:s22+$0x35D0];
	_ =	sdelay $0x2  }
0x409: {  	(v2sf) =	vpush v21, $0x7;
	_ =	sdelay $0x1  }
0x40a: {  	s24 =	spop (v2sf);
	[tilespmem:s1+$0xFFFFFF50] =	vst v60  }
0x40b: {  	v10 =	vld [tilespmem:s24+$0x38E0];
	_ =	sdelay $0x4  }
0x40c: {  	(v2sf) =	vpush v15, $0x9;
	[tilespmem:s1+$0xFFFFFF60] =	vst v10  }
0x40d: {  	(v2sf) =	vpush v6, $0xC;
	v10 =	vld [tilespmem:s24+$0x38F0]  }
0x40e: {  	(v2sf) =	vpush v1, $0xF;
	s19 =	spop (v2sf)  }
0x40f: {  	s14 =	spop (v2sf)  }
0x410: {  	(v2sf) =	vpush v20, $0x7;
	s28 =	spop (v2sf)  }
0x411: {  	v59 =	vld [tilespmem:s23+$0x38E0];
	[dreg:$0x16] =	wrdreg s28  }
0x412: {  	[tilespmem:s1+$0xFFFFFF70] =	vst v10  }
0x413: {  	s2 =	spop (v2sf)  }
0x414: {  	v61 =	vld [tilespmem:s2+$0x3200];
	_ =	sdelay $0x3  }
0x415: {  	(v2sf) =	vpush v12, $0xA  }
0x416: {  	(v2sf) =	vpush v7, $0xC;
	[tilespmem:s1+$0xFFFFFF80] =	vst v61  }
0x417: {  	(v2sf) =	vpush v2, $0xF;
	v1 =	vld [tilespmem:s2+$0x3210]  }
0x418: {  	s29 =	spop (v2sf)  }
0x419: {  	s22 =	spop (v2sf);
	(v2sf) =	vpush v22, $0x7  }
0x41a: {  	s5 =	spop (v2sf)  }
0x41b: {  	[dreg:$0x14] =	wrdreg s5  }
0x41c: {  	s6 =	spop (v2sf);
	[tilespmem:s1+$0xFFFFFF90] =	vst v1  }
0x41d: {  	v1 =	vld [tilespmem:s6+$0x3480];
	_ =	sdelay $0x3  }
0x41e: {  	(v2sf) =	vpush v13, $0xA  }
0x41f: {  	(v2sf) =	vpush v4, $0xD;
	[tilespmem:s1+$0xFFFFFFA0] =	vst v1  }
0x420: {  	(v2sf) =	vpush v3, $0xF;
	v1 =	vld [tilespmem:s6+$0x3490]  }
0x421: {  	s3 =	spop (v2sf)  }
0x422: {  	(v2sf) =	vpush v23, $0x7;
	s13 =	spop (v2sf)  }
0x423: {  	s7 =	spop (v2sf)  }
0x424: {  	[dreg:$0x13] =	wrdreg s7  }
0x425: {  	s8 =	spop (v2sf);
	[tilespmem:s1+$0xFFFFFFB0] =	vst v1  }
0x426: {  	v1 =	vld [tilespmem:s8+$0x35C0];
	_ =	sdelay $0x4  }
0x427: {  	[tilespmem:s1+$0xFFFFFFC0] =	vst v1  }
0x428: {  	(v2sf) =	vpush v14, $0xA;
	v1 =	vld [tilespmem:s8+$0x35D0]  }
0x429: {  	(v2sf) =	vpush v5, $0xD;
	s4 =	spop (v2sf)  }
0x42a: {  	(v2sf) =	vpush v21, $0x8;
	s12 =	spop (v2sf)  }
0x42b: {  	s10 =	spop (v2sf)  }
0x42c: {  	[dreg:$0x12] =	wrdreg s10  }
0x42d: {  	s11 =	spop (v2sf);
	[tilespmem:s1+$0xFFFFFFD0] =	vst v1  }
0x42e: {  	v1 =	vld [tilespmem:s11+$0x38E0];
	_ =	sdelay $0x4  }
0x42f: {  	[tilespmem:s1+$0xFFFFFFE0] =	vst v1  }
0x430: {  	(v2sf) =	vpush v15, $0xA;
	v1 =	vld [tilespmem:s11+$0x38F0]  }
0x431: {  	(v2sf) =	vpush v6, $0xD  }
0x432: {  	(v2sf) =	vpush v20, $0x8  }
0x433: {  	s5 =	spop (v2sf)  }
0x434: {  	s11 =	spop (v2sf)  }
0x435: {  	s15 =	spop (v2sf);
	[tilespmem:s1+$0xFFFFFFF0] =	vst v1  }
0x436: {  	v1 =	vld [tilespmem:s15+$0x3200];
	_ =	sdelay $0x4  }
0x437: {  	[tilespmem:s1+$0x0] =	vst v1  }
0x438: {  	(v2sf) =	vpush v12, $0xB;
	v1 =	vld [tilespmem:s15+$0x3210]  }
0x439: {  	(v2sf) =	vpush v7, $0xD  }
0x43a: {  	(v2sf) =	vpush v22, $0x8  }
0x43b: {  	s24 =	spop (v2sf)  }
0x43c: {  	s10 =	spop (v2sf)  }
0x43d: {  	s16 =	spop (v2sf);
	[tilespmem:s1+$0x10] =	vst v1  }
0x43e: {  	v1 =	vld [tilespmem:s16+$0x3480];
	_ =	sdelay $0x4  }
0x43f: {  	[tilespmem:s1+$0x20] =	vst v1  }
0x440: {  	(v2sf) =	vpush v13, $0xB;
	v1 =	vld [tilespmem:s16+$0x3490]  }
0x441: {  	(v2sf) =	vpush v4, $0xE  }
0x442: {  	(v2sf) =	vpush v23, $0x8  }
0x443: {  	s23 =	spop (v2sf)  }
0x444: {  	s15 =	spop (v2sf)  }
0x445: {  	s17 =	spop (v2sf);
	[tilespmem:s1+$0x30] =	vst v1  }
0x446: {  	v1 =	vld [tilespmem:s17+$0x35C0];
	_ =	sdelay $0x4  }
0x447: {  	[tilespmem:s1+$0x40] =	vst v1  }
0x448: {  	(v2sf) =	vpush v14, $0xB;
	v1 =	vld [tilespmem:s17+$0x35D0]  }
0x449: {  	(v2sf) =	vpush v5, $0xE  }
0x44a: {  	(v2sf) =	vpush v21, $0x9  }
0x44b: {  	s31 =	spop (v2sf)  }
0x44c: {  	s16 =	spop (v2sf)  }
0x44d: {  	s18 =	spop (v2sf);
	[tilespmem:s1+$0x50] =	vst v1  }
0x44e: {  	v1 =	vld [tilespmem:s18+$0x38E0];
	_ =	sdelay $0x4  }
0x44f: {  	(v2sf) =	vpush v15, $0xB;
	[tilespmem:s1+$0x60] =	vst v1  }
0x450: {  	(v2sf) =	vpush v6, $0xE;
	v1 =	vld [tilespmem:s18+$0x38F0];
	_ =	sdelay $0x1  }
0x451: {  	(v2sf) =	vpush v20, $0x9  }
0x452: {  	s8 =	spop (v2sf)  }
0x453: {  	s17 =	spop (v2sf)  }
0x454: {  	s20 =	spop (v2sf);
	[tilespmem:s1+$0x70] =	vst v1  }
0x455: {  	v1 =	vld [tilespmem:s20+$0x3200];
	_ =	sdelay $0x4  }
0x456: {  	[tilespmem:s1+$0x80] =	vst v1  }
0x457: {  	(v2sf) =	vpush v12, $0xC;
	v1 =	vld [tilespmem:s20+$0x3210]  }
0x458: {  	(v2sf) =	vpush v7, $0xE  }
0x459: {  	(v2sf) =	vpush v22, $0x9;
	s7 =	spop (v2sf)  }
0x45a: {  	s21 =	spop (v2sf)  }
0x45b: {  	[dreg:$0x17] =	wrdreg s21  }
0x45c: {  	s18 =	spop (v2sf);
	[tilespmem:s1+$0x90] =	vst v1  }
0x45d: {  	v1 =	vld [tilespmem:s18+$0x3480];
	_ =	sdelay $0x3  }
0x45e: {  	[tilespmem:s30+$0xA0] =	vst v9  }
0x45f: {  	v62 =	vld [tilespmem:s0+$0x3490];
	[tilespmem:s1+$0xA0] =	vst v1  }
0x460: {  	(v2sf) =	vpush v13, $0xC;
	v1 =	vld [tilespmem:s18+$0x3490]  }
0x461: {  	(v2sf) =	vpush v4, $0xF  }
0x462: {  	(v2sf) =	vpush v23, $0x9  }
0x463: {  	s6 =	spop (v2sf)  }
0x464: {  	[tilespmem:s30+$0xB0] =	vst v62;
	s18 =	spop (v2sf)  }
0x465: {  	v2 =	vld [tilespmem:s19+$0x35C0];
	s20 =	spop (v2sf);
	[tilespmem:s1+$0xB0] =	vst v1  }
0x466: {  	v1 =	vld [tilespmem:s20+$0x35C0];
	_ =	sdelay $0x3  }
0x467: {  	[tilespmem:s30+$0xC0] =	vst v2  }
0x468: {  	v2 =	vld [tilespmem:s19+$0x35D0];
	[tilespmem:s1+$0xC0] =	vst v1  }
0x469: {  	(v2sf) =	vpush v14, $0xC;
	v1 =	vld [tilespmem:s20+$0x35D0]  }
0x46a: {  	(v2sf) =	vpush v5, $0xF  }
0x46b: {  	(v2sf) =	vpush v21, $0xA  }
0x46c: {  	s21 =	spop (v2sf)  }
0x46d: {  	[tilespmem:s30+$0xD0] =	vst v2;
	s20 =	spop (v2sf)  }
0x46e: {  	v2 =	vld [tilespmem:s29+$0x38E0];
	s28 =	spop (v2sf);
	[tilespmem:s1+$0xD0] =	vst v1  }
0x46f: {  	v1 =	vld [tilespmem:s28+$0x38E0];
	_ =	sdelay $0x3  }
0x470: {  	[tilespmem:s30+$0xE0] =	vst v2  }
0x471: {  	v2 =	vld [tilespmem:s29+$0x38F0];
	[tilespmem:s1+$0xE0] =	vst v1  }
0x472: {  	(v2sf) =	vpush v15, $0xC;
	v1 =	vld [tilespmem:s28+$0x38F0]  }
0x473: {  	(v2sf) =	vpush v6, $0xF  }
0x474: {  	(v2sf) =	vpush v20, $0xA  }
0x475: {  	s2 =	spop (v2sf)  }
0x476: {  	s19 =	spop (v2sf);
	[tilespmem:s30+$0xF0] =	vst v2  }
0x477: {  	s29 =	spop (v2sf);
	v2 =	vld [tilespmem:s3+$0x3200];
	[tilespmem:s1+$0xF0] =	vst v1  }
0x478: {  	v1 =	vld [tilespmem:s29+$0x3200];
	_ =	sdelay $0x3  }
0x479: {  	[tilespmem:s30+$0x100] =	vst v2  }
0x47a: {  	v2 =	vld [tilespmem:s3+$0x3210];
	[tilespmem:s1+$0x100] =	vst v1  }
0x47b: {  	(v2sf) =	vpush v12, $0xD;
	v1 =	vld [tilespmem:s29+$0x3210]  }
0x47c: {  	(v2sf) =	vpush v7, $0xF  }
0x47d: {  	(v2sf) =	vpush v22, $0xA  }
0x47e: {  	s3 =	spop (v2sf)  }
0x47f: {  	s28 =	spop (v2sf);
	[tilespmem:s30+$0x110] =	vst v2  }
0x480: {  	s0 =	spop (v2sf);
	v2 =	vld [tilespmem:s4+$0x3480];
	[tilespmem:s1+$0x110] =	vst v1  }
0x481: {  	v1 =	vld [tilespmem:s0+$0x3480];
	_ =	sdelay $0x3  }
0x482: {  	[tilespmem:s30+$0x120] =	vst v2  }
0x483: {  	v2 =	vld [tilespmem:s4+$0x3490];
	[tilespmem:s1+$0x120] =	vst v1  }
0x484: {  	v1 =	vld [tilespmem:s0+$0x3490]  }
0x485: {  	(v2sf) =	vpush v13, $0xD  }
0x486: {  	(v2sf) =	vpush v23, $0xA  }
0x487: {  	s4 =	spop (v2sf)  }
0x488: {  	s29 =	spop (v2sf);
	[tilespmem:s30+$0x130] =	vst v2  }
0x489: {  	v2 =	vld [tilespmem:s5+$0x35C0];
	s0 =	spop (v2sf);
	[tilespmem:s1+$0x130] =	vst v1  }
0x48a: {  	v1 =	vld [tilespmem:s0+$0x35C0];
	_ =	sdelay $0x3  }
0x48b: {  	[tilespmem:s30+$0x140] =	vst v2  }
0x48c: {  	v2 =	vld [tilespmem:s5+$0x35D0];
	[tilespmem:s1+$0x140] =	vst v1  }
0x48d: {  	v1 =	vld [tilespmem:s0+$0x35D0]  }
0x48e: {  	(v2sf) =	vpush v14, $0xD  }
0x48f: {  	(v2sf) =	vpush v21, $0xB;
	_ =	sdelay $0x1  }
0x490: {  	s5 =	spop (v2sf);
	[tilespmem:s30+$0x150] =	vst v2  }
0x491: {  	v2 =	vld [tilespmem:s24+$0x38E0];
	s0 =	spop (v2sf);
	[tilespmem:s1+$0x150] =	vst v1  }
0x492: {  	v1 =	vld [tilespmem:s0+$0x38E0];
	_ =	sdelay $0x3  }
0x493: {  	[tilespmem:s30+$0x160] =	vst v2  }
0x494: {  	v2 =	vld [tilespmem:s24+$0x38F0];
	[tilespmem:s1+$0x160] =	vst v1  }
0x495: {  	v1 =	vld [tilespmem:s0+$0x38F0]  }
0x496: {  	(v2sf) =	vpush v15, $0xD  }
0x497: {  	(v2sf) =	vpush v20, $0xB;
	_ =	sdelay $0x1  }
0x498: {  	s24 =	spop (v2sf);
	[tilespmem:s30+$0x170] =	vst v2  }
0x499: {  	v2 =	vld [tilespmem:s23+$0x3200];
	s0 =	spop (v2sf);
	[tilespmem:s1+$0x170] =	vst v1  }
0x49a: {  	v1 =	vld [tilespmem:s0+$0x3200];
	_ =	sdelay $0x3  }
0x49b: {  	[tilespmem:s30+$0x180] =	vst v2  }
0x49c: {  	v2 =	vld [tilespmem:s23+$0x3210];
	[tilespmem:s1+$0x180] =	vst v1  }
0x49d: {  	v1 =	vld [tilespmem:s0+$0x3210]  }
0x49e: {  	(v2sf) =	vpush v12, $0xE  }
0x49f: {  	(v2sf) =	vpush v22, $0xB;
	_ =	sdelay $0x1  }
0x4a0: {  	s23 =	spop (v2sf);
	[tilespmem:s30+$0x190] =	vst v2  }
0x4a1: {  	v2 =	vld [tilespmem:s31+$0x3480];
	s0 =	spop (v2sf);
	[tilespmem:s1+$0x190] =	vst v1  }
0x4a2: {  	v1 =	vld [tilespmem:s0+$0x3480];
	_ =	sdelay $0x3  }
0x4a3: {  	[tilespmem:s30+$0x1A0] =	vst v2  }
0x4a4: {  	v2 =	vld [tilespmem:s31+$0x3490];
	[tilespmem:s1+$0x1A0] =	vst v1  }
0x4a5: {  	v1 =	vld [tilespmem:s0+$0x3490]  }
0x4a6: {  	(v2sf) =	vpush v13, $0xE  }
0x4a7: {  	(v2sf) =	vpush v23, $0xB;
	_ =	sdelay $0x1  }
0x4a8: {  	s31 =	spop (v2sf);
	[tilespmem:s30+$0x1B0] =	vst v2  }
0x4a9: {  	v2 =	vld [tilespmem:s8+$0x35C0];
	s0 =	spop (v2sf);
	[tilespmem:s1+$0x1B0] =	vst v1  }
0x4aa: {  	v1 =	vld [tilespmem:s0+$0x35C0];
	_ =	sdelay $0x3  }
0x4ab: {  	[tilespmem:s30+$0x1C0] =	vst v2  }
0x4ac: {  	v2 =	vld [tilespmem:s8+$0x35D0];
	[tilespmem:s1+$0x1C0] =	vst v1  }
0x4ad: {  	v1 =	vld [tilespmem:s0+$0x35D0]  }
0x4ae: {  	(v2sf) =	vpush v14, $0xE  }
0x4af: {  	(v2sf) =	vpush v21, $0xC;
	_ =	sdelay $0x1  }
0x4b0: {  	s8 =	spop (v2sf);
	[tilespmem:s30+$0x1D0] =	vst v2  }
0x4b1: {  	v2 =	vld [tilespmem:s7+$0x38E0];
	s0 =	spop (v2sf);
	[tilespmem:s1+$0x1D0] =	vst v1  }
0x4b2: {  	v1 =	vld [tilespmem:s0+$0x38E0];
	_ =	sdelay $0x3  }
0x4b3: {  	[tilespmem:s30+$0x1E0] =	vst v2  }
0x4b4: {  	v2 =	vld [tilespmem:s7+$0x38F0];
	[tilespmem:s1+$0x1E0] =	vst v1  }
0x4b5: {  	v1 =	vld [tilespmem:s0+$0x38F0]  }
0x4b6: {  	(v2sf) =	vpush v15, $0xE  }
0x4b7: {  	(v2sf) =	vpush v20, $0xC;
	_ =	sdelay $0x1  }
0x4b8: {  	s7 =	spop (v2sf);
	[tilespmem:s30+$0x1F0] =	vst v2  }
0x4b9: {  	v2 =	vld [tilespmem:s6+$0x3200];
	s0 =	spop (v2sf);
	[tilespmem:s1+$0x1F0] =	vst v1  }
0x4ba: {  	v1 =	vld [tilespmem:s0+$0x3200];
	_ =	sdelay $0x1  }
0x4bb: {  	[tilespmem:s26+$0x200] =	vst v58  }
0x4bc: {  	v63 =	vld [tilespmem:s9+$0x3210]  }
0x4bd: {  	[tilespmem:s30+$0x200] =	vst v2  }
0x4be: {  	v2 =	vld [tilespmem:s6+$0x3210];
	[tilespmem:s1+$0x200] =	vst v1  }
0x4bf: {  	v1 =	vld [tilespmem:s0+$0x3210]  }
0x4c0: {  	(v2sf) =	vpush v12, $0xF  }
0x4c1: {  	[tilespmem:s26+$0x210] =	vst v63;
	(v2sf) =	vpush v22, $0xC  }
0x4c2: {  	v3 =	vld [tilespmem:s14+$0x3480]  }
0x4c3: {  	s6 =	spop (v2sf);
	[tilespmem:s30+$0x210] =	vst v2  }
0x4c4: {  	s9 =	spop (v2sf);
	v2 =	vld [tilespmem:s21+$0x3480];
	[tilespmem:s1+$0x210] =	vst v1  }
0x4c5: {  	v1 =	vld [tilespmem:s9+$0x3480];
	_ =	sdelay $0x1  }
0x4c6: {  	[tilespmem:s26+$0x220] =	vst v3  }
0x4c7: {  	v3 =	vld [tilespmem:s14+$0x3490]  }
0x4c8: {  	[tilespmem:s30+$0x220] =	vst v2  }
0x4c9: {  	v2 =	vld [tilespmem:s21+$0x3490];
	[tilespmem:s1+$0x220] =	vst v1  }
0x4ca: {  	v1 =	vld [tilespmem:s9+$0x3490]  }
0x4cb: {  	(v2sf) =	vpush v13, $0xF  }
0x4cc: {  	[tilespmem:s26+$0x230] =	vst v3;
	(v2sf) =	vpush v23, $0xC  }
0x4cd: {  	v3 =	vld [tilespmem:s22+$0x35C0]  }
0x4ce: {  	s21 =	spop (v2sf);
	[tilespmem:s30+$0x230] =	vst v2  }
0x4cf: {  	s14 =	spop (v2sf);
	v2 =	vld [tilespmem:s2+$0x35C0];
	[tilespmem:s1+$0x230] =	vst v1  }
0x4d0: {  	v1 =	vld [tilespmem:s14+$0x35C0];
	_ =	sdelay $0x1  }
0x4d1: {  	[tilespmem:s26+$0x240] =	vst v3  }
0x4d2: {  	v3 =	vld [tilespmem:s22+$0x35D0]  }
0x4d3: {  	[tilespmem:s30+$0x240] =	vst v2  }
0x4d4: {  	v2 =	vld [tilespmem:s2+$0x35D0];
	[tilespmem:s1+$0x240] =	vst v1  }
0x4d5: {  	v1 =	vld [tilespmem:s14+$0x35D0]  }
0x4d6: {  	(v2sf) =	vpush v14, $0xF  }
0x4d7: {  	[tilespmem:s26+$0x250] =	vst v3;
	(v2sf) =	vpush v21, $0xD  }
0x4d8: {  	v3 =	vld [tilespmem:s13+$0x38E0]  }
0x4d9: {  	[tilespmem:s30+$0x250] =	vst v2;
	s14 =	spop (v2sf)  }
0x4da: {  	v2 =	vld [tilespmem:s3+$0x38E0];
	s2 =	spop (v2sf);
	[tilespmem:s1+$0x250] =	vst v1  }
0x4db: {  	v1 =	vld [tilespmem:s2+$0x38E0];
	_ =	sdelay $0x1  }
0x4dc: {  	[tilespmem:s26+$0x260] =	vst v3  }
0x4dd: {  	v3 =	vld [tilespmem:s13+$0x38F0]  }
0x4de: {  	[tilespmem:s30+$0x260] =	vst v2  }
0x4df: {  	v2 =	vld [tilespmem:s3+$0x38F0];
	[tilespmem:s1+$0x260] =	vst v1  }
0x4e0: {  	v1 =	vld [tilespmem:s2+$0x38F0]  }
0x4e1: {  	(v2sf) =	vpush v15, $0xF  }
0x4e2: {  	[tilespmem:s26+$0x270] =	vst v3;
	(v2sf) =	vpush v20, $0xD  }
0x4e3: {  	v3 =	vld [tilespmem:s12+$0x3200]  }
0x4e4: {  	s13 =	spop (v2sf);
	[tilespmem:s30+$0x270] =	vst v2  }
0x4e5: {  	s9 =	spop (v2sf);
	v2 =	vld [tilespmem:s4+$0x3200];
	[tilespmem:s1+$0x270] =	vst v1  }
0x4e6: {  	v1 =	vld [tilespmem:s9+$0x3200];
	_ =	sdelay $0x1  }
0x4e7: {  	[tilespmem:s26+$0x280] =	vst v3  }
0x4e8: {  	v3 =	vld [tilespmem:s12+$0x3210]  }
0x4e9: {  	[tilespmem:s30+$0x280] =	vst v2  }
0x4ea: {  	v2 =	vld [tilespmem:s4+$0x3210];
	[tilespmem:s1+$0x280] =	vst v1  }
0x4eb: {  	v1 =	vld [tilespmem:s9+$0x3210];
	_ =	sdelay $0x1  }
0x4ec: {  	[tilespmem:s26+$0x290] =	vst v3;
	(v2sf) =	vpush v22, $0xD  }
0x4ed: {  	v3 =	vld [tilespmem:s11+$0x3480]  }
0x4ee: {  	s12 =	spop (v2sf);
	[tilespmem:s30+$0x290] =	vst v2  }
0x4ef: {  	s22 =	spop (v2sf);
	v2 =	vld [tilespmem:s5+$0x3480];
	[tilespmem:s1+$0x290] =	vst v1  }
0x4f0: {  	v1 =	vld [tilespmem:s22+$0x3480];
	_ =	sdelay $0x1  }
0x4f1: {  	[tilespmem:s26+$0x2A0] =	vst v3  }
0x4f2: {  	v3 =	vld [tilespmem:s11+$0x3490]  }
0x4f3: {  	[tilespmem:s30+$0x2A0] =	vst v2  }
0x4f4: {  	v2 =	vld [tilespmem:s5+$0x3490];
	[tilespmem:s1+$0x2A0] =	vst v1  }
0x4f5: {  	v1 =	vld [tilespmem:s22+$0x3490];
	_ =	sdelay $0x1  }
0x4f6: {  	[tilespmem:s26+$0x2B0] =	vst v3;
	(v2sf) =	vpush v23, $0xD  }
0x4f7: {  	v3 =	vld [tilespmem:s10+$0x35C0]  }
0x4f8: {  	[tilespmem:s30+$0x2B0] =	vst v2  }
0x4f9: {  	s2 =	spop (v2sf);
	v2 =	vld [tilespmem:s24+$0x35C0];
	[tilespmem:s1+$0x2B0] =	vst v1  }
0x4fa: {  	v1 =	vld [tilespmem:s2+$0x35C0];
	_ =	sdelay $0x1  }
0x4fb: {  	[tilespmem:s26+$0x2C0] =	vst v3  }
0x4fc: {  	v3 =	vld [tilespmem:s10+$0x35D0]  }
0x4fd: {  	[tilespmem:s30+$0x2C0] =	vst v2  }
0x4fe: {  	v2 =	vld [tilespmem:s24+$0x35D0];
	[tilespmem:s1+$0x2C0] =	vst v1  }
0x4ff: {  	v1 =	vld [tilespmem:s2+$0x35D0];
	_ =	sdelay $0x1  }
0x500: {  	[tilespmem:s26+$0x2D0] =	vst v3;
	(v2sf) =	vpush v21, $0xE  }
0x501: {  	v3 =	vld [tilespmem:s15+$0x38E0]  }
0x502: {  	[tilespmem:s30+$0x2D0] =	vst v2  }
0x503: {  	s3 =	spop (v2sf);
	v2 =	vld [tilespmem:s23+$0x38E0];
	[tilespmem:s1+$0x2D0] =	vst v1  }
0x504: {  	v1 =	vld [tilespmem:s3+$0x38E0];
	_ =	sdelay $0x1  }
0x505: {  	[tilespmem:s26+$0x2E0] =	vst v3  }
0x506: {  	v3 =	vld [tilespmem:s15+$0x38F0]  }
0x507: {  	[tilespmem:s30+$0x2E0] =	vst v2  }
0x508: {  	v2 =	vld [tilespmem:s23+$0x38F0];
	[tilespmem:s1+$0x2E0] =	vst v1  }
0x509: {  	v1 =	vld [tilespmem:s3+$0x38F0];
	_ =	sdelay $0x1  }
0x50a: {  	[tilespmem:s26+$0x2F0] =	vst v3;
	(v2sf) =	vpush v20, $0xE  }
0x50b: {  	v3 =	vld [tilespmem:s16+$0x3200]  }
0x50c: {  	[tilespmem:s30+$0x2F0] =	vst v2  }
0x50d: {  	s4 =	spop (v2sf);
	v2 =	vld [tilespmem:s31+$0x3200];
	[tilespmem:s1+$0x2F0] =	vst v1  }
0x50e: {  	v1 =	vld [tilespmem:s4+$0x3200];
	_ =	sdelay $0x1  }
0x50f: {  	[tilespmem:s26+$0x300] =	vst v3  }
0x510: {  	v3 =	vld [tilespmem:s16+$0x3210]  }
0x511: {  	[tilespmem:s30+$0x300] =	vst v2  }
0x512: {  	v2 =	vld [tilespmem:s31+$0x3210];
	[tilespmem:s1+$0x300] =	vst v1  }
0x513: {  	v1 =	vld [tilespmem:s4+$0x3210];
	_ =	sdelay $0x1  }
0x514: {  	[tilespmem:s26+$0x310] =	vst v3;
	(v2sf) =	vpush v22, $0xE  }
0x515: {  	v3 =	vld [tilespmem:s17+$0x3480]  }
0x516: {  	[tilespmem:s30+$0x310] =	vst v2  }
0x517: {  	s5 =	spop (v2sf);
	v2 =	vld [tilespmem:s8+$0x3480];
	[tilespmem:s1+$0x310] =	vst v1  }
0x518: {  	v1 =	vld [tilespmem:s5+$0x3480];
	_ =	sdelay $0x1  }
0x519: {  	[tilespmem:s26+$0x320] =	vst v3  }
0x51a: {  	v3 =	vld [tilespmem:s17+$0x3490]  }
0x51b: {  	[tilespmem:s30+$0x320] =	vst v2  }
0x51c: {  	v2 =	vld [tilespmem:s8+$0x3490];
	[tilespmem:s1+$0x320] =	vst v1  }
0x51d: {  	v1 =	vld [tilespmem:s5+$0x3490];
	_ =	sdelay $0x1  }
0x51e: {  	[tilespmem:s26+$0x330] =	vst v3;
	(v2sf) =	vpush v23, $0xE  }
0x51f: {  	s8 =	rddreg [dreg:$0x17]  }
0x520: {  	[tilespmem:s30+$0x330] =	vst v2;
	v3 =	vld [tilespmem:s8+$0x35C0]  }
0x521: {  	s9 =	spop (v2sf);
	v2 =	vld [tilespmem:s7+$0x35C0];
	[tilespmem:s1+$0x330] =	vst v1  }
0x522: {  	v1 =	vld [tilespmem:s9+$0x35C0];
	_ =	sdelay $0x2  }
0x523: {  	[tilespmem:s26+$0x340] =	vst v3  }
0x524: {  	[tilespmem:s30+$0x340] =	vst v2;
	v3 =	vld [tilespmem:s8+$0x35D0]  }
0x525: {  	v2 =	vld [tilespmem:s7+$0x35D0];
	[tilespmem:s1+$0x340] =	vst v1  }
0x526: {  	v1 =	vld [tilespmem:s9+$0x35D0];
	_ =	sdelay $0x1  }
0x527: {  	[tilespmem:s25+$0x360] =	vst v59  }
0x528: {  	(v2sf) =	vpush v21, $0xF;
	[tilespmem:s26+$0x350] =	vst v3  }
0x529: {  	[tilespmem:s30+$0x350] =	vst v2;
	v3 =	vld [tilespmem:s18+$0x38E0]  }
0x52a: {  	s10 =	spop (v2sf);
	v2 =	vld [tilespmem:s6+$0x38E0];
	[tilespmem:s1+$0x350] =	vst v1  }
0x52b: {  	v1 =	vld [tilespmem:s10+$0x38E0];
	s11 =	rddreg [dreg:$0x15]  }
0x52c: {  	v0 =	vld [tilespmem:s11+$0x38F0];
	_ =	sdelay $0x1  }
0x52d: {  	[tilespmem:s26+$0x360] =	vst v3  }
0x52e: {  	[tilespmem:s30+$0x360] =	vst v2  }
0x52f: {  	v3 =	vld [tilespmem:s18+$0x38F0];
	[tilespmem:s1+$0x360] =	vst v1  }
0x530: {  	v2 =	vld [tilespmem:s6+$0x38F0];
	[tilespmem:s25+$0x370] =	vst v0  }
0x531: {  	v1 =	vld [tilespmem:s10+$0x38F0];
	s15 =	rddreg [dreg:$0x16]  }
0x532: {  	v0 =	vld [tilespmem:s15+$0x3200];
	_ =	sdelay $0x1  }
0x533: {  	(v2sf) =	vpush v20, $0xF;
	[tilespmem:s26+$0x370] =	vst v3  }
0x534: {  	[tilespmem:s30+$0x370] =	vst v2;
	v3 =	vld [tilespmem:s20+$0x3200]  }
0x535: {  	s16 =	spop (v2sf);
	v2 =	vld [tilespmem:s21+$0x3200];
	[tilespmem:s1+$0x370] =	vst v1  }
0x536: {  	v1 =	vld [tilespmem:s16+$0x3200];
	[tilespmem:s25+$0x380] =	vst v0  }
0x537: {  	v0 =	vld [tilespmem:s15+$0x3210];
	_ =	sdelay $0x1  }
0x538: {  	[tilespmem:s26+$0x380] =	vst v3  }
0x539: {  	[tilespmem:s30+$0x380] =	vst v2  }
0x53a: {  	v3 =	vld [tilespmem:s20+$0x3210];
	[tilespmem:s1+$0x380] =	vst v1  }
0x53b: {  	v2 =	vld [tilespmem:s21+$0x3210];
	[tilespmem:s25+$0x390] =	vst v0  }
0x53c: {  	v1 =	vld [tilespmem:s16+$0x3210];
	s17 =	rddreg [dreg:$0x14]  }
0x53d: {  	v0 =	vld [tilespmem:s17+$0x3480]  }
0x53e: {  	(v2sf) =	vpush v22, $0xF  }
0x53f: {  	[tilespmem:s26+$0x390] =	vst v3  }
0x540: {  	[tilespmem:s30+$0x390] =	vst v2;
	v3 =	vld [tilespmem:s19+$0x3480]  }
0x541: {  	s18 =	spop (v2sf);
	v2 =	vld [tilespmem:s14+$0x3480];
	[tilespmem:s1+$0x390] =	vst v1  }
0x542: {  	v1 =	vld [tilespmem:s18+$0x3480];
	[tilespmem:s25+$0x3A0] =	vst v0  }
0x543: {  	v0 =	vld [tilespmem:s17+$0x3490];
	_ =	sdelay $0x1  }
0x544: {  	[tilespmem:s26+$0x3A0] =	vst v3  }
0x545: {  	[tilespmem:s30+$0x3A0] =	vst v2;
	v3 =	vld [tilespmem:s19+$0x3490]  }
0x546: {  	v2 =	vld [tilespmem:s14+$0x3490];
	[tilespmem:s1+$0x3A0] =	vst v1  }
0x547: {  	v1 =	vld [tilespmem:s18+$0x3490];
	[tilespmem:s25+$0x3B0] =	vst v0  }
0x548: {  	s19 =	rddreg [dreg:$0x13]  }
0x549: {  	(v2sf) =	vpush v23, $0xF;
	v0 =	vld [tilespmem:s19+$0x35C0]  }
0x54a: {  	[tilespmem:s26+$0x3B0] =	vst v3  }
0x54b: {  	[tilespmem:s30+$0x3B0] =	vst v2;
	v3 =	vld [tilespmem:s28+$0x35C0]  }
0x54c: {  	s20 =	spop (v2sf);
	v2 =	vld [tilespmem:s13+$0x35C0];
	[tilespmem:s1+$0x3B0] =	vst v1  }
0x54d: {  	v1 =	vld [tilespmem:s20+$0x35C0]  }
0x54e: {  	[tilespmem:s25+$0x3C0] =	vst v0  }
0x54f: {  	v0 =	vld [tilespmem:s19+$0x35D0]  }
0x550: {  	[tilespmem:s26+$0x3C0] =	vst v3  }
0x551: {  	[tilespmem:s30+$0x3C0] =	vst v2;
	v3 =	vld [tilespmem:s28+$0x35D0]  }
0x552: {  	v2 =	vld [tilespmem:s13+$0x35D0];
	[tilespmem:s1+$0x3C0] =	vst v1  }
0x553: {  	v1 =	vld [tilespmem:s20+$0x35D0]  }
0x554: {  	[tilespmem:s25+$0x3D0] =	vst v0  }
0x555: {  	s21 =	rddreg [dreg:$0x12]  }
0x556: {  	[tilespmem:s26+$0x3D0] =	vst v3;
	v0 =	vld [tilespmem:s21+$0x38E0]  }
0x557: {  	[tilespmem:s30+$0x3D0] =	vst v2;
	v3 =	vld [tilespmem:s29+$0x38E0]  }
0x558: {  	s22 =	spop (v2sf);
	v2 =	vld [tilespmem:s12+$0x38E0];
	[tilespmem:s1+$0x3D0] =	vst v1  }
0x559: {  	v1 =	vld [tilespmem:s22+$0x38E0];
	_ =	sdelay $0x1  }
0x55a: {  	[tilespmem:s25+$0x3E0] =	vst v0  }
0x55b: {  	[tilespmem:s26+$0x3E0] =	vst v3;
	v0 =	vld [tilespmem:s21+$0x38F0]  }
0x55c: {  	[tilespmem:s30+$0x3E0] =	vst v2;
	v3 =	vld [tilespmem:s29+$0x38F0]  }
0x55d: {  	v2 =	vld [tilespmem:s12+$0x38F0];
	[tilespmem:s1+$0x3E0] =	vst v1  }
0x55e: {  	v1 =	vld [tilespmem:s22+$0x38F0];
	_ =	sdelay $0x1  }
0x55f: {  	s23 =	rddreg [dreg:$0x10];
	[tilespmem:s25+$0x3F0] =	vst v0  }
0x560: {  	s3 =	sadd.s32 $0x1, s23;
	[tilespmem:s26+$0x3F0] =	vst v3  }
0x561: {  	s24 =	smul.u32 $0x190, s23;
	p0 =	sne.s32 s3, $0x8;
	s28 =	rddreg [dreg:$0x3];
	[tilespmem:s30+$0x3F0] =	vst v2  }
.Ltmp1:
0x562: {  	[tilespmem:s1+$0x3F0] =	vst v1;
	(pc) =	sbr.rel @p0 .LBB2_2-.Ltmp1, $4  }
0x563: {  	s0 =	sadd.s32 s28, s24;
	s1 =	rddreg [dreg:$0x8]  }
0x564: {  	s29 =	simm.s32 $0x0;
	s31 =	rddreg [dreg:$0xf];
	s0 =	sshll.u32 s0, $0x4  }
0x565: {  	s30 =	rddreg [dreg:$0x11];
	s4 =	sadd.s32 $0x190, s31;
	s0 =	sadd.s32 s1, s0  }
0x566: {  	[hbm4b:s0+s29] =	stream.linear.scatter [tilespmem:s30], [sflag:$0x1], $0xC800, $0x38;
	[tilespmem:$0x1CA20] =	vst v63  }
0x567: {  	s1 =	simm.s32 $0x1  }
0x568: {  	_ =	swait.ge [sflag:s1], $0xC800  }
0x569: {  	[sflag:s1] =	ssyncset.done $0x0  }
0x56a: {  	[sflag:s1] =	ssyncadd.s32 $0xFFFF3800  }
0x56b: {  	_ =	swait.ge [sflag:s1], $0xC800  }
0x56c: {  	s2 =	rddreg [dreg:$0xe]  }
0x56d: {  	s0 =	rddreg [dreg:$0xd];
	s2 =	sadd.s32 $0x1, s2  }
0x56e: {  	p0 =	sne.s32 s2, s0  }
.Ltmp2:
0x56f: {  	_ = 	snop;
	(pc) =	sbr.rel @p0 .LBB2_1-.Ltmp2, $3  }
0x570: {  	_ =	sdelay $0x1  }
0x571: {  	[sflag:s1] =	ssyncset.done $0x0  }
0x572: {  	[sflag:s1] =	ssyncadd.s32 $0xFFFF3800  }
0x573: {  	_ =	sfence.sel $0x180000  }
0x574: {  	[bflag:$0x0] =	sbarrier.arrive $0xFFFF  }
0x575: {  	_ =	strace $0x90000047  }
0x576: {  	s0 =	stileid.u32;
	[bflag:$0x2] =	sbarrier.arrive $0xFFFF  }
0x577: {  	p0 =	sne.s32 s0, $0x0;
	s0 =	rddreg [dreg:$0x2]  }
0x578: {  	s0 =	sadd.s32 @!p0 $0x100000, s0  }
0x579: {  	[sflag:s0] =	ssyncadd.tile.s32 @!p0 $0x1;
	_ =	shalt  }
.Lfunc_end2:
_tile_overlayer_lowered:
.L_overlay_start_2:
0x57a: {  	(tag) =	ssettag $0x2  }
0x57b: {  	s0 =	rddreg [dreg:$0x0];
	s2 =	stileid.u32  }
0x57c: {  	s1 =	rddreg [dreg:$0x1];
	p0 =	sne.s32 s2, $0x0  }
0x57d: {  	s3 =	rddreg [dreg:$0x2];
	[bflag:$0x3] =	sbarrier.arrive $0xFFFF;
	s2 =	simm.s32 @!p0 $0x1C02  }
0x57e: {  	[timem:s3], [sflag:s2] =	dma.local @!p0 [hbm:s0], s1  }
0x57f: {  	s0 =	simm.s32 @!p0 $0x2  }
0x580: {  	_ =	swait.ge @!p0 [sflag:s0], s1  }
0x581: {  	s1 =	ssub.s32 @!p0 $0x0, s1;
	[sflag:s0] =	ssyncset.done @!p0 $0x0  }
0x582: {  	[sflag:s0] =	ssyncadd.s32 @!p0 s1  }
0x583: {  	[bflag:$0x3] =	sbarrier.arrive $0xFFFF  }
0x584: {  	_ =	shalt  }

</sc_bundles>
